<compile_context>
chip_gen: v7x
topology: tpu7x:2x2x1
jax: 0.10.2.dev20260603
libtpu: 0.0.44.dev20260713+nightly
codegen_flags: <defaults>
</compile_context>

<pallas_src>
import functools

import jax
import jax.numpy as jnp
from jax import lax
from jax.experimental import pallas as pl
from jax.experimental.pallas import tpu as pltpu
from jax.experimental.pallas import tpu_sc as plsc

N = 10000
E = 160000
F = 16

_info = plsc.get_sparse_core_info()
NC, NS = _info.num_cores, _info.num_subcores
NW = NC * NS
EPW = E // NW
CH = 128
EPWP = 5120
EP = NW * EPWP
NCHUNK = EPWP // CH
MB = 1024
NMB = EPWP // MB
CPM = MB // CH
NP = 10240
STRIPE = NP // NS

_mesh = plsc.VectorSubcoreMesh(core_axis_name="c", subcore_axis_name="s")
_sc_params = pltpu.CompilerParams(use_tc_tiling_on_sc=False)



@functools.partial(
    pl.kernel, mesh=_mesh, compiler_params=_sc_params,
    out_type=jax.ShapeDtypeStruct((NW, EPWP, F), jnp.float32),
    scratch_types=[
        pltpu.VMEM((NCHUNK, CH), jnp.int32),
        pltpu.VMEM((EPWP, F), jnp.float32),
        pltpu.SemaphoreType.DMA,
    ],
)
def _sc_gather(table_hbm, src_hbm, out_hbm, idx_v, rows_v, sem):
    wid = lax.axis_index("s") * NC + lax.axis_index("c")
    pltpu.sync_copy(src_hbm.at[wid], idx_v)

    def body(m, carry):
        for jj in range(CPM):
            pltpu.async_copy(
                table_hbm.at[idx_v.at[m * CPM + jj]],
                rows_v.at[pl.ds((m * CPM + jj) * CH, CH)], sem)

        @pl.when(m > 0)
        def _():
            pltpu.make_async_copy(out_hbm.at[wid, pl.ds(0, MB)],
                                  rows_v.at[pl.ds(0, MB)], sem).wait()

        return carry

    lax.fori_loop(0, NMB, body, 0)
    pltpu.make_async_copy(out_hbm.at[wid, pl.ds(0, MB)],
                          rows_v.at[pl.ds(0, MB)], sem).wait()
    pltpu.sync_copy(rows_v, out_hbm.at[wid])


@functools.partial(
    pl.kernel, mesh=_mesh, compiler_params=_sc_params,
    out_type=jax.ShapeDtypeStruct((NC, NP, F), jnp.float32),
    scratch_types=[
        pltpu.VMEM((NCHUNK, CH), jnp.int32),
        pltpu.VMEM((EPWP, F), jnp.float32),
        pltpu.VMEM((STRIPE, F), jnp.float32),
        pltpu.VMEM_SHARED((NP, F), jnp.float32),
        pltpu.SemaphoreType.DMA,
    ],
)
def _sc_scatter(msg_hbm, dst_hbm, out_hbm, idx_v, msg_v, stripe_v, acc_sh, sem):
    cid = lax.axis_index("c")
    sid = lax.axis_index("s")
    wid = sid * NC + cid

    def zbody(i, carry):
        stripe_v[i, :] = jnp.zeros((F,), jnp.float32)
        return carry

    lax.fori_loop(0, STRIPE, zbody, 0)
    pltpu.sync_copy(stripe_v, acc_sh.at[pl.ds(sid * STRIPE, STRIPE)])
    pltpu.sync_copy(dst_hbm.at[wid], idx_v)
    pltpu.sync_copy(msg_hbm.at[wid], msg_v)
    plsc.subcore_barrier()

    def body(j, carry):
        pltpu.sync_copy(msg_v.at[pl.ds(j * CH, CH)],
                        acc_sh.at[idx_v.at[j]], add=True)
        return carry

    lax.fori_loop(0, NCHUNK, body, 0)
    plsc.subcore_barrier()
    pltpu.sync_copy(acc_sh.at[pl.ds(sid * STRIPE, STRIPE)], stripe_v)
    pltpu.sync_copy(stripe_v, out_hbm.at[cid, pl.ds(sid * STRIPE, STRIPE)])


@functools.partial(
    pl.kernel, mesh=_mesh, compiler_params=_sc_params,
    out_type=jax.ShapeDtypeStruct((NC, NP, F), jnp.float32),
    scratch_types=[
        pltpu.VMEM((NCHUNK, CH), jnp.int32),
        pltpu.VMEM((CH, F), jnp.float32),
        pltpu.VMEM((STRIPE, F), jnp.float32),
        pltpu.VMEM_SHARED((NP, F), jnp.float32),
    ],
)
def _sc_counts(dst_hbm, out_hbm, idx_v, ones_v, stripe_v, acc_sh):
    cid = lax.axis_index("c")
    sid = lax.axis_index("s")
    wid = sid * NC + cid

    def zbody(i, carry):
        stripe_v[i, :] = jnp.zeros((F,), jnp.float32)
        return carry

    lax.fori_loop(0, STRIPE, zbody, 0)

    def obody(i, carry):
        ones_v[i, :] = jnp.ones((F,), jnp.float32)
        return carry

    lax.fori_loop(0, CH, obody, 0)
    pltpu.sync_copy(stripe_v, acc_sh.at[pl.ds(sid * STRIPE, STRIPE)])
    pltpu.sync_copy(dst_hbm.at[wid], idx_v)
    plsc.subcore_barrier()

    def body(j, carry):
        pltpu.sync_copy(ones_v, acc_sh.at[idx_v.at[j]], add=True)
        return carry

    lax.fori_loop(0, NCHUNK, body, 0)
    plsc.subcore_barrier()
    pltpu.sync_copy(acc_sh.at[pl.ds(sid * STRIPE, STRIPE)], stripe_v)
    pltpu.sync_copy(stripe_v, out_hbm.at[cid, pl.ds(sid * STRIPE, STRIPE)])



_EB = 16384


def plt_bitcast(x):
    return lax.bitcast_convert_type(x, jnp.int32)


def plt_bitcast_f(x):
    return lax.bitcast_convert_type(x, jnp.float32)
_NB = 2000


def _msg_body(eat_ref, xj_ref, w1t_ref, b1t_ref, w3_ref, o_ref):
    xp = xj_ref[...].T
    eat = eat_ref[...]
    w1t = w1t_ref[...]
    h = jnp.maximum(
        w1t[:, 0:1] * eat[0:1, :] + w1t[:, 1:2] * eat[1:2, :]
        + b1t_ref[...], 0.0)
    w3 = w3_ref[...]
    g = _EB // 8
    cols = []
    for j in range(8):
        xjt = xp[F * j:F * (j + 1), :]
        hj = h[:, g * j:g * (j + 1)]
        xb = plt_bitcast(xjt)
        xh = plt_bitcast_f(xb & jnp.int32(-65536))
        xl = xjt - xh
        xcat = jnp.concatenate(
            [xh.astype(jnp.bfloat16), xl.astype(jnp.bfloat16),
             xh.astype(jnp.bfloat16)], axis=0)
        t = jnp.dot(w3, xcat, preferred_element_type=jnp.float32)
        acc = hj[10:11, :] * t[160:176, :]
        for k in range(10):
            acc = acc + hj[k:k + 1, :] * t[k * F:(k + 1) * F, :]
        cols.append(acc.T)
    o_ref[...] = jnp.concatenate(cols, axis=1)


def _tc_msg(eat, xj, W1pT, b1pT, W3):
    return pl.pallas_call(
        _msg_body,
        grid=(EP // _EB,),
        in_specs=[
            pl.BlockSpec((2, _EB), lambda i: (0, i)),
            pl.BlockSpec((_EB // 8, 128), lambda i: (i, 0)),
            pl.BlockSpec((F, 2), lambda i: (0, 0)),
            pl.BlockSpec((F, 1), lambda i: (0, 0)),
            pl.BlockSpec((11 * F, 48), lambda i: (0, 0)),
        ],
        out_specs=pl.BlockSpec((_EB // 8, 128), lambda i: (i, 0)),
        out_shape=jax.ShapeDtypeStruct((EP // 8, 128), jnp.float32),
    )(eat, xj, W1pT, b1pT, W3)


def _update_body(acc_ref, cnt_ref, x_ref, root_ref, bias_ref, o_ref):
    s = acc_ref[0] + acc_ref[1]
    c = cnt_ref[0] + cnt_ref[1]
    mean = s / jnp.maximum(c, 1.0)
    o_ref[...] = jnp.maximum(
        mean + jnp.dot(x_ref[...], root_ref[...],
                       preferred_element_type=jnp.float32,
                 precision=lax.Precision.HIGHEST)
        + bias_ref[...], 0.0)


def _tc_update(acc2, cnt2, x, rootp, biasp):
    return pl.pallas_call(
        _update_body,
        grid=(N // _NB,),
        in_specs=[
            pl.BlockSpec((2, _NB, F), lambda i: (0, i, 0)),
            pl.BlockSpec((2, _NB, F), lambda i: (0, i, 0)),
            pl.BlockSpec((_NB, F), lambda i: (i, 0)),
            pl.BlockSpec((F, F), lambda i: (0, 0)),
            pl.BlockSpec((1, F), lambda i: (0, 0)),
        ],
        out_specs=pl.BlockSpec((_NB, F), lambda i: (i, 0)),
        out_shape=jax.ShapeDtypeStruct((N, F), jnp.float32),
    )(acc2, cnt2, x, rootp, biasp)


def _final_body(acc_ref, cnt_ref, x_ref, root_ref, bias_ref, ow_ref, ob_ref,
                o_ref):
    s = acc_ref[0] + acc_ref[1]
    c = cnt_ref[0] + cnt_ref[1]
    mean = s / jnp.maximum(c, 1.0)
    h = jnp.maximum(
        mean + jnp.dot(x_ref[...], root_ref[...],
                       preferred_element_type=jnp.float32,
                 precision=lax.Precision.HIGHEST)
        + bias_ref[...], 0.0)
    o_ref[...] = jnp.dot(h, ow_ref[...],
                         preferred_element_type=jnp.float32,
                 precision=lax.Precision.HIGHEST) + ob_ref[...]


def _tc_final(acc2, cnt2, x, rootp, biasp, outWp, out_b):
    return pl.pallas_call(
        _final_body,
        grid=(N // _NB,),
        in_specs=[
            pl.BlockSpec((2, _NB, F), lambda i: (0, i, 0)),
            pl.BlockSpec((2, _NB, F), lambda i: (0, i, 0)),
            pl.BlockSpec((_NB, F), lambda i: (i, 0)),
            pl.BlockSpec((F, F), lambda i: (0, 0)),
            pl.BlockSpec((1, F), lambda i: (0, 0)),
            pl.BlockSpec((F, 1), lambda i: (0, 0)),
            pl.BlockSpec((1, 1), lambda i: (0, 0)),
        ],
        out_specs=pl.BlockSpec((_NB, 1), lambda i: (i, 0)),
        out_shape=jax.ShapeDtypeStruct((N, 1), jnp.float32),
    )(acc2, cnt2, x, rootp, biasp, outWp, out_b)



def _pad_layer(W1, b1, W2, b2, root, bias, cin, cout):
    W1p = jnp.pad(W1, ((0, 0), (0, F - 10)))
    b1p = jnp.pad(b1, (0, F - 10)).at[10].set(1.0).reshape(1, F)
    W2r = jnp.pad(W2.reshape(10, cin, cout),
                  ((0, 0), (0, F - cin), (0, F - cout)))
    B2r = jnp.pad(b2.reshape(cin, cout), ((0, F - cin), (0, F - cout)))
    W2s = jnp.concatenate([W2r, B2r[None]], axis=0)
    W2f = jnp.transpose(W2s, (0, 2, 1)).reshape(11 * F, F)
    W2fi = jax.lax.bitcast_convert_type(W2f, jnp.int32)
    W2fh = jax.lax.bitcast_convert_type(W2fi & jnp.int32(-65536), jnp.float32)
    W2fl = (W2f - W2fh).astype(jnp.bfloat16)
    W2fh = W2fh.astype(jnp.bfloat16)
    W3 = jnp.concatenate([W2fh, W2fh, W2fl], axis=1)
    rootp = jnp.pad(root, ((0, F - cin), (0, F - cout)))
    biasp = jnp.pad(bias, (0, F - cout)).reshape(1, F)
    return W1p.T, b1p.reshape(F, 1), W3, rootp, biasp


def kernel(x, edge_index, edge_attr,
           l1_W1, l1_b1, l1_W2, l1_b2, l1_root, l1_bias,
           l2_W1, l2_b1, l2_W2, l2_b2, l2_root, l2_bias,
           l3_W1, l3_b1, l3_W2, l3_b2, l3_root, l3_bias,
           l4_W1, l4_b1, l4_W2, l4_b2, l4_root, l4_bias,
           out_W, out_b):
    def pad_idx(a, fill):
        a = a.astype(jnp.int32).reshape(NW, EPW)
        a = jnp.pad(a, ((0, 0), (0, EPWP - EPW)), constant_values=fill)
        return a.reshape(NW, NCHUNK, CH)

    src = pad_idx(edge_index[0], 0)
    dst = pad_idx(edge_index[1], N)
    eat = jnp.pad(edge_attr.T.reshape(2, NW, EPW),
                  ((0, 0), (0, 0), (0, EPWP - EPW))).reshape(2, EP)
    eat = eat.reshape(2, EP // _EB, _EB // 8, 8)
    eat = eat.transpose(0, 1, 3, 2).reshape(2, EP)

    cnt2 = _sc_counts(dst)

    layers = [
        _pad_layer(l1_W1, l1_b1, l1_W2, l1_b2, l1_root, l1_bias, 1, F),
        _pad_layer(l2_W1, l2_b1, l2_W2, l2_b2, l2_root, l2_bias, F, F),
        _pad_layer(l3_W1, l3_b1, l3_W2, l3_b2, l3_root, l3_bias, F, F),
        _pad_layer(l4_W1, l4_b1, l4_W2, l4_b2, l4_root, l4_bias, F, 10),
    ]

    h = jnp.pad(x, ((0, 0), (0, F - 1)))
    out = None
    for li, (W1pT, b1pT, W3, rootp, biasp) in enumerate(layers):
        xj = _sc_gather(h, src)
        msg = _tc_msg(eat, xj.reshape(EP // 8, 128), W1pT, b1pT, W3)
        acc2 = _sc_scatter(msg.reshape(NW, EPWP, F), dst)
        if li < 3:
            h = _tc_update(acc2, cnt2, h, rootp, biasp)
        else:
            outWp = jnp.pad(out_W, ((0, F - 10), (0, 0)))
            out = _tc_final(acc2, cnt2, h, rootp, biasp, outWp,
                            out_b.reshape(1, 1))
    return out

# --- scband reference (transcript-rebuilt; emitter-appended) ---
"""Pipeline reference for scband-nnconv-84361747628515 (READ-ONLY COPY).

The authoritative reference and input builder live on the scoring server;
editing this copy changes nothing except your own understanding.
"""

import jax, jax.numpy as jnp
import numpy as np

N_NODES = 10000
N_EDGES = 160000
EMB = 16

def _p(key, shape, scale=0.1):
    return jax.random.normal(key, shape, dtype=jnp.float32) * scale

def setup_inputs(seed: int = 0):
    key = jax.random.key(seed)
    ks = jax.random.split(key, 40)
    inp = {}
    inp["x"] = jax.random.normal(ks[0], (N_NODES, 1), dtype=jnp.float32)
    inp["edge_index"] = jax.random.randint(ks[1], (2, N_EDGES), 0, N_NODES)
    inp["edge_attr"] = jax.random.normal(ks[2], (N_EDGES, 2), dtype=jnp.float32)
    dims = [(1, EMB), (EMB, EMB), (EMB, EMB), (EMB, 10)]
    i = 3
    for li, (cin, cout) in enumerate(dims, start=1):
        inp["l%d_W1" % li] = _p(ks[i], (2, 10)); i += 1
        inp["l%d_b1" % li] = jnp.zeros((10,), jnp.float32)
        inp["l%d_W2" % li] = _p(ks[i], (10, cin * cout)); i += 1
        inp["l%d_b2" % li] = jnp.zeros((cin * cout,), jnp.float32)
        inp["l%d_root" % li] = _p(ks[i], (cin, cout)); i += 1
        inp["l%d_bias" % li] = jnp.zeros((cout,), jnp.float32)
    inp["out_W"] = _p(ks[i], (10, 1)); i += 1
    inp["out_b"] = jnp.zeros((1,), jnp.float32)
    return inp

def _nnconv(x, src, dst, ea, W1, b1, W2, b2, root, bias, cin, cout):
    # PyG NNConv: out_i = x_i @ root + mean_{j->i}( x_j @ reshape(nn(e_ij), [cin, cout]) ) + bias
    n = x.shape[0]
    w = (jax.nn.relu(ea @ W1 + b1) @ W2 + b2).reshape(-1, cin, cout)
    xj = jnp.take(x, src, axis=0)
    msg = jnp.einsum('ei,eio->eo', xj, w)
    s = jax.ops.segment_sum(msg, dst, num_segments=n)
    cnt = jax.ops.segment_sum(jnp.ones((src.shape[0],), x.dtype), dst, num_segments=n)
    mean = s / jnp.clip(cnt, 1.0)[:, None]
    return mean + x @ root + bias

def reference(x, edge_index, edge_attr,
              l1_W1, l1_b1, l1_W2, l1_b2, l1_root, l1_bias,
              l2_W1, l2_b1, l2_W2, l2_b2, l2_root, l2_bias,
              l3_W1, l3_b1, l3_W2, l3_b2, l3_root, l3_bias,
              l4_W1, l4_b1, l4_W2, l4_b2, l4_root, l4_bias,
              out_W, out_b):
    src, dst = edge_index[0], edge_index[1]
    h = jax.nn.relu(_nnconv(x, src, dst, edge_attr, l1_W1, l1_b1, l1_W2, l1_b2, l1_root, l1_bias, 1, EMB))
    # dropout is identity in eval mode
    h = jax.nn.relu(_nnconv(h, src, dst, edge_attr, l2_W1, l2_b1, l2_W2, l2_b2, l2_root, l2_bias, EMB, EMB))
    h = jax.nn.relu(_nnconv(h, src, dst, edge_attr, l3_W1, l3_b1, l3_W2, l3_b2, l3_root, l3_bias, EMB, EMB))
    h = jax.nn.relu(_nnconv(h, src, dst, edge_attr, l4_W1, l4_b1, l4_W2, l4_b2, l4_root, l4_bias, EMB, 10))
    return h @ out_W + out_b

if __name__ == "__main__":
    import jax
    _d = setup_inputs()
    print(jax.jit(kernel)(*tuple(_d.values())))

</pallas_src>

<mosaic_0001>
#map = affine_map<(d0, d1) -> (0, 0)>
#map1 = affine_map<(d0, d1) -> (0, 0, 0)>
module attributes {stable_mosaic.version = 14 : i64} {
  func.func @_sc_gather(%arg0: i32, %arg1: i32, %arg2: memref<10000x16xf32, #tpu.memory_space<hbm>>, %arg3: memref<32x40x128xi32, #tpu.memory_space<hbm>>, %arg4: memref<32x5120x16xf32, #tpu.memory_space<hbm>>, %arg5: memref<40x128xi32, #tpu.memory_space<vmem>>, %arg6: memref<5120x16xf32, #tpu.memory_space<vmem>>, %arg7: memref<!tpu.dma_semaphore, #tpu.memory_space<semaphore_mem>>) attributes {dimension_semantics = [#tpu.dimension_semantics<core_parallel>, #tpu.dimension_semantics<subcore_parallel>], iteration_bounds = array<i64: 2, 16>, scalar_prefetch = 0 : i64, scratch_operands = 3 : i64, tpu.core_type = #tpu.core_type<sc_vector_subcore>, window_params = [{transform_indices = #map}, {transform_indices = #map1}, {transform_indices = #map1}]} {
    %mul3A = arith.constant 2 : i32
    %mul3A_0 = arith.muli %arg1, %mul3A : i32
    %add3A = arith.addi %mul3A_0, %arg0 : i32
    "tpu.region"() ({
      %run_scoped3A = tpu.sem_alloc : memref<!tpu.dma_semaphore, #tpu.memory_space<semaphore_mem>>
      %dma_start3A = arith.constant 0 : i32
      %dma_start3A_19 = arith.constant 0 : i32
      %dma_start3A_20 = tpu.memref_slice %arg3[%add3A, %dma_start3A, %dma_start3A_19] : memref<32x40x128xi32, #tpu.memory_space<hbm>> -> memref<1x40x128xi32, #tpu.memory_space<hbm>>
      %dma_start3A_21 = tpu.memref_squeeze %dma_start3A_20 : memref<1x40x128xi32, #tpu.memory_space<hbm>> -> memref<40x128xi32, #tpu.memory_space<hbm>>
      %dma_start3A_22 = arith.constant 0 : i32
      %dma_start3A_23 = arith.constant 0 : i32
      %dma_start3A_24 = tpu.memref_slice %arg3[%add3A, %dma_start3A_22, %dma_start3A_23] : memref<32x40x128xi32, #tpu.memory_space<hbm>> -> memref<1x40x128xi32, #tpu.memory_space<hbm>>
      %dma_start3A_25 = tpu.memref_squeeze %dma_start3A_24 : memref<1x40x128xi32, #tpu.memory_space<hbm>> -> memref<40x128xi32, #tpu.memory_space<hbm>>
      tpu.enqueue_dma source(%dma_start3A_25 : memref<40x128xi32, #tpu.memory_space<hbm>>) target(%arg5 : memref<40x128xi32, #tpu.memory_space<vmem>>) target_semaphore(%run_scoped3A : memref<!tpu.dma_semaphore, #tpu.memory_space<semaphore_mem>>)
      %dma_wait3A_26 = arith.constant 0 : i32
      %dma_wait3A_27 = arith.constant 0 : i32
      %dma_wait3A_28 = tpu.memref_slice %arg3[%add3A, %dma_wait3A_26, %dma_wait3A_27] : memref<32x40x128xi32, #tpu.memory_space<hbm>> -> memref<1x40x128xi32, #tpu.memory_space<hbm>>
      %dma_wait3A_29 = tpu.memref_squeeze %dma_wait3A_28 : memref<1x40x128xi32, #tpu.memory_space<hbm>> -> memref<40x128xi32, #tpu.memory_space<hbm>>
      %dma_wait3A_30 = arith.constant 0 : i32
      %dma_wait3A_31 = arith.constant 0 : i32
      %dma_wait3A_32 = tpu.memref_slice %arg3[%add3A, %dma_wait3A_30, %dma_wait3A_31] : memref<32x40x128xi32, #tpu.memory_space<hbm>> -> memref<1x40x128xi32, #tpu.memory_space<hbm>>
      %dma_wait3A_33 = tpu.memref_squeeze %dma_wait3A_32 : memref<1x40x128xi32, #tpu.memory_space<hbm>> -> memref<40x128xi32, #tpu.memory_space<hbm>>
      tpu.wait_dma2 semaphore(%run_scoped3A : memref<!tpu.dma_semaphore, #tpu.memory_space<semaphore_mem>>) src(%dma_wait3A_33 : memref<40x128xi32, #tpu.memory_space<hbm>>) dst(%arg5 : memref<40x128xi32, #tpu.memory_space<vmem>>)
      tpu.yield
    }) : () -> ()
    %scan3A = arith.constant 0 : i32
    %scan3A_1 = arith.constant 0 : i32
    %scan3A_2 = arith.constant 5 : i32
    %scan3A_3 = arith.addi %scan3A_1, %scan3A_2 : i32
    %scan3A_4 = arith.constant 1 : i32
    scf.for %scan3A_19 = %scan3A_1 to %scan3A_3 step %scan3A_4  : i32 {
      %mul3A_20 = arith.constant 8 : i32
      %mul3A_21 = arith.muli %scan3A_19, %mul3A_20 : i32
      %add3A_22 = arith.constant 0 : i32
      %add3A_23 = arith.addi %mul3A_21, %add3A_22 : i32
      %mul3A_24 = arith.constant 8 : i32
      %mul3A_25 = arith.muli %scan3A_19, %mul3A_24 : i32
      %add3A_26 = arith.constant 0 : i32
      %add3A_27 = arith.addi %mul3A_25, %add3A_26 : i32
      %mul3A_28 = arith.constant 128 : i32
      %mul3A_29 = arith.muli %add3A_27, %mul3A_28 : i32
      %dma_start3A = arith.constant 0 : i32
      %dma_start3A_30 = tpu.memref_slice %arg6[%mul3A_29, %dma_start3A] : memref<5120x16xf32, #tpu.memory_space<vmem>> -> memref<128x16xf32, #tpu.memory_space<vmem>>
      %dma_start3A_31 = arith.constant 0 : i32
      %dma_start3A_32 = tpu.memref_slice %arg5[%add3A_23, %dma_start3A_31] : memref<40x128xi32, #tpu.memory_space<vmem>> -> memref<1x128xi32, #tpu.memory_space<vmem>>
      %dma_start3A_33 = tpu.memref_squeeze %dma_start3A_32 : memref<1x128xi32, #tpu.memory_space<vmem>> -> memref<128xi32, #tpu.memory_space<vmem>>
      %dma_start3A_34 = arith.constant 0 : i32
      %dma_start3A_35 = arith.constant 0 : i32
      %dma_start3A_36 = tpu.memref_slice %arg2[%dma_start3A_34, %dma_start3A_35] : memref<10000x16xf32, #tpu.memory_space<hbm>> -> memref<10000x16xf32, #tpu.memory_space<hbm>>
      tpu.enqueue_indirect_dma source(%dma_start3A_36 : memref<10000x16xf32, #tpu.memory_space<hbm>>) target(%dma_start3A_30 : memref<128x16xf32, #tpu.memory_space<vmem>>) offsets(%dma_start3A_33 : memref<128xi32, #tpu.memory_space<vmem>>) semaphore(%arg7 : memref<!tpu.dma_semaphore, #tpu.memory_space<semaphore_mem>>)
      %mul3A_37 = arith.constant 8 : i32
      %mul3A_38 = arith.muli %scan3A_19, %mul3A_37 : i32
      %add3A_39 = arith.constant 1 : i32
      %add3A_40 = arith.addi %mul3A_38, %add3A_39 : i32
      %mul3A_41 = arith.constant 8 : i32
      %mul3A_42 = arith.muli %scan3A_19, %mul3A_41 : i32
      %add3A_43 = arith.constant 1 : i32
      %add3A_44 = arith.addi %mul3A_42, %add3A_43 : i32
      %mul3A_45 = arith.constant 128 : i32
      %mul3A_46 = arith.muli %add3A_44, %mul3A_45 : i32
      %dma_start3A_47 = arith.constant 0 : i32
      %dma_start3A_48 = tpu.memref_slice %arg6[%mul3A_46, %dma_start3A_47] : memref<5120x16xf32, #tpu.memory_space<vmem>> -> memref<128x16xf32, #tpu.memory_space<vmem>>
      %dma_start3A_49 = arith.constant 0 : i32
      %dma_start3A_50 = tpu.memref_slice %arg5[%add3A_40, %dma_start3A_49] : memref<40x128xi32, #tpu.memory_space<vmem>> -> memref<1x128xi32, #tpu.memory_space<vmem>>
      %dma_start3A_51 = tpu.memref_squeeze %dma_start3A_50 : memref<1x128xi32, #tpu.memory_space<vmem>> -> memref<128xi32, #tpu.memory_space<vmem>>
      %dma_start3A_52 = arith.constant 0 : i32
      %dma_start3A_53 = arith.constant 0 : i32
      %dma_start3A_54 = tpu.memref_slice %arg2[%dma_start3A_52, %dma_start3A_53] : memref<10000x16xf32, #tpu.memory_space<hbm>> -> memref<10000x16xf32, #tpu.memory_space<hbm>>
      tpu.enqueue_indirect_dma source(%dma_start3A_54 : memref<10000x16xf32, #tpu.memory_space<hbm>>) target(%dma_start3A_48 : memref<128x16xf32, #tpu.memory_space<vmem>>) offsets(%dma_start3A_51 : memref<128xi32, #tpu.memory_space<vmem>>) semaphore(%arg7 : memref<!tpu.dma_semaphore, #tpu.memory_space<semaphore_mem>>)
      %mul3A_55 = arith.constant 8 : i32
      %mul3A_56 = arith.muli %scan3A_19, %mul3A_55 : i32
      %add3A_57 = arith.constant 2 : i32
      %add3A_58 = arith.addi %mul3A_56, %add3A_57 : i32
      %mul3A_59 = arith.constant 8 : i32
      %mul3A_60 = arith.muli %scan3A_19, %mul3A_59 : i32
      %add3A_61 = arith.constant 2 : i32
      %add3A_62 = arith.addi %mul3A_60, %add3A_61 : i32
      %mul3A_63 = arith.constant 128 : i32
      %mul3A_64 = arith.muli %add3A_62, %mul3A_63 : i32
      %dma_start3A_65 = arith.constant 0 : i32
      %dma_start3A_66 = tpu.memref_slice %arg6[%mul3A_64, %dma_start3A_65] : memref<5120x16xf32, #tpu.memory_space<vmem>> -> memref<128x16xf32, #tpu.memory_space<vmem>>
      %dma_start3A_67 = arith.constant 0 : i32
      %dma_start3A_68 = tpu.memref_slice %arg5[%add3A_58, %dma_start3A_67] : memref<40x128xi32, #tpu.memory_space<vmem>> -> memref<1x128xi32, #tpu.memory_space<vmem>>
      %dma_start3A_69 = tpu.memref_squeeze %dma_start3A_68 : memref<1x128xi32, #tpu.memory_space<vmem>> -> memref<128xi32, #tpu.memory_space<vmem>>
      %dma_start3A_70 = arith.constant 0 : i32
      %dma_start3A_71 = arith.constant 0 : i32
      %dma_start3A_72 = tpu.memref_slice %arg2[%dma_start3A_70, %dma_start3A_71] : memref<10000x16xf32, #tpu.memory_space<hbm>> -> memref<10000x16xf32, #tpu.memory_space<hbm>>
      tpu.enqueue_indirect_dma source(%dma_start3A_72 : memref<10000x16xf32, #tpu.memory_space<hbm>>) target(%dma_start3A_66 : memref<128x16xf32, #tpu.memory_space<vmem>>) offsets(%dma_start3A_69 : memref<128xi32, #tpu.memory_space<vmem>>) semaphore(%arg7 : memref<!tpu.dma_semaphore, #tpu.memory_space<semaphore_mem>>)
      %mul3A_73 = arith.constant 8 : i32
      %mul3A_74 = arith.muli %scan3A_19, %mul3A_73 : i32
      %add3A_75 = arith.constant 3 : i32
      %add3A_76 = arith.addi %mul3A_74, %add3A_75 : i32
      %mul3A_77 = arith.constant 8 : i32
      %mul3A_78 = arith.muli %scan3A_19, %mul3A_77 : i32
      %add3A_79 = arith.constant 3 : i32
      %add3A_80 = arith.addi %mul3A_78, %add3A_79 : i32
      %mul3A_81 = arith.constant 128 : i32
      %mul3A_82 = arith.muli %add3A_80, %mul3A_81 : i32
      %dma_start3A_83 = arith.constant 0 : i32
      %dma_start3A_84 = tpu.memref_slice %arg6[%mul3A_82, %dma_start3A_83] : memref<5120x16xf32, #tpu.memory_space<vmem>> -> memref<128x16xf32, #tpu.memory_space<vmem>>
      %dma_start3A_85 = arith.constant 0 : i32
      %dma_start3A_86 = tpu.memref_slice %arg5[%add3A_76, %dma_start3A_85] : memref<40x128xi32, #tpu.memory_space<vmem>> -> memref<1x128xi32, #tpu.memory_space<vmem>>
      %dma_start3A_87 = tpu.memref_squeeze %dma_start3A_86 : memref<1x128xi32, #tpu.memory_space<vmem>> -> memref<128xi32, #tpu.memory_space<vmem>>
      %dma_start3A_88 = arith.constant 0 : i32
      %dma_start3A_89 = arith.constant 0 : i32
      %dma_start3A_90 = tpu.memref_slice %arg2[%dma_start3A_88, %dma_start3A_89] : memref<10000x16xf32, #tpu.memory_space<hbm>> -> memref<10000x16xf32, #tpu.memory_space<hbm>>
      tpu.enqueue_indirect_dma source(%dma_start3A_90 : memref<10000x16xf32, #tpu.memory_space<hbm>>) target(%dma_start3A_84 : memref<128x16xf32, #tpu.memory_space<vmem>>) offsets(%dma_start3A_87 : memref<128xi32, #tpu.memory_space<vmem>>) semaphore(%arg7 : memref<!tpu.dma_semaphore, #tpu.memory_space<semaphore_mem>>)
      %mul3A_91 = arith.constant 8 : i32
      %mul3A_92 = arith.muli %scan3A_19, %mul3A_91 : i32
      %add3A_93 = arith.constant 4 : i32
      %add3A_94 = arith.addi %mul3A_92, %add3A_93 : i32
      %mul3A_95 = arith.constant 8 : i32
      %mul3A_96 = arith.muli %scan3A_19, %mul3A_95 : i32
      %add3A_97 = arith.constant 4 : i32
      %add3A_98 = arith.addi %mul3A_96, %add3A_97 : i32
      %mul3A_99 = arith.constant 128 : i32
      %mul3A_100 = arith.muli %add3A_98, %mul3A_99 : i32
      %dma_start3A_101 = arith.constant 0 : i32
      %dma_start3A_102 = tpu.memref_slice %arg6[%mul3A_100, %dma_start3A_101] : memref<5120x16xf32, #tpu.memory_space<vmem>> -> memref<128x16xf32, #tpu.memory_space<vmem>>
      %dma_start3A_103 = arith.constant 0 : i32
      %dma_start3A_104 = tpu.memref_slice %arg5[%add3A_94, %dma_start3A_103] : memref<40x128xi32, #tpu.memory_space<vmem>> -> memref<1x128xi32, #tpu.memory_space<vmem>>
      %dma_start3A_105 = tpu.memref_squeeze %dma_start3A_104 : memref<1x128xi32, #tpu.memory_space<vmem>> -> memref<128xi32, #tpu.memory_space<vmem>>
      %dma_start3A_106 = arith.constant 0 : i32
      %dma_start3A_107 = arith.constant 0 : i32
      %dma_start3A_108 = tpu.memref_slice %arg2[%dma_start3A_106, %dma_start3A_107] : memref<10000x16xf32, #tpu.memory_space<hbm>> -> memref<10000x16xf32, #tpu.memory_space<hbm>>
      tpu.enqueue_indirect_dma source(%dma_start3A_108 : memref<10000x16xf32, #tpu.memory_space<hbm>>) target(%dma_start3A_102 : memref<128x16xf32, #tpu.memory_space<vmem>>) offsets(%dma_start3A_105 : memref<128xi32, #tpu.memory_space<vmem>>) semaphore(%arg7 : memref<!tpu.dma_semaphore, #tpu.memory_space<semaphore_mem>>)
      %mul3A_109 = arith.constant 8 : i32
      %mul3A_110 = arith.muli %scan3A_19, %mul3A_109 : i32
      %add3A_111 = arith.constant 5 : i32
      %add3A_112 = arith.addi %mul3A_110, %add3A_111 : i32
      %mul3A_113 = arith.constant 8 : i32
      %mul3A_114 = arith.muli %scan3A_19, %mul3A_113 : i32
      %add3A_115 = arith.constant 5 : i32
      %add3A_116 = arith.addi %mul3A_114, %add3A_115 : i32
      %mul3A_117 = arith.constant 128 : i32
      %mul3A_118 = arith.muli %add3A_116, %mul3A_117 : i32
      %dma_start3A_119 = arith.constant 0 : i32
      %dma_start3A_120 = tpu.memref_slice %arg6[%mul3A_118, %dma_start3A_119] : memref<5120x16xf32, #tpu.memory_space<vmem>> -> memref<128x16xf32, #tpu.memory_space<vmem>>
      %dma_start3A_121 = arith.constant 0 : i32
      %dma_start3A_122 = tpu.memref_slice %arg5[%add3A_112, %dma_start3A_121] : memref<40x128xi32, #tpu.memory_space<vmem>> -> memref<1x128xi32, #tpu.memory_space<vmem>>
      %dma_start3A_123 = tpu.memref_squeeze %dma_start3A_122 : memref<1x128xi32, #tpu.memory_space<vmem>> -> memref<128xi32, #tpu.memory_space<vmem>>
      %dma_start3A_124 = arith.constant 0 : i32
      %dma_start3A_125 = arith.constant 0 : i32
      %dma_start3A_126 = tpu.memref_slice %arg2[%dma_start3A_124, %dma_start3A_125] : memref<10000x16xf32, #tpu.memory_space<hbm>> -> memref<10000x16xf32, #tpu.memory_space<hbm>>
      tpu.enqueue_indirect_dma source(%dma_start3A_126 : memref<10000x16xf32, #tpu.memory_space<hbm>>) target(%dma_start3A_120 : memref<128x16xf32, #tpu.memory_space<vmem>>) offsets(%dma_start3A_123 : memref<128xi32, #tpu.memory_space<vmem>>) semaphore(%arg7 : memref<!tpu.dma_semaphore, #tpu.memory_space<semaphore_mem>>)
      %mul3A_127 = arith.constant 8 : i32
      %mul3A_128 = arith.muli %scan3A_19, %mul3A_127 : i32
      %add3A_129 = arith.constant 6 : i32
      %add3A_130 = arith.addi %mul3A_128, %add3A_129 : i32
      %mul3A_131 = arith.constant 8 : i32
      %mul3A_132 = arith.muli %scan3A_19, %mul3A_131 : i32
      %add3A_133 = arith.constant 6 : i32
      %add3A_134 = arith.addi %mul3A_132, %add3A_133 : i32
      %mul3A_135 = arith.constant 128 : i32
      %mul3A_136 = arith.muli %add3A_134, %mul3A_135 : i32
      %dma_start3A_137 = arith.constant 0 : i32
      %dma_start3A_138 = tpu.memref_slice %arg6[%mul3A_136, %dma_start3A_137] : memref<5120x16xf32, #tpu.memory_space<vmem>> -> memref<128x16xf32, #tpu.memory_space<vmem>>
      %dma_start3A_139 = arith.constant 0 : i32
      %dma_start3A_140 = tpu.memref_slice %arg5[%add3A_130, %dma_start3A_139] : memref<40x128xi32, #tpu.memory_space<vmem>> -> memref<1x128xi32, #tpu.memory_space<vmem>>
      %dma_start3A_141 = tpu.memref_squeeze %dma_start3A_140 : memref<1x128xi32, #tpu.memory_space<vmem>> -> memref<128xi32, #tpu.memory_space<vmem>>
      %dma_start3A_142 = arith.constant 0 : i32
      %dma_start3A_143 = arith.constant 0 : i32
      %dma_start3A_144 = tpu.memref_slice %arg2[%dma_start3A_142, %dma_start3A_143] : memref<10000x16xf32, #tpu.memory_space<hbm>> -> memref<10000x16xf32, #tpu.memory_space<hbm>>
      tpu.enqueue_indirect_dma source(%dma_start3A_144 : memref<10000x16xf32, #tpu.memory_space<hbm>>) target(%dma_start3A_138 : memref<128x16xf32, #tpu.memory_space<vmem>>) offsets(%dma_start3A_141 : memref<128xi32, #tpu.memory_space<vmem>>) semaphore(%arg7 : memref<!tpu.dma_semaphore, #tpu.memory_space<semaphore_mem>>)
      %mul3A_145 = arith.constant 8 : i32
      %mul3A_146 = arith.muli %scan3A_19, %mul3A_145 : i32
      %add3A_147 = arith.constant 7 : i32
      %add3A_148 = arith.addi %mul3A_146, %add3A_147 : i32
      %mul3A_149 = arith.constant 8 : i32
      %mul3A_150 = arith.muli %scan3A_19, %mul3A_149 : i32
      %add3A_151 = arith.constant 7 : i32
      %add3A_152 = arith.addi %mul3A_150, %add3A_151 : i32
      %mul3A_153 = arith.constant 128 : i32
      %mul3A_154 = arith.muli %add3A_152, %mul3A_153 : i32
      %dma_start3A_155 = arith.constant 0 : i32
      %dma_start3A_156 = tpu.memref_slice %arg6[%mul3A_154, %dma_start3A_155] : memref<5120x16xf32, #tpu.memory_space<vmem>> -> memref<128x16xf32, #tpu.memory_space<vmem>>
      %dma_start3A_157 = arith.constant 0 : i32
      %dma_start3A_158 = tpu.memref_slice %arg5[%add3A_148, %dma_start3A_157] : memref<40x128xi32, #tpu.memory_space<vmem>> -> memref<1x128xi32, #tpu.memory_space<vmem>>
      %dma_start3A_159 = tpu.memref_squeeze %dma_start3A_158 : memref<1x128xi32, #tpu.memory_space<vmem>> -> memref<128xi32, #tpu.memory_space<vmem>>
      %dma_start3A_160 = arith.constant 0 : i32
      %dma_start3A_161 = arith.constant 0 : i32
      %dma_start3A_162 = tpu.memref_slice %arg2[%dma_start3A_160, %dma_start3A_161] : memref<10000x16xf32, #tpu.memory_space<hbm>> -> memref<10000x16xf32, #tpu.memory_space<hbm>>
      tpu.enqueue_indirect_dma source(%dma_start3A_162 : memref<10000x16xf32, #tpu.memory_space<hbm>>) target(%dma_start3A_156 : memref<128x16xf32, #tpu.memory_space<vmem>>) offsets(%dma_start3A_159 : memref<128xi32, #tpu.memory_space<vmem>>) semaphore(%arg7 : memref<!tpu.dma_semaphore, #tpu.memory_space<semaphore_mem>>)
      %gt3A = arith.constant 0 : i32
      %gt3A_163 = arith.cmpi sgt, %scan3A_19, %gt3A : i32
      %convert_element_type3A = arith.extui %gt3A_163 : i1 to i32
      %cond3A = arith.constant 0 : i32
      %cond3A_164 = arith.cmpi ne, %convert_element_type3A, %cond3A : i32
      scf.if %cond3A_164 {
        %dma_wait3A_165 = arith.constant 0 : i32
        %dma_wait3A_166 = arith.constant 0 : i32
        %dma_wait3A_167 = tpu.memref_slice %arg6[%dma_wait3A_165, %dma_wait3A_166] : memref<5120x16xf32, #tpu.memory_space<vmem>> -> memref<1024x16xf32, #tpu.memory_space<vmem>>
        %dma_wait3A_168 = arith.constant 0 : i32
        %dma_wait3A_169 = arith.constant 0 : i32
        %dma_wait3A_170 = tpu.memref_slice %arg4[%add3A, %dma_wait3A_168, %dma_wait3A_169] : memref<32x5120x16xf32, #tpu.memory_space<hbm>> -> memref<1x1024x16xf32, #tpu.memory_space<hbm>>
        %dma_wait3A_171 = tpu.memref_squeeze %dma_wait3A_170 : memref<1x1024x16xf32, #tpu.memory_space<hbm>> -> memref<1024x16xf32, #tpu.memory_space<hbm>>
        %dma_wait3A_172 = arith.constant 0 : i32
        %dma_wait3A_173 = arith.constant 0 : i32
        %dma_wait3A_174 = tpu.memref_slice %arg6[%dma_wait3A_172, %dma_wait3A_173] : memref<5120x16xf32, #tpu.memory_space<vmem>> -> memref<1024x16xf32, #tpu.memory_space<vmem>>
        %dma_wait3A_175 = arith.constant 0 : i32
        %dma_wait3A_176 = arith.constant 0 : i32
        %dma_wait3A_177 = tpu.memref_slice %arg4[%add3A, %dma_wait3A_175, %dma_wait3A_176] : memref<32x5120x16xf32, #tpu.memory_space<hbm>> -> memref<1x1024x16xf32, #tpu.memory_space<hbm>>
        %dma_wait3A_178 = tpu.memref_squeeze %dma_wait3A_177 : memref<1x1024x16xf32, #tpu.memory_space<hbm>> -> memref<1024x16xf32, #tpu.memory_space<hbm>>
        tpu.wait_dma2 semaphore(%arg7 : memref<!tpu.dma_semaphore, #tpu.memory_space<semaphore_mem>>) src(%dma_wait3A_178 : memref<1024x16xf32, #tpu.memory_space<hbm>>) dst(%dma_wait3A_174 : memref<1024x16xf32, #tpu.memory_space<vmem>>)
      } else {
      }
    }
    %scan3A_5 = arith.constant 5 : i32
    %dma_wait3A = arith.constant 0 : i32
    %dma_wait3A_6 = arith.constant 0 : i32
    %dma_wait3A_7 = tpu.memref_slice %arg6[%dma_wait3A, %dma_wait3A_6] : memref<5120x16xf32, #tpu.memory_space<vmem>> -> memref<1024x16xf32, #tpu.memory_space<vmem>>
    %dma_wait3A_8 = arith.constant 0 : i32
    %dma_wait3A_9 = arith.constant 0 : i32
    %dma_wait3A_10 = tpu.memref_slice %arg4[%add3A, %dma_wait3A_8, %dma_wait3A_9] : memref<32x5120x16xf32, #tpu.memory_space<hbm>> -> memref<1x1024x16xf32, #tpu.memory_space<hbm>>
    %dma_wait3A_11 = tpu.memref_squeeze %dma_wait3A_10 : memref<1x1024x16xf32, #tpu.memory_space<hbm>> -> memref<1024x16xf32, #tpu.memory_space<hbm>>
    %dma_wait3A_12 = arith.constant 0 : i32
    %dma_wait3A_13 = arith.constant 0 : i32
    %dma_wait3A_14 = tpu.memref_slice %arg6[%dma_wait3A_12, %dma_wait3A_13] : memref<5120x16xf32, #tpu.memory_space<vmem>> -> memref<1024x16xf32, #tpu.memory_space<vmem>>
    %dma_wait3A_15 = arith.constant 0 : i32
    %dma_wait3A_16 = arith.constant 0 : i32
    %dma_wait3A_17 = tpu.memref_slice %arg4[%add3A, %dma_wait3A_15, %dma_wait3A_16] : memref<32x5120x16xf32, #tpu.memory_space<hbm>> -> memref<1x1024x16xf32, #tpu.memory_space<hbm>>
    %dma_wait3A_18 = tpu.memref_squeeze %dma_wait3A_17 : memref<1x1024x16xf32, #tpu.memory_space<hbm>> -> memref<1024x16xf32, #tpu.memory_space<hbm>>
    tpu.wait_dma2 semaphore(%arg7 : memref<!tpu.dma_semaphore, #tpu.memory_space<semaphore_mem>>) src(%dma_wait3A_18 : memref<1024x16xf32, #tpu.memory_space<hbm>>) dst(%dma_wait3A_14 : memref<1024x16xf32, #tpu.memory_space<vmem>>)
    "tpu.region"() ({
      %run_scoped3A = tpu.sem_alloc : memref<!tpu.dma_semaphore, #tpu.memory_space<semaphore_mem>>
      %dma_start3A = arith.constant 0 : i32
      %dma_start3A_19 = arith.constant 0 : i32
      %dma_start3A_20 = tpu.memref_slice %arg4[%add3A, %dma_start3A, %dma_start3A_19] : memref<32x5120x16xf32, #tpu.memory_space<hbm>> -> memref<1x5120x16xf32, #tpu.memory_space<hbm>>
      %dma_start3A_21 = tpu.memref_squeeze %dma_start3A_20 : memref<1x5120x16xf32, #tpu.memory_space<hbm>> -> memref<5120x16xf32, #tpu.memory_space<hbm>>
      %dma_start3A_22 = arith.constant 0 : i32
      %dma_start3A_23 = arith.constant 0 : i32
      %dma_start3A_24 = tpu.memref_slice %arg4[%add3A, %dma_start3A_22, %dma_start3A_23] : memref<32x5120x16xf32, #tpu.memory_space<hbm>> -> memref<1x5120x16xf32, #tpu.memory_space<hbm>>
      %dma_start3A_25 = tpu.memref_squeeze %dma_start3A_24 : memref<1x5120x16xf32, #tpu.memory_space<hbm>> -> memref<5120x16xf32, #tpu.memory_space<hbm>>
      tpu.enqueue_dma source(%arg6 : memref<5120x16xf32, #tpu.memory_space<vmem>>) target(%dma_start3A_25 : memref<5120x16xf32, #tpu.memory_space<hbm>>) target_semaphore(%run_scoped3A : memref<!tpu.dma_semaphore, #tpu.memory_space<semaphore_mem>>)
      %dma_wait3A_26 = arith.constant 0 : i32
      %dma_wait3A_27 = arith.constant 0 : i32
      %dma_wait3A_28 = tpu.memref_slice %arg4[%add3A, %dma_wait3A_26, %dma_wait3A_27] : memref<32x5120x16xf32, #tpu.memory_space<hbm>> -> memref<1x5120x16xf32, #tpu.memory_space<hbm>>
      %dma_wait3A_29 = tpu.memref_squeeze %dma_wait3A_28 : memref<1x5120x16xf32, #tpu.memory_space<hbm>> -> memref<5120x16xf32, #tpu.memory_space<hbm>>
      %dma_wait3A_30 = arith.constant 0 : i32
      %dma_wait3A_31 = arith.constant 0 : i32
      %dma_wait3A_32 = tpu.memref_slice %arg4[%add3A, %dma_wait3A_30, %dma_wait3A_31] : memref<32x5120x16xf32, #tpu.memory_space<hbm>> -> memref<1x5120x16xf32, #tpu.memory_space<hbm>>
      %dma_wait3A_33 = tpu.memref_squeeze %dma_wait3A_32 : memref<1x5120x16xf32, #tpu.memory_space<hbm>> -> memref<5120x16xf32, #tpu.memory_space<hbm>>
      tpu.wait_dma2 semaphore(%run_scoped3A : memref<!tpu.dma_semaphore, #tpu.memory_space<semaphore_mem>>) src(%arg6 : memref<5120x16xf32, #tpu.memory_space<vmem>>) dst(%dma_wait3A_33 : memref<5120x16xf32, #tpu.memory_space<hbm>>)
      tpu.yield
    }) : () -> ()
    return
  }
}

#map = affine_map<(d0, d1) -> (0, 0, 0)>
module attributes {stable_mosaic.version = 14 : i64} {
  func.func @_sc_scatter(%arg0: i32, %arg1: i32, %arg2: memref<32x5120x16xf32, #tpu.memory_space<hbm>>, %arg3: memref<32x40x128xi32, #tpu.memory_space<hbm>>, %arg4: memref<2x10240x16xf32, #tpu.memory_space<hbm>>, %arg5: memref<40x128xi32, #tpu.memory_space<vmem>>, %arg6: memref<5120x16xf32, #tpu.memory_space<vmem>>, %arg7: memref<640x16xf32, #tpu.memory_space<vmem>>, %arg8: memref<10240x16xf32, #tpu.memory_space<vmem_shared>>, %arg9: memref<!tpu.dma_semaphore, #tpu.memory_space<semaphore_mem>>) attributes {dimension_semantics = [#tpu.dimension_semantics<core_parallel>, #tpu.dimension_semantics<subcore_parallel>], iteration_bounds = array<i64: 2, 16>, scalar_prefetch = 0 : i64, scratch_operands = 5 : i64, tpu.core_type = #tpu.core_type<sc_vector_subcore>, window_params = [{transform_indices = #map}, {transform_indices = #map}, {transform_indices = #map}]} {
    %mul3A = arith.constant 2 : i32
    %mul3A_0 = arith.muli %arg1, %mul3A : i32
    %add3A = arith.addi %mul3A_0, %arg0 : i32
    %scan3A = arith.constant 0 : i32
    %scan3A_1 = arith.constant 0 : i32
    %scan3A_2 = arith.constant 640 : i32
    %scan3A_3 = arith.addi %scan3A_1, %scan3A_2 : i32
    %scan3A_4 = arith.constant 1 : i32
    scf.for %scan3A_19 = %scan3A_1 to %scan3A_3 step %scan3A_4  : i32 {
      %broadcast_in_dim3A = arith.constant 0.000000e+00 : f32
      %broadcast_in_dim3A_20 = vector.broadcast %broadcast_in_dim3A : f32 to vector<16xf32>
      %swap3A = arith.index_cast %scan3A_19 : i32 to index
      %swap3A_21 = arith.constant 0 : index
      %swap3A_22 = tpu.vector_load %arg7[%swap3A, %swap3A_21] {strides = array<i32>} : memref<640x16xf32, #tpu.memory_space<vmem>>, vector<1x16xf32>,
      %swap3A_23 = vector.shape_cast %swap3A_22 : vector<1x16xf32> to vector<16xf32>
      %swap3A_24 = vector.shape_cast %broadcast_in_dim3A_20 : vector<16xf32> to vector<1x16xf32>
      tpu.vector_store %arg7[%swap3A, %swap3A_21], %swap3A_24 {strides = array<i32>} : memref<640x16xf32, #tpu.memory_space<vmem>>, vector<1x16xf32>,
    }
    %scan3A_5 = arith.constant 640 : i32
    %mul3A_6 = arith.constant 640 : i32
    %mul3A_7 = arith.muli %arg1, %mul3A_6 : i32
    "tpu.region"() ({
      %run_scoped3A = tpu.sem_alloc : memref<!tpu.dma_semaphore, #tpu.memory_space<semaphore_mem>>
      %dma_start3A = arith.constant 0 : i32
      %dma_start3A_19 = tpu.memref_slice %arg8[%mul3A_7, %dma_start3A] : memref<10240x16xf32, #tpu.memory_space<vmem_shared>> -> memref<640x16xf32, #tpu.memory_space<vmem_shared>>
      %dma_start3A_20 = arith.constant 0 : i32
      %dma_start3A_21 = tpu.memref_slice %arg8[%mul3A_7, %dma_start3A_20] : memref<10240x16xf32, #tpu.memory_space<vmem_shared>> -> memref<640x16xf32, #tpu.memory_space<vmem_shared>>
      tpu.enqueue_dma source(%arg7 : memref<640x16xf32, #tpu.memory_space<vmem>>) target(%dma_start3A_21 : memref<640x16xf32, #tpu.memory_space<vmem_shared>>) target_semaphore(%run_scoped3A : memref<!tpu.dma_semaphore, #tpu.memory_space<semaphore_mem>>)
      %dma_wait3A = arith.constant 0 : i32
      %dma_wait3A_22 = tpu.memref_slice %arg8[%mul3A_7, %dma_wait3A] : memref<10240x16xf32, #tpu.memory_space<vmem_shared>> -> memref<640x16xf32, #tpu.memory_space<vmem_shared>>
      %dma_wait3A_23 = arith.constant 0 : i32
      %dma_wait3A_24 = tpu.memref_slice %arg8[%mul3A_7, %dma_wait3A_23] : memref<10240x16xf32, #tpu.memory_space<vmem_shared>> -> memref<640x16xf32, #tpu.memory_space<vmem_shared>>
      tpu.wait_dma2 semaphore(%run_scoped3A : memref<!tpu.dma_semaphore, #tpu.memory_space<semaphore_mem>>) src(%arg7 : memref<640x16xf32, #tpu.memory_space<vmem>>) dst(%dma_wait3A_24 : memref<640x16xf32, #tpu.memory_space<vmem_shared>>)
      tpu.yield
    }) : () -> ()
    "tpu.region"() ({
      %run_scoped3A = tpu.sem_alloc : memref<!tpu.dma_semaphore, #tpu.memory_space<semaphore_mem>>
      %dma_start3A = arith.constant 0 : i32
      %dma_start3A_19 = arith.constant 0 : i32
      %dma_start3A_20 = tpu.memref_slice %arg3[%add3A, %dma_start3A, %dma_start3A_19] : memref<32x40x128xi32, #tpu.memory_space<hbm>> -> memref<1x40x128xi32, #tpu.memory_space<hbm>>
      %dma_start3A_21 = tpu.memref_squeeze %dma_start3A_20 : memref<1x40x128xi32, #tpu.memory_space<hbm>> -> memref<40x128xi32, #tpu.memory_space<hbm>>
      %dma_start3A_22 = arith.constant 0 : i32
      %dma_start3A_23 = arith.constant 0 : i32
      %dma_start3A_24 = tpu.memref_slice %arg3[%add3A, %dma_start3A_22, %dma_start3A_23] : memref<32x40x128xi32, #tpu.memory_space<hbm>> -> memref<1x40x128xi32, #tpu.memory_space<hbm>>
      %dma_start3A_25 = tpu.memref_squeeze %dma_start3A_24 : memref<1x40x128xi32, #tpu.memory_space<hbm>> -> memref<40x128xi32, #tpu.memory_space<hbm>>
      tpu.enqueue_dma source(%dma_start3A_25 : memref<40x128xi32, #tpu.memory_space<hbm>>) target(%arg5 : memref<40x128xi32, #tpu.memory_space<vmem>>) target_semaphore(%run_scoped3A : memref<!tpu.dma_semaphore, #tpu.memory_space<semaphore_mem>>)
      %dma_wait3A = arith.constant 0 : i32
      %dma_wait3A_26 = arith.constant 0 : i32
      %dma_wait3A_27 = tpu.memref_slice %arg3[%add3A, %dma_wait3A, %dma_wait3A_26] : memref<32x40x128xi32, #tpu.memory_space<hbm>> -> memref<1x40x128xi32, #tpu.memory_space<hbm>>
      %dma_wait3A_28 = tpu.memref_squeeze %dma_wait3A_27 : memref<1x40x128xi32, #tpu.memory_space<hbm>> -> memref<40x128xi32, #tpu.memory_space<hbm>>
      %dma_wait3A_29 = arith.constant 0 : i32
      %dma_wait3A_30 = arith.constant 0 : i32
      %dma_wait3A_31 = tpu.memref_slice %arg3[%add3A, %dma_wait3A_29, %dma_wait3A_30] : memref<32x40x128xi32, #tpu.memory_space<hbm>> -> memref<1x40x128xi32, #tpu.memory_space<hbm>>
      %dma_wait3A_32 = tpu.memref_squeeze %dma_wait3A_31 : memref<1x40x128xi32, #tpu.memory_space<hbm>> -> memref<40x128xi32, #tpu.memory_space<hbm>>
      tpu.wait_dma2 semaphore(%run_scoped3A : memref<!tpu.dma_semaphore, #tpu.memory_space<semaphore_mem>>) src(%dma_wait3A_32 : memref<40x128xi32, #tpu.memory_space<hbm>>) dst(%arg5 : memref<40x128xi32, #tpu.memory_space<vmem>>)
      tpu.yield
    }) : () -> ()
    "tpu.region"() ({
      %run_scoped3A = tpu.sem_alloc : memref<!tpu.dma_semaphore, #tpu.memory_space<semaphore_mem>>
      %dma_start3A = arith.constant 0 : i32
      %dma_start3A_19 = arith.constant 0 : i32
      %dma_start3A_20 = tpu.memref_slice %arg2[%add3A, %dma_start3A, %dma_start3A_19] : memref<32x5120x16xf32, #tpu.memory_space<hbm>> -> memref<1x5120x16xf32, #tpu.memory_space<hbm>>
      %dma_start3A_21 = tpu.memref_squeeze %dma_start3A_20 : memref<1x5120x16xf32, #tpu.memory_space<hbm>> -> memref<5120x16xf32, #tpu.memory_space<hbm>>
      %dma_start3A_22 = arith.constant 0 : i32
      %dma_start3A_23 = arith.constant 0 : i32
      %dma_start3A_24 = tpu.memref_slice %arg2[%add3A, %dma_start3A_22, %dma_start3A_23] : memref<32x5120x16xf32, #tpu.memory_space<hbm>> -> memref<1x5120x16xf32, #tpu.memory_space<hbm>>
      %dma_start3A_25 = tpu.memref_squeeze %dma_start3A_24 : memref<1x5120x16xf32, #tpu.memory_space<hbm>> -> memref<5120x16xf32, #tpu.memory_space<hbm>>
      tpu.enqueue_dma source(%dma_start3A_25 : memref<5120x16xf32, #tpu.memory_space<hbm>>) target(%arg6 : memref<5120x16xf32, #tpu.memory_space<vmem>>) target_semaphore(%run_scoped3A : memref<!tpu.dma_semaphore, #tpu.memory_space<semaphore_mem>>)
      %dma_wait3A = arith.constant 0 : i32
      %dma_wait3A_26 = arith.constant 0 : i32
      %dma_wait3A_27 = tpu.memref_slice %arg2[%add3A, %dma_wait3A, %dma_wait3A_26] : memref<32x5120x16xf32, #tpu.memory_space<hbm>> -> memref<1x5120x16xf32, #tpu.memory_space<hbm>>
      %dma_wait3A_28 = tpu.memref_squeeze %dma_wait3A_27 : memref<1x5120x16xf32, #tpu.memory_space<hbm>> -> memref<5120x16xf32, #tpu.memory_space<hbm>>
      %dma_wait3A_29 = arith.constant 0 : i32
      %dma_wait3A_30 = arith.constant 0 : i32
      %dma_wait3A_31 = tpu.memref_slice %arg2[%add3A, %dma_wait3A_29, %dma_wait3A_30] : memref<32x5120x16xf32, #tpu.memory_space<hbm>> -> memref<1x5120x16xf32, #tpu.memory_space<hbm>>
      %dma_wait3A_32 = tpu.memref_squeeze %dma_wait3A_31 : memref<1x5120x16xf32, #tpu.memory_space<hbm>> -> memref<5120x16xf32, #tpu.memory_space<hbm>>
      tpu.wait_dma2 semaphore(%run_scoped3A : memref<!tpu.dma_semaphore, #tpu.memory_space<semaphore_mem>>) src(%dma_wait3A_32 : memref<5120x16xf32, #tpu.memory_space<hbm>>) dst(%arg6 : memref<5120x16xf32, #tpu.memory_space<vmem>>)
      tpu.yield
    }) : () -> ()
    %barrier3A = arith.constant 0 : index
    tpu.barrier barrier_id(%barrier3A)
    %scan3A_8 = arith.constant 0 : i32
    %scan3A_9 = arith.constant 0 : i32
    %scan3A_10 = arith.constant 40 : i32
    %scan3A_11 = arith.addi %scan3A_9, %scan3A_10 : i32
    %scan3A_12 = arith.constant 1 : i32
    scf.for %scan3A_19 = %scan3A_9 to %scan3A_11 step %scan3A_12  : i32 {
      %mul3A_20 = arith.constant 128 : i32
      %mul3A_21 = arith.muli %scan3A_19, %mul3A_20 : i32
      "tpu.region"() ({
        %run_scoped3A = tpu.sem_alloc : memref<!tpu.dma_semaphore, #tpu.memory_space<semaphore_mem>>
        %dma_start3A = arith.constant 0 : i32
        %dma_start3A_22 = tpu.memref_slice %arg6[%mul3A_21, %dma_start3A] : memref<5120x16xf32, #tpu.memory_space<vmem>> -> memref<128x16xf32, #tpu.memory_space<vmem>>
        %dma_start3A_23 = arith.constant 0 : i32
        %dma_start3A_24 = tpu.memref_slice %arg5[%scan3A_19, %dma_start3A_23] : memref<40x128xi32, #tpu.memory_space<vmem>> -> memref<1x128xi32, #tpu.memory_space<vmem>>
        %dma_start3A_25 = tpu.memref_squeeze %dma_start3A_24 : memref<1x128xi32, #tpu.memory_space<vmem>> -> memref<128xi32, #tpu.memory_space<vmem>>
        %dma_start3A_26 = arith.constant 0 : i32
        %dma_start3A_27 = arith.constant 0 : i32
        %dma_start3A_28 = tpu.memref_slice %arg8[%dma_start3A_26, %dma_start3A_27] : memref<10240x16xf32, #tpu.memory_space<vmem_shared>> -> memref<10240x16xf32, #tpu.memory_space<vmem_shared>>
        tpu.enqueue_indirect_dma source(%dma_start3A_22 : memref<128x16xf32, #tpu.memory_space<vmem>>) target(%dma_start3A_28 : memref<10240x16xf32, #tpu.memory_space<vmem_shared>>) offsets(%dma_start3A_25 : memref<128xi32, #tpu.memory_space<vmem>>) semaphore(%run_scoped3A : memref<!tpu.dma_semaphore, #tpu.memory_space<semaphore_mem>>) {add = true}
        %dma_wait3A = arith.constant 0 : i32
        %dma_wait3A_29 = tpu.memref_slice %arg6[%mul3A_21, %dma_wait3A] : memref<5120x16xf32, #tpu.memory_space<vmem>> -> memref<128x16xf32, #tpu.memory_space<vmem>>
        %dma_wait3A_30 = arith.constant 0 : i32
        %dma_wait3A_31 = tpu.memref_slice %arg5[%scan3A_19, %dma_wait3A_30] : memref<40x128xi32, #tpu.memory_space<vmem>> -> memref<1x128xi32, #tpu.memory_space<vmem>>
        %dma_wait3A_32 = tpu.memref_squeeze %dma_wait3A_31 : memref<1x128xi32, #tpu.memory_space<vmem>> -> memref<128xi32, #tpu.memory_space<vmem>>
        %dma_wait3A_33 = arith.constant 0 : i32
        %dma_wait3A_34 = arith.constant 0 : i32
        %dma_wait3A_35 = tpu.memref_slice %arg8[%dma_wait3A_33, %dma_wait3A_34] : memref<10240x16xf32, #tpu.memory_space<vmem_shared>> -> memref<10240x16xf32, #tpu.memory_space<vmem_shared>>
        tpu.wait_indirect_dma semaphore(%run_scoped3A : memref<!tpu.dma_semaphore, #tpu.memory_space<semaphore_mem>>) src(%dma_wait3A_29 : memref<128x16xf32, #tpu.memory_space<vmem>>) dst(%dma_wait3A_35 : memref<10240x16xf32, #tpu.memory_space<vmem_shared>>)
        tpu.yield
      }) : () -> ()
    }
    %scan3A_13 = arith.constant 40 : i32
    %barrier3A_14 = arith.constant 0 : index
    tpu.barrier barrier_id(%barrier3A_14)
    %mul3A_15 = arith.constant 640 : i32
    %mul3A_16 = arith.muli %arg1, %mul3A_15 : i32
    "tpu.region"() ({
      %run_scoped3A = tpu.sem_alloc : memref<!tpu.dma_semaphore, #tpu.memory_space<semaphore_mem>>
      %dma_start3A = arith.constant 0 : i32
      %dma_start3A_19 = tpu.memref_slice %arg8[%mul3A_16, %dma_start3A] : memref<10240x16xf32, #tpu.memory_space<vmem_shared>> -> memref<640x16xf32, #tpu.memory_space<vmem_shared>>
      %dma_start3A_20 = arith.constant 0 : i32
      %dma_start3A_21 = tpu.memref_slice %arg8[%mul3A_16, %dma_start3A_20] : memref<10240x16xf32, #tpu.memory_space<vmem_shared>> -> memref<640x16xf32, #tpu.memory_space<vmem_shared>>
      tpu.enqueue_dma source(%dma_start3A_21 : memref<640x16xf32, #tpu.memory_space<vmem_shared>>) target(%arg7 : memref<640x16xf32, #tpu.memory_space<vmem>>) target_semaphore(%run_scoped3A : memref<!tpu.dma_semaphore, #tpu.memory_space<semaphore_mem>>)
      %dma_wait3A = arith.constant 0 : i32
      %dma_wait3A_22 = tpu.memref_slice %arg8[%mul3A_16, %dma_wait3A] : memref<10240x16xf32, #tpu.memory_space<vmem_shared>> -> memref<640x16xf32, #tpu.memory_space<vmem_shared>>
      %dma_wait3A_23 = arith.constant 0 : i32
      %dma_wait3A_24 = tpu.memref_slice %arg8[%mul3A_16, %dma_wait3A_23] : memref<10240x16xf32, #tpu.memory_space<vmem_shared>> -> memref<640x16xf32, #tpu.memory_space<vmem_shared>>
      tpu.wait_dma2 semaphore(%run_scoped3A : memref<!tpu.dma_semaphore, #tpu.memory_space<semaphore_mem>>) src(%dma_wait3A_24 : memref<640x16xf32, #tpu.memory_space<vmem_shared>>) dst(%arg7 : memref<640x16xf32, #tpu.memory_space<vmem>>)
      tpu.yield
    }) : () -> ()
    %mul3A_17 = arith.constant 640 : i32
    %mul3A_18 = arith.muli %arg1, %mul3A_17 : i32
    "tpu.region"() ({
      %run_scoped3A = tpu.sem_alloc : memref<!tpu.dma_semaphore, #tpu.memory_space<semaphore_mem>>
      %dma_start3A = arith.constant 0 : i32
      %dma_start3A_19 = tpu.memref_slice %arg4[%arg0, %mul3A_18, %dma_start3A] : memref<2x10240x16xf32, #tpu.memory_space<hbm>> -> memref<1x640x16xf32, #tpu.memory_space<hbm>>
      %dma_start3A_20 = tpu.memref_squeeze %dma_start3A_19 : memref<1x640x16xf32, #tpu.memory_space<hbm>> -> memref<640x16xf32, #tpu.memory_space<hbm>>
      %dma_start3A_21 = arith.constant 0 : i32
      %dma_start3A_22 = tpu.memref_slice %arg4[%arg0, %mul3A_18, %dma_start3A_21] : memref<2x10240x16xf32, #tpu.memory_space<hbm>> -> memref<1x640x16xf32, #tpu.memory_space<hbm>>
      %dma_start3A_23 = tpu.memref_squeeze %dma_start3A_22 : memref<1x640x16xf32, #tpu.memory_space<hbm>> -> memref<640x16xf32, #tpu.memory_space<hbm>>
      tpu.enqueue_dma source(%arg7 : memref<640x16xf32, #tpu.memory_space<vmem>>) target(%dma_start3A_23 : memref<640x16xf32, #tpu.memory_space<hbm>>) target_semaphore(%run_scoped3A : memref<!tpu.dma_semaphore, #tpu.memory_space<semaphore_mem>>)
      %dma_wait3A = arith.constant 0 : i32
      %dma_wait3A_24 = tpu.memref_slice %arg4[%arg0, %mul3A_18, %dma_wait3A] : memref<2x10240x16xf32, #tpu.memory_space<hbm>> -> memref<1x640x16xf32, #tpu.memory_space<hbm>>
      %dma_wait3A_25 = tpu.memref_squeeze %dma_wait3A_24 : memref<1x640x16xf32, #tpu.memory_space<hbm>> -> memref<640x16xf32, #tpu.memory_space<hbm>>
      %dma_wait3A_26 = arith.constant 0 : i32
      %dma_wait3A_27 = tpu.memref_slice %arg4[%arg0, %mul3A_18, %dma_wait3A_26] : memref<2x10240x16xf32, #tpu.memory_space<hbm>> -> memref<1x640x16xf32, #tpu.memory_space<hbm>>
      %dma_wait3A_28 = tpu.memref_squeeze %dma_wait3A_27 : memref<1x640x16xf32, #tpu.memory_space<hbm>> -> memref<640x16xf32, #tpu.memory_space<hbm>>
      tpu.wait_dma2 semaphore(%run_scoped3A : memref<!tpu.dma_semaphore, #tpu.memory_space<semaphore_mem>>) src(%arg7 : memref<640x16xf32, #tpu.memory_space<vmem>>) dst(%dma_wait3A_28 : memref<640x16xf32, #tpu.memory_space<hbm>>)
      tpu.yield
    }) : () -> ()
    return
  }
}

#map = affine_map<(d0, d1) -> (0, 0)>
#map1 = affine_map<(d0, d1) -> (0, 0, 0)>
module attributes {stable_mosaic.version = 14 : i64} {
  func.func @_sc_gather(%arg0: i32, %arg1: i32, %arg2: memref<10000x16xf32, #tpu.memory_space<hbm>>, %arg3: memref<32x40x128xi32, #tpu.memory_space<hbm>>, %arg4: memref<32x5120x16xf32, #tpu.memory_space<hbm>>, %arg5: memref<40x128xi32, #tpu.memory_space<vmem>>, %arg6: memref<5120x16xf32, #tpu.memory_space<vmem>>, %arg7: memref<!tpu.dma_semaphore, #tpu.memory_space<semaphore_mem>>) attributes {dimension_semantics = [#tpu.dimension_semantics<core_parallel>, #tpu.dimension_semantics<subcore_parallel>], iteration_bounds = array<i64: 2, 16>, scalar_prefetch = 0 : i64, scratch_operands = 3 : i64, tpu.core_type = #tpu.core_type<sc_vector_subcore>, window_params = [{transform_indices = #map}, {transform_indices = #map1}, {transform_indices = #map1}]} {
    %mul3A = arith.constant 2 : i32
    %mul3A_0 = arith.muli %arg1, %mul3A : i32
    %add3A = arith.addi %mul3A_0, %arg0 : i32
    "tpu.region"() ({
      %run_scoped3A = tpu.sem_alloc : memref<!tpu.dma_semaphore, #tpu.memory_space<semaphore_mem>>
      %dma_start3A = arith.constant 0 : i32
      %dma_start3A_19 = arith.constant 0 : i32
      %dma_start3A_20 = tpu.memref_slice %arg3[%add3A, %dma_start3A, %dma_start3A_19] : memref<32x40x128xi32, #tpu.memory_space<hbm>> -> memref<1x40x128xi32, #tpu.memory_space<hbm>>
      %dma_start3A_21 = tpu.memref_squeeze %dma_start3A_20 : memref<1x40x128xi32, #tpu.memory_space<hbm>> -> memref<40x128xi32, #tpu.memory_space<hbm>>
      %dma_start3A_22 = arith.constant 0 : i32
      %dma_start3A_23 = arith.constant 0 : i32
      %dma_start3A_24 = tpu.memref_slice %arg3[%add3A, %dma_start3A_22, %dma_start3A_23] : memref<32x40x128xi32, #tpu.memory_space<hbm>> -> memref<1x40x128xi32, #tpu.memory_space<hbm>>
      %dma_start3A_25 = tpu.memref_squeeze %dma_start3A_24 : memref<1x40x128xi32, #tpu.memory_space<hbm>> -> memref<40x128xi32, #tpu.memory_space<hbm>>
      tpu.enqueue_dma source(%dma_start3A_25 : memref<40x128xi32, #tpu.memory_space<hbm>>) target(%arg5 : memref<40x128xi32, #tpu.memory_space<vmem>>) target_semaphore(%run_scoped3A : memref<!tpu.dma_semaphore, #tpu.memory_space<semaphore_mem>>)
      %dma_wait3A_26 = arith.constant 0 : i32
      %dma_wait3A_27 = arith.constant 0 : i32
      %dma_wait3A_28 = tpu.memref_slice %arg3[%add3A, %dma_wait3A_26, %dma_wait3A_27] : memref<32x40x128xi32, #tpu.memory_space<hbm>> -> memref<1x40x128xi32, #tpu.memory_space<hbm>>
      %dma_wait3A_29 = tpu.memref_squeeze %dma_wait3A_28 : memref<1x40x128xi32, #tpu.memory_space<hbm>> -> memref<40x128xi32, #tpu.memory_space<hbm>>
      %dma_wait3A_30 = arith.constant 0 : i32
      %dma_wait3A_31 = arith.constant 0 : i32
      %dma_wait3A_32 = tpu.memref_slice %arg3[%add3A, %dma_wait3A_30, %dma_wait3A_31] : memref<32x40x128xi32, #tpu.memory_space<hbm>> -> memref<1x40x128xi32, #tpu.memory_space<hbm>>
      %dma_wait3A_33 = tpu.memref_squeeze %dma_wait3A_32 : memref<1x40x128xi32, #tpu.memory_space<hbm>> -> memref<40x128xi32, #tpu.memory_space<hbm>>
      tpu.wait_dma2 semaphore(%run_scoped3A : memref<!tpu.dma_semaphore, #tpu.memory_space<semaphore_mem>>) src(%dma_wait3A_33 : memref<40x128xi32, #tpu.memory_space<hbm>>) dst(%arg5 : memref<40x128xi32, #tpu.memory_space<vmem>>)
      tpu.yield
    }) : () -> ()
    %scan3A = arith.constant 0 : i32
    %scan3A_1 = arith.constant 0 : i32
    %scan3A_2 = arith.constant 5 : i32
    %scan3A_3 = arith.addi %scan3A_1, %scan3A_2 : i32
    %scan3A_4 = arith.constant 1 : i32
    scf.for %scan3A_19 = %scan3A_1 to %scan3A_3 step %scan3A_4  : i32 {
      %mul3A_20 = arith.constant 8 : i32
      %mul3A_21 = arith.muli %scan3A_19, %mul3A_20 : i32
      %add3A_22 = arith.constant 0 : i32
      %add3A_23 = arith.addi %mul3A_21, %add3A_22 : i32
      %mul3A_24 = arith.constant 8 : i32
      %mul3A_25 = arith.muli %scan3A_19, %mul3A_24 : i32
      %add3A_26 = arith.constant 0 : i32
      %add3A_27 = arith.addi %mul3A_25, %add3A_26 : i32
      %mul3A_28 = arith.constant 128 : i32
      %mul3A_29 = arith.muli %add3A_27, %mul3A_28 : i32
      %dma_start3A = arith.constant 0 : i32
      %dma_start3A_30 = tpu.memref_slice %arg6[%mul3A_29, %dma_start3A] : memref<5120x16xf32, #tpu.memory_space<vmem>> -> memref<128x16xf32, #tpu.memory_space<vmem>>
      %dma_start3A_31 = arith.constant 0 : i32
      %dma_start3A_32 = tpu.memref_slice %arg5[%add3A_23, %dma_start3A_31] : memref<40x128xi32, #tpu.memory_space<vmem>> -> memref<1x128xi32, #tpu.memory_space<vmem>>
      %dma_start3A_33 = tpu.memref_squeeze %dma_start3A_32 : memref<1x128xi32, #tpu.memory_space<vmem>> -> memref<128xi32, #tpu.memory_space<vmem>>
      %dma_start3A_34 = arith.constant 0 : i32
      %dma_start3A_35 = arith.constant 0 : i32
      %dma_start3A_36 = tpu.memref_slice %arg2[%dma_start3A_34, %dma_start3A_35] : memref<10000x16xf32, #tpu.memory_space<hbm>> -> memref<10000x16xf32, #tpu.memory_space<hbm>>
      tpu.enqueue_indirect_dma source(%dma_start3A_36 : memref<10000x16xf32, #tpu.memory_space<hbm>>) target(%dma_start3A_30 : memref<128x16xf32, #tpu.memory_space<vmem>>) offsets(%dma_start3A_33 : memref<128xi32, #tpu.memory_space<vmem>>) semaphore(%arg7 : memref<!tpu.dma_semaphore, #tpu.memory_space<semaphore_mem>>)
      %mul3A_37 = arith.constant 8 : i32
      %mul3A_38 = arith.muli %scan3A_19, %mul3A_37 : i32
      %add3A_39 = arith.constant 1 : i32
      %add3A_40 = arith.addi %mul3A_38, %add3A_39 : i32
      %mul3A_41 = arith.constant 8 : i32
      %mul3A_42 = arith.muli %scan3A_19, %mul3A_41 : i32
      %add3A_43 = arith.constant 1 : i32
      %add3A_44 = arith.addi %mul3A_42, %add3A_43 : i32
      %mul3A_45 = arith.constant 128 : i32
      %mul3A_46 = arith.muli %add3A_44, %mul3A_45 : i32
      %dma_start3A_47 = arith.constant 0 : i32
      %dma_start3A_48 = tpu.memref_slice %arg6[%mul3A_46, %dma_start3A_47] : memref<5120x16xf32, #tpu.memory_space<vmem>> -> memref<128x16xf32, #tpu.memory_space<vmem>>
      %dma_start3A_49 = arith.constant 0 : i32
      %dma_start3A_50 = tpu.memref_slice %arg5[%add3A_40, %dma_start3A_49] : memref<40x128xi32, #tpu.memory_space<vmem>> -> memref<1x128xi32, #tpu.memory_space<vmem>>
      %dma_start3A_51 = tpu.memref_squeeze %dma_start3A_50 : memref<1x128xi32, #tpu.memory_space<vmem>> -> memref<128xi32, #tpu.memory_space<vmem>>
      %dma_start3A_52 = arith.constant 0 : i32
      %dma_start3A_53 = arith.constant 0 : i32
      %dma_start3A_54 = tpu.memref_slice %arg2[%dma_start3A_52, %dma_start3A_53] : memref<10000x16xf32, #tpu.memory_space<hbm>> -> memref<10000x16xf32, #tpu.memory_space<hbm>>
      tpu.enqueue_indirect_dma source(%dma_start3A_54 : memref<10000x16xf32, #tpu.memory_space<hbm>>) target(%dma_start3A_48 : memref<128x16xf32, #tpu.memory_space<vmem>>) offsets(%dma_start3A_51 : memref<128xi32, #tpu.memory_space<vmem>>) semaphore(%arg7 : memref<!tpu.dma_semaphore, #tpu.memory_space<semaphore_mem>>)
      %mul3A_55 = arith.constant 8 : i32
      %mul3A_56 = arith.muli %scan3A_19, %mul3A_55 : i32
      %add3A_57 = arith.constant 2 : i32
      %add3A_58 = arith.addi %mul3A_56, %add3A_57 : i32
      %mul3A_59 = arith.constant 8 : i32
      %mul3A_60 = arith.muli %scan3A_19, %mul3A_59 : i32
      %add3A_61 = arith.constant 2 : i32
      %add3A_62 = arith.addi %mul3A_60, %add3A_61 : i32
      %mul3A_63 = arith.constant 128 : i32
      %mul3A_64 = arith.muli %add3A_62, %mul3A_63 : i32
      %dma_start3A_65 = arith.constant 0 : i32
      %dma_start3A_66 = tpu.memref_slice %arg6[%mul3A_64, %dma_start3A_65] : memref<5120x16xf32, #tpu.memory_space<vmem>> -> memref<128x16xf32, #tpu.memory_space<vmem>>
      %dma_start3A_67 = arith.constant 0 : i32
      %dma_start3A_68 = tpu.memref_slice %arg5[%add3A_58, %dma_start3A_67] : memref<40x128xi32, #tpu.memory_space<vmem>> -> memref<1x128xi32, #tpu.memory_space<vmem>>
      %dma_start3A_69 = tpu.memref_squeeze %dma_start3A_68 : memref<1x128xi32, #tpu.memory_space<vmem>> -> memref<128xi32, #tpu.memory_space<vmem>>
      %dma_start3A_70 = arith.constant 0 : i32
      %dma_start3A_71 = arith.constant 0 : i32
      %dma_start3A_72 = tpu.memref_slice %arg2[%dma_start3A_70, %dma_start3A_71] : memref<10000x16xf32, #tpu.memory_space<hbm>> -> memref<10000x16xf32, #tpu.memory_space<hbm>>
      tpu.enqueue_indirect_dma source(%dma_start3A_72 : memref<10000x16xf32, #tpu.memory_space<hbm>>) target(%dma_start3A_66 : memref<128x16xf32, #tpu.memory_space<vmem>>) offsets(%dma_start3A_69 : memref<128xi32, #tpu.memory_space<vmem>>) semaphore(%arg7 : memref<!tpu.dma_semaphore, #tpu.memory_space<semaphore_mem>>)
      %mul3A_73 = arith.constant 8 : i32
      %mul3A_74 = arith.muli %scan3A_19, %mul3A_73 : i32
      %add3A_75 = arith.constant 3 : i32
      %add3A_76 = arith.addi %mul3A_74, %add3A_75 : i32
      %mul3A_77 = arith.constant 8 : i32
      %mul3A_78 = arith.muli %scan3A_19, %mul3A_77 : i32
      %add3A_79 = arith.constant 3 : i32
      %add3A_80 = arith.addi %mul3A_78, %add3A_79 : i32
      %mul3A_81 = arith.constant 128 : i32
      %mul3A_82 = arith.muli %add3A_80, %mul3A_81 : i32
      %dma_start3A_83 = arith.constant 0 : i32
      %dma_start3A_84 = tpu.memref_slice %arg6[%mul3A_82, %dma_start3A_83] : memref<5120x16xf32, #tpu.memory_space<vmem>> -> memref<128x16xf32, #tpu.memory_space<vmem>>
      %dma_start3A_85 = arith.constant 0 : i32
      %dma_start3A_86 = tpu.memref_slice %arg5[%add3A_76, %dma_start3A_85] : memref<40x128xi32, #tpu.memory_space<vmem>> -> memref<1x128xi32, #tpu.memory_space<vmem>>
      %dma_start3A_87 = tpu.memref_squeeze %dma_start3A_86 : memref<1x128xi32, #tpu.memory_space<vmem>> -> memref<128xi32, #tpu.memory_space<vmem>>
      %dma_start3A_88 = arith.constant 0 : i32
      %dma_start3A_89 = arith.constant 0 : i32
      %dma_start3A_90 = tpu.memref_slice %arg2[%dma_start3A_88, %dma_start3A_89] : memref<10000x16xf32, #tpu.memory_space<hbm>> -> memref<10000x16xf32, #tpu.memory_space<hbm>>
      tpu.enqueue_indirect_dma source(%dma_start3A_90 : memref<10000x16xf32, #tpu.memory_space<hbm>>) target(%dma_start3A_84 : memref<128x16xf32, #tpu.memory_space<vmem>>) offsets(%dma_start3A_87 : memref<128xi32, #tpu.memory_space<vmem>>) semaphore(%arg7 : memref<!tpu.dma_semaphore, #tpu.memory_space<semaphore_mem>>)
      %mul3A_91 = arith.constant 8 : i32
      %mul3A_92 = arith.muli %scan3A_19, %mul3A_91 : i32
      %add3A_93 = arith.constant 4 : i32
      %add3A_94 = arith.addi %mul3A_92, %add3A_93 : i32
      %mul3A_95 = arith.constant 8 : i32
      %mul3A_96 = arith.muli %scan3A_19, %mul3A_95 : i32
      %add3A_97 = arith.constant 4 : i32
      %add3A_98 = arith.addi %mul3A_96, %add3A_97 : i32
      %mul3A_99 = arith.constant 128 : i32
      %mul3A_100 = arith.muli %add3A_98, %mul3A_99 : i32
      %dma_start3A_101 = arith.constant 0 : i32
      %dma_start3A_102 = tpu.memref_slice %arg6[%mul3A_100, %dma_start3A_101] : memref<5120x16xf32, #tpu.memory_space<vmem>> -> memref<128x16xf32, #tpu.memory_space<vmem>>
      %dma_start3A_103 = arith.constant 0 : i32
      %dma_start3A_104 = tpu.memref_slice %arg5[%add3A_94, %dma_start3A_103] : memref<40x128xi32, #tpu.memory_space<vmem>> -> memref<1x128xi32, #tpu.memory_space<vmem>>
      %dma_start3A_105 = tpu.memref_squeeze %dma_start3A_104 : memref<1x128xi32, #tpu.memory_space<vmem>> -> memref<128xi32, #tpu.memory_space<vmem>>
      %dma_start3A_106 = arith.constant 0 : i32
      %dma_start3A_107 = arith.constant 0 : i32
      %dma_start3A_108 = tpu.memref_slice %arg2[%dma_start3A_106, %dma_start3A_107] : memref<10000x16xf32, #tpu.memory_space<hbm>> -> memref<10000x16xf32, #tpu.memory_space<hbm>>
      tpu.enqueue_indirect_dma source(%dma_start3A_108 : memref<10000x16xf32, #tpu.memory_space<hbm>>) target(%dma_start3A_102 : memref<128x16xf32, #tpu.memory_space<vmem>>) offsets(%dma_start3A_105 : memref<128xi32, #tpu.memory_space<vmem>>) semaphore(%arg7 : memref<!tpu.dma_semaphore, #tpu.memory_space<semaphore_mem>>)
      %mul3A_109 = arith.constant 8 : i32
      %mul3A_110 = arith.muli %scan3A_19, %mul3A_109 : i32
      %add3A_111 = arith.constant 5 : i32
      %add3A_112 = arith.addi %mul3A_110, %add3A_111 : i32
      %mul3A_113 = arith.constant 8 : i32
      %mul3A_114 = arith.muli %scan3A_19, %mul3A_113 : i32
      %add3A_115 = arith.constant 5 : i32
      %add3A_116 = arith.addi %mul3A_114, %add3A_115 : i32
      %mul3A_117 = arith.constant 128 : i32
      %mul3A_118 = arith.muli %add3A_116, %mul3A_117 : i32
      %dma_start3A_119 = arith.constant 0 : i32
      %dma_start3A_120 = tpu.memref_slice %arg6[%mul3A_118, %dma_start3A_119] : memref<5120x16xf32, #tpu.memory_space<vmem>> -> memref<128x16xf32, #tpu.memory_space<vmem>>
      %dma_start3A_121 = arith.constant 0 : i32
      %dma_start3A_122 = tpu.memref_slice %arg5[%add3A_112, %dma_start3A_121] : memref<40x128xi32, #tpu.memory_space<vmem>> -> memref<1x128xi32, #tpu.memory_space<vmem>>
      %dma_start3A_123 = tpu.memref_squeeze %dma_start3A_122 : memref<1x128xi32, #tpu.memory_space<vmem>> -> memref<128xi32, #tpu.memory_space<vmem>>
      %dma_start3A_124 = arith.constant 0 : i32
      %dma_start3A_125 = arith.constant 0 : i32
      %dma_start3A_126 = tpu.memref_slice %arg2[%dma_start3A_124, %dma_start3A_125] : memref<10000x16xf32, #tpu.memory_space<hbm>> -> memref<10000x16xf32, #tpu.memory_space<hbm>>
      tpu.enqueue_indirect_dma source(%dma_start3A_126 : memref<10000x16xf32, #tpu.memory_space<hbm>>) target(%dma_start3A_120 : memref<128x16xf32, #tpu.memory_space<vmem>>) offsets(%dma_start3A_123 : memref<128xi32, #tpu.memory_space<vmem>>) semaphore(%arg7 : memref<!tpu.dma_semaphore, #tpu.memory_space<semaphore_mem>>)
      %mul3A_127 = arith.constant 8 : i32
      %mul3A_128 = arith.muli %scan3A_19, %mul3A_127 : i32
      %add3A_129 = arith.constant 6 : i32
      %add3A_130 = arith.addi %mul3A_128, %add3A_129 : i32
      %mul3A_131 = arith.constant 8 : i32
      %mul3A_132 = arith.muli %scan3A_19, %mul3A_131 : i32
      %add3A_133 = arith.constant 6 : i32
      %add3A_134 = arith.addi %mul3A_132, %add3A_133 : i32
      %mul3A_135 = arith.constant 128 : i32
      %mul3A_136 = arith.muli %add3A_134, %mul3A_135 : i32
      %dma_start3A_137 = arith.constant 0 : i32
      %dma_start3A_138 = tpu.memref_slice %arg6[%mul3A_136, %dma_start3A_137] : memref<5120x16xf32, #tpu.memory_space<vmem>> -> memref<128x16xf32, #tpu.memory_space<vmem>>
      %dma_start3A_139 = arith.constant 0 : i32
      %dma_start3A_140 = tpu.memref_slice %arg5[%add3A_130, %dma_start3A_139] : memref<40x128xi32, #tpu.memory_space<vmem>> -> memref<1x128xi32, #tpu.memory_space<vmem>>
      %dma_start3A_141 = tpu.memref_squeeze %dma_start3A_140 : memref<1x128xi32, #tpu.memory_space<vmem>> -> memref<128xi32, #tpu.memory_space<vmem>>
      %dma_start3A_142 = arith.constant 0 : i32
      %dma_start3A_143 = arith.constant 0 : i32
      %dma_start3A_144 = tpu.memref_slice %arg2[%dma_start3A_142, %dma_start3A_143] : memref<10000x16xf32, #tpu.memory_space<hbm>> -> memref<10000x16xf32, #tpu.memory_space<hbm>>
      tpu.enqueue_indirect_dma source(%dma_start3A_144 : memref<10000x16xf32, #tpu.memory_space<hbm>>) target(%dma_start3A_138 : memref<128x16xf32, #tpu.memory_space<vmem>>) offsets(%dma_start3A_141 : memref<128xi32, #tpu.memory_space<vmem>>) semaphore(%arg7 : memref<!tpu.dma_semaphore, #tpu.memory_space<semaphore_mem>>)
      %mul3A_145 = arith.constant 8 : i32
      %mul3A_146 = arith.muli %scan3A_19, %mul3A_145 : i32
      %add3A_147 = arith.constant 7 : i32
      %add3A_148 = arith.addi %mul3A_146, %add3A_147 : i32
      %mul3A_149 = arith.constant 8 : i32
      %mul3A_150 = arith.muli %scan3A_19, %mul3A_149 : i32
      %add3A_151 = arith.constant 7 : i32
      %add3A_152 = arith.addi %mul3A_150, %add3A_151 : i32
      %mul3A_153 = arith.constant 128 : i32
      %mul3A_154 = arith.muli %add3A_152, %mul3A_153 : i32
      %dma_start3A_155 = arith.constant 0 : i32
      %dma_start3A_156 = tpu.memref_slice %arg6[%mul3A_154, %dma_start3A_155] : memref<5120x16xf32, #tpu.memory_space<vmem>> -> memref<128x16xf32, #tpu.memory_space<vmem>>
      %dma_start3A_157 = arith.constant 0 : i32
      %dma_start3A_158 = tpu.memref_slice %arg5[%add3A_148, %dma_start3A_157] : memref<40x128xi32, #tpu.memory_space<vmem>> -> memref<1x128xi32, #tpu.memory_space<vmem>>
      %dma_start3A_159 = tpu.memref_squeeze %dma_start3A_158 : memref<1x128xi32, #tpu.memory_space<vmem>> -> memref<128xi32, #tpu.memory_space<vmem>>
      %dma_start3A_160 = arith.constant 0 : i32
      %dma_start3A_161 = arith.constant 0 : i32
      %dma_start3A_162 = tpu.memref_slice %arg2[%dma_start3A_160, %dma_start3A_161] : memref<10000x16xf32, #tpu.memory_space<hbm>> -> memref<10000x16xf32, #tpu.memory_space<hbm>>
      tpu.enqueue_indirect_dma source(%dma_start3A_162 : memref<10000x16xf32, #tpu.memory_space<hbm>>) target(%dma_start3A_156 : memref<128x16xf32, #tpu.memory_space<vmem>>) offsets(%dma_start3A_159 : memref<128xi32, #tpu.memory_space<vmem>>) semaphore(%arg7 : memref<!tpu.dma_semaphore, #tpu.memory_space<semaphore_mem>>)
      %gt3A = arith.constant 0 : i32
      %gt3A_163 = arith.cmpi sgt, %scan3A_19, %gt3A : i32
      %convert_element_type3A = arith.extui %gt3A_163 : i1 to i32
      %cond3A = arith.constant 0 : i32
      %cond3A_164 = arith.cmpi ne, %convert_element_type3A, %cond3A : i32
      scf.if %cond3A_164 {
        %dma_wait3A_165 = arith.constant 0 : i32
        %dma_wait3A_166 = arith.constant 0 : i32
        %dma_wait3A_167 = tpu.memref_slice %arg6[%dma_wait3A_165, %dma_wait3A_166] : memref<5120x16xf32, #tpu.memory_space<vmem>> -> memref<1024x16xf32, #tpu.memory_space<vmem>>
        %dma_wait3A_168 = arith.constant 0 : i32
        %dma_wait3A_169 = arith.constant 0 : i32
        %dma_wait3A_170 = tpu.memref_slice %arg4[%add3A, %dma_wait3A_168, %dma_wait3A_169] : memref<32x5120x16xf32, #tpu.memory_space<hbm>> -> memref<1x1024x16xf32, #tpu.memory_space<hbm>>
        %dma_wait3A_171 = tpu.memref_squeeze %dma_wait3A_170 : memref<1x1024x16xf32, #tpu.memory_space<hbm>> -> memref<1024x16xf32, #tpu.memory_space<hbm>>
        %dma_wait3A_172 = arith.constant 0 : i32
        %dma_wait3A_173 = arith.constant 0 : i32
        %dma_wait3A_174 = tpu.memref_slice %arg6[%dma_wait3A_172, %dma_wait3A_173] : memref<5120x16xf32, #tpu.memory_space<vmem>> -> memref<1024x16xf32, #tpu.memory_space<vmem>>
        %dma_wait3A_175 = arith.constant 0 : i32
        %dma_wait3A_176 = arith.constant 0 : i32
        %dma_wait3A_177 = tpu.memref_slice %arg4[%add3A, %dma_wait3A_175, %dma_wait3A_176] : memref<32x5120x16xf32, #tpu.memory_space<hbm>> -> memref<1x1024x16xf32, #tpu.memory_space<hbm>>
        %dma_wait3A_178 = tpu.memref_squeeze %dma_wait3A_177 : memref<1x1024x16xf32, #tpu.memory_space<hbm>> -> memref<1024x16xf32, #tpu.memory_space<hbm>>
        tpu.wait_dma2 semaphore(%arg7 : memref<!tpu.dma_semaphore, #tpu.memory_space<semaphore_mem>>) src(%dma_wait3A_178 : memref<1024x16xf32, #tpu.memory_space<hbm>>) dst(%dma_wait3A_174 : memref<1024x16xf32, #tpu.memory_space<vmem>>)
      } else {
      }
    }
    %scan3A_5 = arith.constant 5 : i32
    %dma_wait3A = arith.constant 0 : i32
    %dma_wait3A_6 = arith.constant 0 : i32
    %dma_wait3A_7 = tpu.memref_slice %arg6[%dma_wait3A, %dma_wait3A_6] : memref<5120x16xf32, #tpu.memory_space<vmem>> -> memref<1024x16xf32, #tpu.memory_space<vmem>>
    %dma_wait3A_8 = arith.constant 0 : i32
    %dma_wait3A_9 = arith.constant 0 : i32
    %dma_wait3A_10 = tpu.memref_slice %arg4[%add3A, %dma_wait3A_8, %dma_wait3A_9] : memref<32x5120x16xf32, #tpu.memory_space<hbm>> -> memref<1x1024x16xf32, #tpu.memory_space<hbm>>
    %dma_wait3A_11 = tpu.memref_squeeze %dma_wait3A_10 : memref<1x1024x16xf32, #tpu.memory_space<hbm>> -> memref<1024x16xf32, #tpu.memory_space<hbm>>
    %dma_wait3A_12 = arith.constant 0 : i32
    %dma_wait3A_13 = arith.constant 0 : i32
    %dma_wait3A_14 = tpu.memref_slice %arg6[%dma_wait3A_12, %dma_wait3A_13] : memref<5120x16xf32, #tpu.memory_space<vmem>> -> memref<1024x16xf32, #tpu.memory_space<vmem>>
    %dma_wait3A_15 = arith.constant 0 : i32
    %dma_wait3A_16 = arith.constant 0 : i32
    %dma_wait3A_17 = tpu.memref_slice %arg4[%add3A, %dma_wait3A_15, %dma_wait3A_16] : memref<32x5120x16xf32, #tpu.memory_space<hbm>> -> memref<1x1024x16xf32, #tpu.memory_space<hbm>>
    %dma_wait3A_18 = tpu.memref_squeeze %dma_wait3A_17 : memref<1x1024x16xf32, #tpu.memory_space<hbm>> -> memref<1024x16xf32, #tpu.memory_space<hbm>>
    tpu.wait_dma2 semaphore(%arg7 : memref<!tpu.dma_semaphore, #tpu.memory_space<semaphore_mem>>) src(%dma_wait3A_18 : memref<1024x16xf32, #tpu.memory_space<hbm>>) dst(%dma_wait3A_14 : memref<1024x16xf32, #tpu.memory_space<vmem>>)
    "tpu.region"() ({
      %run_scoped3A = tpu.sem_alloc : memref<!tpu.dma_semaphore, #tpu.memory_space<semaphore_mem>>
      %dma_start3A = arith.constant 0 : i32
      %dma_start3A_19 = arith.constant 0 : i32
      %dma_start3A_20 = tpu.memref_slice %arg4[%add3A, %dma_start3A, %dma_start3A_19] : memref<32x5120x16xf32, #tpu.memory_space<hbm>> -> memref<1x5120x16xf32, #tpu.memory_space<hbm>>
      %dma_start3A_21 = tpu.memref_squeeze %dma_start3A_20 : memref<1x5120x16xf32, #tpu.memory_space<hbm>> -> memref<5120x16xf32, #tpu.memory_space<hbm>>
      %dma_start3A_22 = arith.constant 0 : i32
      %dma_start3A_23 = arith.constant 0 : i32
      %dma_start3A_24 = tpu.memref_slice %arg4[%add3A, %dma_start3A_22, %dma_start3A_23] : memref<32x5120x16xf32, #tpu.memory_space<hbm>> -> memref<1x5120x16xf32, #tpu.memory_space<hbm>>
      %dma_start3A_25 = tpu.memref_squeeze %dma_start3A_24 : memref<1x5120x16xf32, #tpu.memory_space<hbm>> -> memref<5120x16xf32, #tpu.memory_space<hbm>>
      tpu.enqueue_dma source(%arg6 : memref<5120x16xf32, #tpu.memory_space<vmem>>) target(%dma_start3A_25 : memref<5120x16xf32, #tpu.memory_space<hbm>>) target_semaphore(%run_scoped3A : memref<!tpu.dma_semaphore, #tpu.memory_space<semaphore_mem>>)
      %dma_wait3A_26 = arith.constant 0 : i32
      %dma_wait3A_27 = arith.constant 0 : i32
      %dma_wait3A_28 = tpu.memref_slice %arg4[%add3A, %dma_wait3A_26, %dma_wait3A_27] : memref<32x5120x16xf32, #tpu.memory_space<hbm>> -> memref<1x5120x16xf32, #tpu.memory_space<hbm>>
      %dma_wait3A_29 = tpu.memref_squeeze %dma_wait3A_28 : memref<1x5120x16xf32, #tpu.memory_space<hbm>> -> memref<5120x16xf32, #tpu.memory_space<hbm>>
      %dma_wait3A_30 = arith.constant 0 : i32
      %dma_wait3A_31 = arith.constant 0 : i32
      %dma_wait3A_32 = tpu.memref_slice %arg4[%add3A, %dma_wait3A_30, %dma_wait3A_31] : memref<32x5120x16xf32, #tpu.memory_space<hbm>> -> memref<1x5120x16xf32, #tpu.memory_space<hbm>>
      %dma_wait3A_33 = tpu.memref_squeeze %dma_wait3A_32 : memref<1x5120x16xf32, #tpu.memory_space<hbm>> -> memref<5120x16xf32, #tpu.memory_space<hbm>>
      tpu.wait_dma2 semaphore(%run_scoped3A : memref<!tpu.dma_semaphore, #tpu.memory_space<semaphore_mem>>) src(%arg6 : memref<5120x16xf32, #tpu.memory_space<vmem>>) dst(%dma_wait3A_33 : memref<5120x16xf32, #tpu.memory_space<hbm>>)
      tpu.yield
    }) : () -> ()
    return
  }
}

#map = affine_map<(d0, d1) -> (0, 0, 0)>
module attributes {stable_mosaic.version = 14 : i64} {
  func.func @_sc_counts(%arg0: i32, %arg1: i32, %arg2: memref<32x40x128xi32, #tpu.memory_space<hbm>>, %arg3: memref<2x10240x16xf32, #tpu.memory_space<hbm>>, %arg4: memref<40x128xi32, #tpu.memory_space<vmem>>, %arg5: memref<128x16xf32, #tpu.memory_space<vmem>>, %arg6: memref<640x16xf32, #tpu.memory_space<vmem>>, %arg7: memref<10240x16xf32, #tpu.memory_space<vmem_shared>>) attributes {dimension_semantics = [#tpu.dimension_semantics<core_parallel>, #tpu.dimension_semantics<subcore_parallel>], iteration_bounds = array<i64: 2, 16>, scalar_prefetch = 0 : i64, scratch_operands = 4 : i64, tpu.core_type = #tpu.core_type<sc_vector_subcore>, window_params = [{transform_indices = #map}, {transform_indices = #map}]} {
    %mul3A = arith.constant 2 : i32
    %mul3A_0 = arith.muli %arg1, %mul3A : i32
    %add3A = arith.addi %mul3A_0, %arg0 : i32
    %scan3A = arith.constant 0 : i32
    %scan3A_1 = arith.constant 0 : i32
    %scan3A_2 = arith.constant 640 : i32
    %scan3A_3 = arith.addi %scan3A_1, %scan3A_2 : i32
    %scan3A_4 = arith.constant 1 : i32
    scf.for %scan3A_25 = %scan3A_1 to %scan3A_3 step %scan3A_4  : i32 {
      %broadcast_in_dim3A = arith.constant 0.000000e+00 : f32
      %broadcast_in_dim3A_26 = vector.broadcast %broadcast_in_dim3A : f32 to vector<16xf32>
      %swap3A = arith.index_cast %scan3A_25 : i32 to index
      %swap3A_27 = arith.constant 0 : index
      %swap3A_28 = tpu.vector_load %arg6[%swap3A, %swap3A_27] {strides = array<i32>} : memref<640x16xf32, #tpu.memory_space<vmem>>, vector<1x16xf32>,
      %swap3A_29 = vector.shape_cast %swap3A_28 : vector<1x16xf32> to vector<16xf32>
      %swap3A_30 = vector.shape_cast %broadcast_in_dim3A_26 : vector<16xf32> to vector<1x16xf32>
      tpu.vector_store %arg6[%swap3A, %swap3A_27], %swap3A_30 {strides = array<i32>} : memref<640x16xf32, #tpu.memory_space<vmem>>, vector<1x16xf32>,
    }
    %scan3A_5 = arith.constant 640 : i32
    %scan3A_6 = arith.constant 0 : i32
    %scan3A_7 = arith.constant 0 : i32
    %scan3A_8 = arith.constant 128 : i32
    %scan3A_9 = arith.addi %scan3A_7, %scan3A_8 : i32
    %scan3A_10 = arith.constant 1 : i32
    scf.for %scan3A_25 = %scan3A_7 to %scan3A_9 step %scan3A_10  : i32 {
      %broadcast_in_dim3A = arith.constant 1.000000e+00 : f32
      %broadcast_in_dim3A_26 = vector.broadcast %broadcast_in_dim3A : f32 to vector<16xf32>
      %swap3A = arith.index_cast %scan3A_25 : i32 to index
      %swap3A_27 = arith.constant 0 : index
      %swap3A_28 = tpu.vector_load %arg5[%swap3A, %swap3A_27] {strides = array<i32>} : memref<128x16xf32, #tpu.memory_space<vmem>>, vector<1x16xf32>,
      %swap3A_29 = vector.shape_cast %swap3A_28 : vector<1x16xf32> to vector<16xf32>
      %swap3A_30 = vector.shape_cast %broadcast_in_dim3A_26 : vector<16xf32> to vector<1x16xf32>
      tpu.vector_store %arg5[%swap3A, %swap3A_27], %swap3A_30 {strides = array<i32>} : memref<128x16xf32, #tpu.memory_space<vmem>>, vector<1x16xf32>,
    }
    %scan3A_11 = arith.constant 128 : i32
    %mul3A_12 = arith.constant 640 : i32
    %mul3A_13 = arith.muli %arg1, %mul3A_12 : i32
    "tpu.region"() ({
      %run_scoped3A = tpu.sem_alloc : memref<!tpu.dma_semaphore, #tpu.memory_space<semaphore_mem>>
      %dma_start3A = arith.constant 0 : i32
      %dma_start3A_25 = tpu.memref_slice %arg7[%mul3A_13, %dma_start3A] : memref<10240x16xf32, #tpu.memory_space<vmem_shared>> -> memref<640x16xf32, #tpu.memory_space<vmem_shared>>
      %dma_start3A_26 = arith.constant 0 : i32
      %dma_start3A_27 = tpu.memref_slice %arg7[%mul3A_13, %dma_start3A_26] : memref<10240x16xf32, #tpu.memory_space<vmem_shared>> -> memref<640x16xf32, #tpu.memory_space<vmem_shared>>
      tpu.enqueue_dma source(%arg6 : memref<640x16xf32, #tpu.memory_space<vmem>>) target(%dma_start3A_27 : memref<640x16xf32, #tpu.memory_space<vmem_shared>>) target_semaphore(%run_scoped3A : memref<!tpu.dma_semaphore, #tpu.memory_space<semaphore_mem>>)
      %dma_wait3A = arith.constant 0 : i32
      %dma_wait3A_28 = tpu.memref_slice %arg7[%mul3A_13, %dma_wait3A] : memref<10240x16xf32, #tpu.memory_space<vmem_shared>> -> memref<640x16xf32, #tpu.memory_space<vmem_shared>>
      %dma_wait3A_29 = arith.constant 0 : i32
      %dma_wait3A_30 = tpu.memref_slice %arg7[%mul3A_13, %dma_wait3A_29] : memref<10240x16xf32, #tpu.memory_space<vmem_shared>> -> memref<640x16xf32, #tpu.memory_space<vmem_shared>>
      tpu.wait_dma2 semaphore(%run_scoped3A : memref<!tpu.dma_semaphore, #tpu.memory_space<semaphore_mem>>) src(%arg6 : memref<640x16xf32, #tpu.memory_space<vmem>>) dst(%dma_wait3A_30 : memref<640x16xf32, #tpu.memory_space<vmem_shared>>)
      tpu.yield
    }) : () -> ()
    "tpu.region"() ({
      %run_scoped3A = tpu.sem_alloc : memref<!tpu.dma_semaphore, #tpu.memory_space<semaphore_mem>>
      %dma_start3A = arith.constant 0 : i32
      %dma_start3A_25 = arith.constant 0 : i32
      %dma_start3A_26 = tpu.memref_slice %arg2[%add3A, %dma_start3A, %dma_start3A_25] : memref<32x40x128xi32, #tpu.memory_space<hbm>> -> memref<1x40x128xi32, #tpu.memory_space<hbm>>
      %dma_start3A_27 = tpu.memref_squeeze %dma_start3A_26 : memref<1x40x128xi32, #tpu.memory_space<hbm>> -> memref<40x128xi32, #tpu.memory_space<hbm>>
      %dma_start3A_28 = arith.constant 0 : i32
      %dma_start3A_29 = arith.constant 0 : i32
      %dma_start3A_30 = tpu.memref_slice %arg2[%add3A, %dma_start3A_28, %dma_start3A_29] : memref<32x40x128xi32, #tpu.memory_space<hbm>> -> memref<1x40x128xi32, #tpu.memory_space<hbm>>
      %dma_start3A_31 = tpu.memref_squeeze %dma_start3A_30 : memref<1x40x128xi32, #tpu.memory_space<hbm>> -> memref<40x128xi32, #tpu.memory_space<hbm>>
      tpu.enqueue_dma source(%dma_start3A_31 : memref<40x128xi32, #tpu.memory_space<hbm>>) target(%arg4 : memref<40x128xi32, #tpu.memory_space<vmem>>) target_semaphore(%run_scoped3A : memref<!tpu.dma_semaphore, #tpu.memory_space<semaphore_mem>>)
      %dma_wait3A = arith.constant 0 : i32
      %dma_wait3A_32 = arith.constant 0 : i32
      %dma_wait3A_33 = tpu.memref_slice %arg2[%add3A, %dma_wait3A, %dma_wait3A_32] : memref<32x40x128xi32, #tpu.memory_space<hbm>> -> memref<1x40x128xi32, #tpu.memory_space<hbm>>
      %dma_wait3A_34 = tpu.memref_squeeze %dma_wait3A_33 : memref<1x40x128xi32, #tpu.memory_space<hbm>> -> memref<40x128xi32, #tpu.memory_space<hbm>>
      %dma_wait3A_35 = arith.constant 0 : i32
      %dma_wait3A_36 = arith.constant 0 : i32
      %dma_wait3A_37 = tpu.memref_slice %arg2[%add3A, %dma_wait3A_35, %dma_wait3A_36] : memref<32x40x128xi32, #tpu.memory_space<hbm>> -> memref<1x40x128xi32, #tpu.memory_space<hbm>>
      %dma_wait3A_38 = tpu.memref_squeeze %dma_wait3A_37 : memref<1x40x128xi32, #tpu.memory_space<hbm>> -> memref<40x128xi32, #tpu.memory_space<hbm>>
      tpu.wait_dma2 semaphore(%run_scoped3A : memref<!tpu.dma_semaphore, #tpu.memory_space<semaphore_mem>>) src(%dma_wait3A_38 : memref<40x128xi32, #tpu.memory_space<hbm>>) dst(%arg4 : memref<40x128xi32, #tpu.memory_space<vmem>>)
      tpu.yield
    }) : () -> ()
    %barrier3A = arith.constant 0 : index
    tpu.barrier barrier_id(%barrier3A)
    %scan3A_14 = arith.constant 0 : i32
    %scan3A_15 = arith.constant 0 : i32
    %scan3A_16 = arith.constant 40 : i32
    %scan3A_17 = arith.addi %scan3A_15, %scan3A_16 : i32
    %scan3A_18 = arith.constant 1 : i32
    scf.for %scan3A_25 = %scan3A_15 to %scan3A_17 step %scan3A_18  : i32 {
      "tpu.region"() ({
        %run_scoped3A = tpu.sem_alloc : memref<!tpu.dma_semaphore, #tpu.memory_space<semaphore_mem>>
        %dma_start3A = arith.constant 0 : i32
        %dma_start3A_26 = tpu.memref_slice %arg4[%scan3A_25, %dma_start3A] : memref<40x128xi32, #tpu.memory_space<vmem>> -> memref<1x128xi32, #tpu.memory_space<vmem>>
        %dma_start3A_27 = tpu.memref_squeeze %dma_start3A_26 : memref<1x128xi32, #tpu.memory_space<vmem>> -> memref<128xi32, #tpu.memory_space<vmem>>
        %dma_start3A_28 = arith.constant 0 : i32
        %dma_start3A_29 = arith.constant 0 : i32
        %dma_start3A_30 = tpu.memref_slice %arg7[%dma_start3A_28, %dma_start3A_29] : memref<10240x16xf32, #tpu.memory_space<vmem_shared>> -> memref<10240x16xf32, #tpu.memory_space<vmem_shared>>
        tpu.enqueue_indirect_dma source(%arg5 : memref<128x16xf32, #tpu.memory_space<vmem>>) target(%dma_start3A_30 : memref<10240x16xf32, #tpu.memory_space<vmem_shared>>) offsets(%dma_start3A_27 : memref<128xi32, #tpu.memory_space<vmem>>) semaphore(%run_scoped3A : memref<!tpu.dma_semaphore, #tpu.memory_space<semaphore_mem>>) {add = true}
        %dma_wait3A = arith.constant 0 : i32
        %dma_wait3A_31 = tpu.memref_slice %arg4[%scan3A_25, %dma_wait3A] : memref<40x128xi32, #tpu.memory_space<vmem>> -> memref<1x128xi32, #tpu.memory_space<vmem>>
        %dma_wait3A_32 = tpu.memref_squeeze %dma_wait3A_31 : memref<1x128xi32, #tpu.memory_space<vmem>> -> memref<128xi32, #tpu.memory_space<vmem>>
        %dma_wait3A_33 = arith.constant 0 : i32
        %dma_wait3A_34 = arith.constant 0 : i32
        %dma_wait3A_35 = tpu.memref_slice %arg7[%dma_wait3A_33, %dma_wait3A_34] : memref<10240x16xf32, #tpu.memory_space<vmem_shared>> -> memref<10240x16xf32, #tpu.memory_space<vmem_shared>>
        tpu.wait_indirect_dma semaphore(%run_scoped3A : memref<!tpu.dma_semaphore, #tpu.memory_space<semaphore_mem>>) src(%arg5 : memref<128x16xf32, #tpu.memory_space<vmem>>) dst(%dma_wait3A_35 : memref<10240x16xf32, #tpu.memory_space<vmem_shared>>)
        tpu.yield
      }) : () -> ()
    }
    %scan3A_19 = arith.constant 40 : i32
    %barrier3A_20 = arith.constant 0 : index
    tpu.barrier barrier_id(%barrier3A_20)
    %mul3A_21 = arith.constant 640 : i32
    %mul3A_22 = arith.muli %arg1, %mul3A_21 : i32
    "tpu.region"() ({
      %run_scoped3A = tpu.sem_alloc : memref<!tpu.dma_semaphore, #tpu.memory_space<semaphore_mem>>
      %dma_start3A = arith.constant 0 : i32
      %dma_start3A_25 = tpu.memref_slice %arg7[%mul3A_22, %dma_start3A] : memref<10240x16xf32, #tpu.memory_space<vmem_shared>> -> memref<640x16xf32, #tpu.memory_space<vmem_shared>>
      %dma_start3A_26 = arith.constant 0 : i32
      %dma_start3A_27 = tpu.memref_slice %arg7[%mul3A_22, %dma_start3A_26] : memref<10240x16xf32, #tpu.memory_space<vmem_shared>> -> memref<640x16xf32, #tpu.memory_space<vmem_shared>>
      tpu.enqueue_dma source(%dma_start3A_27 : memref<640x16xf32, #tpu.memory_space<vmem_shared>>) target(%arg6 : memref<640x16xf32, #tpu.memory_space<vmem>>) target_semaphore(%run_scoped3A : memref<!tpu.dma_semaphore, #tpu.memory_space<semaphore_mem>>)
      %dma_wait3A = arith.constant 0 : i32
      %dma_wait3A_28 = tpu.memref_slice %arg7[%mul3A_22, %dma_wait3A] : memref<10240x16xf32, #tpu.memory_space<vmem_shared>> -> memref<640x16xf32, #tpu.memory_space<vmem_shared>>
      %dma_wait3A_29 = arith.constant 0 : i32
      %dma_wait3A_30 = tpu.memref_slice %arg7[%mul3A_22, %dma_wait3A_29] : memref<10240x16xf32, #tpu.memory_space<vmem_shared>> -> memref<640x16xf32, #tpu.memory_space<vmem_shared>>
      tpu.wait_dma2 semaphore(%run_scoped3A : memref<!tpu.dma_semaphore, #tpu.memory_space<semaphore_mem>>) src(%dma_wait3A_30 : memref<640x16xf32, #tpu.memory_space<vmem_shared>>) dst(%arg6 : memref<640x16xf32, #tpu.memory_space<vmem>>)
      tpu.yield
    }) : () -> ()
    %mul3A_23 = arith.constant 640 : i32
    %mul3A_24 = arith.muli %arg1, %mul3A_23 : i32
    "tpu.region"() ({
      %run_scoped3A = tpu.sem_alloc : memref<!tpu.dma_semaphore, #tpu.memory_space<semaphore_mem>>
      %dma_start3A = arith.constant 0 : i32
      %dma_start3A_25 = tpu.memref_slice %arg3[%arg0, %mul3A_24, %dma_start3A] : memref<2x10240x16xf32, #tpu.memory_space<hbm>> -> memref<1x640x16xf32, #tpu.memory_space<hbm>>
      %dma_start3A_26 = tpu.memref_squeeze %dma_start3A_25 : memref<1x640x16xf32, #tpu.memory_space<hbm>> -> memref<640x16xf32, #tpu.memory_space<hbm>>
      %dma_start3A_27 = arith.constant 0 : i32
      %dma_start3A_28 = tpu.memref_slice %arg3[%arg0, %mul3A_24, %dma_start3A_27] : memref<2x10240x16xf32, #tpu.memory_space<hbm>> -> memref<1x640x16xf32, #tpu.memory_space<hbm>>
      %dma_start3A_29 = tpu.memref_squeeze %dma_start3A_28 : memref<1x640x16xf32, #tpu.memory_space<hbm>> -> memref<640x16xf32, #tpu.memory_space<hbm>>
      tpu.enqueue_dma source(%arg6 : memref<640x16xf32, #tpu.memory_space<vmem>>) target(%dma_start3A_29 : memref<640x16xf32, #tpu.memory_space<hbm>>) target_semaphore(%run_scoped3A : memref<!tpu.dma_semaphore, #tpu.memory_space<semaphore_mem>>)
      %dma_wait3A = arith.constant 0 : i32
      %dma_wait3A_30 = tpu.memref_slice %arg3[%arg0, %mul3A_24, %dma_wait3A] : memref<2x10240x16xf32, #tpu.memory_space<hbm>> -> memref<1x640x16xf32, #tpu.memory_space<hbm>>
      %dma_wait3A_31 = tpu.memref_squeeze %dma_wait3A_30 : memref<1x640x16xf32, #tpu.memory_space<hbm>> -> memref<640x16xf32, #tpu.memory_space<hbm>>
      %dma_wait3A_32 = arith.constant 0 : i32
      %dma_wait3A_33 = tpu.memref_slice %arg3[%arg0, %mul3A_24, %dma_wait3A_32] : memref<2x10240x16xf32, #tpu.memory_space<hbm>> -> memref<1x640x16xf32, #tpu.memory_space<hbm>>
      %dma_wait3A_34 = tpu.memref_squeeze %dma_wait3A_33 : memref<1x640x16xf32, #tpu.memory_space<hbm>> -> memref<640x16xf32, #tpu.memory_space<hbm>>
      tpu.wait_dma2 semaphore(%run_scoped3A : memref<!tpu.dma_semaphore, #tpu.memory_space<semaphore_mem>>) src(%arg6 : memref<640x16xf32, #tpu.memory_space<vmem>>) dst(%dma_wait3A_34 : memref<640x16xf32, #tpu.memory_space<hbm>>)
      tpu.yield
    }) : () -> ()
    return
  }
}

#map = affine_map<(d0, d1) -> (0, 0, 0)>
module attributes {stable_mosaic.version = 14 : i64} {
  func.func @_sc_scatter(%arg0: i32, %arg1: i32, %arg2: memref<32x5120x16xf32, #tpu.memory_space<hbm>>, %arg3: memref<32x40x128xi32, #tpu.memory_space<hbm>>, %arg4: memref<2x10240x16xf32, #tpu.memory_space<hbm>>, %arg5: memref<40x128xi32, #tpu.memory_space<vmem>>, %arg6: memref<5120x16xf32, #tpu.memory_space<vmem>>, %arg7: memref<640x16xf32, #tpu.memory_space<vmem>>, %arg8: memref<10240x16xf32, #tpu.memory_space<vmem_shared>>, %arg9: memref<!tpu.dma_semaphore, #tpu.memory_space<semaphore_mem>>) attributes {dimension_semantics = [#tpu.dimension_semantics<core_parallel>, #tpu.dimension_semantics<subcore_parallel>], iteration_bounds = array<i64: 2, 16>, scalar_prefetch = 0 : i64, scratch_operands = 5 : i64, tpu.core_type = #tpu.core_type<sc_vector_subcore>, window_params = [{transform_indices = #map}, {transform_indices = #map}, {transform_indices = #map}]} {
    %mul3A = arith.constant 2 : i32
    %mul3A_0 = arith.muli %arg1, %mul3A : i32
    %add3A = arith.addi %mul3A_0, %arg0 : i32
    %scan3A = arith.constant 0 : i32
    %scan3A_1 = arith.constant 0 : i32
    %scan3A_2 = arith.constant 640 : i32
    %scan3A_3 = arith.addi %scan3A_1, %scan3A_2 : i32
    %scan3A_4 = arith.constant 1 : i32
    scf.for %scan3A_19 = %scan3A_1 to %scan3A_3 step %scan3A_4  : i32 {
      %broadcast_in_dim3A = arith.constant 0.000000e+00 : f32
      %broadcast_in_dim3A_20 = vector.broadcast %broadcast_in_dim3A : f32 to vector<16xf32>
      %swap3A = arith.index_cast %scan3A_19 : i32 to index
      %swap3A_21 = arith.constant 0 : index
      %swap3A_22 = tpu.vector_load %arg7[%swap3A, %swap3A_21] {strides = array<i32>} : memref<640x16xf32, #tpu.memory_space<vmem>>, vector<1x16xf32>,
      %swap3A_23 = vector.shape_cast %swap3A_22 : vector<1x16xf32> to vector<16xf32>
      %swap3A_24 = vector.shape_cast %broadcast_in_dim3A_20 : vector<16xf32> to vector<1x16xf32>
      tpu.vector_store %arg7[%swap3A, %swap3A_21], %swap3A_24 {strides = array<i32>} : memref<640x16xf32, #tpu.memory_space<vmem>>, vector<1x16xf32>,
    }
    %scan3A_5 = arith.constant 640 : i32
    %mul3A_6 = arith.constant 640 : i32
    %mul3A_7 = arith.muli %arg1, %mul3A_6 : i32
    "tpu.region"() ({
      %run_scoped3A = tpu.sem_alloc : memref<!tpu.dma_semaphore, #tpu.memory_space<semaphore_mem>>
      %dma_start3A = arith.constant 0 : i32
      %dma_start3A_19 = tpu.memref_slice %arg8[%mul3A_7, %dma_start3A] : memref<10240x16xf32, #tpu.memory_space<vmem_shared>> -> memref<640x16xf32, #tpu.memory_space<vmem_shared>>
      %dma_start3A_20 = arith.constant 0 : i32
      %dma_start3A_21 = tpu.memref_slice %arg8[%mul3A_7, %dma_start3A_20] : memref<10240x16xf32, #tpu.memory_space<vmem_shared>> -> memref<640x16xf32, #tpu.memory_space<vmem_shared>>
      tpu.enqueue_dma source(%arg7 : memref<640x16xf32, #tpu.memory_space<vmem>>) target(%dma_start3A_21 : memref<640x16xf32, #tpu.memory_space<vmem_shared>>) target_semaphore(%run_scoped3A : memref<!tpu.dma_semaphore, #tpu.memory_space<semaphore_mem>>)
      %dma_wait3A = arith.constant 0 : i32
      %dma_wait3A_22 = tpu.memref_slice %arg8[%mul3A_7, %dma_wait3A] : memref<10240x16xf32, #tpu.memory_space<vmem_shared>> -> memref<640x16xf32, #tpu.memory_space<vmem_shared>>
      %dma_wait3A_23 = arith.constant 0 : i32
      %dma_wait3A_24 = tpu.memref_slice %arg8[%mul3A_7, %dma_wait3A_23] : memref<10240x16xf32, #tpu.memory_space<vmem_shared>> -> memref<640x16xf32, #tpu.memory_space<vmem_shared>>
      tpu.wait_dma2 semaphore(%run_scoped3A : memref<!tpu.dma_semaphore, #tpu.memory_space<semaphore_mem>>) src(%arg7 : memref<640x16xf32, #tpu.memory_space<vmem>>) dst(%dma_wait3A_24 : memref<640x16xf32, #tpu.memory_space<vmem_shared>>)
      tpu.yield
    }) : () -> ()
    "tpu.region"() ({
      %run_scoped3A = tpu.sem_alloc : memref<!tpu.dma_semaphore, #tpu.memory_space<semaphore_mem>>
      %dma_start3A = arith.constant 0 : i32
      %dma_start3A_19 = arith.constant 0 : i32
      %dma_start3A_20 = tpu.memref_slice %arg3[%add3A, %dma_start3A, %dma_start3A_19] : memref<32x40x128xi32, #tpu.memory_space<hbm>> -> memref<1x40x128xi32, #tpu.memory_space<hbm>>
      %dma_start3A_21 = tpu.memref_squeeze %dma_start3A_20 : memref<1x40x128xi32, #tpu.memory_space<hbm>> -> memref<40x128xi32, #tpu.memory_space<hbm>>
      %dma_start3A_22 = arith.constant 0 : i32
      %dma_start3A_23 = arith.constant 0 : i32
      %dma_start3A_24 = tpu.memref_slice %arg3[%add3A, %dma_start3A_22, %dma_start3A_23] : memref<32x40x128xi32, #tpu.memory_space<hbm>> -> memref<1x40x128xi32, #tpu.memory_space<hbm>>
      %dma_start3A_25 = tpu.memref_squeeze %dma_start3A_24 : memref<1x40x128xi32, #tpu.memory_space<hbm>> -> memref<40x128xi32, #tpu.memory_space<hbm>>
      tpu.enqueue_dma source(%dma_start3A_25 : memref<40x128xi32, #tpu.memory_space<hbm>>) target(%arg5 : memref<40x128xi32, #tpu.memory_space<vmem>>) target_semaphore(%run_scoped3A : memref<!tpu.dma_semaphore, #tpu.memory_space<semaphore_mem>>)
      %dma_wait3A = arith.constant 0 : i32
      %dma_wait3A_26 = arith.constant 0 : i32
      %dma_wait3A_27 = tpu.memref_slice %arg3[%add3A, %dma_wait3A, %dma_wait3A_26] : memref<32x40x128xi32, #tpu.memory_space<hbm>> -> memref<1x40x128xi32, #tpu.memory_space<hbm>>
      %dma_wait3A_28 = tpu.memref_squeeze %dma_wait3A_27 : memref<1x40x128xi32, #tpu.memory_space<hbm>> -> memref<40x128xi32, #tpu.memory_space<hbm>>
      %dma_wait3A_29 = arith.constant 0 : i32
      %dma_wait3A_30 = arith.constant 0 : i32
      %dma_wait3A_31 = tpu.memref_slice %arg3[%add3A, %dma_wait3A_29, %dma_wait3A_30] : memref<32x40x128xi32, #tpu.memory_space<hbm>> -> memref<1x40x128xi32, #tpu.memory_space<hbm>>
      %dma_wait3A_32 = tpu.memref_squeeze %dma_wait3A_31 : memref<1x40x128xi32, #tpu.memory_space<hbm>> -> memref<40x128xi32, #tpu.memory_space<hbm>>
      tpu.wait_dma2 semaphore(%run_scoped3A : memref<!tpu.dma_semaphore, #tpu.memory_space<semaphore_mem>>) src(%dma_wait3A_32 : memref<40x128xi32, #tpu.memory_space<hbm>>) dst(%arg5 : memref<40x128xi32, #tpu.memory_space<vmem>>)
      tpu.yield
    }) : () -> ()
    "tpu.region"() ({
      %run_scoped3A = tpu.sem_alloc : memref<!tpu.dma_semaphore, #tpu.memory_space<semaphore_mem>>
      %dma_start3A = arith.constant 0 : i32
      %dma_start3A_19 = arith.constant 0 : i32
      %dma_start3A_20 = tpu.memref_slice %arg2[%add3A, %dma_start3A, %dma_start3A_19] : memref<32x5120x16xf32, #tpu.memory_space<hbm>> -> memref<1x5120x16xf32, #tpu.memory_space<hbm>>
      %dma_start3A_21 = tpu.memref_squeeze %dma_start3A_20 : memref<1x5120x16xf32, #tpu.memory_space<hbm>> -> memref<5120x16xf32, #tpu.memory_space<hbm>>
      %dma_start3A_22 = arith.constant 0 : i32
      %dma_start3A_23 = arith.constant 0 : i32
      %dma_start3A_24 = tpu.memref_slice %arg2[%add3A, %dma_start3A_22, %dma_start3A_23] : memref<32x5120x16xf32, #tpu.memory_space<hbm>> -> memref<1x5120x16xf32, #tpu.memory_space<hbm>>
      %dma_start3A_25 = tpu.memref_squeeze %dma_start3A_24 : memref<1x5120x16xf32, #tpu.memory_space<hbm>> -> memref<5120x16xf32, #tpu.memory_space<hbm>>
      tpu.enqueue_dma source(%dma_start3A_25 : memref<5120x16xf32, #tpu.memory_space<hbm>>) target(%arg6 : memref<5120x16xf32, #tpu.memory_space<vmem>>) target_semaphore(%run_scoped3A : memref<!tpu.dma_semaphore, #tpu.memory_space<semaphore_mem>>)
      %dma_wait3A = arith.constant 0 : i32
      %dma_wait3A_26 = arith.constant 0 : i32
      %dma_wait3A_27 = tpu.memref_slice %arg2[%add3A, %dma_wait3A, %dma_wait3A_26] : memref<32x5120x16xf32, #tpu.memory_space<hbm>> -> memref<1x5120x16xf32, #tpu.memory_space<hbm>>
      %dma_wait3A_28 = tpu.memref_squeeze %dma_wait3A_27 : memref<1x5120x16xf32, #tpu.memory_space<hbm>> -> memref<5120x16xf32, #tpu.memory_space<hbm>>
      %dma_wait3A_29 = arith.constant 0 : i32
      %dma_wait3A_30 = arith.constant 0 : i32
      %dma_wait3A_31 = tpu.memref_slice %arg2[%add3A, %dma_wait3A_29, %dma_wait3A_30] : memref<32x5120x16xf32, #tpu.memory_space<hbm>> -> memref<1x5120x16xf32, #tpu.memory_space<hbm>>
      %dma_wait3A_32 = tpu.memref_squeeze %dma_wait3A_31 : memref<1x5120x16xf32, #tpu.memory_space<hbm>> -> memref<5120x16xf32, #tpu.memory_space<hbm>>
      tpu.wait_dma2 semaphore(%run_scoped3A : memref<!tpu.dma_semaphore, #tpu.memory_space<semaphore_mem>>) src(%dma_wait3A_32 : memref<5120x16xf32, #tpu.memory_space<hbm>>) dst(%arg6 : memref<5120x16xf32, #tpu.memory_space<vmem>>)
      tpu.yield
    }) : () -> ()
    %barrier3A = arith.constant 0 : index
    tpu.barrier barrier_id(%barrier3A)
    %scan3A_8 = arith.constant 0 : i32
    %scan3A_9 = arith.constant 0 : i32
    %scan3A_10 = arith.constant 40 : i32
    %scan3A_11 = arith.addi %scan3A_9, %scan3A_10 : i32
    %scan3A_12 = arith.constant 1 : i32
    scf.for %scan3A_19 = %scan3A_9 to %scan3A_11 step %scan3A_12  : i32 {
      %mul3A_20 = arith.constant 128 : i32
      %mul3A_21 = arith.muli %scan3A_19, %mul3A_20 : i32
      "tpu.region"() ({
        %run_scoped3A = tpu.sem_alloc : memref<!tpu.dma_semaphore, #tpu.memory_space<semaphore_mem>>
        %dma_start3A = arith.constant 0 : i32
        %dma_start3A_22 = tpu.memref_slice %arg6[%mul3A_21, %dma_start3A] : memref<5120x16xf32, #tpu.memory_space<vmem>> -> memref<128x16xf32, #tpu.memory_space<vmem>>
        %dma_start3A_23 = arith.constant 0 : i32
        %dma_start3A_24 = tpu.memref_slice %arg5[%scan3A_19, %dma_start3A_23] : memref<40x128xi32, #tpu.memory_space<vmem>> -> memref<1x128xi32, #tpu.memory_space<vmem>>
        %dma_start3A_25 = tpu.memref_squeeze %dma_start3A_24 : memref<1x128xi32, #tpu.memory_space<vmem>> -> memref<128xi32, #tpu.memory_space<vmem>>
        %dma_start3A_26 = arith.constant 0 : i32
        %dma_start3A_27 = arith.constant 0 : i32
        %dma_start3A_28 = tpu.memref_slice %arg8[%dma_start3A_26, %dma_start3A_27] : memref<10240x16xf32, #tpu.memory_space<vmem_shared>> -> memref<10240x16xf32, #tpu.memory_space<vmem_shared>>
        tpu.enqueue_indirect_dma source(%dma_start3A_22 : memref<128x16xf32, #tpu.memory_space<vmem>>) target(%dma_start3A_28 : memref<10240x16xf32, #tpu.memory_space<vmem_shared>>) offsets(%dma_start3A_25 : memref<128xi32, #tpu.memory_space<vmem>>) semaphore(%run_scoped3A : memref<!tpu.dma_semaphore, #tpu.memory_space<semaphore_mem>>) {add = true}
        %dma_wait3A = arith.constant 0 : i32
        %dma_wait3A_29 = tpu.memref_slice %arg6[%mul3A_21, %dma_wait3A] : memref<5120x16xf32, #tpu.memory_space<vmem>> -> memref<128x16xf32, #tpu.memory_space<vmem>>
        %dma_wait3A_30 = arith.constant 0 : i32
        %dma_wait3A_31 = tpu.memref_slice %arg5[%scan3A_19, %dma_wait3A_30] : memref<40x128xi32, #tpu.memory_space<vmem>> -> memref<1x128xi32, #tpu.memory_space<vmem>>
        %dma_wait3A_32 = tpu.memref_squeeze %dma_wait3A_31 : memref<1x128xi32, #tpu.memory_space<vmem>> -> memref<128xi32, #tpu.memory_space<vmem>>
        %dma_wait3A_33 = arith.constant 0 : i32
        %dma_wait3A_34 = arith.constant 0 : i32
        %dma_wait3A_35 = tpu.memref_slice %arg8[%dma_wait3A_33, %dma_wait3A_34] : memref<10240x16xf32, #tpu.memory_space<vmem_shared>> -> memref<10240x16xf32, #tpu.memory_space<vmem_shared>>
        tpu.wait_indirect_dma semaphore(%run_scoped3A : memref<!tpu.dma_semaphore, #tpu.memory_space<semaphore_mem>>) src(%dma_wait3A_29 : memref<128x16xf32, #tpu.memory_space<vmem>>) dst(%dma_wait3A_35 : memref<10240x16xf32, #tpu.memory_space<vmem_shared>>)
        tpu.yield
      }) : () -> ()
    }
    %scan3A_13 = arith.constant 40 : i32
    %barrier3A_14 = arith.constant 0 : index
    tpu.barrier barrier_id(%barrier3A_14)
    %mul3A_15 = arith.constant 640 : i32
    %mul3A_16 = arith.muli %arg1, %mul3A_15 : i32
    "tpu.region"() ({
      %run_scoped3A = tpu.sem_alloc : memref<!tpu.dma_semaphore, #tpu.memory_space<semaphore_mem>>
      %dma_start3A = arith.constant 0 : i32
      %dma_start3A_19 = tpu.memref_slice %arg8[%mul3A_16, %dma_start3A] : memref<10240x16xf32, #tpu.memory_space<vmem_shared>> -> memref<640x16xf32, #tpu.memory_space<vmem_shared>>
      %dma_start3A_20 = arith.constant 0 : i32
      %dma_start3A_21 = tpu.memref_slice %arg8[%mul3A_16, %dma_start3A_20] : memref<10240x16xf32, #tpu.memory_space<vmem_shared>> -> memref<640x16xf32, #tpu.memory_space<vmem_shared>>
      tpu.enqueue_dma source(%dma_start3A_21 : memref<640x16xf32, #tpu.memory_space<vmem_shared>>) target(%arg7 : memref<640x16xf32, #tpu.memory_space<vmem>>) target_semaphore(%run_scoped3A : memref<!tpu.dma_semaphore, #tpu.memory_space<semaphore_mem>>)
      %dma_wait3A = arith.constant 0 : i32
      %dma_wait3A_22 = tpu.memref_slice %arg8[%mul3A_16, %dma_wait3A] : memref<10240x16xf32, #tpu.memory_space<vmem_shared>> -> memref<640x16xf32, #tpu.memory_space<vmem_shared>>
      %dma_wait3A_23 = arith.constant 0 : i32
      %dma_wait3A_24 = tpu.memref_slice %arg8[%mul3A_16, %dma_wait3A_23] : memref<10240x16xf32, #tpu.memory_space<vmem_shared>> -> memref<640x16xf32, #tpu.memory_space<vmem_shared>>
      tpu.wait_dma2 semaphore(%run_scoped3A : memref<!tpu.dma_semaphore, #tpu.memory_space<semaphore_mem>>) src(%dma_wait3A_24 : memref<640x16xf32, #tpu.memory_space<vmem_shared>>) dst(%arg7 : memref<640x16xf32, #tpu.memory_space<vmem>>)
      tpu.yield
    }) : () -> ()
    %mul3A_17 = arith.constant 640 : i32
    %mul3A_18 = arith.muli %arg1, %mul3A_17 : i32
    "tpu.region"() ({
      %run_scoped3A = tpu.sem_alloc : memref<!tpu.dma_semaphore, #tpu.memory_space<semaphore_mem>>
      %dma_start3A = arith.constant 0 : i32
      %dma_start3A_19 = tpu.memref_slice %arg4[%arg0, %mul3A_18, %dma_start3A] : memref<2x10240x16xf32, #tpu.memory_space<hbm>> -> memref<1x640x16xf32, #tpu.memory_space<hbm>>
      %dma_start3A_20 = tpu.memref_squeeze %dma_start3A_19 : memref<1x640x16xf32, #tpu.memory_space<hbm>> -> memref<640x16xf32, #tpu.memory_space<hbm>>
      %dma_start3A_21 = arith.constant 0 : i32
      %dma_start3A_22 = tpu.memref_slice %arg4[%arg0, %mul3A_18, %dma_start3A_21] : memref<2x10240x16xf32, #tpu.memory_space<hbm>> -> memref<1x640x16xf32, #tpu.memory_space<hbm>>
      %dma_start3A_23 = tpu.memref_squeeze %dma_start3A_22 : memref<1x640x16xf32, #tpu.memory_space<hbm>> -> memref<640x16xf32, #tpu.memory_space<hbm>>
      tpu.enqueue_dma source(%arg7 : memref<640x16xf32, #tpu.memory_space<vmem>>) target(%dma_start3A_23 : memref<640x16xf32, #tpu.memory_space<hbm>>) target_semaphore(%run_scoped3A : memref<!tpu.dma_semaphore, #tpu.memory_space<semaphore_mem>>)
      %dma_wait3A = arith.constant 0 : i32
      %dma_wait3A_24 = tpu.memref_slice %arg4[%arg0, %mul3A_18, %dma_wait3A] : memref<2x10240x16xf32, #tpu.memory_space<hbm>> -> memref<1x640x16xf32, #tpu.memory_space<hbm>>
      %dma_wait3A_25 = tpu.memref_squeeze %dma_wait3A_24 : memref<1x640x16xf32, #tpu.memory_space<hbm>> -> memref<640x16xf32, #tpu.memory_space<hbm>>
      %dma_wait3A_26 = arith.constant 0 : i32
      %dma_wait3A_27 = tpu.memref_slice %arg4[%arg0, %mul3A_18, %dma_wait3A_26] : memref<2x10240x16xf32, #tpu.memory_space<hbm>> -> memref<1x640x16xf32, #tpu.memory_space<hbm>>
      %dma_wait3A_28 = tpu.memref_squeeze %dma_wait3A_27 : memref<1x640x16xf32, #tpu.memory_space<hbm>> -> memref<640x16xf32, #tpu.memory_space<hbm>>
      tpu.wait_dma2 semaphore(%run_scoped3A : memref<!tpu.dma_semaphore, #tpu.memory_space<semaphore_mem>>) src(%arg7 : memref<640x16xf32, #tpu.memory_space<vmem>>) dst(%dma_wait3A_28 : memref<640x16xf32, #tpu.memory_space<hbm>>)
      tpu.yield
    }) : () -> ()
    return
  }
}

#map = affine_map<(d0, d1) -> (0, 0)>
#map1 = affine_map<(d0, d1) -> (0, 0, 0)>
module attributes {stable_mosaic.version = 14 : i64} {
  func.func @_sc_gather(%arg0: i32, %arg1: i32, %arg2: memref<10000x16xf32, #tpu.memory_space<hbm>>, %arg3: memref<32x40x128xi32, #tpu.memory_space<hbm>>, %arg4: memref<32x5120x16xf32, #tpu.memory_space<hbm>>, %arg5: memref<40x128xi32, #tpu.memory_space<vmem>>, %arg6: memref<5120x16xf32, #tpu.memory_space<vmem>>, %arg7: memref<!tpu.dma_semaphore, #tpu.memory_space<semaphore_mem>>) attributes {dimension_semantics = [#tpu.dimension_semantics<core_parallel>, #tpu.dimension_semantics<subcore_parallel>], iteration_bounds = array<i64: 2, 16>, scalar_prefetch = 0 : i64, scratch_operands = 3 : i64, tpu.core_type = #tpu.core_type<sc_vector_subcore>, window_params = [{transform_indices = #map}, {transform_indices = #map1}, {transform_indices = #map1}]} {
    %mul3A = arith.constant 2 : i32
    %mul3A_0 = arith.muli %arg1, %mul3A : i32
    %add3A = arith.addi %mul3A_0, %arg0 : i32
    "tpu.region"() ({
      %run_scoped3A = tpu.sem_alloc : memref<!tpu.dma_semaphore, #tpu.memory_space<semaphore_mem>>
      %dma_start3A = arith.constant 0 : i32
      %dma_start3A_19 = arith.constant 0 : i32
      %dma_start3A_20 = tpu.memref_slice %arg3[%add3A, %dma_start3A, %dma_start3A_19] : memref<32x40x128xi32, #tpu.memory_space<hbm>> -> memref<1x40x128xi32, #tpu.memory_space<hbm>>
      %dma_start3A_21 = tpu.memref_squeeze %dma_start3A_20 : memref<1x40x128xi32, #tpu.memory_space<hbm>> -> memref<40x128xi32, #tpu.memory_space<hbm>>
      %dma_start3A_22 = arith.constant 0 : i32
      %dma_start3A_23 = arith.constant 0 : i32
      %dma_start3A_24 = tpu.memref_slice %arg3[%add3A, %dma_start3A_22, %dma_start3A_23] : memref<32x40x128xi32, #tpu.memory_space<hbm>> -> memref<1x40x128xi32, #tpu.memory_space<hbm>>
      %dma_start3A_25 = tpu.memref_squeeze %dma_start3A_24 : memref<1x40x128xi32, #tpu.memory_space<hbm>> -> memref<40x128xi32, #tpu.memory_space<hbm>>
      tpu.enqueue_dma source(%dma_start3A_25 : memref<40x128xi32, #tpu.memory_space<hbm>>) target(%arg5 : memref<40x128xi32, #tpu.memory_space<vmem>>) target_semaphore(%run_scoped3A : memref<!tpu.dma_semaphore, #tpu.memory_space<semaphore_mem>>)
      %dma_wait3A_26 = arith.constant 0 : i32
      %dma_wait3A_27 = arith.constant 0 : i32
      %dma_wait3A_28 = tpu.memref_slice %arg3[%add3A, %dma_wait3A_26, %dma_wait3A_27] : memref<32x40x128xi32, #tpu.memory_space<hbm>> -> memref<1x40x128xi32, #tpu.memory_space<hbm>>
      %dma_wait3A_29 = tpu.memref_squeeze %dma_wait3A_28 : memref<1x40x128xi32, #tpu.memory_space<hbm>> -> memref<40x128xi32, #tpu.memory_space<hbm>>
      %dma_wait3A_30 = arith.constant 0 : i32
      %dma_wait3A_31 = arith.constant 0 : i32
      %dma_wait3A_32 = tpu.memref_slice %arg3[%add3A, %dma_wait3A_30, %dma_wait3A_31] : memref<32x40x128xi32, #tpu.memory_space<hbm>> -> memref<1x40x128xi32, #tpu.memory_space<hbm>>
      %dma_wait3A_33 = tpu.memref_squeeze %dma_wait3A_32 : memref<1x40x128xi32, #tpu.memory_space<hbm>> -> memref<40x128xi32, #tpu.memory_space<hbm>>
      tpu.wait_dma2 semaphore(%run_scoped3A : memref<!tpu.dma_semaphore, #tpu.memory_space<semaphore_mem>>) src(%dma_wait3A_33 : memref<40x128xi32, #tpu.memory_space<hbm>>) dst(%arg5 : memref<40x128xi32, #tpu.memory_space<vmem>>)
      tpu.yield
    }) : () -> ()
    %scan3A = arith.constant 0 : i32
    %scan3A_1 = arith.constant 0 : i32
    %scan3A_2 = arith.constant 5 : i32
    %scan3A_3 = arith.addi %scan3A_1, %scan3A_2 : i32
    %scan3A_4 = arith.constant 1 : i32
    scf.for %scan3A_19 = %scan3A_1 to %scan3A_3 step %scan3A_4  : i32 {
      %mul3A_20 = arith.constant 8 : i32
      %mul3A_21 = arith.muli %scan3A_19, %mul3A_20 : i32
      %add3A_22 = arith.constant 0 : i32
      %add3A_23 = arith.addi %mul3A_21, %add3A_22 : i32
      %mul3A_24 = arith.constant 8 : i32
      %mul3A_25 = arith.muli %scan3A_19, %mul3A_24 : i32
      %add3A_26 = arith.constant 0 : i32
      %add3A_27 = arith.addi %mul3A_25, %add3A_26 : i32
      %mul3A_28 = arith.constant 128 : i32
      %mul3A_29 = arith.muli %add3A_27, %mul3A_28 : i32
      %dma_start3A = arith.constant 0 : i32
      %dma_start3A_30 = tpu.memref_slice %arg6[%mul3A_29, %dma_start3A] : memref<5120x16xf32, #tpu.memory_space<vmem>> -> memref<128x16xf32, #tpu.memory_space<vmem>>
      %dma_start3A_31 = arith.constant 0 : i32
      %dma_start3A_32 = tpu.memref_slice %arg5[%add3A_23, %dma_start3A_31] : memref<40x128xi32, #tpu.memory_space<vmem>> -> memref<1x128xi32, #tpu.memory_space<vmem>>
      %dma_start3A_33 = tpu.memref_squeeze %dma_start3A_32 : memref<1x128xi32, #tpu.memory_space<vmem>> -> memref<128xi32, #tpu.memory_space<vmem>>
      %dma_start3A_34 = arith.constant 0 : i32
      %dma_start3A_35 = arith.constant 0 : i32
      %dma_start3A_36 = tpu.memref_slice %arg2[%dma_start3A_34, %dma_start3A_35] : memref<10000x16xf32, #tpu.memory_space<hbm>> -> memref<10000x16xf32, #tpu.memory_space<hbm>>
      tpu.enqueue_indirect_dma source(%dma_start3A_36 : memref<10000x16xf32, #tpu.memory_space<hbm>>) target(%dma_start3A_30 : memref<128x16xf32, #tpu.memory_space<vmem>>) offsets(%dma_start3A_33 : memref<128xi32, #tpu.memory_space<vmem>>) semaphore(%arg7 : memref<!tpu.dma_semaphore, #tpu.memory_space<semaphore_mem>>)
      %mul3A_37 = arith.constant 8 : i32
      %mul3A_38 = arith.muli %scan3A_19, %mul3A_37 : i32
      %add3A_39 = arith.constant 1 : i32
      %add3A_40 = arith.addi %mul3A_38, %add3A_39 : i32
      %mul3A_41 = arith.constant 8 : i32
      %mul3A_42 = arith.muli %scan3A_19, %mul3A_41 : i32
      %add3A_43 = arith.constant 1 : i32
      %add3A_44 = arith.addi %mul3A_42, %add3A_43 : i32
      %mul3A_45 = arith.constant 128 : i32
      %mul3A_46 = arith.muli %add3A_44, %mul3A_45 : i32
      %dma_start3A_47 = arith.constant 0 : i32
      %dma_start3A_48 = tpu.memref_slice %arg6[%mul3A_46, %dma_start3A_47] : memref<5120x16xf32, #tpu.memory_space<vmem>> -> memref<128x16xf32, #tpu.memory_space<vmem>>
      %dma_start3A_49 = arith.constant 0 : i32
      %dma_start3A_50 = tpu.memref_slice %arg5[%add3A_40, %dma_start3A_49] : memref<40x128xi32, #tpu.memory_space<vmem>> -> memref<1x128xi32, #tpu.memory_space<vmem>>
      %dma_start3A_51 = tpu.memref_squeeze %dma_start3A_50 : memref<1x128xi32, #tpu.memory_space<vmem>> -> memref<128xi32, #tpu.memory_space<vmem>>
      %dma_start3A_52 = arith.constant 0 : i32
      %dma_start3A_53 = arith.constant 0 : i32
      %dma_start3A_54 = tpu.memref_slice %arg2[%dma_start3A_52, %dma_start3A_53] : memref<10000x16xf32, #tpu.memory_space<hbm>> -> memref<10000x16xf32, #tpu.memory_space<hbm>>
      tpu.enqueue_indirect_dma source(%dma_start3A_54 : memref<10000x16xf32, #tpu.memory_space<hbm>>) target(%dma_start3A_48 : memref<128x16xf32, #tpu.memory_space<vmem>>) offsets(%dma_start3A_51 : memref<128xi32, #tpu.memory_space<vmem>>) semaphore(%arg7 : memref<!tpu.dma_semaphore, #tpu.memory_space<semaphore_mem>>)
      %mul3A_55 = arith.constant 8 : i32
      %mul3A_56 = arith.muli %scan3A_19, %mul3A_55 : i32
      %add3A_57 = arith.constant 2 : i32
      %add3A_58 = arith.addi %mul3A_56, %add3A_57 : i32
      %mul3A_59 = arith.constant 8 : i32
      %mul3A_60 = arith.muli %scan3A_19, %mul3A_59 : i32
      %add3A_61 = arith.constant 2 : i32
      %add3A_62 = arith.addi %mul3A_60, %add3A_61 : i32
      %mul3A_63 = arith.constant 128 : i32
      %mul3A_64 = arith.muli %add3A_62, %mul3A_63 : i32
      %dma_start3A_65 = arith.constant 0 : i32
      %dma_start3A_66 = tpu.memref_slice %arg6[%mul3A_64, %dma_start3A_65] : memref<5120x16xf32, #tpu.memory_space<vmem>> -> memref<128x16xf32, #tpu.memory_space<vmem>>
      %dma_start3A_67 = arith.constant 0 : i32
      %dma_start3A_68 = tpu.memref_slice %arg5[%add3A_58, %dma_start3A_67] : memref<40x128xi32, #tpu.memory_space<vmem>> -> memref<1x128xi32, #tpu.memory_space<vmem>>
      %dma_start3A_69 = tpu.memref_squeeze %dma_start3A_68 : memref<1x128xi32, #tpu.memory_space<vmem>> -> memref<128xi32, #tpu.memory_space<vmem>>
      %dma_start3A_70 = arith.constant 0 : i32
      %dma_start3A_71 = arith.constant 0 : i32
      %dma_start3A_72 = tpu.memref_slice %arg2[%dma_start3A_70, %dma_start3A_71] : memref<10000x16xf32, #tpu.memory_space<hbm>> -> memref<10000x16xf32, #tpu.memory_space<hbm>>
      tpu.enqueue_indirect_dma source(%dma_start3A_72 : memref<10000x16xf32, #tpu.memory_space<hbm>>) target(%dma_start3A_66 : memref<128x16xf32, #tpu.memory_space<vmem>>) offsets(%dma_start3A_69 : memref<128xi32, #tpu.memory_space<vmem>>) semaphore(%arg7 : memref<!tpu.dma_semaphore, #tpu.memory_space<semaphore_mem>>)
      %mul3A_73 = arith.constant 8 : i32
      %mul3A_74 = arith.muli %scan3A_19, %mul3A_73 : i32
      %add3A_75 = arith.constant 3 : i32
      %add3A_76 = arith.addi %mul3A_74, %add3A_75 : i32
      %mul3A_77 = arith.constant 8 : i32
      %mul3A_78 = arith.muli %scan3A_19, %mul3A_77 : i32
      %add3A_79 = arith.constant 3 : i32
      %add3A_80 = arith.addi %mul3A_78, %add3A_79 : i32
      %mul3A_81 = arith.constant 128 : i32
      %mul3A_82 = arith.muli %add3A_80, %mul3A_81 : i32
      %dma_start3A_83 = arith.constant 0 : i32
      %dma_start3A_84 = tpu.memref_slice %arg6[%mul3A_82, %dma_start3A_83] : memref<5120x16xf32, #tpu.memory_space<vmem>> -> memref<128x16xf32, #tpu.memory_space<vmem>>
      %dma_start3A_85 = arith.constant 0 : i32
      %dma_start3A_86 = tpu.memref_slice %arg5[%add3A_76, %dma_start3A_85] : memref<40x128xi32, #tpu.memory_space<vmem>> -> memref<1x128xi32, #tpu.memory_space<vmem>>
      %dma_start3A_87 = tpu.memref_squeeze %dma_start3A_86 : memref<1x128xi32, #tpu.memory_space<vmem>> -> memref<128xi32, #tpu.memory_space<vmem>>
      %dma_start3A_88 = arith.constant 0 : i32
      %dma_start3A_89 = arith.constant 0 : i32
      %dma_start3A_90 = tpu.memref_slice %arg2[%dma_start3A_88, %dma_start3A_89] : memref<10000x16xf32, #tpu.memory_space<hbm>> -> memref<10000x16xf32, #tpu.memory_space<hbm>>
      tpu.enqueue_indirect_dma source(%dma_start3A_90 : memref<10000x16xf32, #tpu.memory_space<hbm>>) target(%dma_start3A_84 : memref<128x16xf32, #tpu.memory_space<vmem>>) offsets(%dma_start3A_87 : memref<128xi32, #tpu.memory_space<vmem>>) semaphore(%arg7 : memref<!tpu.dma_semaphore, #tpu.memory_space<semaphore_mem>>)
      %mul3A_91 = arith.constant 8 : i32
      %mul3A_92 = arith.muli %scan3A_19, %mul3A_91 : i32
      %add3A_93 = arith.constant 4 : i32
      %add3A_94 = arith.addi %mul3A_92, %add3A_93 : i32
      %mul3A_95 = arith.constant 8 : i32
      %mul3A_96 = arith.muli %scan3A_19, %mul3A_95 : i32
      %add3A_97 = arith.constant 4 : i32
      %add3A_98 = arith.addi %mul3A_96, %add3A_97 : i32
      %mul3A_99 = arith.constant 128 : i32
      %mul3A_100 = arith.muli %add3A_98, %mul3A_99 : i32
      %dma_start3A_101 = arith.constant 0 : i32
      %dma_start3A_102 = tpu.memref_slice %arg6[%mul3A_100, %dma_start3A_101] : memref<5120x16xf32, #tpu.memory_space<vmem>> -> memref<128x16xf32, #tpu.memory_space<vmem>>
      %dma_start3A_103 = arith.constant 0 : i32
      %dma_start3A_104 = tpu.memref_slice %arg5[%add3A_94, %dma_start3A_103] : memref<40x128xi32, #tpu.memory_space<vmem>> -> memref<1x128xi32, #tpu.memory_space<vmem>>
      %dma_start3A_105 = tpu.memref_squeeze %dma_start3A_104 : memref<1x128xi32, #tpu.memory_space<vmem>> -> memref<128xi32, #tpu.memory_space<vmem>>
      %dma_start3A_106 = arith.constant 0 : i32
      %dma_start3A_107 = arith.constant 0 : i32
      %dma_start3A_108 = tpu.memref_slice %arg2[%dma_start3A_106, %dma_start3A_107] : memref<10000x16xf32, #tpu.memory_space<hbm>> -> memref<10000x16xf32, #tpu.memory_space<hbm>>
      tpu.enqueue_indirect_dma source(%dma_start3A_108 : memref<10000x16xf32, #tpu.memory_space<hbm>>) target(%dma_start3A_102 : memref<128x16xf32, #tpu.memory_space<vmem>>) offsets(%dma_start3A_105 : memref<128xi32, #tpu.memory_space<vmem>>) semaphore(%arg7 : memref<!tpu.dma_semaphore, #tpu.memory_space<semaphore_mem>>)
      %mul3A_109 = arith.constant 8 : i32
      %mul3A_110 = arith.muli %scan3A_19, %mul3A_109 : i32
      %add3A_111 = arith.constant 5 : i32
      %add3A_112 = arith.addi %mul3A_110, %add3A_111 : i32
      %mul3A_113 = arith.constant 8 : i32
      %mul3A_114 = arith.muli %scan3A_19, %mul3A_113 : i32
      %add3A_115 = arith.constant 5 : i32
      %add3A_116 = arith.addi %mul3A_114, %add3A_115 : i32
      %mul3A_117 = arith.constant 128 : i32
      %mul3A_118 = arith.muli %add3A_116, %mul3A_117 : i32
      %dma_start3A_119 = arith.constant 0 : i32
      %dma_start3A_120 = tpu.memref_slice %arg6[%mul3A_118, %dma_start3A_119] : memref<5120x16xf32, #tpu.memory_space<vmem>> -> memref<128x16xf32, #tpu.memory_space<vmem>>
      %dma_start3A_121 = arith.constant 0 : i32
      %dma_start3A_122 = tpu.memref_slice %arg5[%add3A_112, %dma_start3A_121] : memref<40x128xi32, #tpu.memory_space<vmem>> -> memref<1x128xi32, #tpu.memory_space<vmem>>
      %dma_start3A_123 = tpu.memref_squeeze %dma_start3A_122 : memref<1x128xi32, #tpu.memory_space<vmem>> -> memref<128xi32, #tpu.memory_space<vmem>>
      %dma_start3A_124 = arith.constant 0 : i32
      %dma_start3A_125 = arith.constant 0 : i32
      %dma_start3A_126 = tpu.memref_slice %arg2[%dma_start3A_124, %dma_start3A_125] : memref<10000x16xf32, #tpu.memory_space<hbm>> -> memref<10000x16xf32, #tpu.memory_space<hbm>>
      tpu.enqueue_indirect_dma source(%dma_start3A_126 : memref<10000x16xf32, #tpu.memory_space<hbm>>) target(%dma_start3A_120 : memref<128x16xf32, #tpu.memory_space<vmem>>) offsets(%dma_start3A_123 : memref<128xi32, #tpu.memory_space<vmem>>) semaphore(%arg7 : memref<!tpu.dma_semaphore, #tpu.memory_space<semaphore_mem>>)
      %mul3A_127 = arith.constant 8 : i32
      %mul3A_128 = arith.muli %scan3A_19, %mul3A_127 : i32
      %add3A_129 = arith.constant 6 : i32
      %add3A_130 = arith.addi %mul3A_128, %add3A_129 : i32
      %mul3A_131 = arith.constant 8 : i32
      %mul3A_132 = arith.muli %scan3A_19, %mul3A_131 : i32
      %add3A_133 = arith.constant 6 : i32
      %add3A_134 = arith.addi %mul3A_132, %add3A_133 : i32
      %mul3A_135 = arith.constant 128 : i32
      %mul3A_136 = arith.muli %add3A_134, %mul3A_135 : i32
      %dma_start3A_137 = arith.constant 0 : i32
      %dma_start3A_138 = tpu.memref_slice %arg6[%mul3A_136, %dma_start3A_137] : memref<5120x16xf32, #tpu.memory_space<vmem>> -> memref<128x16xf32, #tpu.memory_space<vmem>>
      %dma_start3A_139 = arith.constant 0 : i32
      %dma_start3A_140 = tpu.memref_slice %arg5[%add3A_130, %dma_start3A_139] : memref<40x128xi32, #tpu.memory_space<vmem>> -> memref<1x128xi32, #tpu.memory_space<vmem>>
      %dma_start3A_141 = tpu.memref_squeeze %dma_start3A_140 : memref<1x128xi32, #tpu.memory_space<vmem>> -> memref<128xi32, #tpu.memory_space<vmem>>
      %dma_start3A_142 = arith.constant 0 : i32
      %dma_start3A_143 = arith.constant 0 : i32
      %dma_start3A_144 = tpu.memref_slice %arg2[%dma_start3A_142, %dma_start3A_143] : memref<10000x16xf32, #tpu.memory_space<hbm>> -> memref<10000x16xf32, #tpu.memory_space<hbm>>
      tpu.enqueue_indirect_dma source(%dma_start3A_144 : memref<10000x16xf32, #tpu.memory_space<hbm>>) target(%dma_start3A_138 : memref<128x16xf32, #tpu.memory_space<vmem>>) offsets(%dma_start3A_141 : memref<128xi32, #tpu.memory_space<vmem>>) semaphore(%arg7 : memref<!tpu.dma_semaphore, #tpu.memory_space<semaphore_mem>>)
      %mul3A_145 = arith.constant 8 : i32
      %mul3A_146 = arith.muli %scan3A_19, %mul3A_145 : i32
      %add3A_147 = arith.constant 7 : i32
      %add3A_148 = arith.addi %mul3A_146, %add3A_147 : i32
      %mul3A_149 = arith.constant 8 : i32
      %mul3A_150 = arith.muli %scan3A_19, %mul3A_149 : i32
      %add3A_151 = arith.constant 7 : i32
      %add3A_152 = arith.addi %mul3A_150, %add3A_151 : i32
      %mul3A_153 = arith.constant 128 : i32
      %mul3A_154 = arith.muli %add3A_152, %mul3A_153 : i32
      %dma_start3A_155 = arith.constant 0 : i32
      %dma_start3A_156 = tpu.memref_slice %arg6[%mul3A_154, %dma_start3A_155] : memref<5120x16xf32, #tpu.memory_space<vmem>> -> memref<128x16xf32, #tpu.memory_space<vmem>>
      %dma_start3A_157 = arith.constant 0 : i32
      %dma_start3A_158 = tpu.memref_slice %arg5[%add3A_148, %dma_start3A_157] : memref<40x128xi32, #tpu.memory_space<vmem>> -> memref<1x128xi32, #tpu.memory_space<vmem>>
      %dma_start3A_159 = tpu.memref_squeeze %dma_start3A_158 : memref<1x128xi32, #tpu.memory_space<vmem>> -> memref<128xi32, #tpu.memory_space<vmem>>
      %dma_start3A_160 = arith.constant 0 : i32
      %dma_start3A_161 = arith.constant 0 : i32
      %dma_start3A_162 = tpu.memref_slice %arg2[%dma_start3A_160, %dma_start3A_161] : memref<10000x16xf32, #tpu.memory_space<hbm>> -> memref<10000x16xf32, #tpu.memory_space<hbm>>
      tpu.enqueue_indirect_dma source(%dma_start3A_162 : memref<10000x16xf32, #tpu.memory_space<hbm>>) target(%dma_start3A_156 : memref<128x16xf32, #tpu.memory_space<vmem>>) offsets(%dma_start3A_159 : memref<128xi32, #tpu.memory_space<vmem>>) semaphore(%arg7 : memref<!tpu.dma_semaphore, #tpu.memory_space<semaphore_mem>>)
      %gt3A = arith.constant 0 : i32
      %gt3A_163 = arith.cmpi sgt, %scan3A_19, %gt3A : i32
      %convert_element_type3A = arith.extui %gt3A_163 : i1 to i32
      %cond3A = arith.constant 0 : i32
      %cond3A_164 = arith.cmpi ne, %convert_element_type3A, %cond3A : i32
      scf.if %cond3A_164 {
        %dma_wait3A_165 = arith.constant 0 : i32
        %dma_wait3A_166 = arith.constant 0 : i32
        %dma_wait3A_167 = tpu.memref_slice %arg6[%dma_wait3A_165, %dma_wait3A_166] : memref<5120x16xf32, #tpu.memory_space<vmem>> -> memref<1024x16xf32, #tpu.memory_space<vmem>>
        %dma_wait3A_168 = arith.constant 0 : i32
        %dma_wait3A_169 = arith.constant 0 : i32
        %dma_wait3A_170 = tpu.memref_slice %arg4[%add3A, %dma_wait3A_168, %dma_wait3A_169] : memref<32x5120x16xf32, #tpu.memory_space<hbm>> -> memref<1x1024x16xf32, #tpu.memory_space<hbm>>
        %dma_wait3A_171 = tpu.memref_squeeze %dma_wait3A_170 : memref<1x1024x16xf32, #tpu.memory_space<hbm>> -> memref<1024x16xf32, #tpu.memory_space<hbm>>
        %dma_wait3A_172 = arith.constant 0 : i32
        %dma_wait3A_173 = arith.constant 0 : i32
        %dma_wait3A_174 = tpu.memref_slice %arg6[%dma_wait3A_172, %dma_wait3A_173] : memref<5120x16xf32, #tpu.memory_space<vmem>> -> memref<1024x16xf32, #tpu.memory_space<vmem>>
        %dma_wait3A_175 = arith.constant 0 : i32
        %dma_wait3A_176 = arith.constant 0 : i32
        %dma_wait3A_177 = tpu.memref_slice %arg4[%add3A, %dma_wait3A_175, %dma_wait3A_176] : memref<32x5120x16xf32, #tpu.memory_space<hbm>> -> memref<1x1024x16xf32, #tpu.memory_space<hbm>>
        %dma_wait3A_178 = tpu.memref_squeeze %dma_wait3A_177 : memref<1x1024x16xf32, #tpu.memory_space<hbm>> -> memref<1024x16xf32, #tpu.memory_space<hbm>>
        tpu.wait_dma2 semaphore(%arg7 : memref<!tpu.dma_semaphore, #tpu.memory_space<semaphore_mem>>) src(%dma_wait3A_178 : memref<1024x16xf32, #tpu.memory_space<hbm>>) dst(%dma_wait3A_174 : memref<1024x16xf32, #tpu.memory_space<vmem>>)
      } else {
      }
    }
    %scan3A_5 = arith.constant 5 : i32
    %dma_wait3A = arith.constant 0 : i32
    %dma_wait3A_6 = arith.constant 0 : i32
    %dma_wait3A_7 = tpu.memref_slice %arg6[%dma_wait3A, %dma_wait3A_6] : memref<5120x16xf32, #tpu.memory_space<vmem>> -> memref<1024x16xf32, #tpu.memory_space<vmem>>
    %dma_wait3A_8 = arith.constant 0 : i32
    %dma_wait3A_9 = arith.constant 0 : i32
    %dma_wait3A_10 = tpu.memref_slice %arg4[%add3A, %dma_wait3A_8, %dma_wait3A_9] : memref<32x5120x16xf32, #tpu.memory_space<hbm>> -> memref<1x1024x16xf32, #tpu.memory_space<hbm>>
    %dma_wait3A_11 = tpu.memref_squeeze %dma_wait3A_10 : memref<1x1024x16xf32, #tpu.memory_space<hbm>> -> memref<1024x16xf32, #tpu.memory_space<hbm>>
    %dma_wait3A_12 = arith.constant 0 : i32
    %dma_wait3A_13 = arith.constant 0 : i32
    %dma_wait3A_14 = tpu.memref_slice %arg6[%dma_wait3A_12, %dma_wait3A_13] : memref<5120x16xf32, #tpu.memory_space<vmem>> -> memref<1024x16xf32, #tpu.memory_space<vmem>>
    %dma_wait3A_15 = arith.constant 0 : i32
    %dma_wait3A_16 = arith.constant 0 : i32
    %dma_wait3A_17 = tpu.memref_slice %arg4[%add3A, %dma_wait3A_15, %dma_wait3A_16] : memref<32x5120x16xf32, #tpu.memory_space<hbm>> -> memref<1x1024x16xf32, #tpu.memory_space<hbm>>
    %dma_wait3A_18 = tpu.memref_squeeze %dma_wait3A_17 : memref<1x1024x16xf32, #tpu.memory_space<hbm>> -> memref<1024x16xf32, #tpu.memory_space<hbm>>
    tpu.wait_dma2 semaphore(%arg7 : memref<!tpu.dma_semaphore, #tpu.memory_space<semaphore_mem>>) src(%dma_wait3A_18 : memref<1024x16xf32, #tpu.memory_space<hbm>>) dst(%dma_wait3A_14 : memref<1024x16xf32, #tpu.memory_space<vmem>>)
    "tpu.region"() ({
      %run_scoped3A = tpu.sem_alloc : memref<!tpu.dma_semaphore, #tpu.memory_space<semaphore_mem>>
      %dma_start3A = arith.constant 0 : i32
      %dma_start3A_19 = arith.constant 0 : i32
      %dma_start3A_20 = tpu.memref_slice %arg4[%add3A, %dma_start3A, %dma_start3A_19] : memref<32x5120x16xf32, #tpu.memory_space<hbm>> -> memref<1x5120x16xf32, #tpu.memory_space<hbm>>
      %dma_start3A_21 = tpu.memref_squeeze %dma_start3A_20 : memref<1x5120x16xf32, #tpu.memory_space<hbm>> -> memref<5120x16xf32, #tpu.memory_space<hbm>>
      %dma_start3A_22 = arith.constant 0 : i32
      %dma_start3A_23 = arith.constant 0 : i32
      %dma_start3A_24 = tpu.memref_slice %arg4[%add3A, %dma_start3A_22, %dma_start3A_23] : memref<32x5120x16xf32, #tpu.memory_space<hbm>> -> memref<1x5120x16xf32, #tpu.memory_space<hbm>>
      %dma_start3A_25 = tpu.memref_squeeze %dma_start3A_24 : memref<1x5120x16xf32, #tpu.memory_space<hbm>> -> memref<5120x16xf32, #tpu.memory_space<hbm>>
      tpu.enqueue_dma source(%arg6 : memref<5120x16xf32, #tpu.memory_space<vmem>>) target(%dma_start3A_25 : memref<5120x16xf32, #tpu.memory_space<hbm>>) target_semaphore(%run_scoped3A : memref<!tpu.dma_semaphore, #tpu.memory_space<semaphore_mem>>)
      %dma_wait3A_26 = arith.constant 0 : i32
      %dma_wait3A_27 = arith.constant 0 : i32
      %dma_wait3A_28 = tpu.memref_slice %arg4[%add3A, %dma_wait3A_26, %dma_wait3A_27] : memref<32x5120x16xf32, #tpu.memory_space<hbm>> -> memref<1x5120x16xf32, #tpu.memory_space<hbm>>
      %dma_wait3A_29 = tpu.memref_squeeze %dma_wait3A_28 : memref<1x5120x16xf32, #tpu.memory_space<hbm>> -> memref<5120x16xf32, #tpu.memory_space<hbm>>
      %dma_wait3A_30 = arith.constant 0 : i32
      %dma_wait3A_31 = arith.constant 0 : i32
      %dma_wait3A_32 = tpu.memref_slice %arg4[%add3A, %dma_wait3A_30, %dma_wait3A_31] : memref<32x5120x16xf32, #tpu.memory_space<hbm>> -> memref<1x5120x16xf32, #tpu.memory_space<hbm>>
      %dma_wait3A_33 = tpu.memref_squeeze %dma_wait3A_32 : memref<1x5120x16xf32, #tpu.memory_space<hbm>> -> memref<5120x16xf32, #tpu.memory_space<hbm>>
      tpu.wait_dma2 semaphore(%run_scoped3A : memref<!tpu.dma_semaphore, #tpu.memory_space<semaphore_mem>>) src(%arg6 : memref<5120x16xf32, #tpu.memory_space<vmem>>) dst(%dma_wait3A_33 : memref<5120x16xf32, #tpu.memory_space<hbm>>)
      tpu.yield
    }) : () -> ()
    return
  }
}

#map = affine_map<(d0, d1) -> (0, 0, 0)>
module attributes {stable_mosaic.version = 14 : i64} {
  func.func @_sc_scatter(%arg0: i32, %arg1: i32, %arg2: memref<32x5120x16xf32, #tpu.memory_space<hbm>>, %arg3: memref<32x40x128xi32, #tpu.memory_space<hbm>>, %arg4: memref<2x10240x16xf32, #tpu.memory_space<hbm>>, %arg5: memref<40x128xi32, #tpu.memory_space<vmem>>, %arg6: memref<5120x16xf32, #tpu.memory_space<vmem>>, %arg7: memref<640x16xf32, #tpu.memory_space<vmem>>, %arg8: memref<10240x16xf32, #tpu.memory_space<vmem_shared>>, %arg9: memref<!tpu.dma_semaphore, #tpu.memory_space<semaphore_mem>>) attributes {dimension_semantics = [#tpu.dimension_semantics<core_parallel>, #tpu.dimension_semantics<subcore_parallel>], iteration_bounds = array<i64: 2, 16>, scalar_prefetch = 0 : i64, scratch_operands = 5 : i64, tpu.core_type = #tpu.core_type<sc_vector_subcore>, window_params = [{transform_indices = #map}, {transform_indices = #map}, {transform_indices = #map}]} {
    %mul3A = arith.constant 2 : i32
    %mul3A_0 = arith.muli %arg1, %mul3A : i32
    %add3A = arith.addi %mul3A_0, %arg0 : i32
    %scan3A = arith.constant 0 : i32
    %scan3A_1 = arith.constant 0 : i32
    %scan3A_2 = arith.constant 640 : i32
    %scan3A_3 = arith.addi %scan3A_1, %scan3A_2 : i32
    %scan3A_4 = arith.constant 1 : i32
    scf.for %scan3A_19 = %scan3A_1 to %scan3A_3 step %scan3A_4  : i32 {
      %broadcast_in_dim3A = arith.constant 0.000000e+00 : f32
      %broadcast_in_dim3A_20 = vector.broadcast %broadcast_in_dim3A : f32 to vector<16xf32>
      %swap3A = arith.index_cast %scan3A_19 : i32 to index
      %swap3A_21 = arith.constant 0 : index
      %swap3A_22 = tpu.vector_load %arg7[%swap3A, %swap3A_21] {strides = array<i32>} : memref<640x16xf32, #tpu.memory_space<vmem>>, vector<1x16xf32>,
      %swap3A_23 = vector.shape_cast %swap3A_22 : vector<1x16xf32> to vector<16xf32>
      %swap3A_24 = vector.shape_cast %broadcast_in_dim3A_20 : vector<16xf32> to vector<1x16xf32>
      tpu.vector_store %arg7[%swap3A, %swap3A_21], %swap3A_24 {strides = array<i32>} : memref<640x16xf32, #tpu.memory_space<vmem>>, vector<1x16xf32>,
    }
    %scan3A_5 = arith.constant 640 : i32
    %mul3A_6 = arith.constant 640 : i32
    %mul3A_7 = arith.muli %arg1, %mul3A_6 : i32
    "tpu.region"() ({
      %run_scoped3A = tpu.sem_alloc : memref<!tpu.dma_semaphore, #tpu.memory_space<semaphore_mem>>
      %dma_start3A = arith.constant 0 : i32
      %dma_start3A_19 = tpu.memref_slice %arg8[%mul3A_7, %dma_start3A] : memref<10240x16xf32, #tpu.memory_space<vmem_shared>> -> memref<640x16xf32, #tpu.memory_space<vmem_shared>>
      %dma_start3A_20 = arith.constant 0 : i32
      %dma_start3A_21 = tpu.memref_slice %arg8[%mul3A_7, %dma_start3A_20] : memref<10240x16xf32, #tpu.memory_space<vmem_shared>> -> memref<640x16xf32, #tpu.memory_space<vmem_shared>>
      tpu.enqueue_dma source(%arg7 : memref<640x16xf32, #tpu.memory_space<vmem>>) target(%dma_start3A_21 : memref<640x16xf32, #tpu.memory_space<vmem_shared>>) target_semaphore(%run_scoped3A : memref<!tpu.dma_semaphore, #tpu.memory_space<semaphore_mem>>)
      %dma_wait3A = arith.constant 0 : i32
      %dma_wait3A_22 = tpu.memref_slice %arg8[%mul3A_7, %dma_wait3A] : memref<10240x16xf32, #tpu.memory_space<vmem_shared>> -> memref<640x16xf32, #tpu.memory_space<vmem_shared>>
      %dma_wait3A_23 = arith.constant 0 : i32
      %dma_wait3A_24 = tpu.memref_slice %arg8[%mul3A_7, %dma_wait3A_23] : memref<10240x16xf32, #tpu.memory_space<vmem_shared>> -> memref<640x16xf32, #tpu.memory_space<vmem_shared>>
      tpu.wait_dma2 semaphore(%run_scoped3A : memref<!tpu.dma_semaphore, #tpu.memory_space<semaphore_mem>>) src(%arg7 : memref<640x16xf32, #tpu.memory_space<vmem>>) dst(%dma_wait3A_24 : memref<640x16xf32, #tpu.memory_space<vmem_shared>>)
      tpu.yield
    }) : () -> ()
    "tpu.region"() ({
      %run_scoped3A = tpu.sem_alloc : memref<!tpu.dma_semaphore, #tpu.memory_space<semaphore_mem>>
      %dma_start3A = arith.constant 0 : i32
      %dma_start3A_19 = arith.constant 0 : i32
      %dma_start3A_20 = tpu.memref_slice %arg3[%add3A, %dma_start3A, %dma_start3A_19] : memref<32x40x128xi32, #tpu.memory_space<hbm>> -> memref<1x40x128xi32, #tpu.memory_space<hbm>>
      %dma_start3A_21 = tpu.memref_squeeze %dma_start3A_20 : memref<1x40x128xi32, #tpu.memory_space<hbm>> -> memref<40x128xi32, #tpu.memory_space<hbm>>
      %dma_start3A_22 = arith.constant 0 : i32
      %dma_start3A_23 = arith.constant 0 : i32
      %dma_start3A_24 = tpu.memref_slice %arg3[%add3A, %dma_start3A_22, %dma_start3A_23] : memref<32x40x128xi32, #tpu.memory_space<hbm>> -> memref<1x40x128xi32, #tpu.memory_space<hbm>>
      %dma_start3A_25 = tpu.memref_squeeze %dma_start3A_24 : memref<1x40x128xi32, #tpu.memory_space<hbm>> -> memref<40x128xi32, #tpu.memory_space<hbm>>
      tpu.enqueue_dma source(%dma_start3A_25 : memref<40x128xi32, #tpu.memory_space<hbm>>) target(%arg5 : memref<40x128xi32, #tpu.memory_space<vmem>>) target_semaphore(%run_scoped3A : memref<!tpu.dma_semaphore, #tpu.memory_space<semaphore_mem>>)
      %dma_wait3A = arith.constant 0 : i32
      %dma_wait3A_26 = arith.constant 0 : i32
      %dma_wait3A_27 = tpu.memref_slice %arg3[%add3A, %dma_wait3A, %dma_wait3A_26] : memref<32x40x128xi32, #tpu.memory_space<hbm>> -> memref<1x40x128xi32, #tpu.memory_space<hbm>>
      %dma_wait3A_28 = tpu.memref_squeeze %dma_wait3A_27 : memref<1x40x128xi32, #tpu.memory_space<hbm>> -> memref<40x128xi32, #tpu.memory_space<hbm>>
      %dma_wait3A_29 = arith.constant 0 : i32
      %dma_wait3A_30 = arith.constant 0 : i32
      %dma_wait3A_31 = tpu.memref_slice %arg3[%add3A, %dma_wait3A_29, %dma_wait3A_30] : memref<32x40x128xi32, #tpu.memory_space<hbm>> -> memref<1x40x128xi32, #tpu.memory_space<hbm>>
      %dma_wait3A_32 = tpu.memref_squeeze %dma_wait3A_31 : memref<1x40x128xi32, #tpu.memory_space<hbm>> -> memref<40x128xi32, #tpu.memory_space<hbm>>
      tpu.wait_dma2 semaphore(%run_scoped3A : memref<!tpu.dma_semaphore, #tpu.memory_space<semaphore_mem>>) src(%dma_wait3A_32 : memref<40x128xi32, #tpu.memory_space<hbm>>) dst(%arg5 : memref<40x128xi32, #tpu.memory_space<vmem>>)
      tpu.yield
    }) : () -> ()
    "tpu.region"() ({
      %run_scoped3A = tpu.sem_alloc : memref<!tpu.dma_semaphore, #tpu.memory_space<semaphore_mem>>
      %dma_start3A = arith.constant 0 : i32
      %dma_start3A_19 = arith.constant 0 : i32
      %dma_start3A_20 = tpu.memref_slice %arg2[%add3A, %dma_start3A, %dma_start3A_19] : memref<32x5120x16xf32, #tpu.memory_space<hbm>> -> memref<1x5120x16xf32, #tpu.memory_space<hbm>>
      %dma_start3A_21 = tpu.memref_squeeze %dma_start3A_20 : memref<1x5120x16xf32, #tpu.memory_space<hbm>> -> memref<5120x16xf32, #tpu.memory_space<hbm>>
      %dma_start3A_22 = arith.constant 0 : i32
      %dma_start3A_23 = arith.constant 0 : i32
      %dma_start3A_24 = tpu.memref_slice %arg2[%add3A, %dma_start3A_22, %dma_start3A_23] : memref<32x5120x16xf32, #tpu.memory_space<hbm>> -> memref<1x5120x16xf32, #tpu.memory_space<hbm>>
      %dma_start3A_25 = tpu.memref_squeeze %dma_start3A_24 : memref<1x5120x16xf32, #tpu.memory_space<hbm>> -> memref<5120x16xf32, #tpu.memory_space<hbm>>
      tpu.enqueue_dma source(%dma_start3A_25 : memref<5120x16xf32, #tpu.memory_space<hbm>>) target(%arg6 : memref<5120x16xf32, #tpu.memory_space<vmem>>) target_semaphore(%run_scoped3A : memref<!tpu.dma_semaphore, #tpu.memory_space<semaphore_mem>>)
      %dma_wait3A = arith.constant 0 : i32
      %dma_wait3A_26 = arith.constant 0 : i32
      %dma_wait3A_27 = tpu.memref_slice %arg2[%add3A, %dma_wait3A, %dma_wait3A_26] : memref<32x5120x16xf32, #tpu.memory_space<hbm>> -> memref<1x5120x16xf32, #tpu.memory_space<hbm>>
      %dma_wait3A_28 = tpu.memref_squeeze %dma_wait3A_27 : memref<1x5120x16xf32, #tpu.memory_space<hbm>> -> memref<5120x16xf32, #tpu.memory_space<hbm>>
      %dma_wait3A_29 = arith.constant 0 : i32
      %dma_wait3A_30 = arith.constant 0 : i32
      %dma_wait3A_31 = tpu.memref_slice %arg2[%add3A, %dma_wait3A_29, %dma_wait3A_30] : memref<32x5120x16xf32, #tpu.memory_space<hbm>> -> memref<1x5120x16xf32, #tpu.memory_space<hbm>>
      %dma_wait3A_32 = tpu.memref_squeeze %dma_wait3A_31 : memref<1x5120x16xf32, #tpu.memory_space<hbm>> -> memref<5120x16xf32, #tpu.memory_space<hbm>>
      tpu.wait_dma2 semaphore(%run_scoped3A : memref<!tpu.dma_semaphore, #tpu.memory_space<semaphore_mem>>) src(%dma_wait3A_32 : memref<5120x16xf32, #tpu.memory_space<hbm>>) dst(%arg6 : memref<5120x16xf32, #tpu.memory_space<vmem>>)
      tpu.yield
    }) : () -> ()
    %barrier3A = arith.constant 0 : index
    tpu.barrier barrier_id(%barrier3A)
    %scan3A_8 = arith.constant 0 : i32
    %scan3A_9 = arith.constant 0 : i32
    %scan3A_10 = arith.constant 40 : i32
    %scan3A_11 = arith.addi %scan3A_9, %scan3A_10 : i32
    %scan3A_12 = arith.constant 1 : i32
    scf.for %scan3A_19 = %scan3A_9 to %scan3A_11 step %scan3A_12  : i32 {
      %mul3A_20 = arith.constant 128 : i32
      %mul3A_21 = arith.muli %scan3A_19, %mul3A_20 : i32
      "tpu.region"() ({
        %run_scoped3A = tpu.sem_alloc : memref<!tpu.dma_semaphore, #tpu.memory_space<semaphore_mem>>
        %dma_start3A = arith.constant 0 : i32
        %dma_start3A_22 = tpu.memref_slice %arg6[%mul3A_21, %dma_start3A] : memref<5120x16xf32, #tpu.memory_space<vmem>> -> memref<128x16xf32, #tpu.memory_space<vmem>>
        %dma_start3A_23 = arith.constant 0 : i32
        %dma_start3A_24 = tpu.memref_slice %arg5[%scan3A_19, %dma_start3A_23] : memref<40x128xi32, #tpu.memory_space<vmem>> -> memref<1x128xi32, #tpu.memory_space<vmem>>
        %dma_start3A_25 = tpu.memref_squeeze %dma_start3A_24 : memref<1x128xi32, #tpu.memory_space<vmem>> -> memref<128xi32, #tpu.memory_space<vmem>>
        %dma_start3A_26 = arith.constant 0 : i32
        %dma_start3A_27 = arith.constant 0 : i32
        %dma_start3A_28 = tpu.memref_slice %arg8[%dma_start3A_26, %dma_start3A_27] : memref<10240x16xf32, #tpu.memory_space<vmem_shared>> -> memref<10240x16xf32, #tpu.memory_space<vmem_shared>>
        tpu.enqueue_indirect_dma source(%dma_start3A_22 : memref<128x16xf32, #tpu.memory_space<vmem>>) target(%dma_start3A_28 : memref<10240x16xf32, #tpu.memory_space<vmem_shared>>) offsets(%dma_start3A_25 : memref<128xi32, #tpu.memory_space<vmem>>) semaphore(%run_scoped3A : memref<!tpu.dma_semaphore, #tpu.memory_space<semaphore_mem>>) {add = true}
        %dma_wait3A = arith.constant 0 : i32
        %dma_wait3A_29 = tpu.memref_slice %arg6[%mul3A_21, %dma_wait3A] : memref<5120x16xf32, #tpu.memory_space<vmem>> -> memref<128x16xf32, #tpu.memory_space<vmem>>
        %dma_wait3A_30 = arith.constant 0 : i32
        %dma_wait3A_31 = tpu.memref_slice %arg5[%scan3A_19, %dma_wait3A_30] : memref<40x128xi32, #tpu.memory_space<vmem>> -> memref<1x128xi32, #tpu.memory_space<vmem>>
        %dma_wait3A_32 = tpu.memref_squeeze %dma_wait3A_31 : memref<1x128xi32, #tpu.memory_space<vmem>> -> memref<128xi32, #tpu.memory_space<vmem>>
        %dma_wait3A_33 = arith.constant 0 : i32
        %dma_wait3A_34 = arith.constant 0 : i32
        %dma_wait3A_35 = tpu.memref_slice %arg8[%dma_wait3A_33, %dma_wait3A_34] : memref<10240x16xf32, #tpu.memory_space<vmem_shared>> -> memref<10240x16xf32, #tpu.memory_space<vmem_shared>>
        tpu.wait_indirect_dma semaphore(%run_scoped3A : memref<!tpu.dma_semaphore, #tpu.memory_space<semaphore_mem>>) src(%dma_wait3A_29 : memref<128x16xf32, #tpu.memory_space<vmem>>) dst(%dma_wait3A_35 : memref<10240x16xf32, #tpu.memory_space<vmem_shared>>)
        tpu.yield
      }) : () -> ()
    }
    %scan3A_13 = arith.constant 40 : i32
    %barrier3A_14 = arith.constant 0 : index
    tpu.barrier barrier_id(%barrier3A_14)
    %mul3A_15 = arith.constant 640 : i32
    %mul3A_16 = arith.muli %arg1, %mul3A_15 : i32
    "tpu.region"() ({
      %run_scoped3A = tpu.sem_alloc : memref<!tpu.dma_semaphore, #tpu.memory_space<semaphore_mem>>
      %dma_start3A = arith.constant 0 : i32
      %dma_start3A_19 = tpu.memref_slice %arg8[%mul3A_16, %dma_start3A] : memref<10240x16xf32, #tpu.memory_space<vmem_shared>> -> memref<640x16xf32, #tpu.memory_space<vmem_shared>>
      %dma_start3A_20 = arith.constant 0 : i32
      %dma_start3A_21 = tpu.memref_slice %arg8[%mul3A_16, %dma_start3A_20] : memref<10240x16xf32, #tpu.memory_space<vmem_shared>> -> memref<640x16xf32, #tpu.memory_space<vmem_shared>>
      tpu.enqueue_dma source(%dma_start3A_21 : memref<640x16xf32, #tpu.memory_space<vmem_shared>>) target(%arg7 : memref<640x16xf32, #tpu.memory_space<vmem>>) target_semaphore(%run_scoped3A : memref<!tpu.dma_semaphore, #tpu.memory_space<semaphore_mem>>)
      %dma_wait3A = arith.constant 0 : i32
      %dma_wait3A_22 = tpu.memref_slice %arg8[%mul3A_16, %dma_wait3A] : memref<10240x16xf32, #tpu.memory_space<vmem_shared>> -> memref<640x16xf32, #tpu.memory_space<vmem_shared>>
      %dma_wait3A_23 = arith.constant 0 : i32
      %dma_wait3A_24 = tpu.memref_slice %arg8[%mul3A_16, %dma_wait3A_23] : memref<10240x16xf32, #tpu.memory_space<vmem_shared>> -> memref<640x16xf32, #tpu.memory_space<vmem_shared>>
      tpu.wait_dma2 semaphore(%run_scoped3A : memref<!tpu.dma_semaphore, #tpu.memory_space<semaphore_mem>>) src(%dma_wait3A_24 : memref<640x16xf32, #tpu.memory_space<vmem_shared>>) dst(%arg7 : memref<640x16xf32, #tpu.memory_space<vmem>>)
      tpu.yield
    }) : () -> ()
    %mul3A_17 = arith.constant 640 : i32
    %mul3A_18 = arith.muli %arg1, %mul3A_17 : i32
    "tpu.region"() ({
      %run_scoped3A = tpu.sem_alloc : memref<!tpu.dma_semaphore, #tpu.memory_space<semaphore_mem>>
      %dma_start3A = arith.constant 0 : i32
      %dma_start3A_19 = tpu.memref_slice %arg4[%arg0, %mul3A_18, %dma_start3A] : memref<2x10240x16xf32, #tpu.memory_space<hbm>> -> memref<1x640x16xf32, #tpu.memory_space<hbm>>
      %dma_start3A_20 = tpu.memref_squeeze %dma_start3A_19 : memref<1x640x16xf32, #tpu.memory_space<hbm>> -> memref<640x16xf32, #tpu.memory_space<hbm>>
      %dma_start3A_21 = arith.constant 0 : i32
      %dma_start3A_22 = tpu.memref_slice %arg4[%arg0, %mul3A_18, %dma_start3A_21] : memref<2x10240x16xf32, #tpu.memory_space<hbm>> -> memref<1x640x16xf32, #tpu.memory_space<hbm>>
      %dma_start3A_23 = tpu.memref_squeeze %dma_start3A_22 : memref<1x640x16xf32, #tpu.memory_space<hbm>> -> memref<640x16xf32, #tpu.memory_space<hbm>>
      tpu.enqueue_dma source(%arg7 : memref<640x16xf32, #tpu.memory_space<vmem>>) target(%dma_start3A_23 : memref<640x16xf32, #tpu.memory_space<hbm>>) target_semaphore(%run_scoped3A : memref<!tpu.dma_semaphore, #tpu.memory_space<semaphore_mem>>)
      %dma_wait3A = arith.constant 0 : i32
      %dma_wait3A_24 = tpu.memref_slice %arg4[%arg0, %mul3A_18, %dma_wait3A] : memref<2x10240x16xf32, #tpu.memory_space<hbm>> -> memref<1x640x16xf32, #tpu.memory_space<hbm>>
      %dma_wait3A_25 = tpu.memref_squeeze %dma_wait3A_24 : memref<1x640x16xf32, #tpu.memory_space<hbm>> -> memref<640x16xf32, #tpu.memory_space<hbm>>
      %dma_wait3A_26 = arith.constant 0 : i32
      %dma_wait3A_27 = tpu.memref_slice %arg4[%arg0, %mul3A_18, %dma_wait3A_26] : memref<2x10240x16xf32, #tpu.memory_space<hbm>> -> memref<1x640x16xf32, #tpu.memory_space<hbm>>
      %dma_wait3A_28 = tpu.memref_squeeze %dma_wait3A_27 : memref<1x640x16xf32, #tpu.memory_space<hbm>> -> memref<640x16xf32, #tpu.memory_space<hbm>>
      tpu.wait_dma2 semaphore(%run_scoped3A : memref<!tpu.dma_semaphore, #tpu.memory_space<semaphore_mem>>) src(%arg7 : memref<640x16xf32, #tpu.memory_space<vmem>>) dst(%dma_wait3A_28 : memref<640x16xf32, #tpu.memory_space<hbm>>)
      tpu.yield
    }) : () -> ()
    return
  }
}

#map = affine_map<(d0, d1) -> (0, 0)>
#map1 = affine_map<(d0, d1) -> (0, 0, 0)>
module attributes {stable_mosaic.version = 14 : i64} {
  func.func @_sc_gather(%arg0: i32, %arg1: i32, %arg2: memref<10000x16xf32, #tpu.memory_space<hbm>>, %arg3: memref<32x40x128xi32, #tpu.memory_space<hbm>>, %arg4: memref<32x5120x16xf32, #tpu.memory_space<hbm>>, %arg5: memref<40x128xi32, #tpu.memory_space<vmem>>, %arg6: memref<5120x16xf32, #tpu.memory_space<vmem>>, %arg7: memref<!tpu.dma_semaphore, #tpu.memory_space<semaphore_mem>>) attributes {dimension_semantics = [#tpu.dimension_semantics<core_parallel>, #tpu.dimension_semantics<subcore_parallel>], iteration_bounds = array<i64: 2, 16>, scalar_prefetch = 0 : i64, scratch_operands = 3 : i64, tpu.core_type = #tpu.core_type<sc_vector_subcore>, window_params = [{transform_indices = #map}, {transform_indices = #map1}, {transform_indices = #map1}]} {
    %mul3A = arith.constant 2 : i32
    %mul3A_0 = arith.muli %arg1, %mul3A : i32
    %add3A = arith.addi %mul3A_0, %arg0 : i32
    "tpu.region"() ({
      %run_scoped3A = tpu.sem_alloc : memref<!tpu.dma_semaphore, #tpu.memory_space<semaphore_mem>>
      %dma_start3A = arith.constant 0 : i32
      %dma_start3A_19 = arith.constant 0 : i32
      %dma_start3A_20 = tpu.memref_slice %arg3[%add3A, %dma_start3A, %dma_start3A_19] : memref<32x40x128xi32, #tpu.memory_space<hbm>> -> memref<1x40x128xi32, #tpu.memory_space<hbm>>
      %dma_start3A_21 = tpu.memref_squeeze %dma_start3A_20 : memref<1x40x128xi32, #tpu.memory_space<hbm>> -> memref<40x128xi32, #tpu.memory_space<hbm>>
      %dma_start3A_22 = arith.constant 0 : i32
      %dma_start3A_23 = arith.constant 0 : i32
      %dma_start3A_24 = tpu.memref_slice %arg3[%add3A, %dma_start3A_22, %dma_start3A_23] : memref<32x40x128xi32, #tpu.memory_space<hbm>> -> memref<1x40x128xi32, #tpu.memory_space<hbm>>
      %dma_start3A_25 = tpu.memref_squeeze %dma_start3A_24 : memref<1x40x128xi32, #tpu.memory_space<hbm>> -> memref<40x128xi32, #tpu.memory_space<hbm>>
      tpu.enqueue_dma source(%dma_start3A_25 : memref<40x128xi32, #tpu.memory_space<hbm>>) target(%arg5 : memref<40x128xi32, #tpu.memory_space<vmem>>) target_semaphore(%run_scoped3A : memref<!tpu.dma_semaphore, #tpu.memory_space<semaphore_mem>>)
      %dma_wait3A_26 = arith.constant 0 : i32
      %dma_wait3A_27 = arith.constant 0 : i32
      %dma_wait3A_28 = tpu.memref_slice %arg3[%add3A, %dma_wait3A_26, %dma_wait3A_27] : memref<32x40x128xi32, #tpu.memory_space<hbm>> -> memref<1x40x128xi32, #tpu.memory_space<hbm>>
      %dma_wait3A_29 = tpu.memref_squeeze %dma_wait3A_28 : memref<1x40x128xi32, #tpu.memory_space<hbm>> -> memref<40x128xi32, #tpu.memory_space<hbm>>
      %dma_wait3A_30 = arith.constant 0 : i32
      %dma_wait3A_31 = arith.constant 0 : i32
      %dma_wait3A_32 = tpu.memref_slice %arg3[%add3A, %dma_wait3A_30, %dma_wait3A_31] : memref<32x40x128xi32, #tpu.memory_space<hbm>> -> memref<1x40x128xi32, #tpu.memory_space<hbm>>
      %dma_wait3A_33 = tpu.memref_squeeze %dma_wait3A_32 : memref<1x40x128xi32, #tpu.memory_space<hbm>> -> memref<40x128xi32, #tpu.memory_space<hbm>>
      tpu.wait_dma2 semaphore(%run_scoped3A : memref<!tpu.dma_semaphore, #tpu.memory_space<semaphore_mem>>) src(%dma_wait3A_33 : memref<40x128xi32, #tpu.memory_space<hbm>>) dst(%arg5 : memref<40x128xi32, #tpu.memory_space<vmem>>)
      tpu.yield
    }) : () -> ()
    %scan3A = arith.constant 0 : i32
    %scan3A_1 = arith.constant 0 : i32
    %scan3A_2 = arith.constant 5 : i32
    %scan3A_3 = arith.addi %scan3A_1, %scan3A_2 : i32
    %scan3A_4 = arith.constant 1 : i32
    scf.for %scan3A_19 = %scan3A_1 to %scan3A_3 step %scan3A_4  : i32 {
      %mul3A_20 = arith.constant 8 : i32
      %mul3A_21 = arith.muli %scan3A_19, %mul3A_20 : i32
      %add3A_22 = arith.constant 0 : i32
      %add3A_23 = arith.addi %mul3A_21, %add3A_22 : i32
      %mul3A_24 = arith.constant 8 : i32
      %mul3A_25 = arith.muli %scan3A_19, %mul3A_24 : i32
      %add3A_26 = arith.constant 0 : i32
      %add3A_27 = arith.addi %mul3A_25, %add3A_26 : i32
      %mul3A_28 = arith.constant 128 : i32
      %mul3A_29 = arith.muli %add3A_27, %mul3A_28 : i32
      %dma_start3A = arith.constant 0 : i32
      %dma_start3A_30 = tpu.memref_slice %arg6[%mul3A_29, %dma_start3A] : memref<5120x16xf32, #tpu.memory_space<vmem>> -> memref<128x16xf32, #tpu.memory_space<vmem>>
      %dma_start3A_31 = arith.constant 0 : i32
      %dma_start3A_32 = tpu.memref_slice %arg5[%add3A_23, %dma_start3A_31] : memref<40x128xi32, #tpu.memory_space<vmem>> -> memref<1x128xi32, #tpu.memory_space<vmem>>
      %dma_start3A_33 = tpu.memref_squeeze %dma_start3A_32 : memref<1x128xi32, #tpu.memory_space<vmem>> -> memref<128xi32, #tpu.memory_space<vmem>>
      %dma_start3A_34 = arith.constant 0 : i32
      %dma_start3A_35 = arith.constant 0 : i32
      %dma_start3A_36 = tpu.memref_slice %arg2[%dma_start3A_34, %dma_start3A_35] : memref<10000x16xf32, #tpu.memory_space<hbm>> -> memref<10000x16xf32, #tpu.memory_space<hbm>>
      tpu.enqueue_indirect_dma source(%dma_start3A_36 : memref<10000x16xf32, #tpu.memory_space<hbm>>) target(%dma_start3A_30 : memref<128x16xf32, #tpu.memory_space<vmem>>) offsets(%dma_start3A_33 : memref<128xi32, #tpu.memory_space<vmem>>) semaphore(%arg7 : memref<!tpu.dma_semaphore, #tpu.memory_space<semaphore_mem>>)
      %mul3A_37 = arith.constant 8 : i32
      %mul3A_38 = arith.muli %scan3A_19, %mul3A_37 : i32
      %add3A_39 = arith.constant 1 : i32
      %add3A_40 = arith.addi %mul3A_38, %add3A_39 : i32
      %mul3A_41 = arith.constant 8 : i32
      %mul3A_42 = arith.muli %scan3A_19, %mul3A_41 : i32
      %add3A_43 = arith.constant 1 : i32
      %add3A_44 = arith.addi %mul3A_42, %add3A_43 : i32
      %mul3A_45 = arith.constant 128 : i32
      %mul3A_46 = arith.muli %add3A_44, %mul3A_45 : i32
      %dma_start3A_47 = arith.constant 0 : i32
      %dma_start3A_48 = tpu.memref_slice %arg6[%mul3A_46, %dma_start3A_47] : memref<5120x16xf32, #tpu.memory_space<vmem>> -> memref<128x16xf32, #tpu.memory_space<vmem>>
      %dma_start3A_49 = arith.constant 0 : i32
      %dma_start3A_50 = tpu.memref_slice %arg5[%add3A_40, %dma_start3A_49] : memref<40x128xi32, #tpu.memory_space<vmem>> -> memref<1x128xi32, #tpu.memory_space<vmem>>
      %dma_start3A_51 = tpu.memref_squeeze %dma_start3A_50 : memref<1x128xi32, #tpu.memory_space<vmem>> -> memref<128xi32, #tpu.memory_space<vmem>>
      %dma_start3A_52 = arith.constant 0 : i32
      %dma_start3A_53 = arith.constant 0 : i32
      %dma_start3A_54 = tpu.memref_slice %arg2[%dma_start3A_52, %dma_start3A_53] : memref<10000x16xf32, #tpu.memory_space<hbm>> -> memref<10000x16xf32, #tpu.memory_space<hbm>>
      tpu.enqueue_indirect_dma source(%dma_start3A_54 : memref<10000x16xf32, #tpu.memory_space<hbm>>) target(%dma_start3A_48 : memref<128x16xf32, #tpu.memory_space<vmem>>) offsets(%dma_start3A_51 : memref<128xi32, #tpu.memory_space<vmem>>) semaphore(%arg7 : memref<!tpu.dma_semaphore, #tpu.memory_space<semaphore_mem>>)
      %mul3A_55 = arith.constant 8 : i32
      %mul3A_56 = arith.muli %scan3A_19, %mul3A_55 : i32
      %add3A_57 = arith.constant 2 : i32
      %add3A_58 = arith.addi %mul3A_56, %add3A_57 : i32
      %mul3A_59 = arith.constant 8 : i32
      %mul3A_60 = arith.muli %scan3A_19, %mul3A_59 : i32
      %add3A_61 = arith.constant 2 : i32
      %add3A_62 = arith.addi %mul3A_60, %add3A_61 : i32
      %mul3A_63 = arith.constant 128 : i32
      %mul3A_64 = arith.muli %add3A_62, %mul3A_63 : i32
      %dma_start3A_65 = arith.constant 0 : i32
      %dma_start3A_66 = tpu.memref_slice %arg6[%mul3A_64, %dma_start3A_65] : memref<5120x16xf32, #tpu.memory_space<vmem>> -> memref<128x16xf32, #tpu.memory_space<vmem>>
      %dma_start3A_67 = arith.constant 0 : i32
      %dma_start3A_68 = tpu.memref_slice %arg5[%add3A_58, %dma_start3A_67] : memref<40x128xi32, #tpu.memory_space<vmem>> -> memref<1x128xi32, #tpu.memory_space<vmem>>
      %dma_start3A_69 = tpu.memref_squeeze %dma_start3A_68 : memref<1x128xi32, #tpu.memory_space<vmem>> -> memref<128xi32, #tpu.memory_space<vmem>>
      %dma_start3A_70 = arith.constant 0 : i32
      %dma_start3A_71 = arith.constant 0 : i32
      %dma_start3A_72 = tpu.memref_slice %arg2[%dma_start3A_70, %dma_start3A_71] : memref<10000x16xf32, #tpu.memory_space<hbm>> -> memref<10000x16xf32, #tpu.memory_space<hbm>>
      tpu.enqueue_indirect_dma source(%dma_start3A_72 : memref<10000x16xf32, #tpu.memory_space<hbm>>) target(%dma_start3A_66 : memref<128x16xf32, #tpu.memory_space<vmem>>) offsets(%dma_start3A_69 : memref<128xi32, #tpu.memory_space<vmem>>) semaphore(%arg7 : memref<!tpu.dma_semaphore, #tpu.memory_space<semaphore_mem>>)
      %mul3A_73 = arith.constant 8 : i32
      %mul3A_74 = arith.muli %scan3A_19, %mul3A_73 : i32
      %add3A_75 = arith.constant 3 : i32
      %add3A_76 = arith.addi %mul3A_74, %add3A_75 : i32
      %mul3A_77 = arith.constant 8 : i32
      %mul3A_78 = arith.muli %scan3A_19, %mul3A_77 : i32
      %add3A_79 = arith.constant 3 : i32
      %add3A_80 = arith.addi %mul3A_78, %add3A_79 : i32
      %mul3A_81 = arith.constant 128 : i32
      %mul3A_82 = arith.muli %add3A_80, %mul3A_81 : i32
      %dma_start3A_83 = arith.constant 0 : i32
      %dma_start3A_84 = tpu.memref_slice %arg6[%mul3A_82, %dma_start3A_83] : memref<5120x16xf32, #tpu.memory_space<vmem>> -> memref<128x16xf32, #tpu.memory_space<vmem>>
      %dma_start3A_85 = arith.constant 0 : i32
      %dma_start3A_86 = tpu.memref_slice %arg5[%add3A_76, %dma_start3A_85] : memref<40x128xi32, #tpu.memory_space<vmem>> -> memref<1x128xi32, #tpu.memory_space<vmem>>
      %dma_start3A_87 = tpu.memref_squeeze %dma_start3A_86 : memref<1x128xi32, #tpu.memory_space<vmem>> -> memref<128xi32, #tpu.memory_space<vmem>>
      %dma_start3A_88 = arith.constant 0 : i32
      %dma_start3A_89 = arith.constant 0 : i32
      %dma_start3A_90 = tpu.memref_slice %arg2[%dma_start3A_88, %dma_start3A_89] : memref<10000x16xf32, #tpu.memory_space<hbm>> -> memref<10000x16xf32, #tpu.memory_space<hbm>>
      tpu.enqueue_indirect_dma source(%dma_start3A_90 : memref<10000x16xf32, #tpu.memory_space<hbm>>) target(%dma_start3A_84 : memref<128x16xf32, #tpu.memory_space<vmem>>) offsets(%dma_start3A_87 : memref<128xi32, #tpu.memory_space<vmem>>) semaphore(%arg7 : memref<!tpu.dma_semaphore, #tpu.memory_space<semaphore_mem>>)
      %mul3A_91 = arith.constant 8 : i32
      %mul3A_92 = arith.muli %scan3A_19, %mul3A_91 : i32
      %add3A_93 = arith.constant 4 : i32
      %add3A_94 = arith.addi %mul3A_92, %add3A_93 : i32
      %mul3A_95 = arith.constant 8 : i32
      %mul3A_96 = arith.muli %scan3A_19, %mul3A_95 : i32
      %add3A_97 = arith.constant 4 : i32
      %add3A_98 = arith.addi %mul3A_96, %add3A_97 : i32
      %mul3A_99 = arith.constant 128 : i32
      %mul3A_100 = arith.muli %add3A_98, %mul3A_99 : i32
      %dma_start3A_101 = arith.constant 0 : i32
      %dma_start3A_102 = tpu.memref_slice %arg6[%mul3A_100, %dma_start3A_101] : memref<5120x16xf32, #tpu.memory_space<vmem>> -> memref<128x16xf32, #tpu.memory_space<vmem>>
      %dma_start3A_103 = arith.constant 0 : i32
      %dma_start3A_104 = tpu.memref_slice %arg5[%add3A_94, %dma_start3A_103] : memref<40x128xi32, #tpu.memory_space<vmem>> -> memref<1x128xi32, #tpu.memory_space<vmem>>
      %dma_start3A_105 = tpu.memref_squeeze %dma_start3A_104 : memref<1x128xi32, #tpu.memory_space<vmem>> -> memref<128xi32, #tpu.memory_space<vmem>>
      %dma_start3A_106 = arith.constant 0 : i32
      %dma_start3A_107 = arith.constant 0 : i32
      %dma_start3A_108 = tpu.memref_slice %arg2[%dma_start3A_106, %dma_start3A_107] : memref<10000x16xf32, #tpu.memory_space<hbm>> -> memref<10000x16xf32, #tpu.memory_space<hbm>>
      tpu.enqueue_indirect_dma source(%dma_start3A_108 : memref<10000x16xf32, #tpu.memory_space<hbm>>) target(%dma_start3A_102 : memref<128x16xf32, #tpu.memory_space<vmem>>) offsets(%dma_start3A_105 : memref<128xi32, #tpu.memory_space<vmem>>) semaphore(%arg7 : memref<!tpu.dma_semaphore, #tpu.memory_space<semaphore_mem>>)
      %mul3A_109 = arith.constant 8 : i32
      %mul3A_110 = arith.muli %scan3A_19, %mul3A_109 : i32
      %add3A_111 = arith.constant 5 : i32
      %add3A_112 = arith.addi %mul3A_110, %add3A_111 : i32
      %mul3A_113 = arith.constant 8 : i32
      %mul3A_114 = arith.muli %scan3A_19, %mul3A_113 : i32
      %add3A_115 = arith.constant 5 : i32
      %add3A_116 = arith.addi %mul3A_114, %add3A_115 : i32
      %mul3A_117 = arith.constant 128 : i32
      %mul3A_118 = arith.muli %add3A_116, %mul3A_117 : i32
      %dma_start3A_119 = arith.constant 0 : i32
      %dma_start3A_120 = tpu.memref_slice %arg6[%mul3A_118, %dma_start3A_119] : memref<5120x16xf32, #tpu.memory_space<vmem>> -> memref<128x16xf32, #tpu.memory_space<vmem>>
      %dma_start3A_121 = arith.constant 0 : i32
      %dma_start3A_122 = tpu.memref_slice %arg5[%add3A_112, %dma_start3A_121] : memref<40x128xi32, #tpu.memory_space<vmem>> -> memref<1x128xi32, #tpu.memory_space<vmem>>
      %dma_start3A_123 = tpu.memref_squeeze %dma_start3A_122 : memref<1x128xi32, #tpu.memory_space<vmem>> -> memref<128xi32, #tpu.memory_space<vmem>>
      %dma_start3A_124 = arith.constant 0 : i32
      %dma_start3A_125 = arith.constant 0 : i32
      %dma_start3A_126 = tpu.memref_slice %arg2[%dma_start3A_124, %dma_start3A_125] : memref<10000x16xf32, #tpu.memory_space<hbm>> -> memref<10000x16xf32, #tpu.memory_space<hbm>>
      tpu.enqueue_indirect_dma source(%dma_start3A_126 : memref<10000x16xf32, #tpu.memory_space<hbm>>) target(%dma_start3A_120 : memref<128x16xf32, #tpu.memory_space<vmem>>) offsets(%dma_start3A_123 : memref<128xi32, #tpu.memory_space<vmem>>) semaphore(%arg7 : memref<!tpu.dma_semaphore, #tpu.memory_space<semaphore_mem>>)
      %mul3A_127 = arith.constant 8 : i32
      %mul3A_128 = arith.muli %scan3A_19, %mul3A_127 : i32
      %add3A_129 = arith.constant 6 : i32
      %add3A_130 = arith.addi %mul3A_128, %add3A_129 : i32
      %mul3A_131 = arith.constant 8 : i32
      %mul3A_132 = arith.muli %scan3A_19, %mul3A_131 : i32
      %add3A_133 = arith.constant 6 : i32
      %add3A_134 = arith.addi %mul3A_132, %add3A_133 : i32
      %mul3A_135 = arith.constant 128 : i32
      %mul3A_136 = arith.muli %add3A_134, %mul3A_135 : i32
      %dma_start3A_137 = arith.constant 0 : i32
      %dma_start3A_138 = tpu.memref_slice %arg6[%mul3A_136, %dma_start3A_137] : memref<5120x16xf32, #tpu.memory_space<vmem>> -> memref<128x16xf32, #tpu.memory_space<vmem>>
      %dma_start3A_139 = arith.constant 0 : i32
      %dma_start3A_140 = tpu.memref_slice %arg5[%add3A_130, %dma_start3A_139] : memref<40x128xi32, #tpu.memory_space<vmem>> -> memref<1x128xi32, #tpu.memory_space<vmem>>
      %dma_start3A_141 = tpu.memref_squeeze %dma_start3A_140 : memref<1x128xi32, #tpu.memory_space<vmem>> -> memref<128xi32, #tpu.memory_space<vmem>>
      %dma_start3A_142 = arith.constant 0 : i32
      %dma_start3A_143 = arith.constant 0 : i32
      %dma_start3A_144 = tpu.memref_slice %arg2[%dma_start3A_142, %dma_start3A_143] : memref<10000x16xf32, #tpu.memory_space<hbm>> -> memref<10000x16xf32, #tpu.memory_space<hbm>>
      tpu.enqueue_indirect_dma source(%dma_start3A_144 : memref<10000x16xf32, #tpu.memory_space<hbm>>) target(%dma_start3A_138 : memref<128x16xf32, #tpu.memory_space<vmem>>) offsets(%dma_start3A_141 : memref<128xi32, #tpu.memory_space<vmem>>) semaphore(%arg7 : memref<!tpu.dma_semaphore, #tpu.memory_space<semaphore_mem>>)
      %mul3A_145 = arith.constant 8 : i32
      %mul3A_146 = arith.muli %scan3A_19, %mul3A_145 : i32
      %add3A_147 = arith.constant 7 : i32
      %add3A_148 = arith.addi %mul3A_146, %add3A_147 : i32
      %mul3A_149 = arith.constant 8 : i32
      %mul3A_150 = arith.muli %scan3A_19, %mul3A_149 : i32
      %add3A_151 = arith.constant 7 : i32
      %add3A_152 = arith.addi %mul3A_150, %add3A_151 : i32
      %mul3A_153 = arith.constant 128 : i32
      %mul3A_154 = arith.muli %add3A_152, %mul3A_153 : i32
      %dma_start3A_155 = arith.constant 0 : i32
      %dma_start3A_156 = tpu.memref_slice %arg6[%mul3A_154, %dma_start3A_155] : memref<5120x16xf32, #tpu.memory_space<vmem>> -> memref<128x16xf32, #tpu.memory_space<vmem>>
      %dma_start3A_157 = arith.constant 0 : i32
      %dma_start3A_158 = tpu.memref_slice %arg5[%add3A_148, %dma_start3A_157] : memref<40x128xi32, #tpu.memory_space<vmem>> -> memref<1x128xi32, #tpu.memory_space<vmem>>
      %dma_start3A_159 = tpu.memref_squeeze %dma_start3A_158 : memref<1x128xi32, #tpu.memory_space<vmem>> -> memref<128xi32, #tpu.memory_space<vmem>>
      %dma_start3A_160 = arith.constant 0 : i32
      %dma_start3A_161 = arith.constant 0 : i32
      %dma_start3A_162 = tpu.memref_slice %arg2[%dma_start3A_160, %dma_start3A_161] : memref<10000x16xf32, #tpu.memory_space<hbm>> -> memref<10000x16xf32, #tpu.memory_space<hbm>>
      tpu.enqueue_indirect_dma source(%dma_start3A_162 : memref<10000x16xf32, #tpu.memory_space<hbm>>) target(%dma_start3A_156 : memref<128x16xf32, #tpu.memory_space<vmem>>) offsets(%dma_start3A_159 : memref<128xi32, #tpu.memory_space<vmem>>) semaphore(%arg7 : memref<!tpu.dma_semaphore, #tpu.memory_space<semaphore_mem>>)
      %gt3A = arith.constant 0 : i32
      %gt3A_163 = arith.cmpi sgt, %scan3A_19, %gt3A : i32
      %convert_element_type3A = arith.extui %gt3A_163 : i1 to i32
      %cond3A = arith.constant 0 : i32
      %cond3A_164 = arith.cmpi ne, %convert_element_type3A, %cond3A : i32
      scf.if %cond3A_164 {
        %dma_wait3A_165 = arith.constant 0 : i32
        %dma_wait3A_166 = arith.constant 0 : i32
        %dma_wait3A_167 = tpu.memref_slice %arg6[%dma_wait3A_165, %dma_wait3A_166] : memref<5120x16xf32, #tpu.memory_space<vmem>> -> memref<1024x16xf32, #tpu.memory_space<vmem>>
        %dma_wait3A_168 = arith.constant 0 : i32
        %dma_wait3A_169 = arith.constant 0 : i32
        %dma_wait3A_170 = tpu.memref_slice %arg4[%add3A, %dma_wait3A_168, %dma_wait3A_169] : memref<32x5120x16xf32, #tpu.memory_space<hbm>> -> memref<1x1024x16xf32, #tpu.memory_space<hbm>>
        %dma_wait3A_171 = tpu.memref_squeeze %dma_wait3A_170 : memref<1x1024x16xf32, #tpu.memory_space<hbm>> -> memref<1024x16xf32, #tpu.memory_space<hbm>>
        %dma_wait3A_172 = arith.constant 0 : i32
        %dma_wait3A_173 = arith.constant 0 : i32
        %dma_wait3A_174 = tpu.memref_slice %arg6[%dma_wait3A_172, %dma_wait3A_173] : memref<5120x16xf32, #tpu.memory_space<vmem>> -> memref<1024x16xf32, #tpu.memory_space<vmem>>
        %dma_wait3A_175 = arith.constant 0 : i32
        %dma_wait3A_176 = arith.constant 0 : i32
        %dma_wait3A_177 = tpu.memref_slice %arg4[%add3A, %dma_wait3A_175, %dma_wait3A_176] : memref<32x5120x16xf32, #tpu.memory_space<hbm>> -> memref<1x1024x16xf32, #tpu.memory_space<hbm>>
        %dma_wait3A_178 = tpu.memref_squeeze %dma_wait3A_177 : memref<1x1024x16xf32, #tpu.memory_space<hbm>> -> memref<1024x16xf32, #tpu.memory_space<hbm>>
        tpu.wait_dma2 semaphore(%arg7 : memref<!tpu.dma_semaphore, #tpu.memory_space<semaphore_mem>>) src(%dma_wait3A_178 : memref<1024x16xf32, #tpu.memory_space<hbm>>) dst(%dma_wait3A_174 : memref<1024x16xf32, #tpu.memory_space<vmem>>)
      } else {
      }
    }
    %scan3A_5 = arith.constant 5 : i32
    %dma_wait3A = arith.constant 0 : i32
    %dma_wait3A_6 = arith.constant 0 : i32
    %dma_wait3A_7 = tpu.memref_slice %arg6[%dma_wait3A, %dma_wait3A_6] : memref<5120x16xf32, #tpu.memory_space<vmem>> -> memref<1024x16xf32, #tpu.memory_space<vmem>>
    %dma_wait3A_8 = arith.constant 0 : i32
    %dma_wait3A_9 = arith.constant 0 : i32
    %dma_wait3A_10 = tpu.memref_slice %arg4[%add3A, %dma_wait3A_8, %dma_wait3A_9] : memref<32x5120x16xf32, #tpu.memory_space<hbm>> -> memref<1x1024x16xf32, #tpu.memory_space<hbm>>
    %dma_wait3A_11 = tpu.memref_squeeze %dma_wait3A_10 : memref<1x1024x16xf32, #tpu.memory_space<hbm>> -> memref<1024x16xf32, #tpu.memory_space<hbm>>
    %dma_wait3A_12 = arith.constant 0 : i32
    %dma_wait3A_13 = arith.constant 0 : i32
    %dma_wait3A_14 = tpu.memref_slice %arg6[%dma_wait3A_12, %dma_wait3A_13] : memref<5120x16xf32, #tpu.memory_space<vmem>> -> memref<1024x16xf32, #tpu.memory_space<vmem>>
    %dma_wait3A_15 = arith.constant 0 : i32
    %dma_wait3A_16 = arith.constant 0 : i32
    %dma_wait3A_17 = tpu.memref_slice %arg4[%add3A, %dma_wait3A_15, %dma_wait3A_16] : memref<32x5120x16xf32, #tpu.memory_space<hbm>> -> memref<1x1024x16xf32, #tpu.memory_space<hbm>>
    %dma_wait3A_18 = tpu.memref_squeeze %dma_wait3A_17 : memref<1x1024x16xf32, #tpu.memory_space<hbm>> -> memref<1024x16xf32, #tpu.memory_space<hbm>>
    tpu.wait_dma2 semaphore(%arg7 : memref<!tpu.dma_semaphore, #tpu.memory_space<semaphore_mem>>) src(%dma_wait3A_18 : memref<1024x16xf32, #tpu.memory_space<hbm>>) dst(%dma_wait3A_14 : memref<1024x16xf32, #tpu.memory_space<vmem>>)
    "tpu.region"() ({
      %run_scoped3A = tpu.sem_alloc : memref<!tpu.dma_semaphore, #tpu.memory_space<semaphore_mem>>
      %dma_start3A = arith.constant 0 : i32
      %dma_start3A_19 = arith.constant 0 : i32
      %dma_start3A_20 = tpu.memref_slice %arg4[%add3A, %dma_start3A, %dma_start3A_19] : memref<32x5120x16xf32, #tpu.memory_space<hbm>> -> memref<1x5120x16xf32, #tpu.memory_space<hbm>>
      %dma_start3A_21 = tpu.memref_squeeze %dma_start3A_20 : memref<1x5120x16xf32, #tpu.memory_space<hbm>> -> memref<5120x16xf32, #tpu.memory_space<hbm>>
      %dma_start3A_22 = arith.constant 0 : i32
      %dma_start3A_23 = arith.constant 0 : i32
      %dma_start3A_24 = tpu.memref_slice %arg4[%add3A, %dma_start3A_22, %dma_start3A_23] : memref<32x5120x16xf32, #tpu.memory_space<hbm>> -> memref<1x5120x16xf32, #tpu.memory_space<hbm>>
      %dma_start3A_25 = tpu.memref_squeeze %dma_start3A_24 : memref<1x5120x16xf32, #tpu.memory_space<hbm>> -> memref<5120x16xf32, #tpu.memory_space<hbm>>
      tpu.enqueue_dma source(%arg6 : memref<5120x16xf32, #tpu.memory_space<vmem>>) target(%dma_start3A_25 : memref<5120x16xf32, #tpu.memory_space<hbm>>) target_semaphore(%run_scoped3A : memref<!tpu.dma_semaphore, #tpu.memory_space<semaphore_mem>>)
      %dma_wait3A_26 = arith.constant 0 : i32
      %dma_wait3A_27 = arith.constant 0 : i32
      %dma_wait3A_28 = tpu.memref_slice %arg4[%add3A, %dma_wait3A_26, %dma_wait3A_27] : memref<32x5120x16xf32, #tpu.memory_space<hbm>> -> memref<1x5120x16xf32, #tpu.memory_space<hbm>>
      %dma_wait3A_29 = tpu.memref_squeeze %dma_wait3A_28 : memref<1x5120x16xf32, #tpu.memory_space<hbm>> -> memref<5120x16xf32, #tpu.memory_space<hbm>>
      %dma_wait3A_30 = arith.constant 0 : i32
      %dma_wait3A_31 = arith.constant 0 : i32
      %dma_wait3A_32 = tpu.memref_slice %arg4[%add3A, %dma_wait3A_30, %dma_wait3A_31] : memref<32x5120x16xf32, #tpu.memory_space<hbm>> -> memref<1x5120x16xf32, #tpu.memory_space<hbm>>
      %dma_wait3A_33 = tpu.memref_squeeze %dma_wait3A_32 : memref<1x5120x16xf32, #tpu.memory_space<hbm>> -> memref<5120x16xf32, #tpu.memory_space<hbm>>
      tpu.wait_dma2 semaphore(%run_scoped3A : memref<!tpu.dma_semaphore, #tpu.memory_space<semaphore_mem>>) src(%arg6 : memref<5120x16xf32, #tpu.memory_space<vmem>>) dst(%dma_wait3A_33 : memref<5120x16xf32, #tpu.memory_space<hbm>>)
      tpu.yield
    }) : () -> ()
    return
  }
}

#map = affine_map<(d0, d1) -> (0, 0, 0)>
module attributes {stable_mosaic.version = 14 : i64} {
  func.func @_sc_scatter(%arg0: i32, %arg1: i32, %arg2: memref<32x5120x16xf32, #tpu.memory_space<hbm>>, %arg3: memref<32x40x128xi32, #tpu.memory_space<hbm>>, %arg4: memref<2x10240x16xf32, #tpu.memory_space<hbm>>, %arg5: memref<40x128xi32, #tpu.memory_space<vmem>>, %arg6: memref<5120x16xf32, #tpu.memory_space<vmem>>, %arg7: memref<640x16xf32, #tpu.memory_space<vmem>>, %arg8: memref<10240x16xf32, #tpu.memory_space<vmem_shared>>, %arg9: memref<!tpu.dma_semaphore, #tpu.memory_space<semaphore_mem>>) attributes {dimension_semantics = [#tpu.dimension_semantics<core_parallel>, #tpu.dimension_semantics<subcore_parallel>], iteration_bounds = array<i64: 2, 16>, scalar_prefetch = 0 : i64, scratch_operands = 5 : i64, tpu.core_type = #tpu.core_type<sc_vector_subcore>, window_params = [{transform_indices = #map}, {transform_indices = #map}, {transform_indices = #map}]} {
    %mul3A = arith.constant 2 : i32
    %mul3A_0 = arith.muli %arg1, %mul3A : i32
    %add3A = arith.addi %mul3A_0, %arg0 : i32
    %scan3A = arith.constant 0 : i32
    %scan3A_1 = arith.constant 0 : i32
    %scan3A_2 = arith.constant 640 : i32
    %scan3A_3 = arith.addi %scan3A_1, %scan3A_2 : i32
    %scan3A_4 = arith.constant 1 : i32
    scf.for %scan3A_19 = %scan3A_1 to %scan3A_3 step %scan3A_4  : i32 {
      %broadcast_in_dim3A = arith.constant 0.000000e+00 : f32
      %broadcast_in_dim3A_20 = vector.broadcast %broadcast_in_dim3A : f32 to vector<16xf32>
      %swap3A = arith.index_cast %scan3A_19 : i32 to index
      %swap3A_21 = arith.constant 0 : index
      %swap3A_22 = tpu.vector_load %arg7[%swap3A, %swap3A_21] {strides = array<i32>} : memref<640x16xf32, #tpu.memory_space<vmem>>, vector<1x16xf32>,
      %swap3A_23 = vector.shape_cast %swap3A_22 : vector<1x16xf32> to vector<16xf32>
      %swap3A_24 = vector.shape_cast %broadcast_in_dim3A_20 : vector<16xf32> to vector<1x16xf32>
      tpu.vector_store %arg7[%swap3A, %swap3A_21], %swap3A_24 {strides = array<i32>} : memref<640x16xf32, #tpu.memory_space<vmem>>, vector<1x16xf32>,
    }
    %scan3A_5 = arith.constant 640 : i32
    %mul3A_6 = arith.constant 640 : i32
    %mul3A_7 = arith.muli %arg1, %mul3A_6 : i32
    "tpu.region"() ({
      %run_scoped3A = tpu.sem_alloc : memref<!tpu.dma_semaphore, #tpu.memory_space<semaphore_mem>>
      %dma_start3A = arith.constant 0 : i32
      %dma_start3A_19 = tpu.memref_slice %arg8[%mul3A_7, %dma_start3A] : memref<10240x16xf32, #tpu.memory_space<vmem_shared>> -> memref<640x16xf32, #tpu.memory_space<vmem_shared>>
      %dma_start3A_20 = arith.constant 0 : i32
      %dma_start3A_21 = tpu.memref_slice %arg8[%mul3A_7, %dma_start3A_20] : memref<10240x16xf32, #tpu.memory_space<vmem_shared>> -> memref<640x16xf32, #tpu.memory_space<vmem_shared>>
      tpu.enqueue_dma source(%arg7 : memref<640x16xf32, #tpu.memory_space<vmem>>) target(%dma_start3A_21 : memref<640x16xf32, #tpu.memory_space<vmem_shared>>) target_semaphore(%run_scoped3A : memref<!tpu.dma_semaphore, #tpu.memory_space<semaphore_mem>>)
      %dma_wait3A = arith.constant 0 : i32
      %dma_wait3A_22 = tpu.memref_slice %arg8[%mul3A_7, %dma_wait3A] : memref<10240x16xf32, #tpu.memory_space<vmem_shared>> -> memref<640x16xf32, #tpu.memory_space<vmem_shared>>
      %dma_wait3A_23 = arith.constant 0 : i32
      %dma_wait3A_24 = tpu.memref_slice %arg8[%mul3A_7, %dma_wait3A_23] : memref<10240x16xf32, #tpu.memory_space<vmem_shared>> -> memref<640x16xf32, #tpu.memory_space<vmem_shared>>
      tpu.wait_dma2 semaphore(%run_scoped3A : memref<!tpu.dma_semaphore, #tpu.memory_space<semaphore_mem>>) src(%arg7 : memref<640x16xf32, #tpu.memory_space<vmem>>) dst(%dma_wait3A_24 : memref<640x16xf32, #tpu.memory_space<vmem_shared>>)
      tpu.yield
    }) : () -> ()
    "tpu.region"() ({
      %run_scoped3A = tpu.sem_alloc : memref<!tpu.dma_semaphore, #tpu.memory_space<semaphore_mem>>
      %dma_start3A = arith.constant 0 : i32
      %dma_start3A_19 = arith.constant 0 : i32
      %dma_start3A_20 = tpu.memref_slice %arg3[%add3A, %dma_start3A, %dma_start3A_19] : memref<32x40x128xi32, #tpu.memory_space<hbm>> -> memref<1x40x128xi32, #tpu.memory_space<hbm>>
      %dma_start3A_21 = tpu.memref_squeeze %dma_start3A_20 : memref<1x40x128xi32, #tpu.memory_space<hbm>> -> memref<40x128xi32, #tpu.memory_space<hbm>>
      %dma_start3A_22 = arith.constant 0 : i32
      %dma_start3A_23 = arith.constant 0 : i32
      %dma_start3A_24 = tpu.memref_slice %arg3[%add3A, %dma_start3A_22, %dma_start3A_23] : memref<32x40x128xi32, #tpu.memory_space<hbm>> -> memref<1x40x128xi32, #tpu.memory_space<hbm>>
      %dma_start3A_25 = tpu.memref_squeeze %dma_start3A_24 : memref<1x40x128xi32, #tpu.memory_space<hbm>> -> memref<40x128xi32, #tpu.memory_space<hbm>>
      tpu.enqueue_dma source(%dma_start3A_25 : memref<40x128xi32, #tpu.memory_space<hbm>>) target(%arg5 : memref<40x128xi32, #tpu.memory_space<vmem>>) target_semaphore(%run_scoped3A : memref<!tpu.dma_semaphore, #tpu.memory_space<semaphore_mem>>)
      %dma_wait3A = arith.constant 0 : i32
      %dma_wait3A_26 = arith.constant 0 : i32
      %dma_wait3A_27 = tpu.memref_slice %arg3[%add3A, %dma_wait3A, %dma_wait3A_26] : memref<32x40x128xi32, #tpu.memory_space<hbm>> -> memref<1x40x128xi32, #tpu.memory_space<hbm>>
      %dma_wait3A_28 = tpu.memref_squeeze %dma_wait3A_27 : memref<1x40x128xi32, #tpu.memory_space<hbm>> -> memref<40x128xi32, #tpu.memory_space<hbm>>
      %dma_wait3A_29 = arith.constant 0 : i32
      %dma_wait3A_30 = arith.constant 0 : i32
      %dma_wait3A_31 = tpu.memref_slice %arg3[%add3A, %dma_wait3A_29, %dma_wait3A_30] : memref<32x40x128xi32, #tpu.memory_space<hbm>> -> memref<1x40x128xi32, #tpu.memory_space<hbm>>
      %dma_wait3A_32 = tpu.memref_squeeze %dma_wait3A_31 : memref<1x40x128xi32, #tpu.memory_space<hbm>> -> memref<40x128xi32, #tpu.memory_space<hbm>>
      tpu.wait_dma2 semaphore(%run_scoped3A : memref<!tpu.dma_semaphore, #tpu.memory_space<semaphore_mem>>) src(%dma_wait3A_32 : memref<40x128xi32, #tpu.memory_space<hbm>>) dst(%arg5 : memref<40x128xi32, #tpu.memory_space<vmem>>)
      tpu.yield
    }) : () -> ()
    "tpu.region"() ({
      %run_scoped3A = tpu.sem_alloc : memref<!tpu.dma_semaphore, #tpu.memory_space<semaphore_mem>>
      %dma_start3A = arith.constant 0 : i32
      %dma_start3A_19 = arith.constant 0 : i32
      %dma_start3A_20 = tpu.memref_slice %arg2[%add3A, %dma_start3A, %dma_start3A_19] : memref<32x5120x16xf32, #tpu.memory_space<hbm>> -> memref<1x5120x16xf32, #tpu.memory_space<hbm>>
      %dma_start3A_21 = tpu.memref_squeeze %dma_start3A_20 : memref<1x5120x16xf32, #tpu.memory_space<hbm>> -> memref<5120x16xf32, #tpu.memory_space<hbm>>
      %dma_start3A_22 = arith.constant 0 : i32
      %dma_start3A_23 = arith.constant 0 : i32
      %dma_start3A_24 = tpu.memref_slice %arg2[%add3A, %dma_start3A_22, %dma_start3A_23] : memref<32x5120x16xf32, #tpu.memory_space<hbm>> -> memref<1x5120x16xf32, #tpu.memory_space<hbm>>
      %dma_start3A_25 = tpu.memref_squeeze %dma_start3A_24 : memref<1x5120x16xf32, #tpu.memory_space<hbm>> -> memref<5120x16xf32, #tpu.memory_space<hbm>>
      tpu.enqueue_dma source(%dma_start3A_25 : memref<5120x16xf32, #tpu.memory_space<hbm>>) target(%arg6 : memref<5120x16xf32, #tpu.memory_space<vmem>>) target_semaphore(%run_scoped3A : memref<!tpu.dma_semaphore, #tpu.memory_space<semaphore_mem>>)
      %dma_wait3A = arith.constant 0 : i32
      %dma_wait3A_26 = arith.constant 0 : i32
      %dma_wait3A_27 = tpu.memref_slice %arg2[%add3A, %dma_wait3A, %dma_wait3A_26] : memref<32x5120x16xf32, #tpu.memory_space<hbm>> -> memref<1x5120x16xf32, #tpu.memory_space<hbm>>
      %dma_wait3A_28 = tpu.memref_squeeze %dma_wait3A_27 : memref<1x5120x16xf32, #tpu.memory_space<hbm>> -> memref<5120x16xf32, #tpu.memory_space<hbm>>
      %dma_wait3A_29 = arith.constant 0 : i32
      %dma_wait3A_30 = arith.constant 0 : i32
      %dma_wait3A_31 = tpu.memref_slice %arg2[%add3A, %dma_wait3A_29, %dma_wait3A_30] : memref<32x5120x16xf32, #tpu.memory_space<hbm>> -> memref<1x5120x16xf32, #tpu.memory_space<hbm>>
      %dma_wait3A_32 = tpu.memref_squeeze %dma_wait3A_31 : memref<1x5120x16xf32, #tpu.memory_space<hbm>> -> memref<5120x16xf32, #tpu.memory_space<hbm>>
      tpu.wait_dma2 semaphore(%run_scoped3A : memref<!tpu.dma_semaphore, #tpu.memory_space<semaphore_mem>>) src(%dma_wait3A_32 : memref<5120x16xf32, #tpu.memory_space<hbm>>) dst(%arg6 : memref<5120x16xf32, #tpu.memory_space<vmem>>)
      tpu.yield
    }) : () -> ()
    %barrier3A = arith.constant 0 : index
    tpu.barrier barrier_id(%barrier3A)
    %scan3A_8 = arith.constant 0 : i32
    %scan3A_9 = arith.constant 0 : i32
    %scan3A_10 = arith.constant 40 : i32
    %scan3A_11 = arith.addi %scan3A_9, %scan3A_10 : i32
    %scan3A_12 = arith.constant 1 : i32
    scf.for %scan3A_19 = %scan3A_9 to %scan3A_11 step %scan3A_12  : i32 {
      %mul3A_20 = arith.constant 128 : i32
      %mul3A_21 = arith.muli %scan3A_19, %mul3A_20 : i32
      "tpu.region"() ({
        %run_scoped3A = tpu.sem_alloc : memref<!tpu.dma_semaphore, #tpu.memory_space<semaphore_mem>>
        %dma_start3A = arith.constant 0 : i32
        %dma_start3A_22 = tpu.memref_slice %arg6[%mul3A_21, %dma_start3A] : memref<5120x16xf32, #tpu.memory_space<vmem>> -> memref<128x16xf32, #tpu.memory_space<vmem>>
        %dma_start3A_23 = arith.constant 0 : i32
        %dma_start3A_24 = tpu.memref_slice %arg5[%scan3A_19, %dma_start3A_23] : memref<40x128xi32, #tpu.memory_space<vmem>> -> memref<1x128xi32, #tpu.memory_space<vmem>>
        %dma_start3A_25 = tpu.memref_squeeze %dma_start3A_24 : memref<1x128xi32, #tpu.memory_space<vmem>> -> memref<128xi32, #tpu.memory_space<vmem>>
        %dma_start3A_26 = arith.constant 0 : i32
        %dma_start3A_27 = arith.constant 0 : i32
        %dma_start3A_28 = tpu.memref_slice %arg8[%dma_start3A_26, %dma_start3A_27] : memref<10240x16xf32, #tpu.memory_space<vmem_shared>> -> memref<10240x16xf32, #tpu.memory_space<vmem_shared>>
        tpu.enqueue_indirect_dma source(%dma_start3A_22 : memref<128x16xf32, #tpu.memory_space<vmem>>) target(%dma_start3A_28 : memref<10240x16xf32, #tpu.memory_space<vmem_shared>>) offsets(%dma_start3A_25 : memref<128xi32, #tpu.memory_space<vmem>>) semaphore(%run_scoped3A : memref<!tpu.dma_semaphore, #tpu.memory_space<semaphore_mem>>) {add = true}
        %dma_wait3A = arith.constant 0 : i32
        %dma_wait3A_29 = tpu.memref_slice %arg6[%mul3A_21, %dma_wait3A] : memref<5120x16xf32, #tpu.memory_space<vmem>> -> memref<128x16xf32, #tpu.memory_space<vmem>>
        %dma_wait3A_30 = arith.constant 0 : i32
        %dma_wait3A_31 = tpu.memref_slice %arg5[%scan3A_19, %dma_wait3A_30] : memref<40x128xi32, #tpu.memory_space<vmem>> -> memref<1x128xi32, #tpu.memory_space<vmem>>
        %dma_wait3A_32 = tpu.memref_squeeze %dma_wait3A_31 : memref<1x128xi32, #tpu.memory_space<vmem>> -> memref<128xi32, #tpu.memory_space<vmem>>
        %dma_wait3A_33 = arith.constant 0 : i32
        %dma_wait3A_34 = arith.constant 0 : i32
        %dma_wait3A_35 = tpu.memref_slice %arg8[%dma_wait3A_33, %dma_wait3A_34] : memref<10240x16xf32, #tpu.memory_space<vmem_shared>> -> memref<10240x16xf32, #tpu.memory_space<vmem_shared>>
        tpu.wait_indirect_dma semaphore(%run_scoped3A : memref<!tpu.dma_semaphore, #tpu.memory_space<semaphore_mem>>) src(%dma_wait3A_29 : memref<128x16xf32, #tpu.memory_space<vmem>>) dst(%dma_wait3A_35 : memref<10240x16xf32, #tpu.memory_space<vmem_shared>>)
        tpu.yield
      }) : () -> ()
    }
    %scan3A_13 = arith.constant 40 : i32
    %barrier3A_14 = arith.constant 0 : index
    tpu.barrier barrier_id(%barrier3A_14)
    %mul3A_15 = arith.constant 640 : i32
    %mul3A_16 = arith.muli %arg1, %mul3A_15 : i32
    "tpu.region"() ({
      %run_scoped3A = tpu.sem_alloc : memref<!tpu.dma_semaphore, #tpu.memory_space<semaphore_mem>>
      %dma_start3A = arith.constant 0 : i32
      %dma_start3A_19 = tpu.memref_slice %arg8[%mul3A_16, %dma_start3A] : memref<10240x16xf32, #tpu.memory_space<vmem_shared>> -> memref<640x16xf32, #tpu.memory_space<vmem_shared>>
      %dma_start3A_20 = arith.constant 0 : i32
      %dma_start3A_21 = tpu.memref_slice %arg8[%mul3A_16, %dma_start3A_20] : memref<10240x16xf32, #tpu.memory_space<vmem_shared>> -> memref<640x16xf32, #tpu.memory_space<vmem_shared>>
      tpu.enqueue_dma source(%dma_start3A_21 : memref<640x16xf32, #tpu.memory_space<vmem_shared>>) target(%arg7 : memref<640x16xf32, #tpu.memory_space<vmem>>) target_semaphore(%run_scoped3A : memref<!tpu.dma_semaphore, #tpu.memory_space<semaphore_mem>>)
      %dma_wait3A = arith.constant 0 : i32
      %dma_wait3A_22 = tpu.memref_slice %arg8[%mul3A_16, %dma_wait3A] : memref<10240x16xf32, #tpu.memory_space<vmem_shared>> -> memref<640x16xf32, #tpu.memory_space<vmem_shared>>
      %dma_wait3A_23 = arith.constant 0 : i32
      %dma_wait3A_24 = tpu.memref_slice %arg8[%mul3A_16, %dma_wait3A_23] : memref<10240x16xf32, #tpu.memory_space<vmem_shared>> -> memref<640x16xf32, #tpu.memory_space<vmem_shared>>
      tpu.wait_dma2 semaphore(%run_scoped3A : memref<!tpu.dma_semaphore, #tpu.memory_space<semaphore_mem>>) src(%dma_wait3A_24 : memref<640x16xf32, #tpu.memory_space<vmem_shared>>) dst(%arg7 : memref<640x16xf32, #tpu.memory_space<vmem>>)
      tpu.yield
    }) : () -> ()
    %mul3A_17 = arith.constant 640 : i32
    %mul3A_18 = arith.muli %arg1, %mul3A_17 : i32
    "tpu.region"() ({
      %run_scoped3A = tpu.sem_alloc : memref<!tpu.dma_semaphore, #tpu.memory_space<semaphore_mem>>
      %dma_start3A = arith.constant 0 : i32
      %dma_start3A_19 = tpu.memref_slice %arg4[%arg0, %mul3A_18, %dma_start3A] : memref<2x10240x16xf32, #tpu.memory_space<hbm>> -> memref<1x640x16xf32, #tpu.memory_space<hbm>>
      %dma_start3A_20 = tpu.memref_squeeze %dma_start3A_19 : memref<1x640x16xf32, #tpu.memory_space<hbm>> -> memref<640x16xf32, #tpu.memory_space<hbm>>
      %dma_start3A_21 = arith.constant 0 : i32
      %dma_start3A_22 = tpu.memref_slice %arg4[%arg0, %mul3A_18, %dma_start3A_21] : memref<2x10240x16xf32, #tpu.memory_space<hbm>> -> memref<1x640x16xf32, #tpu.memory_space<hbm>>
      %dma_start3A_23 = tpu.memref_squeeze %dma_start3A_22 : memref<1x640x16xf32, #tpu.memory_space<hbm>> -> memref<640x16xf32, #tpu.memory_space<hbm>>
      tpu.enqueue_dma source(%arg7 : memref<640x16xf32, #tpu.memory_space<vmem>>) target(%dma_start3A_23 : memref<640x16xf32, #tpu.memory_space<hbm>>) target_semaphore(%run_scoped3A : memref<!tpu.dma_semaphore, #tpu.memory_space<semaphore_mem>>)
      %dma_wait3A = arith.constant 0 : i32
      %dma_wait3A_24 = tpu.memref_slice %arg4[%arg0, %mul3A_18, %dma_wait3A] : memref<2x10240x16xf32, #tpu.memory_space<hbm>> -> memref<1x640x16xf32, #tpu.memory_space<hbm>>
      %dma_wait3A_25 = tpu.memref_squeeze %dma_wait3A_24 : memref<1x640x16xf32, #tpu.memory_space<hbm>> -> memref<640x16xf32, #tpu.memory_space<hbm>>
      %dma_wait3A_26 = arith.constant 0 : i32
      %dma_wait3A_27 = tpu.memref_slice %arg4[%arg0, %mul3A_18, %dma_wait3A_26] : memref<2x10240x16xf32, #tpu.memory_space<hbm>> -> memref<1x640x16xf32, #tpu.memory_space<hbm>>
      %dma_wait3A_28 = tpu.memref_squeeze %dma_wait3A_27 : memref<1x640x16xf32, #tpu.memory_space<hbm>> -> memref<640x16xf32, #tpu.memory_space<hbm>>
      tpu.wait_dma2 semaphore(%run_scoped3A : memref<!tpu.dma_semaphore, #tpu.memory_space<semaphore_mem>>) src(%arg7 : memref<640x16xf32, #tpu.memory_space<vmem>>) dst(%dma_wait3A_28 : memref<640x16xf32, #tpu.memory_space<hbm>>)
      tpu.yield
    }) : () -> ()
    return
  }
}

module attributes {stable_mosaic.version = 14 : i64} {
  func.func @_msg_body(%arg0: i32, %arg1: memref<2x16384xf32, #tpu.memory_space<vmem>>, %arg2: memref<2048x128xf32, #tpu.memory_space<vmem>>, %arg3: memref<16x2xf32, #tpu.memory_space<vmem>>, %arg4: memref<16x1xf32, #tpu.memory_space<vmem>>, %arg5: memref<176x48xbf16, #tpu.memory_space<vmem>>, %arg6: memref<2048x128xf32, #tpu.memory_space<vmem>>) attributes {dimension_semantics = [#tpu.dimension_semantics<arbitrary>], iteration_bounds = array<i64: 10>, scalar_prefetch = 0 : i64, scratch_operands = 0 : i64, tpu.core_type = #tpu.core_type<tc>, window_params = [{transform_indices = @transform_0, window_bounds = array<i64: 2, 16384>}, {transform_indices = @transform_1, window_bounds = array<i64: 2048, 128>}, {pipeline_mode = #tpu.pipeline_mode<synchronous>, transform_indices = @transform_2, window_bounds = array<i64: 16, 2>}, {pipeline_mode = #tpu.pipeline_mode<synchronous>, transform_indices = @transform_3, window_bounds = array<i64: 16, 1>}, {pipeline_mode = #tpu.pipeline_mode<synchronous>, transform_indices = @transform_4, window_bounds = array<i64: 176, 48>}, {transform_indices = @transform_5, window_bounds = array<i64: 2048, 128>}]} {
    %get3A = arith.constant 0 : index
    %get3A_0 = arith.constant 0 : index
    %get3A_1 = vector.load %arg2[%get3A, %get3A_0] : memref<2048x128xf32, #tpu.memory_space<vmem>>, vector<2048x128xf32>
    %transpose3A = tpu.transpose %get3A_1, [1, 0] : vector<2048x128xf32> -> vector<128x2048xf32>
    %get3A_2 = arith.constant 0 : index
    %get3A_3 = arith.constant 0 : index
    %get3A_4 = vector.load %arg1[%get3A_2, %get3A_3] : memref<2x16384xf32, #tpu.memory_space<vmem>>, vector<2x16384xf32>
    %get3A_5 = arith.constant 0 : index
    %get3A_6 = arith.constant 0 : index
    %get3A_7 = vector.load %arg3[%get3A_5, %get3A_6] : memref<16x2xf32, #tpu.memory_space<vmem>>, vector<16x2xf32>
    %slice3A = vector.extract_strided_slice %get3A_7 {offsets = [0, 0], sizes = [16, 1], strides = [1, 1]} : vector<16x2xf32> to vector<16x1xf32>
    %slice3A_8 = vector.extract_strided_slice %get3A_4 {offsets = [0, 0], sizes = [1, 16384], strides = [1, 1]} : vector<2x16384xf32> to vector<1x16384xf32>
    %mul3A = vector.broadcast %slice3A : vector<16x1xf32> to vector<16x16384xf32>
    %mul3A_9 = vector.broadcast %slice3A_8 : vector<1x16384xf32> to vector<16x16384xf32>
    %mul3A_10 = arith.mulf %mul3A, %mul3A_9 : vector<16x16384xf32>
    %slice3A_11 = vector.extract_strided_slice %get3A_7 {offsets = [0, 1], sizes = [16, 1], strides = [1, 1]} : vector<16x2xf32> to vector<16x1xf32>
    %slice3A_12 = vector.extract_strided_slice %get3A_4 {offsets = [1, 0], sizes = [1, 16384], strides = [1, 1]} : vector<2x16384xf32> to vector<1x16384xf32>
    %mul3A_13 = vector.broadcast %slice3A_11 : vector<16x1xf32> to vector<16x16384xf32>
    %mul3A_14 = vector.broadcast %slice3A_12 : vector<1x16384xf32> to vector<16x16384xf32>
    %mul3A_15 = arith.mulf %mul3A_13, %mul3A_14 : vector<16x16384xf32>
    %add3A = arith.addf %mul3A_10, %mul3A_15 : vector<16x16384xf32>
    %get3A_16 = arith.constant 0 : index
    %get3A_17 = arith.constant 0 : index
    %get3A_18 = vector.load %arg4[%get3A_16, %get3A_17] : memref<16x1xf32, #tpu.memory_space<vmem>>, vector<16x1xf32>
    %add3A_19 = vector.broadcast %get3A_18 : vector<16x1xf32> to vector<16x16384xf32>
    %add3A_20 = arith.addf %add3A, %add3A_19 : vector<16x16384xf32>
    %max3A = arith.constant 0.000000e+00 : f32
    %max3A_21 = vector.broadcast %max3A : f32 to vector<16x16384xf32>
    %max3A_22 = arith.maximumf %add3A_20, %max3A_21 : vector<16x16384xf32>
    %get3A_23 = arith.constant 0 : index
    %get3A_24 = arith.constant 0 : index
    %get3A_25 = vector.load %arg5[%get3A_23, %get3A_24] : memref<176x48xbf16, #tpu.memory_space<vmem>>, vector<176x48xbf16>
    %slice3A_26 = vector.extract_strided_slice %transpose3A {offsets = [0, 0], sizes = [16, 2048], strides = [1, 1]} : vector<128x2048xf32> to vector<16x2048xf32>
    %slice3A_27 = vector.extract_strided_slice %max3A_22 {offsets = [0, 0], sizes = [16, 2048], strides = [1, 1]} : vector<16x16384xf32> to vector<16x2048xf32>
    %bitcast_convert_type3A = tpu.bitcast %slice3A_26 : vector<16x2048xf32> -> vector<16x2048xi32>
    %and3A = arith.constant -65536 : i32
    %and3A_28 = vector.broadcast %and3A : i32 to vector<16x2048xi32>
    %and3A_29 = arith.andi %bitcast_convert_type3A, %and3A_28 : vector<16x2048xi32>
    %bitcast_convert_type3A_30 = tpu.bitcast %and3A_29 : vector<16x2048xi32> -> vector<16x2048xf32>
    %sub3A = arith.subf %slice3A_26, %bitcast_convert_type3A_30 : vector<16x2048xf32>
    %convert_element_type3A = arith.truncf %bitcast_convert_type3A_30 : vector<16x2048xf32> to vector<16x2048xbf16>
    %convert_element_type3A_31 = arith.truncf %sub3A : vector<16x2048xf32> to vector<16x2048xbf16>
    %convert_element_type3A_32 = arith.truncf %bitcast_convert_type3A_30 : vector<16x2048xf32> to vector<16x2048xbf16>
    %concatenate3A = tpu.concatenate %convert_element_type3A, %convert_element_type3A_31, %convert_element_type3A_32 in 0 : vector<16x2048xbf16>, vector<16x2048xbf16>, vector<16x2048xbf16> -> vector<48x2048xbf16>
    %dot_general3A = arith.constant dense<0.000000e+00> : vector<176x2048xf32>
    %dot_general3A_33 = tpu.matmul %get3A_25, %concatenate3A, %dot_general3A {dimension_numbers = #tpu.dot_dimension_numbers<[1], [0], [0], [1], [0, 0, 1, 1], [], []>, transpose_lhs_hint = false} : vector<176x48xbf16>, vector<48x2048xbf16>, vector<176x2048xf32> -> vector<176x2048xf32>
    %slice3A_34 = vector.extract_strided_slice %slice3A_27 {offsets = [10, 0], sizes = [1, 2048], strides = [1, 1]} : vector<16x2048xf32> to vector<1x2048xf32>
    %slice3A_35 = vector.extract_strided_slice %dot_general3A_33 {offsets = [160, 0], sizes = [16, 2048], strides = [1, 1]} : vector<176x2048xf32> to vector<16x2048xf32>
    %mul3A_36 = vector.broadcast %slice3A_34 : vector<1x2048xf32> to vector<16x2048xf32>
    %mul3A_37 = arith.mulf %mul3A_36, %slice3A_35 : vector<16x2048xf32>
    %slice3A_38 = vector.extract_strided_slice %slice3A_27 {offsets = [0, 0], sizes = [1, 2048], strides = [1, 1]} : vector<16x2048xf32> to vector<1x2048xf32>
    %slice3A_39 = vector.extract_strided_slice %dot_general3A_33 {offsets = [0, 0], sizes = [16, 2048], strides = [1, 1]} : vector<176x2048xf32> to vector<16x2048xf32>
    %mul3A_40 = vector.broadcast %slice3A_38 : vector<1x2048xf32> to vector<16x2048xf32>
    %mul3A_41 = arith.mulf %mul3A_40, %slice3A_39 : vector<16x2048xf32>
    %add3A_42 = arith.addf %mul3A_37, %mul3A_41 : vector<16x2048xf32>
    %slice3A_43 = vector.extract_strided_slice %slice3A_27 {offsets = [1, 0], sizes = [1, 2048], strides = [1, 1]} : vector<16x2048xf32> to vector<1x2048xf32>
    %slice3A_44 = vector.extract_strided_slice %dot_general3A_33 {offsets = [16, 0], sizes = [16, 2048], strides = [1, 1]} : vector<176x2048xf32> to vector<16x2048xf32>
    %mul3A_45 = vector.broadcast %slice3A_43 : vector<1x2048xf32> to vector<16x2048xf32>
    %mul3A_46 = arith.mulf %mul3A_45, %slice3A_44 : vector<16x2048xf32>
    %add3A_47 = arith.addf %add3A_42, %mul3A_46 : vector<16x2048xf32>
    %slice3A_48 = vector.extract_strided_slice %slice3A_27 {offsets = [2, 0], sizes = [1, 2048], strides = [1, 1]} : vector<16x2048xf32> to vector<1x2048xf32>
    %slice3A_49 = vector.extract_strided_slice %dot_general3A_33 {offsets = [32, 0], sizes = [16, 2048], strides = [1, 1]} : vector<176x2048xf32> to vector<16x2048xf32>
    %mul3A_50 = vector.broadcast %slice3A_48 : vector<1x2048xf32> to vector<16x2048xf32>
    %mul3A_51 = arith.mulf %mul3A_50, %slice3A_49 : vector<16x2048xf32>
    %add3A_52 = arith.addf %add3A_47, %mul3A_51 : vector<16x2048xf32>
    %slice3A_53 = vector.extract_strided_slice %slice3A_27 {offsets = [3, 0], sizes = [1, 2048], strides = [1, 1]} : vector<16x2048xf32> to vector<1x2048xf32>
    %slice3A_54 = vector.extract_strided_slice %dot_general3A_33 {offsets = [48, 0], sizes = [16, 2048], strides = [1, 1]} : vector<176x2048xf32> to vector<16x2048xf32>
    %mul3A_55 = vector.broadcast %slice3A_53 : vector<1x2048xf32> to vector<16x2048xf32>
    %mul3A_56 = arith.mulf %mul3A_55, %slice3A_54 : vector<16x2048xf32>
    %add3A_57 = arith.addf %add3A_52, %mul3A_56 : vector<16x2048xf32>
    %slice3A_58 = vector.extract_strided_slice %slice3A_27 {offsets = [4, 0], sizes = [1, 2048], strides = [1, 1]} : vector<16x2048xf32> to vector<1x2048xf32>
    %slice3A_59 = vector.extract_strided_slice %dot_general3A_33 {offsets = [64, 0], sizes = [16, 2048], strides = [1, 1]} : vector<176x2048xf32> to vector<16x2048xf32>
    %mul3A_60 = vector.broadcast %slice3A_58 : vector<1x2048xf32> to vector<16x2048xf32>
    %mul3A_61 = arith.mulf %mul3A_60, %slice3A_59 : vector<16x2048xf32>
    %add3A_62 = arith.addf %add3A_57, %mul3A_61 : vector<16x2048xf32>
    %slice3A_63 = vector.extract_strided_slice %slice3A_27 {offsets = [5, 0], sizes = [1, 2048], strides = [1, 1]} : vector<16x2048xf32> to vector<1x2048xf32>
    %slice3A_64 = vector.extract_strided_slice %dot_general3A_33 {offsets = [80, 0], sizes = [16, 2048], strides = [1, 1]} : vector<176x2048xf32> to vector<16x2048xf32>
    %mul3A_65 = vector.broadcast %slice3A_63 : vector<1x2048xf32> to vector<16x2048xf32>
    %mul3A_66 = arith.mulf %mul3A_65, %slice3A_64 : vector<16x2048xf32>
    %add3A_67 = arith.addf %add3A_62, %mul3A_66 : vector<16x2048xf32>
    %slice3A_68 = vector.extract_strided_slice %slice3A_27 {offsets = [6, 0], sizes = [1, 2048], strides = [1, 1]} : vector<16x2048xf32> to vector<1x2048xf32>
    %slice3A_69 = vector.extract_strided_slice %dot_general3A_33 {offsets = [96, 0], sizes = [16, 2048], strides = [1, 1]} : vector<176x2048xf32> to vector<16x2048xf32>
    %mul3A_70 = vector.broadcast %slice3A_68 : vector<1x2048xf32> to vector<16x2048xf32>
    %mul3A_71 = arith.mulf %mul3A_70, %slice3A_69 : vector<16x2048xf32>
    %add3A_72 = arith.addf %add3A_67, %mul3A_71 : vector<16x2048xf32>
    %slice3A_73 = vector.extract_strided_slice %slice3A_27 {offsets = [7, 0], sizes = [1, 2048], strides = [1, 1]} : vector<16x2048xf32> to vector<1x2048xf32>
    %slice3A_74 = vector.extract_strided_slice %dot_general3A_33 {offsets = [112, 0], sizes = [16, 2048], strides = [1, 1]} : vector<176x2048xf32> to vector<16x2048xf32>
    %mul3A_75 = vector.broadcast %slice3A_73 : vector<1x2048xf32> to vector<16x2048xf32>
    %mul3A_76 = arith.mulf %mul3A_75, %slice3A_74 : vector<16x2048xf32>
    %add3A_77 = arith.addf %add3A_72, %mul3A_76 : vector<16x2048xf32>
    %slice3A_78 = vector.extract_strided_slice %slice3A_27 {offsets = [8, 0], sizes = [1, 2048], strides = [1, 1]} : vector<16x2048xf32> to vector<1x2048xf32>
    %slice3A_79 = vector.extract_strided_slice %dot_general3A_33 {offsets = [128, 0], sizes = [16, 2048], strides = [1, 1]} : vector<176x2048xf32> to vector<16x2048xf32>
    %mul3A_80 = vector.broadcast %slice3A_78 : vector<1x2048xf32> to vector<16x2048xf32>
    %mul3A_81 = arith.mulf %mul3A_80, %slice3A_79 : vector<16x2048xf32>
    %add3A_82 = arith.addf %add3A_77, %mul3A_81 : vector<16x2048xf32>
    %slice3A_83 = vector.extract_strided_slice %slice3A_27 {offsets = [9, 0], sizes = [1, 2048], strides = [1, 1]} : vector<16x2048xf32> to vector<1x2048xf32>
    %slice3A_84 = vector.extract_strided_slice %dot_general3A_33 {offsets = [144, 0], sizes = [16, 2048], strides = [1, 1]} : vector<176x2048xf32> to vector<16x2048xf32>
    %mul3A_85 = vector.broadcast %slice3A_83 : vector<1x2048xf32> to vector<16x2048xf32>
    %mul3A_86 = arith.mulf %mul3A_85, %slice3A_84 : vector<16x2048xf32>
    %add3A_87 = arith.addf %add3A_82, %mul3A_86 : vector<16x2048xf32>
    %transpose3A_88 = tpu.transpose %add3A_87, [1, 0] : vector<16x2048xf32> -> vector<2048x16xf32>
    %slice3A_89 = vector.extract_strided_slice %transpose3A {offsets = [16, 0], sizes = [16, 2048], strides = [1, 1]} : vector<128x2048xf32> to vector<16x2048xf32>
    %slice3A_90 = vector.extract_strided_slice %max3A_22 {offsets = [0, 2048], sizes = [16, 2048], strides = [1, 1]} : vector<16x16384xf32> to vector<16x2048xf32>
    %bitcast_convert_type3A_91 = tpu.bitcast %slice3A_89 : vector<16x2048xf32> -> vector<16x2048xi32>
    %and3A_92 = arith.constant -65536 : i32
    %and3A_93 = vector.broadcast %and3A_92 : i32 to vector<16x2048xi32>
    %and3A_94 = arith.andi %bitcast_convert_type3A_91, %and3A_93 : vector<16x2048xi32>
    %bitcast_convert_type3A_95 = tpu.bitcast %and3A_94 : vector<16x2048xi32> -> vector<16x2048xf32>
    %sub3A_96 = arith.subf %slice3A_89, %bitcast_convert_type3A_95 : vector<16x2048xf32>
    %convert_element_type3A_97 = arith.truncf %bitcast_convert_type3A_95 : vector<16x2048xf32> to vector<16x2048xbf16>
    %convert_element_type3A_98 = arith.truncf %sub3A_96 : vector<16x2048xf32> to vector<16x2048xbf16>
    %convert_element_type3A_99 = arith.truncf %bitcast_convert_type3A_95 : vector<16x2048xf32> to vector<16x2048xbf16>
    %concatenate3A_100 = tpu.concatenate %convert_element_type3A_97, %convert_element_type3A_98, %convert_element_type3A_99 in 0 : vector<16x2048xbf16>, vector<16x2048xbf16>, vector<16x2048xbf16> -> vector<48x2048xbf16>
    %dot_general3A_101 = arith.constant dense<0.000000e+00> : vector<176x2048xf32>
    %dot_general3A_102 = tpu.matmul %get3A_25, %concatenate3A_100, %dot_general3A_101 {dimension_numbers = #tpu.dot_dimension_numbers<[1], [0], [0], [1], [0, 0, 1, 1], [], []>, transpose_lhs_hint = false} : vector<176x48xbf16>, vector<48x2048xbf16>, vector<176x2048xf32> -> vector<176x2048xf32>
    %slice3A_103 = vector.extract_strided_slice %slice3A_90 {offsets = [10, 0], sizes = [1, 2048], strides = [1, 1]} : vector<16x2048xf32> to vector<1x2048xf32>
    %slice3A_104 = vector.extract_strided_slice %dot_general3A_102 {offsets = [160, 0], sizes = [16, 2048], strides = [1, 1]} : vector<176x2048xf32> to vector<16x2048xf32>
    %mul3A_105 = vector.broadcast %slice3A_103 : vector<1x2048xf32> to vector<16x2048xf32>
    %mul3A_106 = arith.mulf %mul3A_105, %slice3A_104 : vector<16x2048xf32>
    %slice3A_107 = vector.extract_strided_slice %slice3A_90 {offsets = [0, 0], sizes = [1, 2048], strides = [1, 1]} : vector<16x2048xf32> to vector<1x2048xf32>
    %slice3A_108 = vector.extract_strided_slice %dot_general3A_102 {offsets = [0, 0], sizes = [16, 2048], strides = [1, 1]} : vector<176x2048xf32> to vector<16x2048xf32>
    %mul3A_109 = vector.broadcast %slice3A_107 : vector<1x2048xf32> to vector<16x2048xf32>
    %mul3A_110 = arith.mulf %mul3A_109, %slice3A_108 : vector<16x2048xf32>
    %add3A_111 = arith.addf %mul3A_106, %mul3A_110 : vector<16x2048xf32>
    %slice3A_112 = vector.extract_strided_slice %slice3A_90 {offsets = [1, 0], sizes = [1, 2048], strides = [1, 1]} : vector<16x2048xf32> to vector<1x2048xf32>
    %slice3A_113 = vector.extract_strided_slice %dot_general3A_102 {offsets = [16, 0], sizes = [16, 2048], strides = [1, 1]} : vector<176x2048xf32> to vector<16x2048xf32>
    %mul3A_114 = vector.broadcast %slice3A_112 : vector<1x2048xf32> to vector<16x2048xf32>
    %mul3A_115 = arith.mulf %mul3A_114, %slice3A_113 : vector<16x2048xf32>
    %add3A_116 = arith.addf %add3A_111, %mul3A_115 : vector<16x2048xf32>
    %slice3A_117 = vector.extract_strided_slice %slice3A_90 {offsets = [2, 0], sizes = [1, 2048], strides = [1, 1]} : vector<16x2048xf32> to vector<1x2048xf32>
    %slice3A_118 = vector.extract_strided_slice %dot_general3A_102 {offsets = [32, 0], sizes = [16, 2048], strides = [1, 1]} : vector<176x2048xf32> to vector<16x2048xf32>
    %mul3A_119 = vector.broadcast %slice3A_117 : vector<1x2048xf32> to vector<16x2048xf32>
    %mul3A_120 = arith.mulf %mul3A_119, %slice3A_118 : vector<16x2048xf32>
    %add3A_121 = arith.addf %add3A_116, %mul3A_120 : vector<16x2048xf32>
    %slice3A_122 = vector.extract_strided_slice %slice3A_90 {offsets = [3, 0], sizes = [1, 2048], strides = [1, 1]} : vector<16x2048xf32> to vector<1x2048xf32>
    %slice3A_123 = vector.extract_strided_slice %dot_general3A_102 {offsets = [48, 0], sizes = [16, 2048], strides = [1, 1]} : vector<176x2048xf32> to vector<16x2048xf32>
    %mul3A_124 = vector.broadcast %slice3A_122 : vector<1x2048xf32> to vector<16x2048xf32>
    %mul3A_125 = arith.mulf %mul3A_124, %slice3A_123 : vector<16x2048xf32>
    %add3A_126 = arith.addf %add3A_121, %mul3A_125 : vector<16x2048xf32>
    %slice3A_127 = vector.extract_strided_slice %slice3A_90 {offsets = [4, 0], sizes = [1, 2048], strides = [1, 1]} : vector<16x2048xf32> to vector<1x2048xf32>
    %slice3A_128 = vector.extract_strided_slice %dot_general3A_102 {offsets = [64, 0], sizes = [16, 2048], strides = [1, 1]} : vector<176x2048xf32> to vector<16x2048xf32>
    %mul3A_129 = vector.broadcast %slice3A_127 : vector<1x2048xf32> to vector<16x2048xf32>
    %mul3A_130 = arith.mulf %mul3A_129, %slice3A_128 : vector<16x2048xf32>
    %add3A_131 = arith.addf %add3A_126, %mul3A_130 : vector<16x2048xf32>
    %slice3A_132 = vector.extract_strided_slice %slice3A_90 {offsets = [5, 0], sizes = [1, 2048], strides = [1, 1]} : vector<16x2048xf32> to vector<1x2048xf32>
    %slice3A_133 = vector.extract_strided_slice %dot_general3A_102 {offsets = [80, 0], sizes = [16, 2048], strides = [1, 1]} : vector<176x2048xf32> to vector<16x2048xf32>
    %mul3A_134 = vector.broadcast %slice3A_132 : vector<1x2048xf32> to vector<16x2048xf32>
    %mul3A_135 = arith.mulf %mul3A_134, %slice3A_133 : vector<16x2048xf32>
    %add3A_136 = arith.addf %add3A_131, %mul3A_135 : vector<16x2048xf32>
    %slice3A_137 = vector.extract_strided_slice %slice3A_90 {offsets = [6, 0], sizes = [1, 2048], strides = [1, 1]} : vector<16x2048xf32> to vector<1x2048xf32>
    %slice3A_138 = vector.extract_strided_slice %dot_general3A_102 {offsets = [96, 0], sizes = [16, 2048], strides = [1, 1]} : vector<176x2048xf32> to vector<16x2048xf32>
    %mul3A_139 = vector.broadcast %slice3A_137 : vector<1x2048xf32> to vector<16x2048xf32>
    %mul3A_140 = arith.mulf %mul3A_139, %slice3A_138 : vector<16x2048xf32>
    %add3A_141 = arith.addf %add3A_136, %mul3A_140 : vector<16x2048xf32>
    %slice3A_142 = vector.extract_strided_slice %slice3A_90 {offsets = [7, 0], sizes = [1, 2048], strides = [1, 1]} : vector<16x2048xf32> to vector<1x2048xf32>
    %slice3A_143 = vector.extract_strided_slice %dot_general3A_102 {offsets = [112, 0], sizes = [16, 2048], strides = [1, 1]} : vector<176x2048xf32> to vector<16x2048xf32>
    %mul3A_144 = vector.broadcast %slice3A_142 : vector<1x2048xf32> to vector<16x2048xf32>
    %mul3A_145 = arith.mulf %mul3A_144, %slice3A_143 : vector<16x2048xf32>
    %add3A_146 = arith.addf %add3A_141, %mul3A_145 : vector<16x2048xf32>
    %slice3A_147 = vector.extract_strided_slice %slice3A_90 {offsets = [8, 0], sizes = [1, 2048], strides = [1, 1]} : vector<16x2048xf32> to vector<1x2048xf32>
    %slice3A_148 = vector.extract_strided_slice %dot_general3A_102 {offsets = [128, 0], sizes = [16, 2048], strides = [1, 1]} : vector<176x2048xf32> to vector<16x2048xf32>
    %mul3A_149 = vector.broadcast %slice3A_147 : vector<1x2048xf32> to vector<16x2048xf32>
    %mul3A_150 = arith.mulf %mul3A_149, %slice3A_148 : vector<16x2048xf32>
    %add3A_151 = arith.addf %add3A_146, %mul3A_150 : vector<16x2048xf32>
    %slice3A_152 = vector.extract_strided_slice %slice3A_90 {offsets = [9, 0], sizes = [1, 2048], strides = [1, 1]} : vector<16x2048xf32> to vector<1x2048xf32>
    %slice3A_153 = vector.extract_strided_slice %dot_general3A_102 {offsets = [144, 0], sizes = [16, 2048], strides = [1, 1]} : vector<176x2048xf32> to vector<16x2048xf32>
    %mul3A_154 = vector.broadcast %slice3A_152 : vector<1x2048xf32> to vector<16x2048xf32>
    %mul3A_155 = arith.mulf %mul3A_154, %slice3A_153 : vector<16x2048xf32>
    %add3A_156 = arith.addf %add3A_151, %mul3A_155 : vector<16x2048xf32>
    %transpose3A_157 = tpu.transpose %add3A_156, [1, 0] : vector<16x2048xf32> -> vector<2048x16xf32>
    %slice3A_158 = vector.extract_strided_slice %transpose3A {offsets = [32, 0], sizes = [16, 2048], strides = [1, 1]} : vector<128x2048xf32> to vector<16x2048xf32>
    %slice3A_159 = vector.extract_strided_slice %max3A_22 {offsets = [0, 4096], sizes = [16, 2048], strides = [1, 1]} : vector<16x16384xf32> to vector<16x2048xf32>
    %bitcast_convert_type3A_160 = tpu.bitcast %slice3A_158 : vector<16x2048xf32> -> vector<16x2048xi32>
    %and3A_161 = arith.constant -65536 : i32
    %and3A_162 = vector.broadcast %and3A_161 : i32 to vector<16x2048xi32>
    %and3A_163 = arith.andi %bitcast_convert_type3A_160, %and3A_162 : vector<16x2048xi32>
    %bitcast_convert_type3A_164 = tpu.bitcast %and3A_163 : vector<16x2048xi32> -> vector<16x2048xf32>
    %sub3A_165 = arith.subf %slice3A_158, %bitcast_convert_type3A_164 : vector<16x2048xf32>
    %convert_element_type3A_166 = arith.truncf %bitcast_convert_type3A_164 : vector<16x2048xf32> to vector<16x2048xbf16>
    %convert_element_type3A_167 = arith.truncf %sub3A_165 : vector<16x2048xf32> to vector<16x2048xbf16>
    %convert_element_type3A_168 = arith.truncf %bitcast_convert_type3A_164 : vector<16x2048xf32> to vector<16x2048xbf16>
    %concatenate3A_169 = tpu.concatenate %convert_element_type3A_166, %convert_element_type3A_167, %convert_element_type3A_168 in 0 : vector<16x2048xbf16>, vector<16x2048xbf16>, vector<16x2048xbf16> -> vector<48x2048xbf16>
    %dot_general3A_170 = arith.constant dense<0.000000e+00> : vector<176x2048xf32>
    %dot_general3A_171 = tpu.matmul %get3A_25, %concatenate3A_169, %dot_general3A_170 {dimension_numbers = #tpu.dot_dimension_numbers<[1], [0], [0], [1], [0, 0, 1, 1], [], []>, transpose_lhs_hint = false} : vector<176x48xbf16>, vector<48x2048xbf16>, vector<176x2048xf32> -> vector<176x2048xf32>
    %slice3A_172 = vector.extract_strided_slice %slice3A_159 {offsets = [10, 0], sizes = [1, 2048], strides = [1, 1]} : vector<16x2048xf32> to vector<1x2048xf32>
    %slice3A_173 = vector.extract_strided_slice %dot_general3A_171 {offsets = [160, 0], sizes = [16, 2048], strides = [1, 1]} : vector<176x2048xf32> to vector<16x2048xf32>
    %mul3A_174 = vector.broadcast %slice3A_172 : vector<1x2048xf32> to vector<16x2048xf32>
    %mul3A_175 = arith.mulf %mul3A_174, %slice3A_173 : vector<16x2048xf32>
    %slice3A_176 = vector.extract_strided_slice %slice3A_159 {offsets = [0, 0], sizes = [1, 2048], strides = [1, 1]} : vector<16x2048xf32> to vector<1x2048xf32>
    %slice3A_177 = vector.extract_strided_slice %dot_general3A_171 {offsets = [0, 0], sizes = [16, 2048], strides = [1, 1]} : vector<176x2048xf32> to vector<16x2048xf32>
    %mul3A_178 = vector.broadcast %slice3A_176 : vector<1x2048xf32> to vector<16x2048xf32>
    %mul3A_179 = arith.mulf %mul3A_178, %slice3A_177 : vector<16x2048xf32>
    %add3A_180 = arith.addf %mul3A_175, %mul3A_179 : vector<16x2048xf32>
    %slice3A_181 = vector.extract_strided_slice %slice3A_159 {offsets = [1, 0], sizes = [1, 2048], strides = [1, 1]} : vector<16x2048xf32> to vector<1x2048xf32>
    %slice3A_182 = vector.extract_strided_slice %dot_general3A_171 {offsets = [16, 0], sizes = [16, 2048], strides = [1, 1]} : vector<176x2048xf32> to vector<16x2048xf32>
    %mul3A_183 = vector.broadcast %slice3A_181 : vector<1x2048xf32> to vector<16x2048xf32>
    %mul3A_184 = arith.mulf %mul3A_183, %slice3A_182 : vector<16x2048xf32>
    %add3A_185 = arith.addf %add3A_180, %mul3A_184 : vector<16x2048xf32>
    %slice3A_186 = vector.extract_strided_slice %slice3A_159 {offsets = [2, 0], sizes = [1, 2048], strides = [1, 1]} : vector<16x2048xf32> to vector<1x2048xf32>
    %slice3A_187 = vector.extract_strided_slice %dot_general3A_171 {offsets = [32, 0], sizes = [16, 2048], strides = [1, 1]} : vector<176x2048xf32> to vector<16x2048xf32>
    %mul3A_188 = vector.broadcast %slice3A_186 : vector<1x2048xf32> to vector<16x2048xf32>
    %mul3A_189 = arith.mulf %mul3A_188, %slice3A_187 : vector<16x2048xf32>
    %add3A_190 = arith.addf %add3A_185, %mul3A_189 : vector<16x2048xf32>
    %slice3A_191 = vector.extract_strided_slice %slice3A_159 {offsets = [3, 0], sizes = [1, 2048], strides = [1, 1]} : vector<16x2048xf32> to vector<1x2048xf32>
    %slice3A_192 = vector.extract_strided_slice %dot_general3A_171 {offsets = [48, 0], sizes = [16, 2048], strides = [1, 1]} : vector<176x2048xf32> to vector<16x2048xf32>
    %mul3A_193 = vector.broadcast %slice3A_191 : vector<1x2048xf32> to vector<16x2048xf32>
    %mul3A_194 = arith.mulf %mul3A_193, %slice3A_192 : vector<16x2048xf32>
    %add3A_195 = arith.addf %add3A_190, %mul3A_194 : vector<16x2048xf32>
    %slice3A_196 = vector.extract_strided_slice %slice3A_159 {offsets = [4, 0], sizes = [1, 2048], strides = [1, 1]} : vector<16x2048xf32> to vector<1x2048xf32>
    %slice3A_197 = vector.extract_strided_slice %dot_general3A_171 {offsets = [64, 0], sizes = [16, 2048], strides = [1, 1]} : vector<176x2048xf32> to vector<16x2048xf32>
    %mul3A_198 = vector.broadcast %slice3A_196 : vector<1x2048xf32> to vector<16x2048xf32>
    %mul3A_199 = arith.mulf %mul3A_198, %slice3A_197 : vector<16x2048xf32>
    %add3A_200 = arith.addf %add3A_195, %mul3A_199 : vector<16x2048xf32>
    %slice3A_201 = vector.extract_strided_slice %slice3A_159 {offsets = [5, 0], sizes = [1, 2048], strides = [1, 1]} : vector<16x2048xf32> to vector<1x2048xf32>
    %slice3A_202 = vector.extract_strided_slice %dot_general3A_171 {offsets = [80, 0], sizes = [16, 2048], strides = [1, 1]} : vector<176x2048xf32> to vector<16x2048xf32>
    %mul3A_203 = vector.broadcast %slice3A_201 : vector<1x2048xf32> to vector<16x2048xf32>
    %mul3A_204 = arith.mulf %mul3A_203, %slice3A_202 : vector<16x2048xf32>
    %add3A_205 = arith.addf %add3A_200, %mul3A_204 : vector<16x2048xf32>
    %slice3A_206 = vector.extract_strided_slice %slice3A_159 {offsets = [6, 0], sizes = [1, 2048], strides = [1, 1]} : vector<16x2048xf32> to vector<1x2048xf32>
    %slice3A_207 = vector.extract_strided_slice %dot_general3A_171 {offsets = [96, 0], sizes = [16, 2048], strides = [1, 1]} : vector<176x2048xf32> to vector<16x2048xf32>
    %mul3A_208 = vector.broadcast %slice3A_206 : vector<1x2048xf32> to vector<16x2048xf32>
    %mul3A_209 = arith.mulf %mul3A_208, %slice3A_207 : vector<16x2048xf32>
    %add3A_210 = arith.addf %add3A_205, %mul3A_209 : vector<16x2048xf32>
    %slice3A_211 = vector.extract_strided_slice %slice3A_159 {offsets = [7, 0], sizes = [1, 2048], strides = [1, 1]} : vector<16x2048xf32> to vector<1x2048xf32>
    %slice3A_212 = vector.extract_strided_slice %dot_general3A_171 {offsets = [112, 0], sizes = [16, 2048], strides = [1, 1]} : vector<176x2048xf32> to vector<16x2048xf32>
    %mul3A_213 = vector.broadcast %slice3A_211 : vector<1x2048xf32> to vector<16x2048xf32>
    %mul3A_214 = arith.mulf %mul3A_213, %slice3A_212 : vector<16x2048xf32>
    %add3A_215 = arith.addf %add3A_210, %mul3A_214 : vector<16x2048xf32>
    %slice3A_216 = vector.extract_strided_slice %slice3A_159 {offsets = [8, 0], sizes = [1, 2048], strides = [1, 1]} : vector<16x2048xf32> to vector<1x2048xf32>
    %slice3A_217 = vector.extract_strided_slice %dot_general3A_171 {offsets = [128, 0], sizes = [16, 2048], strides = [1, 1]} : vector<176x2048xf32> to vector<16x2048xf32>
    %mul3A_218 = vector.broadcast %slice3A_216 : vector<1x2048xf32> to vector<16x2048xf32>
    %mul3A_219 = arith.mulf %mul3A_218, %slice3A_217 : vector<16x2048xf32>
    %add3A_220 = arith.addf %add3A_215, %mul3A_219 : vector<16x2048xf32>
    %slice3A_221 = vector.extract_strided_slice %slice3A_159 {offsets = [9, 0], sizes = [1, 2048], strides = [1, 1]} : vector<16x2048xf32> to vector<1x2048xf32>
    %slice3A_222 = vector.extract_strided_slice %dot_general3A_171 {offsets = [144, 0], sizes = [16, 2048], strides = [1, 1]} : vector<176x2048xf32> to vector<16x2048xf32>
    %mul3A_223 = vector.broadcast %slice3A_221 : vector<1x2048xf32> to vector<16x2048xf32>
    %mul3A_224 = arith.mulf %mul3A_223, %slice3A_222 : vector<16x2048xf32>
    %add3A_225 = arith.addf %add3A_220, %mul3A_224 : vector<16x2048xf32>
    %transpose3A_226 = tpu.transpose %add3A_225, [1, 0] : vector<16x2048xf32> -> vector<2048x16xf32>
    %slice3A_227 = vector.extract_strided_slice %transpose3A {offsets = [48, 0], sizes = [16, 2048], strides = [1, 1]} : vector<128x2048xf32> to vector<16x2048xf32>
    %slice3A_228 = vector.extract_strided_slice %max3A_22 {offsets = [0, 6144], sizes = [16, 2048], strides = [1, 1]} : vector<16x16384xf32> to vector<16x2048xf32>
    %bitcast_convert_type3A_229 = tpu.bitcast %slice3A_227 : vector<16x2048xf32> -> vector<16x2048xi32>
    %and3A_230 = arith.constant -65536 : i32
    %and3A_231 = vector.broadcast %and3A_230 : i32 to vector<16x2048xi32>
    %and3A_232 = arith.andi %bitcast_convert_type3A_229, %and3A_231 : vector<16x2048xi32>
    %bitcast_convert_type3A_233 = tpu.bitcast %and3A_232 : vector<16x2048xi32> -> vector<16x2048xf32>
    %sub3A_234 = arith.subf %slice3A_227, %bitcast_convert_type3A_233 : vector<16x2048xf32>
    %convert_element_type3A_235 = arith.truncf %bitcast_convert_type3A_233 : vector<16x2048xf32> to vector<16x2048xbf16>
    %convert_element_type3A_236 = arith.truncf %sub3A_234 : vector<16x2048xf32> to vector<16x2048xbf16>
    %convert_element_type3A_237 = arith.truncf %bitcast_convert_type3A_233 : vector<16x2048xf32> to vector<16x2048xbf16>
    %concatenate3A_238 = tpu.concatenate %convert_element_type3A_235, %convert_element_type3A_236, %convert_element_type3A_237 in 0 : vector<16x2048xbf16>, vector<16x2048xbf16>, vector<16x2048xbf16> -> vector<48x2048xbf16>
    %dot_general3A_239 = arith.constant dense<0.000000e+00> : vector<176x2048xf32>
    %dot_general3A_240 = tpu.matmul %get3A_25, %concatenate3A_238, %dot_general3A_239 {dimension_numbers = #tpu.dot_dimension_numbers<[1], [0], [0], [1], [0, 0, 1, 1], [], []>, transpose_lhs_hint = false} : vector<176x48xbf16>, vector<48x2048xbf16>, vector<176x2048xf32> -> vector<176x2048xf32>
    %slice3A_241 = vector.extract_strided_slice %slice3A_228 {offsets = [10, 0], sizes = [1, 2048], strides = [1, 1]} : vector<16x2048xf32> to vector<1x2048xf32>
    %slice3A_242 = vector.extract_strided_slice %dot_general3A_240 {offsets = [160, 0], sizes = [16, 2048], strides = [1, 1]} : vector<176x2048xf32> to vector<16x2048xf32>
    %mul3A_243 = vector.broadcast %slice3A_241 : vector<1x2048xf32> to vector<16x2048xf32>
    %mul3A_244 = arith.mulf %mul3A_243, %slice3A_242 : vector<16x2048xf32>
    %slice3A_245 = vector.extract_strided_slice %slice3A_228 {offsets = [0, 0], sizes = [1, 2048], strides = [1, 1]} : vector<16x2048xf32> to vector<1x2048xf32>
    %slice3A_246 = vector.extract_strided_slice %dot_general3A_240 {offsets = [0, 0], sizes = [16, 2048], strides = [1, 1]} : vector<176x2048xf32> to vector<16x2048xf32>
    %mul3A_247 = vector.broadcast %slice3A_245 : vector<1x2048xf32> to vector<16x2048xf32>
    %mul3A_248 = arith.mulf %mul3A_247, %slice3A_246 : vector<16x2048xf32>
    %add3A_249 = arith.addf %mul3A_244, %mul3A_248 : vector<16x2048xf32>
    %slice3A_250 = vector.extract_strided_slice %slice3A_228 {offsets = [1, 0], sizes = [1, 2048], strides = [1, 1]} : vector<16x2048xf32> to vector<1x2048xf32>
    %slice3A_251 = vector.extract_strided_slice %dot_general3A_240 {offsets = [16, 0], sizes = [16, 2048], strides = [1, 1]} : vector<176x2048xf32> to vector<16x2048xf32>
    %mul3A_252 = vector.broadcast %slice3A_250 : vector<1x2048xf32> to vector<16x2048xf32>
    %mul3A_253 = arith.mulf %mul3A_252, %slice3A_251 : vector<16x2048xf32>
    %add3A_254 = arith.addf %add3A_249, %mul3A_253 : vector<16x2048xf32>
    %slice3A_255 = vector.extract_strided_slice %slice3A_228 {offsets = [2, 0], sizes = [1, 2048], strides = [1, 1]} : vector<16x2048xf32> to vector<1x2048xf32>
    %slice3A_256 = vector.extract_strided_slice %dot_general3A_240 {offsets = [32, 0], sizes = [16, 2048], strides = [1, 1]} : vector<176x2048xf32> to vector<16x2048xf32>
    %mul3A_257 = vector.broadcast %slice3A_255 : vector<1x2048xf32> to vector<16x2048xf32>
    %mul3A_258 = arith.mulf %mul3A_257, %slice3A_256 : vector<16x2048xf32>
    %add3A_259 = arith.addf %add3A_254, %mul3A_258 : vector<16x2048xf32>
    %slice3A_260 = vector.extract_strided_slice %slice3A_228 {offsets = [3, 0], sizes = [1, 2048], strides = [1, 1]} : vector<16x2048xf32> to vector<1x2048xf32>
    %slice3A_261 = vector.extract_strided_slice %dot_general3A_240 {offsets = [48, 0], sizes = [16, 2048], strides = [1, 1]} : vector<176x2048xf32> to vector<16x2048xf32>
    %mul3A_262 = vector.broadcast %slice3A_260 : vector<1x2048xf32> to vector<16x2048xf32>
    %mul3A_263 = arith.mulf %mul3A_262, %slice3A_261 : vector<16x2048xf32>
    %add3A_264 = arith.addf %add3A_259, %mul3A_263 : vector<16x2048xf32>
    %slice3A_265 = vector.extract_strided_slice %slice3A_228 {offsets = [4, 0], sizes = [1, 2048], strides = [1, 1]} : vector<16x2048xf32> to vector<1x2048xf32>
    %slice3A_266 = vector.extract_strided_slice %dot_general3A_240 {offsets = [64, 0], sizes = [16, 2048], strides = [1, 1]} : vector<176x2048xf32> to vector<16x2048xf32>
    %mul3A_267 = vector.broadcast %slice3A_265 : vector<1x2048xf32> to vector<16x2048xf32>
    %mul3A_268 = arith.mulf %mul3A_267, %slice3A_266 : vector<16x2048xf32>
    %add3A_269 = arith.addf %add3A_264, %mul3A_268 : vector<16x2048xf32>
    %slice3A_270 = vector.extract_strided_slice %slice3A_228 {offsets = [5, 0], sizes = [1, 2048], strides = [1, 1]} : vector<16x2048xf32> to vector<1x2048xf32>
    %slice3A_271 = vector.extract_strided_slice %dot_general3A_240 {offsets = [80, 0], sizes = [16, 2048], strides = [1, 1]} : vector<176x2048xf32> to vector<16x2048xf32>
    %mul3A_272 = vector.broadcast %slice3A_270 : vector<1x2048xf32> to vector<16x2048xf32>
    %mul3A_273 = arith.mulf %mul3A_272, %slice3A_271 : vector<16x2048xf32>
    %add3A_274 = arith.addf %add3A_269, %mul3A_273 : vector<16x2048xf32>
    %slice3A_275 = vector.extract_strided_slice %slice3A_228 {offsets = [6, 0], sizes = [1, 2048], strides = [1, 1]} : vector<16x2048xf32> to vector<1x2048xf32>
    %slice3A_276 = vector.extract_strided_slice %dot_general3A_240 {offsets = [96, 0], sizes = [16, 2048], strides = [1, 1]} : vector<176x2048xf32> to vector<16x2048xf32>
    %mul3A_277 = vector.broadcast %slice3A_275 : vector<1x2048xf32> to vector<16x2048xf32>
    %mul3A_278 = arith.mulf %mul3A_277, %slice3A_276 : vector<16x2048xf32>
    %add3A_279 = arith.addf %add3A_274, %mul3A_278 : vector<16x2048xf32>
    %slice3A_280 = vector.extract_strided_slice %slice3A_228 {offsets = [7, 0], sizes = [1, 2048], strides = [1, 1]} : vector<16x2048xf32> to vector<1x2048xf32>
    %slice3A_281 = vector.extract_strided_slice %dot_general3A_240 {offsets = [112, 0], sizes = [16, 2048], strides = [1, 1]} : vector<176x2048xf32> to vector<16x2048xf32>
    %mul3A_282 = vector.broadcast %slice3A_280 : vector<1x2048xf32> to vector<16x2048xf32>
    %mul3A_283 = arith.mulf %mul3A_282, %slice3A_281 : vector<16x2048xf32>
    %add3A_284 = arith.addf %add3A_279, %mul3A_283 : vector<16x2048xf32>
    %slice3A_285 = vector.extract_strided_slice %slice3A_228 {offsets = [8, 0], sizes = [1, 2048], strides = [1, 1]} : vector<16x2048xf32> to vector<1x2048xf32>
    %slice3A_286 = vector.extract_strided_slice %dot_general3A_240 {offsets = [128, 0], sizes = [16, 2048], strides = [1, 1]} : vector<176x2048xf32> to vector<16x2048xf32>
    %mul3A_287 = vector.broadcast %slice3A_285 : vector<1x2048xf32> to vector<16x2048xf32>
    %mul3A_288 = arith.mulf %mul3A_287, %slice3A_286 : vector<16x2048xf32>
    %add3A_289 = arith.addf %add3A_284, %mul3A_288 : vector<16x2048xf32>
    %slice3A_290 = vector.extract_strided_slice %slice3A_228 {offsets = [9, 0], sizes = [1, 2048], strides = [1, 1]} : vector<16x2048xf32> to vector<1x2048xf32>
    %slice3A_291 = vector.extract_strided_slice %dot_general3A_240 {offsets = [144, 0], sizes = [16, 2048], strides = [1, 1]} : vector<176x2048xf32> to vector<16x2048xf32>
    %mul3A_292 = vector.broadcast %slice3A_290 : vector<1x2048xf32> to vector<16x2048xf32>
    %mul3A_293 = arith.mulf %mul3A_292, %slice3A_291 : vector<16x2048xf32>
    %add3A_294 = arith.addf %add3A_289, %mul3A_293 : vector<16x2048xf32>
    %transpose3A_295 = tpu.transpose %add3A_294, [1, 0] : vector<16x2048xf32> -> vector<2048x16xf32>
    %slice3A_296 = vector.extract_strided_slice %transpose3A {offsets = [64, 0], sizes = [16, 2048], strides = [1, 1]} : vector<128x2048xf32> to vector<16x2048xf32>
    %slice3A_297 = vector.extract_strided_slice %max3A_22 {offsets = [0, 8192], sizes = [16, 2048], strides = [1, 1]} : vector<16x16384xf32> to vector<16x2048xf32>
    %bitcast_convert_type3A_298 = tpu.bitcast %slice3A_296 : vector<16x2048xf32> -> vector<16x2048xi32>
    %and3A_299 = arith.constant -65536 : i32
    %and3A_300 = vector.broadcast %and3A_299 : i32 to vector<16x2048xi32>
    %and3A_301 = arith.andi %bitcast_convert_type3A_298, %and3A_300 : vector<16x2048xi32>
    %bitcast_convert_type3A_302 = tpu.bitcast %and3A_301 : vector<16x2048xi32> -> vector<16x2048xf32>
    %sub3A_303 = arith.subf %slice3A_296, %bitcast_convert_type3A_302 : vector<16x2048xf32>
    %convert_element_type3A_304 = arith.truncf %bitcast_convert_type3A_302 : vector<16x2048xf32> to vector<16x2048xbf16>
    %convert_element_type3A_305 = arith.truncf %sub3A_303 : vector<16x2048xf32> to vector<16x2048xbf16>
    %convert_element_type3A_306 = arith.truncf %bitcast_convert_type3A_302 : vector<16x2048xf32> to vector<16x2048xbf16>
    %concatenate3A_307 = tpu.concatenate %convert_element_type3A_304, %convert_element_type3A_305, %convert_element_type3A_306 in 0 : vector<16x2048xbf16>, vector<16x2048xbf16>, vector<16x2048xbf16> -> vector<48x2048xbf16>
    %dot_general3A_308 = arith.constant dense<0.000000e+00> : vector<176x2048xf32>
    %dot_general3A_309 = tpu.matmul %get3A_25, %concatenate3A_307, %dot_general3A_308 {dimension_numbers = #tpu.dot_dimension_numbers<[1], [0], [0], [1], [0, 0, 1, 1], [], []>, transpose_lhs_hint = false} : vector<176x48xbf16>, vector<48x2048xbf16>, vector<176x2048xf32> -> vector<176x2048xf32>
    %slice3A_310 = vector.extract_strided_slice %slice3A_297 {offsets = [10, 0], sizes = [1, 2048], strides = [1, 1]} : vector<16x2048xf32> to vector<1x2048xf32>
    %slice3A_311 = vector.extract_strided_slice %dot_general3A_309 {offsets = [160, 0], sizes = [16, 2048], strides = [1, 1]} : vector<176x2048xf32> to vector<16x2048xf32>
    %mul3A_312 = vector.broadcast %slice3A_310 : vector<1x2048xf32> to vector<16x2048xf32>
    %mul3A_313 = arith.mulf %mul3A_312, %slice3A_311 : vector<16x2048xf32>
    %slice3A_314 = vector.extract_strided_slice %slice3A_297 {offsets = [0, 0], sizes = [1, 2048], strides = [1, 1]} : vector<16x2048xf32> to vector<1x2048xf32>
    %slice3A_315 = vector.extract_strided_slice %dot_general3A_309 {offsets = [0, 0], sizes = [16, 2048], strides = [1, 1]} : vector<176x2048xf32> to vector<16x2048xf32>
    %mul3A_316 = vector.broadcast %slice3A_314 : vector<1x2048xf32> to vector<16x2048xf32>
    %mul3A_317 = arith.mulf %mul3A_316, %slice3A_315 : vector<16x2048xf32>
    %add3A_318 = arith.addf %mul3A_313, %mul3A_317 : vector<16x2048xf32>
    %slice3A_319 = vector.extract_strided_slice %slice3A_297 {offsets = [1, 0], sizes = [1, 2048], strides = [1, 1]} : vector<16x2048xf32> to vector<1x2048xf32>
    %slice3A_320 = vector.extract_strided_slice %dot_general3A_309 {offsets = [16, 0], sizes = [16, 2048], strides = [1, 1]} : vector<176x2048xf32> to vector<16x2048xf32>
    %mul3A_321 = vector.broadcast %slice3A_319 : vector<1x2048xf32> to vector<16x2048xf32>
    %mul3A_322 = arith.mulf %mul3A_321, %slice3A_320 : vector<16x2048xf32>
    %add3A_323 = arith.addf %add3A_318, %mul3A_322 : vector<16x2048xf32>
    %slice3A_324 = vector.extract_strided_slice %slice3A_297 {offsets = [2, 0], sizes = [1, 2048], strides = [1, 1]} : vector<16x2048xf32> to vector<1x2048xf32>
    %slice3A_325 = vector.extract_strided_slice %dot_general3A_309 {offsets = [32, 0], sizes = [16, 2048], strides = [1, 1]} : vector<176x2048xf32> to vector<16x2048xf32>
    %mul3A_326 = vector.broadcast %slice3A_324 : vector<1x2048xf32> to vector<16x2048xf32>
    %mul3A_327 = arith.mulf %mul3A_326, %slice3A_325 : vector<16x2048xf32>
    %add3A_328 = arith.addf %add3A_323, %mul3A_327 : vector<16x2048xf32>
    %slice3A_329 = vector.extract_strided_slice %slice3A_297 {offsets = [3, 0], sizes = [1, 2048], strides = [1, 1]} : vector<16x2048xf32> to vector<1x2048xf32>
    %slice3A_330 = vector.extract_strided_slice %dot_general3A_309 {offsets = [48, 0], sizes = [16, 2048], strides = [1, 1]} : vector<176x2048xf32> to vector<16x2048xf32>
    %mul3A_331 = vector.broadcast %slice3A_329 : vector<1x2048xf32> to vector<16x2048xf32>
    %mul3A_332 = arith.mulf %mul3A_331, %slice3A_330 : vector<16x2048xf32>
    %add3A_333 = arith.addf %add3A_328, %mul3A_332 : vector<16x2048xf32>
    %slice3A_334 = vector.extract_strided_slice %slice3A_297 {offsets = [4, 0], sizes = [1, 2048], strides = [1, 1]} : vector<16x2048xf32> to vector<1x2048xf32>
    %slice3A_335 = vector.extract_strided_slice %dot_general3A_309 {offsets = [64, 0], sizes = [16, 2048], strides = [1, 1]} : vector<176x2048xf32> to vector<16x2048xf32>
    %mul3A_336 = vector.broadcast %slice3A_334 : vector<1x2048xf32> to vector<16x2048xf32>
    %mul3A_337 = arith.mulf %mul3A_336, %slice3A_335 : vector<16x2048xf32>
    %add3A_338 = arith.addf %add3A_333, %mul3A_337 : vector<16x2048xf32>
    %slice3A_339 = vector.extract_strided_slice %slice3A_297 {offsets = [5, 0], sizes = [1, 2048], strides = [1, 1]} : vector<16x2048xf32> to vector<1x2048xf32>
    %slice3A_340 = vector.extract_strided_slice %dot_general3A_309 {offsets = [80, 0], sizes = [16, 2048], strides = [1, 1]} : vector<176x2048xf32> to vector<16x2048xf32>
    %mul3A_341 = vector.broadcast %slice3A_339 : vector<1x2048xf32> to vector<16x2048xf32>
    %mul3A_342 = arith.mulf %mul3A_341, %slice3A_340 : vector<16x2048xf32>
    %add3A_343 = arith.addf %add3A_338, %mul3A_342 : vector<16x2048xf32>
    %slice3A_344 = vector.extract_strided_slice %slice3A_297 {offsets = [6, 0], sizes = [1, 2048], strides = [1, 1]} : vector<16x2048xf32> to vector<1x2048xf32>
    %slice3A_345 = vector.extract_strided_slice %dot_general3A_309 {offsets = [96, 0], sizes = [16, 2048], strides = [1, 1]} : vector<176x2048xf32> to vector<16x2048xf32>
    %mul3A_346 = vector.broadcast %slice3A_344 : vector<1x2048xf32> to vector<16x2048xf32>
    %mul3A_347 = arith.mulf %mul3A_346, %slice3A_345 : vector<16x2048xf32>
    %add3A_348 = arith.addf %add3A_343, %mul3A_347 : vector<16x2048xf32>
    %slice3A_349 = vector.extract_strided_slice %slice3A_297 {offsets = [7, 0], sizes = [1, 2048], strides = [1, 1]} : vector<16x2048xf32> to vector<1x2048xf32>
    %slice3A_350 = vector.extract_strided_slice %dot_general3A_309 {offsets = [112, 0], sizes = [16, 2048], strides = [1, 1]} : vector<176x2048xf32> to vector<16x2048xf32>
    %mul3A_351 = vector.broadcast %slice3A_349 : vector<1x2048xf32> to vector<16x2048xf32>
    %mul3A_352 = arith.mulf %mul3A_351, %slice3A_350 : vector<16x2048xf32>
    %add3A_353 = arith.addf %add3A_348, %mul3A_352 : vector<16x2048xf32>
    %slice3A_354 = vector.extract_strided_slice %slice3A_297 {offsets = [8, 0], sizes = [1, 2048], strides = [1, 1]} : vector<16x2048xf32> to vector<1x2048xf32>
    %slice3A_355 = vector.extract_strided_slice %dot_general3A_309 {offsets = [128, 0], sizes = [16, 2048], strides = [1, 1]} : vector<176x2048xf32> to vector<16x2048xf32>
    %mul3A_356 = vector.broadcast %slice3A_354 : vector<1x2048xf32> to vector<16x2048xf32>
    %mul3A_357 = arith.mulf %mul3A_356, %slice3A_355 : vector<16x2048xf32>
    %add3A_358 = arith.addf %add3A_353, %mul3A_357 : vector<16x2048xf32>
    %slice3A_359 = vector.extract_strided_slice %slice3A_297 {offsets = [9, 0], sizes = [1, 2048], strides = [1, 1]} : vector<16x2048xf32> to vector<1x2048xf32>
    %slice3A_360 = vector.extract_strided_slice %dot_general3A_309 {offsets = [144, 0], sizes = [16, 2048], strides = [1, 1]} : vector<176x2048xf32> to vector<16x2048xf32>
    %mul3A_361 = vector.broadcast %slice3A_359 : vector<1x2048xf32> to vector<16x2048xf32>
    %mul3A_362 = arith.mulf %mul3A_361, %slice3A_360 : vector<16x2048xf32>
    %add3A_363 = arith.addf %add3A_358, %mul3A_362 : vector<16x2048xf32>
    %transpose3A_364 = tpu.transpose %add3A_363, [1, 0] : vector<16x2048xf32> -> vector<2048x16xf32>
    %slice3A_365 = vector.extract_strided_slice %transpose3A {offsets = [80, 0], sizes = [16, 2048], strides = [1, 1]} : vector<128x2048xf32> to vector<16x2048xf32>
    %slice3A_366 = vector.extract_strided_slice %max3A_22 {offsets = [0, 10240], sizes = [16, 2048], strides = [1, 1]} : vector<16x16384xf32> to vector<16x2048xf32>
    %bitcast_convert_type3A_367 = tpu.bitcast %slice3A_365 : vector<16x2048xf32> -> vector<16x2048xi32>
    %and3A_368 = arith.constant -65536 : i32
    %and3A_369 = vector.broadcast %and3A_368 : i32 to vector<16x2048xi32>
    %and3A_370 = arith.andi %bitcast_convert_type3A_367, %and3A_369 : vector<16x2048xi32>
    %bitcast_convert_type3A_371 = tpu.bitcast %and3A_370 : vector<16x2048xi32> -> vector<16x2048xf32>
    %sub3A_372 = arith.subf %slice3A_365, %bitcast_convert_type3A_371 : vector<16x2048xf32>
    %convert_element_type3A_373 = arith.truncf %bitcast_convert_type3A_371 : vector<16x2048xf32> to vector<16x2048xbf16>
    %convert_element_type3A_374 = arith.truncf %sub3A_372 : vector<16x2048xf32> to vector<16x2048xbf16>
    %convert_element_type3A_375 = arith.truncf %bitcast_convert_type3A_371 : vector<16x2048xf32> to vector<16x2048xbf16>
    %concatenate3A_376 = tpu.concatenate %convert_element_type3A_373, %convert_element_type3A_374, %convert_element_type3A_375 in 0 : vector<16x2048xbf16>, vector<16x2048xbf16>, vector<16x2048xbf16> -> vector<48x2048xbf16>
    %dot_general3A_377 = arith.constant dense<0.000000e+00> : vector<176x2048xf32>
    %dot_general3A_378 = tpu.matmul %get3A_25, %concatenate3A_376, %dot_general3A_377 {dimension_numbers = #tpu.dot_dimension_numbers<[1], [0], [0], [1], [0, 0, 1, 1], [], []>, transpose_lhs_hint = false} : vector<176x48xbf16>, vector<48x2048xbf16>, vector<176x2048xf32> -> vector<176x2048xf32>
    %slice3A_379 = vector.extract_strided_slice %slice3A_366 {offsets = [10, 0], sizes = [1, 2048], strides = [1, 1]} : vector<16x2048xf32> to vector<1x2048xf32>
    %slice3A_380 = vector.extract_strided_slice %dot_general3A_378 {offsets = [160, 0], sizes = [16, 2048], strides = [1, 1]} : vector<176x2048xf32> to vector<16x2048xf32>
    %mul3A_381 = vector.broadcast %slice3A_379 : vector<1x2048xf32> to vector<16x2048xf32>
    %mul3A_382 = arith.mulf %mul3A_381, %slice3A_380 : vector<16x2048xf32>
    %slice3A_383 = vector.extract_strided_slice %slice3A_366 {offsets = [0, 0], sizes = [1, 2048], strides = [1, 1]} : vector<16x2048xf32> to vector<1x2048xf32>
    %slice3A_384 = vector.extract_strided_slice %dot_general3A_378 {offsets = [0, 0], sizes = [16, 2048], strides = [1, 1]} : vector<176x2048xf32> to vector<16x2048xf32>
    %mul3A_385 = vector.broadcast %slice3A_383 : vector<1x2048xf32> to vector<16x2048xf32>
    %mul3A_386 = arith.mulf %mul3A_385, %slice3A_384 : vector<16x2048xf32>
    %add3A_387 = arith.addf %mul3A_382, %mul3A_386 : vector<16x2048xf32>
    %slice3A_388 = vector.extract_strided_slice %slice3A_366 {offsets = [1, 0], sizes = [1, 2048], strides = [1, 1]} : vector<16x2048xf32> to vector<1x2048xf32>
    %slice3A_389 = vector.extract_strided_slice %dot_general3A_378 {offsets = [16, 0], sizes = [16, 2048], strides = [1, 1]} : vector<176x2048xf32> to vector<16x2048xf32>
    %mul3A_390 = vector.broadcast %slice3A_388 : vector<1x2048xf32> to vector<16x2048xf32>
    %mul3A_391 = arith.mulf %mul3A_390, %slice3A_389 : vector<16x2048xf32>
    %add3A_392 = arith.addf %add3A_387, %mul3A_391 : vector<16x2048xf32>
    %slice3A_393 = vector.extract_strided_slice %slice3A_366 {offsets = [2, 0], sizes = [1, 2048], strides = [1, 1]} : vector<16x2048xf32> to vector<1x2048xf32>
    %slice3A_394 = vector.extract_strided_slice %dot_general3A_378 {offsets = [32, 0], sizes = [16, 2048], strides = [1, 1]} : vector<176x2048xf32> to vector<16x2048xf32>
    %mul3A_395 = vector.broadcast %slice3A_393 : vector<1x2048xf32> to vector<16x2048xf32>
    %mul3A_396 = arith.mulf %mul3A_395, %slice3A_394 : vector<16x2048xf32>
    %add3A_397 = arith.addf %add3A_392, %mul3A_396 : vector<16x2048xf32>
    %slice3A_398 = vector.extract_strided_slice %slice3A_366 {offsets = [3, 0], sizes = [1, 2048], strides = [1, 1]} : vector<16x2048xf32> to vector<1x2048xf32>
    %slice3A_399 = vector.extract_strided_slice %dot_general3A_378 {offsets = [48, 0], sizes = [16, 2048], strides = [1, 1]} : vector<176x2048xf32> to vector<16x2048xf32>
    %mul3A_400 = vector.broadcast %slice3A_398 : vector<1x2048xf32> to vector<16x2048xf32>
    %mul3A_401 = arith.mulf %mul3A_400, %slice3A_399 : vector<16x2048xf32>
    %add3A_402 = arith.addf %add3A_397, %mul3A_401 : vector<16x2048xf32>
    %slice3A_403 = vector.extract_strided_slice %slice3A_366 {offsets = [4, 0], sizes = [1, 2048], strides = [1, 1]} : vector<16x2048xf32> to vector<1x2048xf32>
    %slice3A_404 = vector.extract_strided_slice %dot_general3A_378 {offsets = [64, 0], sizes = [16, 2048], strides = [1, 1]} : vector<176x2048xf32> to vector<16x2048xf32>
    %mul3A_405 = vector.broadcast %slice3A_403 : vector<1x2048xf32> to vector<16x2048xf32>
    %mul3A_406 = arith.mulf %mul3A_405, %slice3A_404 : vector<16x2048xf32>
    %add3A_407 = arith.addf %add3A_402, %mul3A_406 : vector<16x2048xf32>
    %slice3A_408 = vector.extract_strided_slice %slice3A_366 {offsets = [5, 0], sizes = [1, 2048], strides = [1, 1]} : vector<16x2048xf32> to vector<1x2048xf32>
    %slice3A_409 = vector.extract_strided_slice %dot_general3A_378 {offsets = [80, 0], sizes = [16, 2048], strides = [1, 1]} : vector<176x2048xf32> to vector<16x2048xf32>
    %mul3A_410 = vector.broadcast %slice3A_408 : vector<1x2048xf32> to vector<16x2048xf32>
    %mul3A_411 = arith.mulf %mul3A_410, %slice3A_409 : vector<16x2048xf32>
    %add3A_412 = arith.addf %add3A_407, %mul3A_411 : vector<16x2048xf32>
    %slice3A_413 = vector.extract_strided_slice %slice3A_366 {offsets = [6, 0], sizes = [1, 2048], strides = [1, 1]} : vector<16x2048xf32> to vector<1x2048xf32>
    %slice3A_414 = vector.extract_strided_slice %dot_general3A_378 {offsets = [96, 0], sizes = [16, 2048], strides = [1, 1]} : vector<176x2048xf32> to vector<16x2048xf32>
    %mul3A_415 = vector.broadcast %slice3A_413 : vector<1x2048xf32> to vector<16x2048xf32>
    %mul3A_416 = arith.mulf %mul3A_415, %slice3A_414 : vector<16x2048xf32>
    %add3A_417 = arith.addf %add3A_412, %mul3A_416 : vector<16x2048xf32>
    %slice3A_418 = vector.extract_strided_slice %slice3A_366 {offsets = [7, 0], sizes = [1, 2048], strides = [1, 1]} : vector<16x2048xf32> to vector<1x2048xf32>
    %slice3A_419 = vector.extract_strided_slice %dot_general3A_378 {offsets = [112, 0], sizes = [16, 2048], strides = [1, 1]} : vector<176x2048xf32> to vector<16x2048xf32>
    %mul3A_420 = vector.broadcast %slice3A_418 : vector<1x2048xf32> to vector<16x2048xf32>
    %mul3A_421 = arith.mulf %mul3A_420, %slice3A_419 : vector<16x2048xf32>
    %add3A_422 = arith.addf %add3A_417, %mul3A_421 : vector<16x2048xf32>
    %slice3A_423 = vector.extract_strided_slice %slice3A_366 {offsets = [8, 0], sizes = [1, 2048], strides = [1, 1]} : vector<16x2048xf32> to vector<1x2048xf32>
    %slice3A_424 = vector.extract_strided_slice %dot_general3A_378 {offsets = [128, 0], sizes = [16, 2048], strides = [1, 1]} : vector<176x2048xf32> to vector<16x2048xf32>
    %mul3A_425 = vector.broadcast %slice3A_423 : vector<1x2048xf32> to vector<16x2048xf32>
    %mul3A_426 = arith.mulf %mul3A_425, %slice3A_424 : vector<16x2048xf32>
    %add3A_427 = arith.addf %add3A_422, %mul3A_426 : vector<16x2048xf32>
    %slice3A_428 = vector.extract_strided_slice %slice3A_366 {offsets = [9, 0], sizes = [1, 2048], strides = [1, 1]} : vector<16x2048xf32> to vector<1x2048xf32>
    %slice3A_429 = vector.extract_strided_slice %dot_general3A_378 {offsets = [144, 0], sizes = [16, 2048], strides = [1, 1]} : vector<176x2048xf32> to vector<16x2048xf32>
    %mul3A_430 = vector.broadcast %slice3A_428 : vector<1x2048xf32> to vector<16x2048xf32>
    %mul3A_431 = arith.mulf %mul3A_430, %slice3A_429 : vector<16x2048xf32>
    %add3A_432 = arith.addf %add3A_427, %mul3A_431 : vector<16x2048xf32>
    %transpose3A_433 = tpu.transpose %add3A_432, [1, 0] : vector<16x2048xf32> -> vector<2048x16xf32>
    %slice3A_434 = vector.extract_strided_slice %transpose3A {offsets = [96, 0], sizes = [16, 2048], strides = [1, 1]} : vector<128x2048xf32> to vector<16x2048xf32>
    %slice3A_435 = vector.extract_strided_slice %max3A_22 {offsets = [0, 12288], sizes = [16, 2048], strides = [1, 1]} : vector<16x16384xf32> to vector<16x2048xf32>
    %bitcast_convert_type3A_436 = tpu.bitcast %slice3A_434 : vector<16x2048xf32> -> vector<16x2048xi32>
    %and3A_437 = arith.constant -65536 : i32
    %and3A_438 = vector.broadcast %and3A_437 : i32 to vector<16x2048xi32>
    %and3A_439 = arith.andi %bitcast_convert_type3A_436, %and3A_438 : vector<16x2048xi32>
    %bitcast_convert_type3A_440 = tpu.bitcast %and3A_439 : vector<16x2048xi32> -> vector<16x2048xf32>
    %sub3A_441 = arith.subf %slice3A_434, %bitcast_convert_type3A_440 : vector<16x2048xf32>
    %convert_element_type3A_442 = arith.truncf %bitcast_convert_type3A_440 : vector<16x2048xf32> to vector<16x2048xbf16>
    %convert_element_type3A_443 = arith.truncf %sub3A_441 : vector<16x2048xf32> to vector<16x2048xbf16>
    %convert_element_type3A_444 = arith.truncf %bitcast_convert_type3A_440 : vector<16x2048xf32> to vector<16x2048xbf16>
    %concatenate3A_445 = tpu.concatenate %convert_element_type3A_442, %convert_element_type3A_443, %convert_element_type3A_444 in 0 : vector<16x2048xbf16>, vector<16x2048xbf16>, vector<16x2048xbf16> -> vector<48x2048xbf16>
    %dot_general3A_446 = arith.constant dense<0.000000e+00> : vector<176x2048xf32>
    %dot_general3A_447 = tpu.matmul %get3A_25, %concatenate3A_445, %dot_general3A_446 {dimension_numbers = #tpu.dot_dimension_numbers<[1], [0], [0], [1], [0, 0, 1, 1], [], []>, transpose_lhs_hint = false} : vector<176x48xbf16>, vector<48x2048xbf16>, vector<176x2048xf32> -> vector<176x2048xf32>
    %slice3A_448 = vector.extract_strided_slice %slice3A_435 {offsets = [10, 0], sizes = [1, 2048], strides = [1, 1]} : vector<16x2048xf32> to vector<1x2048xf32>
    %slice3A_449 = vector.extract_strided_slice %dot_general3A_447 {offsets = [160, 0], sizes = [16, 2048], strides = [1, 1]} : vector<176x2048xf32> to vector<16x2048xf32>
    %mul3A_450 = vector.broadcast %slice3A_448 : vector<1x2048xf32> to vector<16x2048xf32>
    %mul3A_451 = arith.mulf %mul3A_450, %slice3A_449 : vector<16x2048xf32>
    %slice3A_452 = vector.extract_strided_slice %slice3A_435 {offsets = [0, 0], sizes = [1, 2048], strides = [1, 1]} : vector<16x2048xf32> to vector<1x2048xf32>
    %slice3A_453 = vector.extract_strided_slice %dot_general3A_447 {offsets = [0, 0], sizes = [16, 2048], strides = [1, 1]} : vector<176x2048xf32> to vector<16x2048xf32>
    %mul3A_454 = vector.broadcast %slice3A_452 : vector<1x2048xf32> to vector<16x2048xf32>
    %mul3A_455 = arith.mulf %mul3A_454, %slice3A_453 : vector<16x2048xf32>
    %add3A_456 = arith.addf %mul3A_451, %mul3A_455 : vector<16x2048xf32>
    %slice3A_457 = vector.extract_strided_slice %slice3A_435 {offsets = [1, 0], sizes = [1, 2048], strides = [1, 1]} : vector<16x2048xf32> to vector<1x2048xf32>
    %slice3A_458 = vector.extract_strided_slice %dot_general3A_447 {offsets = [16, 0], sizes = [16, 2048], strides = [1, 1]} : vector<176x2048xf32> to vector<16x2048xf32>
    %mul3A_459 = vector.broadcast %slice3A_457 : vector<1x2048xf32> to vector<16x2048xf32>
    %mul3A_460 = arith.mulf %mul3A_459, %slice3A_458 : vector<16x2048xf32>
    %add3A_461 = arith.addf %add3A_456, %mul3A_460 : vector<16x2048xf32>
    %slice3A_462 = vector.extract_strided_slice %slice3A_435 {offsets = [2, 0], sizes = [1, 2048], strides = [1, 1]} : vector<16x2048xf32> to vector<1x2048xf32>
    %slice3A_463 = vector.extract_strided_slice %dot_general3A_447 {offsets = [32, 0], sizes = [16, 2048], strides = [1, 1]} : vector<176x2048xf32> to vector<16x2048xf32>
    %mul3A_464 = vector.broadcast %slice3A_462 : vector<1x2048xf32> to vector<16x2048xf32>
    %mul3A_465 = arith.mulf %mul3A_464, %slice3A_463 : vector<16x2048xf32>
    %add3A_466 = arith.addf %add3A_461, %mul3A_465 : vector<16x2048xf32>
    %slice3A_467 = vector.extract_strided_slice %slice3A_435 {offsets = [3, 0], sizes = [1, 2048], strides = [1, 1]} : vector<16x2048xf32> to vector<1x2048xf32>
    %slice3A_468 = vector.extract_strided_slice %dot_general3A_447 {offsets = [48, 0], sizes = [16, 2048], strides = [1, 1]} : vector<176x2048xf32> to vector<16x2048xf32>
    %mul3A_469 = vector.broadcast %slice3A_467 : vector<1x2048xf32> to vector<16x2048xf32>
    %mul3A_470 = arith.mulf %mul3A_469, %slice3A_468 : vector<16x2048xf32>
    %add3A_471 = arith.addf %add3A_466, %mul3A_470 : vector<16x2048xf32>
    %slice3A_472 = vector.extract_strided_slice %slice3A_435 {offsets = [4, 0], sizes = [1, 2048], strides = [1, 1]} : vector<16x2048xf32> to vector<1x2048xf32>
    %slice3A_473 = vector.extract_strided_slice %dot_general3A_447 {offsets = [64, 0], sizes = [16, 2048], strides = [1, 1]} : vector<176x2048xf32> to vector<16x2048xf32>
    %mul3A_474 = vector.broadcast %slice3A_472 : vector<1x2048xf32> to vector<16x2048xf32>
    %mul3A_475 = arith.mulf %mul3A_474, %slice3A_473 : vector<16x2048xf32>
    %add3A_476 = arith.addf %add3A_471, %mul3A_475 : vector<16x2048xf32>
    %slice3A_477 = vector.extract_strided_slice %slice3A_435 {offsets = [5, 0], sizes = [1, 2048], strides = [1, 1]} : vector<16x2048xf32> to vector<1x2048xf32>
    %slice3A_478 = vector.extract_strided_slice %dot_general3A_447 {offsets = [80, 0], sizes = [16, 2048], strides = [1, 1]} : vector<176x2048xf32> to vector<16x2048xf32>
    %mul3A_479 = vector.broadcast %slice3A_477 : vector<1x2048xf32> to vector<16x2048xf32>
    %mul3A_480 = arith.mulf %mul3A_479, %slice3A_478 : vector<16x2048xf32>
    %add3A_481 = arith.addf %add3A_476, %mul3A_480 : vector<16x2048xf32>
    %slice3A_482 = vector.extract_strided_slice %slice3A_435 {offsets = [6, 0], sizes = [1, 2048], strides = [1, 1]} : vector<16x2048xf32> to vector<1x2048xf32>
    %slice3A_483 = vector.extract_strided_slice %dot_general3A_447 {offsets = [96, 0], sizes = [16, 2048], strides = [1, 1]} : vector<176x2048xf32> to vector<16x2048xf32>
    %mul3A_484 = vector.broadcast %slice3A_482 : vector<1x2048xf32> to vector<16x2048xf32>
    %mul3A_485 = arith.mulf %mul3A_484, %slice3A_483 : vector<16x2048xf32>
    %add3A_486 = arith.addf %add3A_481, %mul3A_485 : vector<16x2048xf32>
    %slice3A_487 = vector.extract_strided_slice %slice3A_435 {offsets = [7, 0], sizes = [1, 2048], strides = [1, 1]} : vector<16x2048xf32> to vector<1x2048xf32>
    %slice3A_488 = vector.extract_strided_slice %dot_general3A_447 {offsets = [112, 0], sizes = [16, 2048], strides = [1, 1]} : vector<176x2048xf32> to vector<16x2048xf32>
    %mul3A_489 = vector.broadcast %slice3A_487 : vector<1x2048xf32> to vector<16x2048xf32>
    %mul3A_490 = arith.mulf %mul3A_489, %slice3A_488 : vector<16x2048xf32>
    %add3A_491 = arith.addf %add3A_486, %mul3A_490 : vector<16x2048xf32>
    %slice3A_492 = vector.extract_strided_slice %slice3A_435 {offsets = [8, 0], sizes = [1, 2048], strides = [1, 1]} : vector<16x2048xf32> to vector<1x2048xf32>
    %slice3A_493 = vector.extract_strided_slice %dot_general3A_447 {offsets = [128, 0], sizes = [16, 2048], strides = [1, 1]} : vector<176x2048xf32> to vector<16x2048xf32>
    %mul3A_494 = vector.broadcast %slice3A_492 : vector<1x2048xf32> to vector<16x2048xf32>
    %mul3A_495 = arith.mulf %mul3A_494, %slice3A_493 : vector<16x2048xf32>
    %add3A_496 = arith.addf %add3A_491, %mul3A_495 : vector<16x2048xf32>
    %slice3A_497 = vector.extract_strided_slice %slice3A_435 {offsets = [9, 0], sizes = [1, 2048], strides = [1, 1]} : vector<16x2048xf32> to vector<1x2048xf32>
    %slice3A_498 = vector.extract_strided_slice %dot_general3A_447 {offsets = [144, 0], sizes = [16, 2048], strides = [1, 1]} : vector<176x2048xf32> to vector<16x2048xf32>
    %mul3A_499 = vector.broadcast %slice3A_497 : vector<1x2048xf32> to vector<16x2048xf32>
    %mul3A_500 = arith.mulf %mul3A_499, %slice3A_498 : vector<16x2048xf32>
    %add3A_501 = arith.addf %add3A_496, %mul3A_500 : vector<16x2048xf32>
    %transpose3A_502 = tpu.transpose %add3A_501, [1, 0] : vector<16x2048xf32> -> vector<2048x16xf32>
    %slice3A_503 = vector.extract_strided_slice %transpose3A {offsets = [112, 0], sizes = [16, 2048], strides = [1, 1]} : vector<128x2048xf32> to vector<16x2048xf32>
    %slice3A_504 = vector.extract_strided_slice %max3A_22 {offsets = [0, 14336], sizes = [16, 2048], strides = [1, 1]} : vector<16x16384xf32> to vector<16x2048xf32>
    %bitcast_convert_type3A_505 = tpu.bitcast %slice3A_503 : vector<16x2048xf32> -> vector<16x2048xi32>
    %and3A_506 = arith.constant -65536 : i32
    %and3A_507 = vector.broadcast %and3A_506 : i32 to vector<16x2048xi32>
    %and3A_508 = arith.andi %bitcast_convert_type3A_505, %and3A_507 : vector<16x2048xi32>
    %bitcast_convert_type3A_509 = tpu.bitcast %and3A_508 : vector<16x2048xi32> -> vector<16x2048xf32>
    %sub3A_510 = arith.subf %slice3A_503, %bitcast_convert_type3A_509 : vector<16x2048xf32>
    %convert_element_type3A_511 = arith.truncf %bitcast_convert_type3A_509 : vector<16x2048xf32> to vector<16x2048xbf16>
    %convert_element_type3A_512 = arith.truncf %sub3A_510 : vector<16x2048xf32> to vector<16x2048xbf16>
    %convert_element_type3A_513 = arith.truncf %bitcast_convert_type3A_509 : vector<16x2048xf32> to vector<16x2048xbf16>
    %concatenate3A_514 = tpu.concatenate %convert_element_type3A_511, %convert_element_type3A_512, %convert_element_type3A_513 in 0 : vector<16x2048xbf16>, vector<16x2048xbf16>, vector<16x2048xbf16> -> vector<48x2048xbf16>
    %dot_general3A_515 = arith.constant dense<0.000000e+00> : vector<176x2048xf32>
    %dot_general3A_516 = tpu.matmul %get3A_25, %concatenate3A_514, %dot_general3A_515 {dimension_numbers = #tpu.dot_dimension_numbers<[1], [0], [0], [1], [0, 0, 1, 1], [], []>, transpose_lhs_hint = false} : vector<176x48xbf16>, vector<48x2048xbf16>, vector<176x2048xf32> -> vector<176x2048xf32>
    %slice3A_517 = vector.extract_strided_slice %slice3A_504 {offsets = [10, 0], sizes = [1, 2048], strides = [1, 1]} : vector<16x2048xf32> to vector<1x2048xf32>
    %slice3A_518 = vector.extract_strided_slice %dot_general3A_516 {offsets = [160, 0], sizes = [16, 2048], strides = [1, 1]} : vector<176x2048xf32> to vector<16x2048xf32>
    %mul3A_519 = vector.broadcast %slice3A_517 : vector<1x2048xf32> to vector<16x2048xf32>
    %mul3A_520 = arith.mulf %mul3A_519, %slice3A_518 : vector<16x2048xf32>
    %slice3A_521 = vector.extract_strided_slice %slice3A_504 {offsets = [0, 0], sizes = [1, 2048], strides = [1, 1]} : vector<16x2048xf32> to vector<1x2048xf32>
    %slice3A_522 = vector.extract_strided_slice %dot_general3A_516 {offsets = [0, 0], sizes = [16, 2048], strides = [1, 1]} : vector<176x2048xf32> to vector<16x2048xf32>
    %mul3A_523 = vector.broadcast %slice3A_521 : vector<1x2048xf32> to vector<16x2048xf32>
    %mul3A_524 = arith.mulf %mul3A_523, %slice3A_522 : vector<16x2048xf32>
    %add3A_525 = arith.addf %mul3A_520, %mul3A_524 : vector<16x2048xf32>
    %slice3A_526 = vector.extract_strided_slice %slice3A_504 {offsets = [1, 0], sizes = [1, 2048], strides = [1, 1]} : vector<16x2048xf32> to vector<1x2048xf32>
    %slice3A_527 = vector.extract_strided_slice %dot_general3A_516 {offsets = [16, 0], sizes = [16, 2048], strides = [1, 1]} : vector<176x2048xf32> to vector<16x2048xf32>
    %mul3A_528 = vector.broadcast %slice3A_526 : vector<1x2048xf32> to vector<16x2048xf32>
    %mul3A_529 = arith.mulf %mul3A_528, %slice3A_527 : vector<16x2048xf32>
    %add3A_530 = arith.addf %add3A_525, %mul3A_529 : vector<16x2048xf32>
    %slice3A_531 = vector.extract_strided_slice %slice3A_504 {offsets = [2, 0], sizes = [1, 2048], strides = [1, 1]} : vector<16x2048xf32> to vector<1x2048xf32>
    %slice3A_532 = vector.extract_strided_slice %dot_general3A_516 {offsets = [32, 0], sizes = [16, 2048], strides = [1, 1]} : vector<176x2048xf32> to vector<16x2048xf32>
    %mul3A_533 = vector.broadcast %slice3A_531 : vector<1x2048xf32> to vector<16x2048xf32>
    %mul3A_534 = arith.mulf %mul3A_533, %slice3A_532 : vector<16x2048xf32>
    %add3A_535 = arith.addf %add3A_530, %mul3A_534 : vector<16x2048xf32>
    %slice3A_536 = vector.extract_strided_slice %slice3A_504 {offsets = [3, 0], sizes = [1, 2048], strides = [1, 1]} : vector<16x2048xf32> to vector<1x2048xf32>
    %slice3A_537 = vector.extract_strided_slice %dot_general3A_516 {offsets = [48, 0], sizes = [16, 2048], strides = [1, 1]} : vector<176x2048xf32> to vector<16x2048xf32>
    %mul3A_538 = vector.broadcast %slice3A_536 : vector<1x2048xf32> to vector<16x2048xf32>
    %mul3A_539 = arith.mulf %mul3A_538, %slice3A_537 : vector<16x2048xf32>
    %add3A_540 = arith.addf %add3A_535, %mul3A_539 : vector<16x2048xf32>
    %slice3A_541 = vector.extract_strided_slice %slice3A_504 {offsets = [4, 0], sizes = [1, 2048], strides = [1, 1]} : vector<16x2048xf32> to vector<1x2048xf32>
    %slice3A_542 = vector.extract_strided_slice %dot_general3A_516 {offsets = [64, 0], sizes = [16, 2048], strides = [1, 1]} : vector<176x2048xf32> to vector<16x2048xf32>
    %mul3A_543 = vector.broadcast %slice3A_541 : vector<1x2048xf32> to vector<16x2048xf32>
    %mul3A_544 = arith.mulf %mul3A_543, %slice3A_542 : vector<16x2048xf32>
    %add3A_545 = arith.addf %add3A_540, %mul3A_544 : vector<16x2048xf32>
    %slice3A_546 = vector.extract_strided_slice %slice3A_504 {offsets = [5, 0], sizes = [1, 2048], strides = [1, 1]} : vector<16x2048xf32> to vector<1x2048xf32>
    %slice3A_547 = vector.extract_strided_slice %dot_general3A_516 {offsets = [80, 0], sizes = [16, 2048], strides = [1, 1]} : vector<176x2048xf32> to vector<16x2048xf32>
    %mul3A_548 = vector.broadcast %slice3A_546 : vector<1x2048xf32> to vector<16x2048xf32>
    %mul3A_549 = arith.mulf %mul3A_548, %slice3A_547 : vector<16x2048xf32>
    %add3A_550 = arith.addf %add3A_545, %mul3A_549 : vector<16x2048xf32>
    %slice3A_551 = vector.extract_strided_slice %slice3A_504 {offsets = [6, 0], sizes = [1, 2048], strides = [1, 1]} : vector<16x2048xf32> to vector<1x2048xf32>
    %slice3A_552 = vector.extract_strided_slice %dot_general3A_516 {offsets = [96, 0], sizes = [16, 2048], strides = [1, 1]} : vector<176x2048xf32> to vector<16x2048xf32>
    %mul3A_553 = vector.broadcast %slice3A_551 : vector<1x2048xf32> to vector<16x2048xf32>
    %mul3A_554 = arith.mulf %mul3A_553, %slice3A_552 : vector<16x2048xf32>
    %add3A_555 = arith.addf %add3A_550, %mul3A_554 : vector<16x2048xf32>
    %slice3A_556 = vector.extract_strided_slice %slice3A_504 {offsets = [7, 0], sizes = [1, 2048], strides = [1, 1]} : vector<16x2048xf32> to vector<1x2048xf32>
    %slice3A_557 = vector.extract_strided_slice %dot_general3A_516 {offsets = [112, 0], sizes = [16, 2048], strides = [1, 1]} : vector<176x2048xf32> to vector<16x2048xf32>
    %mul3A_558 = vector.broadcast %slice3A_556 : vector<1x2048xf32> to vector<16x2048xf32>
    %mul3A_559 = arith.mulf %mul3A_558, %slice3A_557 : vector<16x2048xf32>
    %add3A_560 = arith.addf %add3A_555, %mul3A_559 : vector<16x2048xf32>
    %slice3A_561 = vector.extract_strided_slice %slice3A_504 {offsets = [8, 0], sizes = [1, 2048], strides = [1, 1]} : vector<16x2048xf32> to vector<1x2048xf32>
    %slice3A_562 = vector.extract_strided_slice %dot_general3A_516 {offsets = [128, 0], sizes = [16, 2048], strides = [1, 1]} : vector<176x2048xf32> to vector<16x2048xf32>
    %mul3A_563 = vector.broadcast %slice3A_561 : vector<1x2048xf32> to vector<16x2048xf32>
    %mul3A_564 = arith.mulf %mul3A_563, %slice3A_562 : vector<16x2048xf32>
    %add3A_565 = arith.addf %add3A_560, %mul3A_564 : vector<16x2048xf32>
    %slice3A_566 = vector.extract_strided_slice %slice3A_504 {offsets = [9, 0], sizes = [1, 2048], strides = [1, 1]} : vector<16x2048xf32> to vector<1x2048xf32>
    %slice3A_567 = vector.extract_strided_slice %dot_general3A_516 {offsets = [144, 0], sizes = [16, 2048], strides = [1, 1]} : vector<176x2048xf32> to vector<16x2048xf32>
    %mul3A_568 = vector.broadcast %slice3A_566 : vector<1x2048xf32> to vector<16x2048xf32>
    %mul3A_569 = arith.mulf %mul3A_568, %slice3A_567 : vector<16x2048xf32>
    %add3A_570 = arith.addf %add3A_565, %mul3A_569 : vector<16x2048xf32>
    %transpose3A_571 = tpu.transpose %add3A_570, [1, 0] : vector<16x2048xf32> -> vector<2048x16xf32>
    %concatenate3A_572 = tpu.concatenate %transpose3A_88, %transpose3A_157, %transpose3A_226, %transpose3A_295, %transpose3A_364, %transpose3A_433, %transpose3A_502, %transpose3A_571 in 1 : vector<2048x16xf32>, vector<2048x16xf32>, vector<2048x16xf32>, vector<2048x16xf32>, vector<2048x16xf32>, vector<2048x16xf32>, vector<2048x16xf32>, vector<2048x16xf32> -> vector<2048x128xf32>
    %swap3A = arith.constant 0 : index
    %swap3A_573 = arith.constant 0 : index
    %swap3A_574 = vector.load %arg6[%swap3A, %swap3A_573] : memref<2048x128xf32, #tpu.memory_space<vmem>>, vector<2048x128xf32>
    tpu.vector_store %arg6[%swap3A, %swap3A_573], %concatenate3A_572 {strides = array<i32>} : memref<2048x128xf32, #tpu.memory_space<vmem>>, vector<2048x128xf32>,
    return
  }
  func.func @transform_0(%arg0: i32) -> (i32, i32) {
    %c0_i32 = arith.constant 0 : i32
    %c0_i32_0 = arith.constant 0 : i32
    return %c0_i32, %arg0 : i32, i32
  }
  func.func @transform_1(%arg0: i32) -> (i32, i32) {
    %c0_i32 = arith.constant 0 : i32
    %c0_i32_0 = arith.constant 0 : i32
    return %arg0, %c0_i32 : i32, i32
  }
  func.func @transform_2(%arg0: i32) -> (i32, i32) {
    %c0_i32 = arith.constant 0 : i32
    %c0_i32_0 = arith.constant 0 : i32
    %c0_i32_1 = arith.constant 0 : i32
    return %c0_i32, %c0_i32_0 : i32, i32
  }
  func.func @transform_3(%arg0: i32) -> (i32, i32) {
    %c0_i32 = arith.constant 0 : i32
    %c0_i32_0 = arith.constant 0 : i32
    %c0_i32_1 = arith.constant 0 : i32
    return %c0_i32, %c0_i32_0 : i32, i32
  }
  func.func @transform_4(%arg0: i32) -> (i32, i32) {
    %c0_i32 = arith.constant 0 : i32
    %c0_i32_0 = arith.constant 0 : i32
    %c0_i32_1 = arith.constant 0 : i32
    return %c0_i32, %c0_i32_0 : i32, i32
  }
  func.func @transform_5(%arg0: i32) -> (i32, i32) {
    %c0_i32 = arith.constant 0 : i32
    %c0_i32_0 = arith.constant 0 : i32
    return %arg0, %c0_i32 : i32, i32
  }
}

module attributes {stable_mosaic.version = 14 : i64} {
  func.func @_update_body(%arg0: i32, %arg1: memref<2x2000x16xf32, #tpu.memory_space<vmem>>, %arg2: memref<2x2000x16xf32, #tpu.memory_space<vmem>>, %arg3: memref<2000x16xf32, #tpu.memory_space<vmem>>, %arg4: memref<16x16xf32, #tpu.memory_space<vmem>>, %arg5: memref<1x16xf32, #tpu.memory_space<vmem>>, %arg6: memref<2000x16xf32, #tpu.memory_space<vmem>>) attributes {dimension_semantics = [#tpu.dimension_semantics<arbitrary>], iteration_bounds = array<i64: 5>, scalar_prefetch = 0 : i64, scratch_operands = 0 : i64, tpu.core_type = #tpu.core_type<tc>, window_params = [{transform_indices = @transform_0, window_bounds = array<i64: 2, 2000, 16>}, {transform_indices = @transform_1, window_bounds = array<i64: 2, 2000, 16>}, {transform_indices = @transform_2, window_bounds = array<i64: 2000, 16>}, {pipeline_mode = #tpu.pipeline_mode<synchronous>, transform_indices = @transform_3, window_bounds = array<i64: 16, 16>}, {pipeline_mode = #tpu.pipeline_mode<synchronous>, transform_indices = @transform_4, window_bounds = array<i64: 1, 16>}, {transform_indices = @transform_5, window_bounds = array<i64: 2000, 16>}]} {
    %get3A = arith.constant 0 : index
    %get3A_0 = arith.constant 0 : index
    %get3A_1 = arith.constant 0 : index
    %get3A_2 = vector.load %arg1[%get3A, %get3A_0, %get3A_1] : memref<2x2000x16xf32, #tpu.memory_space<vmem>>, vector<1x2000x16xf32>
    %get3A_3 = vector.shape_cast %get3A_2 : vector<1x2000x16xf32> to vector<2000x16xf32>
    %get3A_4 = arith.constant 1 : index
    %get3A_5 = arith.constant 0 : index
    %get3A_6 = arith.constant 0 : index
    %get3A_7 = vector.load %arg1[%get3A_4, %get3A_5, %get3A_6] : memref<2x2000x16xf32, #tpu.memory_space<vmem>>, vector<1x2000x16xf32>
    %get3A_8 = vector.shape_cast %get3A_7 : vector<1x2000x16xf32> to vector<2000x16xf32>
    %add3A = arith.addf %get3A_3, %get3A_8 : vector<2000x16xf32>
    %get3A_9 = arith.constant 0 : index
    %get3A_10 = arith.constant 0 : index
    %get3A_11 = arith.constant 0 : index
    %get3A_12 = vector.load %arg2[%get3A_9, %get3A_10, %get3A_11] : memref<2x2000x16xf32, #tpu.memory_space<vmem>>, vector<1x2000x16xf32>
    %get3A_13 = vector.shape_cast %get3A_12 : vector<1x2000x16xf32> to vector<2000x16xf32>
    %get3A_14 = arith.constant 1 : index
    %get3A_15 = arith.constant 0 : index
    %get3A_16 = arith.constant 0 : index
    %get3A_17 = vector.load %arg2[%get3A_14, %get3A_15, %get3A_16] : memref<2x2000x16xf32, #tpu.memory_space<vmem>>, vector<1x2000x16xf32>
    %get3A_18 = vector.shape_cast %get3A_17 : vector<1x2000x16xf32> to vector<2000x16xf32>
    %add3A_19 = arith.addf %get3A_13, %get3A_18 : vector<2000x16xf32>
    %max3A = arith.constant 1.000000e+00 : f32
    %max3A_20 = vector.broadcast %max3A : f32 to vector<2000x16xf32>
    %max3A_21 = arith.maximumf %add3A_19, %max3A_20 : vector<2000x16xf32>
    %div3A = arith.divf %add3A, %max3A_21 : vector<2000x16xf32>
    %get3A_22 = arith.constant 0 : index
    %get3A_23 = arith.constant 0 : index
    %get3A_24 = vector.load %arg3[%get3A_22, %get3A_23] : memref<2000x16xf32, #tpu.memory_space<vmem>>, vector<2000x16xf32>
    %get3A_25 = arith.constant 0 : index
    %get3A_26 = arith.constant 0 : index
    %get3A_27 = vector.load %arg4[%get3A_25, %get3A_26] : memref<16x16xf32, #tpu.memory_space<vmem>>, vector<16x16xf32>
    %dot_general3A = arith.constant dense<0.000000e+00> : vector<2000x16xf32>
    %dot_general3A_28 = tpu.matmul %get3A_24, %get3A_27, %dot_general3A {dimension_numbers = #tpu.dot_dimension_numbers<[1], [0], [0], [1], [0, 0, 1, 1], [], []>, precision = #tpu.contract_precision<fp32>, transpose_lhs_hint = false} : vector<2000x16xf32>, vector<16x16xf32>, vector<2000x16xf32> -> vector<2000x16xf32>
    %add3A_29 = arith.addf %div3A, %dot_general3A_28 : vector<2000x16xf32>
    %get3A_30 = arith.constant 0 : index
    %get3A_31 = arith.constant 0 : index
    %get3A_32 = vector.load %arg5[%get3A_30, %get3A_31] : memref<1x16xf32, #tpu.memory_space<vmem>>, vector<1x16xf32>
    %add3A_33 = vector.broadcast %get3A_32 : vector<1x16xf32> to vector<2000x16xf32>
    %add3A_34 = arith.addf %add3A_29, %add3A_33 : vector<2000x16xf32>
    %max3A_35 = arith.constant 0.000000e+00 : f32
    %max3A_36 = vector.broadcast %max3A_35 : f32 to vector<2000x16xf32>
    %max3A_37 = arith.maximumf %add3A_34, %max3A_36 : vector<2000x16xf32>
    %swap3A = arith.constant 0 : index
    %swap3A_38 = arith.constant 0 : index
    %swap3A_39 = vector.load %arg6[%swap3A, %swap3A_38] : memref<2000x16xf32, #tpu.memory_space<vmem>>, vector<2000x16xf32>
    tpu.vector_store %arg6[%swap3A, %swap3A_38], %max3A_37 {strides = array<i32>} : memref<2000x16xf32, #tpu.memory_space<vmem>>, vector<2000x16xf32>,
    return
  }
  func.func @transform_0(%arg0: i32) -> (i32, i32, i32) {
    %c0_i32 = arith.constant 0 : i32
    %c0_i32_0 = arith.constant 0 : i32
    %c0_i32_1 = arith.constant 0 : i32
    return %c0_i32, %arg0, %c0_i32_0 : i32, i32, i32
  }
  func.func @transform_1(%arg0: i32) -> (i32, i32, i32) {
    %c0_i32 = arith.constant 0 : i32
    %c0_i32_0 = arith.constant 0 : i32
    %c0_i32_1 = arith.constant 0 : i32
    return %c0_i32, %arg0, %c0_i32_0 : i32, i32, i32
  }
  func.func @transform_2(%arg0: i32) -> (i32, i32) {
    %c0_i32 = arith.constant 0 : i32
    %c0_i32_0 = arith.constant 0 : i32
    return %arg0, %c0_i32 : i32, i32
  }
  func.func @transform_3(%arg0: i32) -> (i32, i32) {
    %c0_i32 = arith.constant 0 : i32
    %c0_i32_0 = arith.constant 0 : i32
    %c0_i32_1 = arith.constant 0 : i32
    return %c0_i32, %c0_i32_0 : i32, i32
  }
  func.func @transform_4(%arg0: i32) -> (i32, i32) {
    %c0_i32 = arith.constant 0 : i32
    %c0_i32_0 = arith.constant 0 : i32
    %c0_i32_1 = arith.constant 0 : i32
    return %c0_i32, %c0_i32_0 : i32, i32
  }
  func.func @transform_5(%arg0: i32) -> (i32, i32) {
    %c0_i32 = arith.constant 0 : i32
    %c0_i32_0 = arith.constant 0 : i32
    return %arg0, %c0_i32 : i32, i32
  }
}

module attributes {stable_mosaic.version = 14 : i64} {
  func.func @_final_body(%arg0: i32, %arg1: memref<2x2000x16xf32, #tpu.memory_space<vmem>>, %arg2: memref<2x2000x16xf32, #tpu.memory_space<vmem>>, %arg3: memref<2000x16xf32, #tpu.memory_space<vmem>>, %arg4: memref<16x16xf32, #tpu.memory_space<vmem>>, %arg5: memref<1x16xf32, #tpu.memory_space<vmem>>, %arg6: memref<16x1xf32, #tpu.memory_space<vmem>>, %arg7: memref<1x1xf32, #tpu.memory_space<vmem>>, %arg8: memref<2000x1xf32, #tpu.memory_space<vmem>>) attributes {dimension_semantics = [#tpu.dimension_semantics<arbitrary>], iteration_bounds = array<i64: 5>, scalar_prefetch = 0 : i64, scratch_operands = 0 : i64, tpu.core_type = #tpu.core_type<tc>, window_params = [{transform_indices = @transform_0, window_bounds = array<i64: 2, 2000, 16>}, {transform_indices = @transform_1, window_bounds = array<i64: 2, 2000, 16>}, {transform_indices = @transform_2, window_bounds = array<i64: 2000, 16>}, {pipeline_mode = #tpu.pipeline_mode<synchronous>, transform_indices = @transform_3, window_bounds = array<i64: 16, 16>}, {pipeline_mode = #tpu.pipeline_mode<synchronous>, transform_indices = @transform_4, window_bounds = array<i64: 1, 16>}, {pipeline_mode = #tpu.pipeline_mode<synchronous>, transform_indices = @transform_5, window_bounds = array<i64: 16, 1>}, {pipeline_mode = #tpu.pipeline_mode<synchronous>, transform_indices = @transform_6, window_bounds = array<i64: 1, 1>}, {transform_indices = @transform_7, window_bounds = array<i64: 2000, 1>}]} {
    %get3A = arith.constant 0 : index
    %get3A_0 = arith.constant 0 : index
    %get3A_1 = arith.constant 0 : index
    %get3A_2 = vector.load %arg1[%get3A, %get3A_0, %get3A_1] : memref<2x2000x16xf32, #tpu.memory_space<vmem>>, vector<1x2000x16xf32>
    %get3A_3 = vector.shape_cast %get3A_2 : vector<1x2000x16xf32> to vector<2000x16xf32>
    %get3A_4 = arith.constant 1 : index
    %get3A_5 = arith.constant 0 : index
    %get3A_6 = arith.constant 0 : index
    %get3A_7 = vector.load %arg1[%get3A_4, %get3A_5, %get3A_6] : memref<2x2000x16xf32, #tpu.memory_space<vmem>>, vector<1x2000x16xf32>
    %get3A_8 = vector.shape_cast %get3A_7 : vector<1x2000x16xf32> to vector<2000x16xf32>
    %add3A = arith.addf %get3A_3, %get3A_8 : vector<2000x16xf32>
    %get3A_9 = arith.constant 0 : index
    %get3A_10 = arith.constant 0 : index
    %get3A_11 = arith.constant 0 : index
    %get3A_12 = vector.load %arg2[%get3A_9, %get3A_10, %get3A_11] : memref<2x2000x16xf32, #tpu.memory_space<vmem>>, vector<1x2000x16xf32>
    %get3A_13 = vector.shape_cast %get3A_12 : vector<1x2000x16xf32> to vector<2000x16xf32>
    %get3A_14 = arith.constant 1 : index
    %get3A_15 = arith.constant 0 : index
    %get3A_16 = arith.constant 0 : index
    %get3A_17 = vector.load %arg2[%get3A_14, %get3A_15, %get3A_16] : memref<2x2000x16xf32, #tpu.memory_space<vmem>>, vector<1x2000x16xf32>
    %get3A_18 = vector.shape_cast %get3A_17 : vector<1x2000x16xf32> to vector<2000x16xf32>
    %add3A_19 = arith.addf %get3A_13, %get3A_18 : vector<2000x16xf32>
    %max3A = arith.constant 1.000000e+00 : f32
    %max3A_20 = vector.broadcast %max3A : f32 to vector<2000x16xf32>
    %max3A_21 = arith.maximumf %add3A_19, %max3A_20 : vector<2000x16xf32>
    %div3A = arith.divf %add3A, %max3A_21 : vector<2000x16xf32>
    %get3A_22 = arith.constant 0 : index
    %get3A_23 = arith.constant 0 : index
    %get3A_24 = vector.load %arg3[%get3A_22, %get3A_23] : memref<2000x16xf32, #tpu.memory_space<vmem>>, vector<2000x16xf32>
    %get3A_25 = arith.constant 0 : index
    %get3A_26 = arith.constant 0 : index
    %get3A_27 = vector.load %arg4[%get3A_25, %get3A_26] : memref<16x16xf32, #tpu.memory_space<vmem>>, vector<16x16xf32>
    %dot_general3A = arith.constant dense<0.000000e+00> : vector<2000x16xf32>
    %dot_general3A_28 = tpu.matmul %get3A_24, %get3A_27, %dot_general3A {dimension_numbers = #tpu.dot_dimension_numbers<[1], [0], [0], [1], [0, 0, 1, 1], [], []>, precision = #tpu.contract_precision<fp32>, transpose_lhs_hint = false} : vector<2000x16xf32>, vector<16x16xf32>, vector<2000x16xf32> -> vector<2000x16xf32>
    %add3A_29 = arith.addf %div3A, %dot_general3A_28 : vector<2000x16xf32>
    %get3A_30 = arith.constant 0 : index
    %get3A_31 = arith.constant 0 : index
    %get3A_32 = vector.load %arg5[%get3A_30, %get3A_31] : memref<1x16xf32, #tpu.memory_space<vmem>>, vector<1x16xf32>
    %add3A_33 = vector.broadcast %get3A_32 : vector<1x16xf32> to vector<2000x16xf32>
    %add3A_34 = arith.addf %add3A_29, %add3A_33 : vector<2000x16xf32>
    %max3A_35 = arith.constant 0.000000e+00 : f32
    %max3A_36 = vector.broadcast %max3A_35 : f32 to vector<2000x16xf32>
    %max3A_37 = arith.maximumf %add3A_34, %max3A_36 : vector<2000x16xf32>
    %get3A_38 = arith.constant 0 : index
    %get3A_39 = arith.constant 0 : index
    %get3A_40 = vector.load %arg6[%get3A_38, %get3A_39] : memref<16x1xf32, #tpu.memory_space<vmem>>, vector<16x1xf32>
    %dot_general3A_41 = arith.constant dense<0.000000e+00> : vector<2000x1xf32>
    %dot_general3A_42 = tpu.matmul %max3A_37, %get3A_40, %dot_general3A_41 {dimension_numbers = #tpu.dot_dimension_numbers<[1], [0], [0], [1], [0, 0, 1, 1], [], []>, precision = #tpu.contract_precision<fp32>, transpose_lhs_hint = false} : vector<2000x16xf32>, vector<16x1xf32>, vector<2000x1xf32> -> vector<2000x1xf32>
    %get3A_43 = arith.constant 0 : index
    %get3A_44 = arith.constant 0 : index
    %get3A_45 = vector.load %arg7[%get3A_43, %get3A_44] : memref<1x1xf32, #tpu.memory_space<vmem>>, vector<1x1xf32>
    %add3A_46 = vector.broadcast %get3A_45 : vector<1x1xf32> to vector<2000x1xf32>
    %add3A_47 = arith.addf %dot_general3A_42, %add3A_46 : vector<2000x1xf32>
    %swap3A = arith.constant 0 : index
    %swap3A_48 = arith.constant 0 : index
    %swap3A_49 = vector.load %arg8[%swap3A, %swap3A_48] : memref<2000x1xf32, #tpu.memory_space<vmem>>, vector<2000x1xf32>
    tpu.vector_store %arg8[%swap3A, %swap3A_48], %add3A_47 {strides = array<i32>} : memref<2000x1xf32, #tpu.memory_space<vmem>>, vector<2000x1xf32>,
    return
  }
  func.func @transform_0(%arg0: i32) -> (i32, i32, i32) {
    %c0_i32 = arith.constant 0 : i32
    %c0_i32_0 = arith.constant 0 : i32
    %c0_i32_1 = arith.constant 0 : i32
    return %c0_i32, %arg0, %c0_i32_0 : i32, i32, i32
  }
  func.func @transform_1(%arg0: i32) -> (i32, i32, i32) {
    %c0_i32 = arith.constant 0 : i32
    %c0_i32_0 = arith.constant 0 : i32
    %c0_i32_1 = arith.constant 0 : i32
    return %c0_i32, %arg0, %c0_i32_0 : i32, i32, i32
  }
  func.func @transform_2(%arg0: i32) -> (i32, i32) {
    %c0_i32 = arith.constant 0 : i32
    %c0_i32_0 = arith.constant 0 : i32
    return %arg0, %c0_i32 : i32, i32
  }
  func.func @transform_3(%arg0: i32) -> (i32, i32) {
    %c0_i32 = arith.constant 0 : i32
    %c0_i32_0 = arith.constant 0 : i32
    %c0_i32_1 = arith.constant 0 : i32
    return %c0_i32, %c0_i32_0 : i32, i32
  }
  func.func @transform_4(%arg0: i32) -> (i32, i32) {
    %c0_i32 = arith.constant 0 : i32
    %c0_i32_0 = arith.constant 0 : i32
    %c0_i32_1 = arith.constant 0 : i32
    return %c0_i32, %c0_i32_0 : i32, i32
  }
  func.func @transform_5(%arg0: i32) -> (i32, i32) {
    %c0_i32 = arith.constant 0 : i32
    %c0_i32_0 = arith.constant 0 : i32
    %c0_i32_1 = arith.constant 0 : i32
    return %c0_i32, %c0_i32_0 : i32, i32
  }
  func.func @transform_6(%arg0: i32) -> (i32, i32) {
    %c0_i32 = arith.constant 0 : i32
    %c0_i32_0 = arith.constant 0 : i32
    %c0_i32_1 = arith.constant 0 : i32
    return %c0_i32, %c0_i32_0 : i32, i32
  }
  func.func @transform_7(%arg0: i32) -> (i32, i32) {
    %c0_i32 = arith.constant 0 : i32
    %c0_i32_0 = arith.constant 0 : i32
    return %arg0, %c0_i32 : i32, i32
  }
}

</mosaic_0001>

<sc_bundles>
// kernel: kernel.19.cloned.1.call-start
scs
__scs_entry_jumppad:
0x0: {  	(pc) =	sbr.rel $0x88, $3  }
0x1: {  	(tag) =	ssettag $0x0;
	lr =	simm.s32 $0x1  }
0x2: {  	[smem:$0x3F84] =	sst lr;
	_ =	strace $0xD0000000  }
0x3: {  	_ = 	snop  }
0x4: {  	_ = 	snop  }
0x5: {  	_ = 	snop  }
0x6: {  	_ = 	snop  }
0x7: {  	_ = 	snop  }
__scs_overlays_trampoline_lowered:
0x8: {  	[smem:$0x3F93] =	sst s0  }
0x9: {  	[smem:$0x3F94] =	sst s1  }
0xa: {  	[smem:$0x3F95] =	sst s2  }
0xb: {  	[smem:$0x3F96] =	sst s3  }
0xc: {  	[smem:$0x3F97] =	sst s4  }
0xd: {  	[smem:$0x3F98] =	sst s5  }
0xe: {  	[smem:$0x3F99] =	sst s6  }
0xf: {  	[smem:$0x3F9A] =	sst s7  }
0x10: {  	[smem:$0x3F9B] =	sst s8  }
0x11: {  	[smem:$0x3F9C] =	sst s9;
	s0 =	simm.s32 @!p0 $0x0  }
0x12: {  	s1 =	sld [smem:$0x3F82];
	s0 =	simm.s32 @p0 $0x1  }
0x13: {  	[smem:$0x3F9D] =	sst s0;
	s0 =	simm.s32 @!p1 $0x0  }
0x14: {  	s2 =	sld [smem:$0x3F81];
	s0 =	simm.s32 @p1 $0x1  }
0x15: {  	[smem:$0x3F9E] =	sst s0;
	s0 =	simm.s32 @!p2 $0x0  }
0x16: {  	s3 =	sld [smem:$0x3FDB];
	s0 =	simm.s32 @p2 $0x1  }
0x17: {  	s4 =	simm.s32 $0x1BF5;
	[smem:$0x3FA0] =	sst s0  }
0x18: {  	s0 =	sld [smem:$0x3F83];
	_ =	swait.ge [sflag:s4], $0x0  }
0x19: {  	s7 =	sld [smem:$0x3F84]  }
0x1a: {  	s8 =	sadd.s32 $0xFFFFE003, lr  }
0x1b: {  	s9 =	sadd.s32 $0xFFFFFEF7, lr;
	s5 =	simm.s32 $0xFFFFFFFF;
	p2 =	slt.u32 s8, $0xFFFFF086  }
0x1c: {  	p1 =	slt.u32 s9, $0xF7A;
	s5 =	simm.s32 @!p2 $0x0  }
0x1d: {  	s5 =	simm.s32 @p1 $0x1;
	p0 =	seq.s32 s7, s2  }
0x1e: {  	s7 =	smul.u32 @!p0 $0xF7A, s2;
	p2 =	seq.s32 @!p0 s5, $0x0  }
0x1f: {  	s9 =	smul.u32 $0xF7A, s1;
	s8 =	simm.s32 @!p0 $0x1BF5;
	p2 =	por !p2, p0  }
0x20: {  	[sflag:s8] =	ssyncset.s32 @!p0 $0xFFFFF086;
	s6 =	sadd.s32 @!p0 s3, s7;
	s7 =	simm.s32 @!p0 $0x108  }
0x21: {  	s3 =	sadd.s32 s3, s9;
	s6 =	sadd.s32 @!p0 $0x88, s6;
	s7 =	simm.s32 @p2 $0x1082  }
0x22: {  	[simem:s7], [sflag:s8] =	dma.local @!p0 [hbm:s6], $0xF7A  }
0x23: {  	s9 =	sor.u32 $0xD0000000, s2;
	s6 =	simm.s32 $0x108;
	_ =	swait.ge @!p0 [sflag:s8], $0x0  }
0x24: {  	s3 =	sadd.s32 $0x88, s3;
	s6 =	simm.s32 @!p1 $0x1082;
	[sflag:s4] =	ssyncset.s32 $0xFFFFF086  }
0x25: {  	[simem:s6], [sflag:s4] =	dma.local [hbm:s3], $0xF7A  }
0x26: {  	[smem:$0x3F84] =	sst s1;
	(tag) =	ssettag s2;
	_ =	strace s9  }
0x27: {  	s1 =	sld [smem:$0x3F94]  }
0x28: {  	s2 =	sld [smem:$0x3F95]  }
0x29: {  	s4 =	sld [smem:$0x3F97]  }
0x2a: {  	p0 =	seq.s32 s5, $0x0;
	s5 =	sld [smem:$0x3F98]  }
0x2b: {  	s6 =	sld [smem:$0x3F99]  }
0x2c: {  	s7 =	sld [smem:$0x3F9A]  }
0x2d: {  	s3 =	simm.s32 $0x108;
	s8 =	sld [smem:$0x3F9B]  }
0x2e: {  	s3 =	simm.s32 @!p0 $0x1082;
	s9 =	sld [smem:$0x3F9C]  }
0x2f: {  	lr =	sadd.s32 s0, s3;
	s0 =	sld [smem:$0x3F93]  }
0x30: {  	s3 =	sld [smem:$0x3F96]  }
0x31: {  	[smem:$0x3F9F] =	sst s10  }
0x32: {  	s10 =	sld [smem:$0x3F9D];
	_ =	sdelay $0x3  }
0x33: {  	p0 =	seq.s32 s10, $0x1;
	s10 =	sld [smem:$0x3F9F];
	_ =	sdelay $0x3  }
0x34: {  	[smem:$0x3F9F] =	sst s10  }
0x35: {  	s10 =	sld [smem:$0x3F9E];
	_ =	sdelay $0x3  }
0x36: {  	p1 =	seq.s32 s10, $0x1;
	s10 =	sld [smem:$0x3F9F];
	_ =	sdelay $0x3  }
0x37: {  	[smem:$0x3F9F] =	sst s10  }
0x38: {  	s10 =	sld [smem:$0x3FA0]  }
0x39: {  	_ = 	snop;
	(pc) =	sbr.ind lr, $3  }
0x3a: {  	_ = 	snop  }
0x3b: {  	_ = 	snop  }
0x3c: {  	p2 =	seq.s32 s10, $0x1;
	s10 =	sld [smem:$0x3F9F]  }
0x3d: {  	_ =	shalt  }
0x3e: {  	_ =	shalt  }
0x3f: {  	_ =	shalt  }
0x40: {  	_ =	shalt  }
0x41: {  	_ =	shalt  }
0x42: {  	_ =	shalt  }
0x43: {  	_ =	shalt  }
0x44: {  	_ =	shalt  }
0x45: {  	_ =	shalt  }
0x46: {  	_ =	shalt  }
0x47: {  	_ =	shalt  }
0x48: {  	_ =	shalt  }
0x49: {  	_ =	shalt  }
0x4a: {  	_ =	shalt  }
0x4b: {  	_ =	shalt  }
0x4c: {  	_ =	shalt  }
0x4d: {  	_ =	shalt  }
0x4e: {  	_ =	shalt  }
0x4f: {  	_ =	shalt  }
0x50: {  	_ =	shalt  }
0x51: {  	_ =	shalt  }
0x52: {  	_ =	shalt  }
0x53: {  	_ =	shalt  }
0x54: {  	_ =	shalt  }
0x55: {  	_ =	shalt  }
0x56: {  	_ =	shalt  }
0x57: {  	_ =	shalt  }
0x58: {  	_ =	shalt  }
0x59: {  	_ =	shalt  }
0x5a: {  	_ =	shalt  }
0x5b: {  	_ =	shalt  }
0x5c: {  	_ =	shalt  }
0x5d: {  	_ =	shalt  }
0x5e: {  	_ =	shalt  }
0x5f: {  	_ =	shalt  }
0x60: {  	_ =	shalt  }
0x61: {  	_ =	shalt  }
0x62: {  	_ =	shalt  }
0x63: {  	_ =	shalt  }
0x64: {  	_ =	shalt  }
0x65: {  	_ =	shalt  }
0x66: {  	_ =	shalt  }
0x67: {  	_ =	shalt  }
0x68: {  	_ =	shalt  }
0x69: {  	_ =	shalt  }
0x6a: {  	_ =	shalt  }
0x6b: {  	_ =	shalt  }
0x6c: {  	_ =	shalt  }
0x6d: {  	_ =	shalt  }
0x6e: {  	_ =	shalt  }
0x6f: {  	_ =	shalt  }
0x70: {  	_ =	shalt  }
0x71: {  	_ =	shalt  }
0x72: {  	_ =	shalt  }
0x73: {  	_ =	shalt  }
0x74: {  	_ =	shalt  }
0x75: {  	_ =	shalt  }
0x76: {  	_ =	shalt  }
0x77: {  	_ =	shalt  }
0x78: {  	_ =	shalt  }
0x79: {  	_ =	shalt  }
0x7a: {  	_ =	shalt  }
0x7b: {  	_ =	shalt  }
0x7c: {  	_ =	shalt  }
0x7d: {  	_ =	shalt  }
0x7e: {  	_ =	shalt  }
0x7f: {  	_ =	shalt  }
0x80: {  	_ =	shalt  }
0x81: {  	_ =	shalt  }
0x82: {  	_ =	shalt  }
0x83: {  	_ =	shalt  }
0x84: {  	_ =	shalt  }
0x85: {  	_ =	shalt  }
0x86: {  	_ =	shalt  }
0x87: {  	_ =	shalt  }
.Lfunc_end0:
.L_simem_size_0:
called_computation_lowered:
.L_overlay_start_0:
0x88: {  	s2 =	sld [smem:$0x3FD9]  }
0x89: {  	s3 =	sld [smem:$0x3FFE];
	_ =	sdelay $0x1  }
0x8a: {  	s1 =	srdreg.scid  }
0x8b: {  	s0 =	sand.u32 $0x1, s1  }
0x8c: {  	s17 =	sshll.u32 s0, $0xA;
	s2 =	sadd.s32 s3, s2  }
0x8d: {  	s2 =	sadd.s32 s2, s17  }
0x8e: {  	[smem:$0x3FAB] =	sst s2  }
0x8f: {  	_ = 	snop  }
0x90: {  	(tm) =	ssettm $0x1  }
0x91: {  	s18 =	sld [smem:$0x3FFB];
	_ =	sdelay $0x3  }
0x92: {  	_ =	strace s18  }
0x93: {  	s2 =	sld [smem:$0x3FFC];
	_ =	sdelay $0x3  }
0x94: {  	_ =	strace s2  }
0x95: {  	s2 =	sld [smem:$0x3FFD];
	_ =	sdelay $0x3  }
0x96: {  	_ =	strace s2  }
0x97: {  	_ =	strace $0x8FFFFFFF  }
0x98: {  	s19 =	sld [smem:$0x3FDB];
	_ =	sdelay $0x1  }
0x99: {  	s20 =	simm.s32 $_scs_section_size  }
0x9a: {  	s4 =	simm.s32 $_size__tile_overlayer_lowered;
	s5 =	simm.s32 $_tile_overlayer_lowered  }
0x9b: {  	s6 =	simm.s32 $0x1BFF;
	s21 =	sshll.u32 s5, $0x1;
	s3 =	sadd.s32 s20, s19  }
0x9c: {  	s22 =	simm.s32 $0x0;
	s4 =	sshll.u32 s4, $0x1;
	s5 =	sadd.s32 s21, s3  }
0x9d: {  	[timem:s22], [sflag:s6] =	dma.local [hbm:s5], s4  }
0x9e: {  	_ =	swait.ge [sflag:s6], s4  }
0x9f: {  	s4 =	ssub.s32 $0x0, s4;
	[sflag:s6] =	ssyncset.done $0x0  }
0xa0: {  	[sflag:s6] =	ssyncadd.s32 s4;
	_ =	sdelay $0x1  }
0xa1: {  	s23 =	simm.s32 $0x1B8B  }
0xa2: {  	_ =	swait.ge [sflag:s23], $0x1  }
0xa3: {  	[sflag:s23] =	ssyncset.done $0x0  }
0xa4: {  	[sflag:s23] =	ssyncadd.s32 $0xFFFFFFFF  }
0xa5: {  	s4 =	sld [smem:$0x0]  }
0xa6: {  	s5 =	sand.u32 $0xFFFFFFFE, s1  }
0xa7: {  	p0 =	sne.s32 s1, s5  }
0xa8: {  	s5 =	sshll.u32 @p0 s5, $0xE  }
0xa9: {  	s5 =	sadd.s32 @p0 $0x11B8D, s5;
	s6 =	sshll.u32 @p0 s4, $0x11  }
0xaa: {  	s5 =	sor.u32 @p0 s6, s5  }
0xab: {  	[sflag:s5] =	ssyncadd.remote.s32 @p0 $0x1;
	_ =	sdelay $0x1  }
0xac: {  	s5 =	simm.s32 @p0 $0x1B8D  }
0xad: {  	_ =	swait.eq @p0 [sflag:s5], $0x1  }
0xae: {  	[sflag:s5] =	ssyncadd.s32 @p0 $0xFFFFFFFF  }
0xaf: {  	s6 =	sshll.u32 @!p0 s1, $0xE  }
0xb0: {  	s6 =	sor.u32 @!p0 $0x4000, s6;
	s5 =	simm.s32 @!p0 $0x1B8D  }
0xb1: {  	s4 =	sshll.u32 @!p0 s4, $0x11;
	s6 =	sadd.s32 @!p0 $0x11B8D, s6;
	_ =	swait.eq @!p0 [sflag:s5], $0x1  }
0xb2: {  	s4 =	sor.u32 @!p0 s4, s6;
	[sflag:s5] =	ssyncadd.s32 @!p0 $0xFFFFFFFF  }
0xb3: {  	s25 =	simm.s32 $0x1B8E;
	s24 =	sld [smem:$0x3FFE];
	[sflag:s4] =	ssyncadd.remote.s32 @!p0 $0x1  }
0xb4: {  	s26 =	simm.s32 $execute0_lowered;
	[smem:$0x3FD2] =	sst s25  }
0xb5: {  	s5 =	sshll.u32 s26, $0x1;
	_ =	strace $0x80000049;
	[dreg:$0x1] =	wrdreg $0xFFFFFFFF  }
0xb6: {  	s28 =	simm.s32 $_size_execute0_lowered;
	s3 =	sadd.s32 s3, s5;
	[dreg:$0x0] =	wrdreg $0x0  }
0xb7: {  	s5 =	sshll.u32 s28, $0x1;
	[dreg:$0x2] =	wrdreg s3  }
0xb8: {  	[dreg:$0x3] =	wrdreg s5  }
0xb9: {  	[dreg:$0x4] =	wrdreg $0xC0  }
0xba: {  	_ =	task [dreg:s22], $0x5FFFF  }
0xbb: {  	[dreg:$0x1] =	wrdreg $0xFFFFFFFF  }
0xbc: {  	[dreg:$0x0] =	wrdreg $0x60  }
0xbd: {  	[dreg:$0x2] =	wrdreg s24  }
0xbe: {  	[dreg:$0x3] =	wrdreg $0x44000  }
0xbf: {  	[dreg:$0x4] =	wrdreg $0x9  }
0xc0: {  	_ =	task.clear_ibuf [dreg:s22], $0x5FFFF;
	_ =	strace $0x90000049  }
0xc1: {  	s29 =	simm.s32 $0x9;
	_ =	strace $0x8000004B  }
0xc2: {  	_ =	swait.ge [sflag:s29], $0x1  }
0xc3: {  	[sflag:s29] =	ssyncadd.s32 $0xFFFFFFFF  }
0xc4: {  	_ =	strace $0x9000004B  }
0xc5: {  	_ =	sfence  }
0xc6: {  	s30 =	sld [smem:$0x0];
	_ =	sdelay $0x2  }
0xc7: {  	s31 =	sshll.u32 s1, $0xD;
	s1 =	sshrl.u32 s1, $0x2  }
0xc8: {  	s4 =	sand.u32 $0x4000, s31;
	s1 =	sadd.s32 s1, s30  }
0xc9: {  	s0 =	sor.u32 s4, s0;
	s1 =	sshll.u32 s1, $0x11  }
0xca: {  	s0 =	sor.u32 s1, s0  }
0xcb: {  	s0 =	sadd.s32 $0x8F2B, s0  }
0xcc: {  	[sflag:s0] =	ssyncadd.remote.s32 $0x1  }
0xcd: {  	_ =	sfence.sel $0xFFFF  }
0xce: {  	[dreg:$0x0] =	wrdreg $0xFFFFFFFF;
	(pc) =	sbr.abs _section_cstart, $3  }
0xcf: {  	[dreg:$0x1] =	wrdreg $0xFFFFFFFF  }
0xd0: {  	_ =	task.clear_ibuf [dreg:s22], $0x2FFFF;
	_ =	strace $0x9FFFFFFF  }
0xd1: {  	(tm) =	ssettm $0x7FFFFFFF  }
tec
execute0_lowered:
.L_overlay_start_1:
0x0: {  	(tag) =	ssettag $0x1  }
0x1: {  	s4 =	rddreg [dreg:$0x0]  }
0x2: {  	s2 =	rddreg [dreg:$0x1];
	s3 =	srdreg.scid  }
0x3: {  	s1 =	stileid.u32;
	s0 =	rddreg [dreg:$0x2];
	s10 =	simm.s32 $0x80  }
0x4: {  	s11 =	simm.s32 $0x1400;
	s5 =	sand.u32 $0x1, s3;
	s6 =	smul.u32 $0x2800, s1  }
0x5: {  	s3 =	simm.s32 $0x0;
	s7 =	sshll.u32 s1, $0x1;
	s8 =	smul.u32 $0x28000, s5  }
0x6: {  	s12 =	simm.s32 $0x0;
	[smem:$0x7FF] =	sst s3;
	s7 =	sor.u32 s5, s7  }
0x7: {  	s5 =	ssub.s32 $0x2, s5;
	s7 =	smul.u32 $0x280, s7;
	s8 =	sadd.s32 s6, s8  }
0x8: {  	_ =	strace $0x8000004A;
	s9 =	sshrl.u32 s5, $0x1;
	s8 =	sshrl.u32 s8, $0x3  }
0x9: {  	s9 =	ssub.s32 s5, s9;
	s7 =	sadd.s32 s7, s4;
	s8 =	sadd.s32 s8, s4  }
0xa: {  	s4 =	sadd.s32 s6, s2;
	s5 =	sadd.s32 $0x61400, s7;
	s7 =	smax.u32 s9, $0x1  }
0xb: {  	v0 =	vimm.f32 $0.0e+00;
	v1 =	vimm.f32 $1.000000000e+00;
	s9 =	simm.s32 $0x1;
	s6 =	sadd.s32 $0x66400, s8;
	s8 =	simm.s32 $0x1C00  }
.LBB2_1:
0xc: {  	s13 =	simm.s32 $0x0  }
.LBB2_2:
0xd: {  	p0 =	sne.s32 s13, $0x9FC0  }
.Ltmp0:
0xe: {  	_ = 	snop;
	(pc) =	sbr.rel @p0 .LBB2_2-.Ltmp0, $3  }
0xf: {  	_ =	sdelay $0x1  }
0x10: {  	s14 =	sshra.s32 s13, $0x2  }
0x11: {  	s13 =	sadd.s32 $0x40, s13;
	[tilespmem:s14+$0x1C00] =	vst v0  }
0x12: {  	s13 =	simm.s32 $0x40;
	s14 =	simm.s32 $0x0  }
.LBB2_4:
0x13: {  	p0 =	sne.s32 s13, $0x1FC0;
	[tilespmem:s14+$0x1400] =	vst v1;
	s14 =	smov.u32 s13;
	s13 =	sadd.s32 $0x40, s13  }
.Ltmp1:
0x14: {  	(pc) =	sbr.rel @p0 .LBB2_4-.Ltmp1, $2  }
0x15: {  	_ =	sdelay $0x2  }
0x16: {  	s14 =	sshra.s32 s14, $0x2  }
0x17: {  	[tilespmem:s14+$0x1400] =	vst v1  }
0x18: {  	[spmem:s4] =	stream.linear.scatter [tilespmem:s8], [sflag:$0x1], $0x2800, $0x38;
	[tilespmem:$0x6C00] =	vst v63  }
0x19: {  	_ =	swait.ge [sflag:s9], $0x2800  }
0x1a: {  	[sflag:s9] =	ssyncset.done $0x0  }
0x1b: {  	s13 =	simm.s32 $0x0;
	[sflag:s9] =	ssyncadd.s32 $0xFFFFD800  }
0x1c: {  	[tilespmem:s13], [sflag:$0x1] =	stream.linear.gather [hbm4b:s5+s13], $0x1400, $0x38;
	[tilespmem:$0x6C00] =	vst v63  }
0x1d: {  	_ =	swait.ge [sflag:s9], $0x1400  }
0x1e: {  	[sflag:s9] =	ssyncset.done $0x0  }
0x1f: {  	[sflag:s9] =	ssyncadd.s32 $0xFFFFEC00  }
0x20: {  	s31 =	simm.s32 $0x0;
	[bflag:$0x0] =	sbarrier.arrive $0xFFFF  }
0x21: {  	[spmem:s2] =	stream.indirect.scatter.add.f32 [tilespmem:s11], [sflag:$0x1], $0x10, s31, s10, $0xb8;
	[tilespmem:$0x6C00] =	vst v63  }
0x22: {  	_ =	swait.ge [sflag:s9], $0x800  }
0x23: {  	s13 =	simm.s32 $0x200;
	[sflag:s9] =	ssyncset.done $0x0  }
.LBB2_6:
0x24: {  	s14 =	sshra.s32 s13, $0x2;
	[sflag:s9] =	ssyncadd.s32 $0xFFFFF800;
	p0 =	sne.s32 s13, $0x4E00  }
0x25: {  	[spmem:s2] =	stream.indirect.scatter.add.f32 [tilespmem:s11], [sflag:$0x1], $0x10, s14, s10, $0xb8;
	[tilespmem:$0x6C00] =	vst v63  }
.Ltmp2:
0x26: {  	_ = 	snop;
	(pc) =	sbr.rel @p0 .LBB2_6-.Ltmp2, $4  }
0x27: {  	_ = 	snop  }
0x28: {  	s13 =	sadd.s32 $0x200, s13  }
0x29: {  	_ =	swait.ge [sflag:s9], $0x800  }
0x2a: {  	[sflag:s9] =	ssyncset.done $0x0  }
0x2b: {  	[sflag:s9] =	ssyncadd.s32 $0xFFFFF800  }
0x2c: {  	[bflag:$0x0] =	sbarrier.arrive $0xFFFF  }
0x2d: {  	[tilespmem:s8], [sflag:$0x1] =	stream.linear.gather [spmem:s4], $0x2800, $0x38;
	[tilespmem:$0x6C00] =	vst v63  }
0x2e: {  	s12 =	sadd.s32 $0x1, s12;
	_ =	swait.ge [sflag:s9], $0x2800  }
0x2f: {  	p0 =	sne.s32 s12, s7;
	[sflag:s9] =	ssyncset.done $0x0  }
.Ltmp3:
0x30: {  	[sflag:s9] =	ssyncadd.s32 $0xFFFFD800;
	(pc) =	sbr.rel @p0 .LBB2_1-.Ltmp3, $4  }
0x31: {  	[hbm4b:s6+s3] =	stream.linear.scatter [tilespmem:s8], [sflag:$0x1], $0x2800, $0x38;
	[tilespmem:$0x6C00] =	vst v63  }
0x32: {  	_ =	swait.ge [sflag:s9], $0x2800  }
0x33: {  	[sflag:s9] =	ssyncset.done $0x0  }
0x34: {  	[sflag:s9] =	ssyncadd.s32 $0xFFFFD800  }
0x35: {  	_ =	sfence.sel $0x180000  }
0x36: {  	[bflag:$0x0] =	sbarrier.arrive $0xFFFF  }
0x37: {  	p0 =	sne.s32 s1, $0x0;
	_ =	strace $0x9000004A  }
0x38: {  	s0 =	sadd.s32 @!p0 $0x100000, s0;
	[bflag:$0x2] =	sbarrier.arrive $0xFFFF  }
0x39: {  	[sflag:s0] =	ssyncadd.tile.s32 @!p0 $0x1;
	_ =	shalt  }
.Lfunc_end2:
_tile_overlayer_lowered:
.L_overlay_start_2:
0x3a: {  	(tag) =	ssettag $0x2  }
0x3b: {  	s0 =	rddreg [dreg:$0x0];
	s2 =	stileid.u32  }
0x3c: {  	s1 =	rddreg [dreg:$0x1];
	p0 =	sne.s32 s2, $0x0  }
0x3d: {  	s3 =	rddreg [dreg:$0x2];
	[bflag:$0x3] =	sbarrier.arrive $0xFFFF;
	s2 =	simm.s32 @!p0 $0x1C01  }
0x3e: {  	[timem:s3], [sflag:s2] =	dma.local @!p0 [hbm:s0], s1  }
0x3f: {  	s0 =	simm.s32 @!p0 $0x1  }
0x40: {  	_ =	swait.ge @!p0 [sflag:s0], s1  }
0x41: {  	s1 =	ssub.s32 @!p0 $0x0, s1;
	[sflag:s0] =	ssyncset.done @!p0 $0x0  }
0x42: {  	[sflag:s0] =	ssyncadd.s32 @!p0 s1  }
0x43: {  	[bflag:$0x3] =	sbarrier.arrive $0xFFFF  }
0x44: {  	_ =	shalt  }

// kernel: kernel.22.cloned.1.call-start
scs
__scs_entry_jumppad:
0x0: {  	(pc) =	sbr.rel $0x88, $3  }
0x1: {  	(tag) =	ssettag $0x0;
	lr =	simm.s32 $0x1  }
0x2: {  	[smem:$0x3F84] =	sst lr;
	_ =	strace $0xD0000000  }
0x3: {  	_ = 	snop  }
0x4: {  	_ = 	snop  }
0x5: {  	_ = 	snop  }
0x6: {  	_ = 	snop  }
0x7: {  	_ = 	snop  }
__scs_overlays_trampoline_lowered:
0x8: {  	[smem:$0x3F93] =	sst s0  }
0x9: {  	[smem:$0x3F94] =	sst s1  }
0xa: {  	[smem:$0x3F95] =	sst s2  }
0xb: {  	[smem:$0x3F96] =	sst s3  }
0xc: {  	[smem:$0x3F97] =	sst s4  }
0xd: {  	[smem:$0x3F98] =	sst s5  }
0xe: {  	[smem:$0x3F99] =	sst s6  }
0xf: {  	[smem:$0x3F9A] =	sst s7  }
0x10: {  	[smem:$0x3F9B] =	sst s8  }
0x11: {  	[smem:$0x3F9C] =	sst s9;
	s0 =	simm.s32 @!p0 $0x0  }
0x12: {  	s1 =	sld [smem:$0x3F82];
	s0 =	simm.s32 @p0 $0x1  }
0x13: {  	[smem:$0x3F9D] =	sst s0;
	s0 =	simm.s32 @!p1 $0x0  }
0x14: {  	s2 =	sld [smem:$0x3F81];
	s0 =	simm.s32 @p1 $0x1  }
0x15: {  	[smem:$0x3F9E] =	sst s0;
	s0 =	simm.s32 @!p2 $0x0  }
0x16: {  	s3 =	sld [smem:$0x3FDB];
	s0 =	simm.s32 @p2 $0x1  }
0x17: {  	s4 =	simm.s32 $0x1BF5;
	[smem:$0x3FA0] =	sst s0  }
0x18: {  	s0 =	sld [smem:$0x3F83];
	_ =	swait.ge [sflag:s4], $0x0  }
0x19: {  	s7 =	sld [smem:$0x3F84]  }
0x1a: {  	s8 =	sadd.s32 $0xFFFFE003, lr  }
0x1b: {  	s9 =	sadd.s32 $0xFFFFFEF7, lr;
	s5 =	simm.s32 $0xFFFFFFFF;
	p2 =	slt.u32 s8, $0xFFFFF086  }
0x1c: {  	p1 =	slt.u32 s9, $0xF7A;
	s5 =	simm.s32 @!p2 $0x0  }
0x1d: {  	s5 =	simm.s32 @p1 $0x1;
	p0 =	seq.s32 s7, s2  }
0x1e: {  	s7 =	smul.u32 @!p0 $0xF7A, s2;
	p2 =	seq.s32 @!p0 s5, $0x0  }
0x1f: {  	s9 =	smul.u32 $0xF7A, s1;
	s8 =	simm.s32 @!p0 $0x1BF5;
	p2 =	por !p2, p0  }
0x20: {  	[sflag:s8] =	ssyncset.s32 @!p0 $0xFFFFF086;
	s6 =	sadd.s32 @!p0 s3, s7;
	s7 =	simm.s32 @!p0 $0x108  }
0x21: {  	s3 =	sadd.s32 s3, s9;
	s6 =	sadd.s32 @!p0 $0x88, s6;
	s7 =	simm.s32 @p2 $0x1082  }
0x22: {  	[simem:s7], [sflag:s8] =	dma.local @!p0 [hbm:s6], $0xF7A  }
0x23: {  	s9 =	sor.u32 $0xD0000000, s2;
	s6 =	simm.s32 $0x108;
	_ =	swait.ge @!p0 [sflag:s8], $0x0  }
0x24: {  	s3 =	sadd.s32 $0x88, s3;
	s6 =	simm.s32 @!p1 $0x1082;
	[sflag:s4] =	ssyncset.s32 $0xFFFFF086  }
0x25: {  	[simem:s6], [sflag:s4] =	dma.local [hbm:s3], $0xF7A  }
0x26: {  	[smem:$0x3F84] =	sst s1;
	(tag) =	ssettag s2;
	_ =	strace s9  }
0x27: {  	s1 =	sld [smem:$0x3F94]  }
0x28: {  	s2 =	sld [smem:$0x3F95]  }
0x29: {  	s4 =	sld [smem:$0x3F97]  }
0x2a: {  	p0 =	seq.s32 s5, $0x0;
	s5 =	sld [smem:$0x3F98]  }
0x2b: {  	s6 =	sld [smem:$0x3F99]  }
0x2c: {  	s7 =	sld [smem:$0x3F9A]  }
0x2d: {  	s3 =	simm.s32 $0x108;
	s8 =	sld [smem:$0x3F9B]  }
0x2e: {  	s3 =	simm.s32 @!p0 $0x1082;
	s9 =	sld [smem:$0x3F9C]  }
0x2f: {  	lr =	sadd.s32 s0, s3;
	s0 =	sld [smem:$0x3F93]  }
0x30: {  	s3 =	sld [smem:$0x3F96]  }
0x31: {  	[smem:$0x3F9F] =	sst s10  }
0x32: {  	s10 =	sld [smem:$0x3F9D];
	_ =	sdelay $0x3  }
0x33: {  	p0 =	seq.s32 s10, $0x1;
	s10 =	sld [smem:$0x3F9F];
	_ =	sdelay $0x3  }
0x34: {  	[smem:$0x3F9F] =	sst s10  }
0x35: {  	s10 =	sld [smem:$0x3F9E];
	_ =	sdelay $0x3  }
0x36: {  	p1 =	seq.s32 s10, $0x1;
	s10 =	sld [smem:$0x3F9F];
	_ =	sdelay $0x3  }
0x37: {  	[smem:$0x3F9F] =	sst s10  }
0x38: {  	s10 =	sld [smem:$0x3FA0]  }
0x39: {  	_ = 	snop;
	(pc) =	sbr.ind lr, $3  }
0x3a: {  	_ = 	snop  }
0x3b: {  	_ = 	snop  }
0x3c: {  	p2 =	seq.s32 s10, $0x1;
	s10 =	sld [smem:$0x3F9F]  }
0x3d: {  	_ =	shalt  }
0x3e: {  	_ =	shalt  }
0x3f: {  	_ =	shalt  }
0x40: {  	_ =	shalt  }
0x41: {  	_ =	shalt  }
0x42: {  	_ =	shalt  }
0x43: {  	_ =	shalt  }
0x44: {  	_ =	shalt  }
0x45: {  	_ =	shalt  }
0x46: {  	_ =	shalt  }
0x47: {  	_ =	shalt  }
0x48: {  	_ =	shalt  }
0x49: {  	_ =	shalt  }
0x4a: {  	_ =	shalt  }
0x4b: {  	_ =	shalt  }
0x4c: {  	_ =	shalt  }
0x4d: {  	_ =	shalt  }
0x4e: {  	_ =	shalt  }
0x4f: {  	_ =	shalt  }
0x50: {  	_ =	shalt  }
0x51: {  	_ =	shalt  }
0x52: {  	_ =	shalt  }
0x53: {  	_ =	shalt  }
0x54: {  	_ =	shalt  }
0x55: {  	_ =	shalt  }
0x56: {  	_ =	shalt  }
0x57: {  	_ =	shalt  }
0x58: {  	_ =	shalt  }
0x59: {  	_ =	shalt  }
0x5a: {  	_ =	shalt  }
0x5b: {  	_ =	shalt  }
0x5c: {  	_ =	shalt  }
0x5d: {  	_ =	shalt  }
0x5e: {  	_ =	shalt  }
0x5f: {  	_ =	shalt  }
0x60: {  	_ =	shalt  }
0x61: {  	_ =	shalt  }
0x62: {  	_ =	shalt  }
0x63: {  	_ =	shalt  }
0x64: {  	_ =	shalt  }
0x65: {  	_ =	shalt  }
0x66: {  	_ =	shalt  }
0x67: {  	_ =	shalt  }
0x68: {  	_ =	shalt  }
0x69: {  	_ =	shalt  }
0x6a: {  	_ =	shalt  }
0x6b: {  	_ =	shalt  }
0x6c: {  	_ =	shalt  }
0x6d: {  	_ =	shalt  }
0x6e: {  	_ =	shalt  }
0x6f: {  	_ =	shalt  }
0x70: {  	_ =	shalt  }
0x71: {  	_ =	shalt  }
0x72: {  	_ =	shalt  }
0x73: {  	_ =	shalt  }
0x74: {  	_ =	shalt  }
0x75: {  	_ =	shalt  }
0x76: {  	_ =	shalt  }
0x77: {  	_ =	shalt  }
0x78: {  	_ =	shalt  }
0x79: {  	_ =	shalt  }
0x7a: {  	_ =	shalt  }
0x7b: {  	_ =	shalt  }
0x7c: {  	_ =	shalt  }
0x7d: {  	_ =	shalt  }
0x7e: {  	_ =	shalt  }
0x7f: {  	_ =	shalt  }
0x80: {  	_ =	shalt  }
0x81: {  	_ =	shalt  }
0x82: {  	_ =	shalt  }
0x83: {  	_ =	shalt  }
0x84: {  	_ =	shalt  }
0x85: {  	_ =	shalt  }
0x86: {  	_ =	shalt  }
0x87: {  	_ =	shalt  }
.Lfunc_end0:
.L_simem_size_0:
called_computation.1_lowered:
.L_overlay_start_0:
0x88: {  	s2 =	sld [smem:$0x3FD9]  }
0x89: {  	s3 =	sld [smem:$0x3FFE];
	_ =	sdelay $0x1  }
0x8a: {  	s1 =	srdreg.scid  }
0x8b: {  	s0 =	sand.u32 $0x1, s1  }
0x8c: {  	s16 =	sshll.u32 s0, $0xA;
	s2 =	sadd.s32 s3, s2  }
0x8d: {  	s2 =	sadd.s32 s2, s16  }
0x8e: {  	[smem:$0x3FAB] =	sst s2  }
0x8f: {  	_ = 	snop  }
0x90: {  	(tm) =	ssettm $0x1  }
0x91: {  	s17 =	sld [smem:$0x3FFB];
	_ =	sdelay $0x3  }
0x92: {  	_ =	strace s17  }
0x93: {  	s2 =	sld [smem:$0x3FFC];
	_ =	sdelay $0x3  }
0x94: {  	_ =	strace s2  }
0x95: {  	s2 =	sld [smem:$0x3FFD];
	_ =	sdelay $0x3  }
0x96: {  	_ =	strace s2  }
0x97: {  	_ =	strace $0x8FFFFFFF  }
0x98: {  	s18 =	sld [smem:$0x3FDB];
	_ =	sdelay $0x1  }
0x99: {  	s19 =	simm.s32 $_scs_section_size  }
0x9a: {  	s4 =	simm.s32 $_size__tile_overlayer_lowered;
	s5 =	simm.s32 $_tile_overlayer_lowered  }
0x9b: {  	s22 =	simm.s32 $0x1BFF;
	s21 =	sshll.u32 s5, $0x1;
	s2 =	sadd.s32 s19, s18  }
0x9c: {  	s6 =	simm.s32 $0x0;
	s20 =	sshll.u32 s4, $0x1;
	s4 =	sadd.s32 s21, s2  }
0x9d: {  	[timem:s6], [sflag:s22] =	dma.local [hbm:s4], s20  }
0x9e: {  	_ =	swait.ge [sflag:s22], s20  }
0x9f: {  	s3 =	ssub.s32 $0x0, s20;
	[sflag:s22] =	ssyncset.done $0x0  }
0xa0: {  	[sflag:s22] =	ssyncadd.s32 s3;
	_ =	sdelay $0x1  }
0xa1: {  	s23 =	simm.s32 $0x1B8B  }
0xa2: {  	_ =	swait.ge [sflag:s23], $0x1  }
0xa3: {  	[sflag:s23] =	ssyncset.done $0x0  }
0xa4: {  	s25 =	simm.s32 $0x1B8E;
	s24 =	sld [smem:$0x3FFE];
	[sflag:s23] =	ssyncadd.s32 $0xFFFFFFFF  }
0xa5: {  	s26 =	simm.s32 $execute0_lowered;
	[smem:$0x3FD2] =	sst s25  }
0xa6: {  	s4 =	sshll.u32 s26, $0x1;
	_ =	strace $0x80000046;
	[dreg:$0x1] =	wrdreg $0xFFFFFFFF  }
0xa7: {  	s28 =	simm.s32 $_size_execute0_lowered;
	s2 =	sadd.s32 s2, s4;
	[dreg:$0x0] =	wrdreg $0x0  }
0xa8: {  	s4 =	sshll.u32 s28, $0x1;
	[dreg:$0x2] =	wrdreg s2  }
0xa9: {  	[dreg:$0x3] =	wrdreg s4  }
0xaa: {  	[dreg:$0x4] =	wrdreg $0xC0  }
0xab: {  	_ =	task [dreg:s6], $0x5FFFF  }
0xac: {  	[dreg:$0x1] =	wrdreg $0xFFFFFFFF  }
0xad: {  	[dreg:$0x0] =	wrdreg $0x60  }
0xae: {  	[dreg:$0x2] =	wrdreg s24  }
0xaf: {  	[dreg:$0x3] =	wrdreg $0xA  }
0xb0: {  	_ =	task.clear_ibuf [dreg:s6], $0x4FFFF;
	_ =	strace $0x90000046  }
0xb1: {  	s29 =	simm.s32 $0xA;
	_ =	strace $0x80000048  }
0xb2: {  	_ =	swait.ge [sflag:s29], $0x1  }
0xb3: {  	[sflag:s29] =	ssyncadd.s32 $0xFFFFFFFF  }
0xb4: {  	_ =	strace $0x90000048  }
0xb5: {  	_ =	sfence  }
0xb6: {  	s30 =	sld [smem:$0x0];
	_ =	sdelay $0x2  }
0xb7: {  	s31 =	sshll.u32 s1, $0xD;
	s1 =	sshrl.u32 s1, $0x2  }
0xb8: {  	s3 =	sand.u32 $0x4000, s31;
	s1 =	sadd.s32 s1, s30  }
0xb9: {  	s0 =	sor.u32 s3, s0;
	s1 =	sshll.u32 s1, $0x11  }
0xba: {  	s0 =	sor.u32 s1, s0  }
0xbb: {  	s0 =	sadd.s32 $0x8F2B, s0  }
0xbc: {  	[sflag:s0] =	ssyncadd.remote.s32 $0x1  }
0xbd: {  	_ =	sfence.sel $0xFFFF  }
0xbe: {  	[dreg:$0x0] =	wrdreg $0xFFFFFFFF;
	(pc) =	sbr.abs _section_cstart, $3  }
0xbf: {  	[dreg:$0x1] =	wrdreg $0xFFFFFFFF  }
0xc0: {  	_ =	task.clear_ibuf [dreg:s6], $0x2FFFF;
	_ =	strace $0x9FFFFFFF  }
0xc1: {  	(tm) =	ssettm $0x7FFFFFFF  }
tec
execute0_lowered:
.L_overlay_start_1:
0x0: {  	(tag) =	ssettag $0x1  }
0x1: {  	s2 =	stileid.u32  }
0x2: {  	s4 =	rddreg [dreg:$0x0];
	s13 =	sshll.u32 s2, $0x1;
	s2 =	simm.s32 $0x0  }
0x3: {  	s14 =	simm.s32 $0x1C00;
	[smem:$0x7FF] =	sst s2  }
0x4: {  	s15 =	simm.s32 $0x100;
	_ =	strace $0x80000047;
	[dreg:$0x4] =	wrdreg s14  }
0x5: {  	s16 =	simm.s32 $0x2400;
	[dreg:$0x5] =	wrdreg s15  }
0x6: {  	s17 =	simm.s32 $0x180;
	[dreg:$0x6] =	wrdreg s16  }
0x7: {  	s18 =	simm.s32 $0x2C00;
	[dreg:$0x7] =	wrdreg s17  }
0x8: {  	s19 =	simm.s32 $0x200;
	[dreg:$0x8] =	wrdreg s18  }
0x9: {  	s20 =	simm.s32 $0x3400;
	[dreg:$0x9] =	wrdreg s19  }
0xa: {  	s21 =	simm.s32 $0x280;
	[dreg:$0xa] =	wrdreg s20  }
0xb: {  	s22 =	simm.s32 $0x3C00;
	[dreg:$0xb] =	wrdreg s21  }
0xc: {  	s23 =	simm.s32 $0x300;
	[dreg:$0xc] =	wrdreg s22  }
0xd: {  	s24 =	simm.s32 $0x4400;
	[dreg:$0xd] =	wrdreg s23  }
0xe: {  	s25 =	simm.s32 $0x380;
	[dreg:$0xe] =	wrdreg s24  }
0xf: {  	s26 =	simm.s32 $0x4C00;
	[dreg:$0xf] =	wrdreg s25  }
0x10: {  	s5 =	simm.s32 $0x5400;
	[dreg:$0x10] =	wrdreg s26  }
0x11: {  	s6 =	simm.s32 $0x480;
	[dreg:$0x12] =	wrdreg s5  }
0x12: {  	s7 =	simm.s32 $0x5C00;
	[dreg:$0x13] =	wrdreg s6  }
0x13: {  	s8 =	simm.s32 $0x500;
	[dreg:$0x14] =	wrdreg s7  }
0x14: {  	s9 =	simm.s32 $0x6400;
	[dreg:$0x15] =	wrdreg s8  }
0x15: {  	s10 =	simm.s32 $0x580;
	[dreg:$0x16] =	wrdreg s9  }
0x16: {  	s0 =	srdreg.scid;
	s11 =	simm.s32 $0x6C00;
	[dreg:$0x17] =	wrdreg s10  }
0x17: {  	s12 =	simm.s32 $0x600;
	s1 =	sand.u32 $0x1, s0;
	[dreg:$0x18] =	wrdreg s11  }
0x18: {  	s0 =	sor.u32 s1, s13;
	s13 =	simm.s32 $0x7400;
	[dreg:$0x19] =	wrdreg s12  }
0x19: {  	[dreg:$0x1a] =	wrdreg s13;
	s14 =	simm.s32 $0x680  }
0x1a: {  	s15 =	simm.s32 $0x7C00;
	[dreg:$0x1b] =	wrdreg s14  }
0x1b: {  	s16 =	simm.s32 $0x700;
	[dreg:$0x1c] =	wrdreg s15  }
0x1c: {  	s17 =	simm.s32 $0x8400;
	[dreg:$0x1d] =	wrdreg s16  }
0x1d: {  	s18 =	simm.s32 $0x780;
	[dreg:$0x1e] =	wrdreg s17  }
0x1e: {  	s19 =	simm.s32 $0x8C00;
	[dreg:$0x1f] =	wrdreg s18  }
0x1f: {  	s20 =	simm.s32 $0x800;
	[smem:$0x7E4] =	sst s19  }
0x20: {  	s21 =	simm.s32 $0x9400;
	[smem:$0x7EA] =	sst s20  }
0x21: {  	s22 =	simm.s32 $0x880;
	[smem:$0x7EB] =	sst s21  }
0x22: {  	s23 =	simm.s32 $0x9C00;
	[smem:$0x7E6] =	sst s22  }
0x23: {  	s24 =	simm.s32 $0x900;
	[smem:$0x7E5] =	sst s23  }
0x24: {  	s25 =	simm.s32 $0xA400;
	[smem:$0x7EE] =	sst s24  }
0x25: {  	s26 =	simm.s32 $0x980;
	[smem:$0x7E9] =	sst s25  }
0x26: {  	s5 =	simm.s32 $0xA00;
	[smem:$0x7E7] =	sst s26  }
0x27: {  	s6 =	simm.s32 $0xB400;
	[smem:$0x7F0] =	sst s5  }
0x28: {  	s7 =	simm.s32 $0xA80;
	[smem:$0x7EF] =	sst s6  }
0x29: {  	s8 =	simm.s32 $0xBC00;
	[smem:$0x7F1] =	sst s7  }
0x2a: {  	s9 =	simm.s32 $0xB00;
	[smem:$0x7ED] =	sst s8  }
0x2b: {  	s10 =	simm.s32 $0xC400;
	[smem:$0x7F2] =	sst s9  }
0x2c: {  	s11 =	simm.s32 $0xB80;
	[smem:$0x7E8] =	sst s10  }
0x2d: {  	s12 =	simm.s32 $0xCC00;
	[smem:$0x7F4] =	sst s11  }
0x2e: {  	s13 =	simm.s32 $0xC00;
	[smem:$0x7F3] =	sst s12  }
0x2f: {  	[smem:$0x7F8] =	sst s13;
	s14 =	simm.s32 $0xD400  }
0x30: {  	s15 =	simm.s32 $0xC80;
	[smem:$0x7F6] =	sst s14  }
0x31: {  	s16 =	simm.s32 $0xDC00;
	[smem:$0x7F9] =	sst s15  }
0x32: {  	s17 =	simm.s32 $0xD00;
	[smem:$0x7F7] =	sst s16  }
0x33: {  	s18 =	simm.s32 $0xE400;
	[smem:$0x7F5] =	sst s17  }
0x34: {  	s3 =	smul.u32 $0x280, s0;
	s19 =	simm.s32 $0xD80;
	[smem:$0x7FA] =	sst s18  }
0x35: {  	s0 =	smul.u32 $0x2800, s0;
	s20 =	simm.s32 $0xEC00;
	[smem:$0x7FC] =	sst s19  }
0x36: {  	s21 =	simm.s32 $0xE00;
	s3 =	sadd.s32 s3, s4;
	[smem:$0x7FB] =	sst s20  }
0x37: {  	s0 =	sadd.s32 s0, s4;
	[smem:$0x7FD] =	sst s21;
	s3 =	sadd.s32 $0x7400, s3  }
0x38: {  	s0 =	sadd.s32 $0x11400, s0;
	[dreg:$0x2] =	wrdreg s3  }
0x39: {  	[dreg:$0x3] =	wrdreg s0;
	s3 =	simm.s32 $0x400  }
0x3a: {  	[dreg:$0x11] =	wrdreg s3  }
0x3b: {  	s3 =	simm.s32 $0xAC00;
	s5 =	rddreg [dreg:$0x2]  }
0x3c: {  	[smem:$0x7EC] =	sst s3;
	s3 =	simm.s32 $0x2  }
0x3d: {  	[tilespmem:s2], [sflag:$0x2] =	stream.linear.gather [hbm4b:s5+s2], $0x1400, $0x38;
	[tilespmem:$0x15400] =	vst v63  }
0x3e: {  	_ =	swait.ge [sflag:s3], $0x1400  }
0x3f: {  	s22 =	rddreg [dreg:$0xe]  }
0x40: {  	s7 =	rddreg [dreg:$0xb]  }
0x41: {  	s8 =	rddreg [dreg:$0x1c]  }
0x42: {  	s9 =	rddreg [dreg:$0x9]  }
0x43: {  	s10 =	rddreg [dreg:$0x18]  }
0x44: {  	s11 =	rddreg [dreg:$0x14]  }
0x45: {  	s12 =	rddreg [dreg:$0x7]  }
0x46: {  	s13 =	rddreg [dreg:$0x10]  }
0x47: {  	s14 =	rddreg [dreg:$0xa]  }
0x48: {  	s15 =	rddreg [dreg:$0x8]  }
0x49: {  	s16 =	rddreg [dreg:$0xc]  }
0x4a: {  	s6 =	simm.s32 $0x80;
	s17 =	rddreg [dreg:$0x5]  }
0x4b: {  	s5 =	sadd.s32 $0xC400, s4;
	[sflag:s3] =	ssyncset.done $0x0;
	s18 =	rddreg [dreg:$0x4]  }
0x4c: {  	s4 =	simm.s32 $0x1400;
	s19 =	rddreg [dreg:$0x6];
	[sflag:s3] =	ssyncadd.s32 $0xFFFFEC00  }
0x4d: {  	[tilespmem:s4], [sflag:$0x1] =	stream.indirect.gather [hbm4b:s5+s6], $0x10, s2, s6, $0xb8;
	[tilespmem:$0x15400] =	vst v63  }
0x4e: {  	s20 =	rddreg [dreg:$0xd]  }
0x4f: {  	[tilespmem:s18], [sflag:$0x1] =	stream.indirect.gather [hbm4b:s5+s6], $0x10, s6, s6, $0xb8;
	[tilespmem:$0x15400] =	vst v63  }
0x50: {  	s21 =	rddreg [dreg:$0xf]  }
0x51: {  	[tilespmem:s19], [sflag:$0x1] =	stream.indirect.gather [hbm4b:s5+s6], $0x10, s17, s6, $0xb8;
	[tilespmem:$0x15400] =	vst v63  }
0x52: {  	s23 =	rddreg [dreg:$0x12]  }
0x53: {  	[tilespmem:s15], [sflag:$0x1] =	stream.indirect.gather [hbm4b:s5+s6], $0x10, s12, s6, $0xb8;
	[tilespmem:$0x15400] =	vst v63  }
0x54: {  	s24 =	rddreg [dreg:$0x11]  }
0x55: {  	[tilespmem:s14], [sflag:$0x1] =	stream.indirect.gather [hbm4b:s5+s6], $0x10, s9, s6, $0xb8;
	[tilespmem:$0x15400] =	vst v63  }
0x56: {  	s25 =	rddreg [dreg:$0x13]  }
0x57: {  	[tilespmem:s16], [sflag:$0x1] =	stream.indirect.gather [hbm4b:s5+s6], $0x10, s7, s6, $0xb8;
	[tilespmem:$0x15400] =	vst v63  }
0x58: {  	s26 =	rddreg [dreg:$0x16]  }
0x59: {  	[tilespmem:s22], [sflag:$0x1] =	stream.indirect.gather [hbm4b:s5+s6], $0x10, s20, s6, $0xb8;
	[tilespmem:$0x15400] =	vst v63  }
0x5a: {  	s18 =	rddreg [dreg:$0x1b]  }
0x5b: {  	[tilespmem:s13], [sflag:$0x1] =	stream.indirect.gather [hbm4b:s5+s6], $0x10, s21, s6, $0xb8;
	[tilespmem:$0x15400] =	vst v63  }
0x5c: {  	s17 =	rddreg [dreg:$0x19]  }
0x5d: {  	[tilespmem:s23], [sflag:$0x1] =	stream.indirect.gather [hbm4b:s5+s6], $0x10, s24, s6, $0xb8;
	[tilespmem:$0x15400] =	vst v63  }
0x5e: {  	s19 =	rddreg [dreg:$0x1e]  }
0x5f: {  	[tilespmem:s11], [sflag:$0x1] =	stream.indirect.gather [hbm4b:s5+s6], $0x10, s25, s6, $0xb8;
	[tilespmem:$0x15400] =	vst v63  }
0x60: {  	s14 =	rddreg [dreg:$0x15]  }
0x61: {  	[tilespmem:s26], [sflag:$0x1] =	stream.indirect.gather [hbm4b:s5+s6], $0x10, s14, s6, $0xb8;
	[tilespmem:$0x15400] =	vst v63  }
0x62: {  	s15 =	rddreg [dreg:$0x17]  }
0x63: {  	[tilespmem:s10], [sflag:$0x1] =	stream.indirect.gather [hbm4b:s5+s6], $0x10, s15, s6, $0xb8;
	[tilespmem:$0x15400] =	vst v63  }
0x64: {  	s16 =	rddreg [dreg:$0x1a]  }
0x65: {  	[tilespmem:s16], [sflag:$0x1] =	stream.indirect.gather [hbm4b:s5+s6], $0x10, s17, s6, $0xb8;
	[tilespmem:$0x15400] =	vst v63  }
0x66: {  	s20 =	rddreg [dreg:$0x1d]  }
0x67: {  	[tilespmem:s8], [sflag:$0x1] =	stream.indirect.gather [hbm4b:s5+s6], $0x10, s18, s6, $0xb8;
	[tilespmem:$0x15400] =	vst v63  }
0x68: {  	s22 =	sld [smem:$0x7E4]  }
0x69: {  	[tilespmem:s19], [sflag:$0x1] =	stream.indirect.gather [hbm4b:s5+s6], $0x10, s20, s6, $0xb8;
	[tilespmem:$0x15400] =	vst v63  }
0x6a: {  	s7 =	simm.s32 $0x1;
	s21 =	rddreg [dreg:$0x1f]  }
0x6b: {  	[tilespmem:s22], [sflag:$0x1] =	stream.indirect.gather [hbm4b:s5+s6], $0x10, s21, s6, $0xb8;
	[tilespmem:$0x15400] =	vst v63  }
0x6c: {  	_ =	swait.ge [sflag:s7], $0x4000  }
0x6d: {  	s23 =	sld [smem:$0x7E5]  }
0x6e: {  	s24 =	sld [smem:$0x7E6]  }
0x6f: {  	s25 =	sld [smem:$0x7E7]  }
0x70: {  	s26 =	sld [smem:$0x7E8]  }
0x71: {  	s14 =	sld [smem:$0x7E9]  }
0x72: {  	s15 =	sld [smem:$0x7EA]  }
0x73: {  	s16 =	sld [smem:$0x7EB]  }
0x74: {  	s17 =	sld [smem:$0x7EC]  }
0x75: {  	[sflag:s7] =	ssyncset.done $0x0;
	s18 =	sld [smem:$0x7ED]  }
0x76: {  	s19 =	sld [smem:$0x7EE];
	[sflag:s7] =	ssyncadd.s32 $0xFFFFC000  }
0x77: {  	[tilespmem:s16], [sflag:$0x1] =	stream.indirect.gather [hbm4b:s5+s6], $0x10, s15, s6, $0xb8;
	[tilespmem:$0x15400] =	vst v63  }
0x78: {  	s20 =	sld [smem:$0x7EF]  }
0x79: {  	[tilespmem:s23], [sflag:$0x1] =	stream.indirect.gather [hbm4b:s5+s6], $0x10, s24, s6, $0xb8;
	[tilespmem:$0x15400] =	vst v63  }
0x7a: {  	s21 =	sld [smem:$0x7F0]  }
0x7b: {  	[tilespmem:s14], [sflag:$0x1] =	stream.indirect.gather [hbm4b:s5+s6], $0x10, s19, s6, $0xb8;
	[tilespmem:$0x15400] =	vst v63  }
0x7c: {  	s22 =	sld [smem:$0x7F1]  }
0x7d: {  	[tilespmem:s17], [sflag:$0x1] =	stream.indirect.gather [hbm4b:s5+s6], $0x10, s25, s6, $0xb8;
	[tilespmem:$0x15400] =	vst v63  }
0x7e: {  	s23 =	sld [smem:$0x7F2]  }
0x7f: {  	[tilespmem:s20], [sflag:$0x1] =	stream.indirect.gather [hbm4b:s5+s6], $0x10, s21, s6, $0xb8;
	[tilespmem:$0x15400] =	vst v63  }
0x80: {  	s24 =	sld [smem:$0x7F3]  }
0x81: {  	[tilespmem:s18], [sflag:$0x1] =	stream.indirect.gather [hbm4b:s5+s6], $0x10, s22, s6, $0xb8;
	[tilespmem:$0x15400] =	vst v63  }
0x82: {  	s25 =	sld [smem:$0x7F4]  }
0x83: {  	[tilespmem:s26], [sflag:$0x1] =	stream.indirect.gather [hbm4b:s5+s6], $0x10, s23, s6, $0xb8;
	[tilespmem:$0x15400] =	vst v63  }
0x84: {  	_ = 	snop  }
0x85: {  	[tilespmem:s24], [sflag:$0x1] =	stream.indirect.gather [hbm4b:s5+s6], $0x10, s25, s6, $0xb8;
	[tilespmem:$0x15400] =	vst v63  }
0x86: {  	_ =	swait.ge [sflag:s7], $0x4000  }
0x87: {  	s26 =	sld [smem:$0x7F5]  }
0x88: {  	s10 =	sld [smem:$0x7F6]  }
0x89: {  	s11 =	sld [smem:$0x7F7]  }
0x8a: {  	s12 =	sld [smem:$0x7F8]  }
0x8b: {  	[sflag:s7] =	ssyncset.done $0x0;
	s13 =	sld [smem:$0x7F9]  }
0x8c: {  	s14 =	sld [smem:$0x7FA];
	[sflag:s7] =	ssyncadd.s32 $0xFFFFC000  }
0x8d: {  	[tilespmem:s10], [sflag:$0x1] =	stream.indirect.gather [hbm4b:s5+s6], $0x10, s12, s6, $0xb8;
	[tilespmem:$0x15400] =	vst v63  }
0x8e: {  	s16 =	sld [smem:$0x7FB]  }
0x8f: {  	[tilespmem:s11], [sflag:$0x1] =	stream.indirect.gather [hbm4b:s5+s6], $0x10, s13, s6, $0xb8;
	[tilespmem:$0x15400] =	vst v63  }
0x90: {  	s28 =	simm.s32 $0x1300;
	s1 =	ssub.s32 $0x2, s1;
	s17 =	sld [smem:$0x7FC]  }
0x91: {  	[tilespmem:s14], [sflag:$0x1] =	stream.indirect.gather [hbm4b:s5+s6], $0x10, s26, s6, $0xb8;
	[tilespmem:$0x15400] =	vst v63  }
0x92: {  	s29 =	simm.s32 $0x14400;
	s15 =	sshrl.u32 s1, $0x1;
	s20 =	sld [smem:$0x7FD]  }
0x93: {  	[tilespmem:s16], [sflag:$0x1] =	stream.indirect.gather [hbm4b:s5+s6], $0x10, s17, s6, $0xb8;
	[tilespmem:$0x15400] =	vst v63  }
0x94: {  	s30 =	simm.s32 $0x1380;
	s1 =	ssub.s32 s1, s15;
	s19 =	simm.s32 $0xF400  }
0x95: {  	[tilespmem:s19], [sflag:$0x1] =	stream.indirect.gather [hbm4b:s5+s6], $0x10, s20, s6, $0xb8;
	[tilespmem:$0x15400] =	vst v63  }
0x96: {  	s21 =	simm.s32 $0xE80;
	s18 =	smax.u32 s1, $0x1;
	s22 =	simm.s32 $0xFC00  }
0x97: {  	[tilespmem:s22], [sflag:$0x1] =	stream.indirect.gather [hbm4b:s5+s6], $0x10, s21, s6, $0xb8;
	[tilespmem:$0x15400] =	vst v63  }
0x98: {  	p0 =	sne.s32 s18, $0x1;
	s23 =	simm.s32 $0xF00;
	s24 =	simm.s32 $0x10400  }
0x99: {  	[tilespmem:s24], [sflag:$0x1] =	stream.indirect.gather [hbm4b:s5+s6], $0x10, s23, s6, $0xb8;
	[tilespmem:$0x15400] =	vst v63  }
.Ltmp0:
0x9a: {  	s25 =	simm.s32 $0xF80;
	s26 =	simm.s32 $0x10C00;
	(pc) =	sbr.rel @!p0 .LBB2_2-.Ltmp0, $4  }
0x9b: {  	[tilespmem:s26], [sflag:$0x1] =	stream.indirect.gather [hbm4b:s5+s6], $0x10, s25, s6, $0xb8;
	[tilespmem:$0x15400] =	vst v63  }
0x9c: {  	s31 =	simm.s32 $0x14C00;
	s1 =	sadd.s32 $0xFFFFFFFF, s18;
	_ =	swait.ge [sflag:s7], $0x4000  }
0x9d: {  	s23 =	simm.s32 $0x10C00;
	s24 =	simm.s32 $0x13400;
	[sflag:s7] =	ssyncset.done $0x0  }
0x9e: {  	s25 =	simm.s32 $0x1280;
	s26 =	simm.s32 $0x13C00;
	[sflag:s7] =	ssyncadd.s32 $0xFFFFC000  }
.LBB2_1:
0x9f: {  	s0 =	simm.s32 $0x1000;
	s8 =	simm.s32 $0x11400  }
0xa0: {  	[tilespmem:s8], [sflag:$0x1] =	stream.indirect.gather [hbm4b:s5+s6], $0x10, s0, s6, $0xb8;
	[tilespmem:$0x15400] =	vst v63  }
0xa1: {  	s11 =	simm.s32 $0x1080;
	s12 =	simm.s32 $0x11C00  }
0xa2: {  	[tilespmem:s12], [sflag:$0x1] =	stream.indirect.gather [hbm4b:s5+s6], $0x10, s11, s6, $0xb8;
	[tilespmem:$0x15400] =	vst v63  }
0xa3: {  	s13 =	simm.s32 $0x1100;
	s14 =	simm.s32 $0x12400  }
0xa4: {  	[tilespmem:s14], [sflag:$0x1] =	stream.indirect.gather [hbm4b:s5+s6], $0x10, s13, s6, $0xb8;
	[tilespmem:$0x15400] =	vst v63  }
0xa5: {  	s15 =	simm.s32 $0x1180;
	s16 =	simm.s32 $0x12C00  }
0xa6: {  	[tilespmem:s16], [sflag:$0x1] =	stream.indirect.gather [hbm4b:s5+s6], $0x10, s15, s6, $0xb8;
	[tilespmem:$0x15400] =	vst v63  }
0xa7: {  	s17 =	simm.s32 $0x1200  }
0xa8: {  	[tilespmem:s24], [sflag:$0x1] =	stream.indirect.gather [hbm4b:s5+s6], $0x10, s17, s6, $0xb8;
	[tilespmem:$0x15400] =	vst v63  }
0xa9: {  	_ = 	snop  }
0xaa: {  	[tilespmem:s26], [sflag:$0x1] =	stream.indirect.gather [hbm4b:s5+s6], $0x10, s25, s6, $0xb8;
	[tilespmem:$0x15400] =	vst v63  }
0xab: {  	_ = 	snop  }
0xac: {  	[tilespmem:s29], [sflag:$0x1] =	stream.indirect.gather [hbm4b:s5+s6], $0x10, s28, s6, $0xb8;
	[tilespmem:$0x15400] =	vst v63  }
0xad: {  	_ = 	snop  }
0xae: {  	[tilespmem:s31], [sflag:$0x1] =	stream.indirect.gather [hbm4b:s5+s6], $0x10, s30, s6, $0xb8;
	[tilespmem:$0x15400] =	vst v63  }
0xaf: {  	_ =	swait.ge [sflag:s7], $0x4000  }
0xb0: {  	[sflag:s7] =	ssyncset.done $0x0  }
0xb1: {  	[sflag:s7] =	ssyncadd.s32 $0xFFFFC000  }
0xb2: {  	_ =	swait.ge [sflag:s7], $0x4000  }
0xb3: {  	[sflag:s7] =	ssyncset.done $0x0  }
0xb4: {  	s18 =	rddreg [dreg:$0x3];
	[sflag:s7] =	ssyncadd.s32 $0xFFFFC000  }
0xb5: {  	[hbm4b:s18+s2] =	stream.linear.scatter [tilespmem:s4], [sflag:$0x2], $0x14000, $0x38;
	[tilespmem:$0x15400] =	vst v63  }
0xb6: {  	_ =	swait.ge [sflag:s3], $0x14000  }
0xb7: {  	[sflag:s3] =	ssyncset.done $0x0  }
0xb8: {  	s19 =	rddreg [dreg:$0x2];
	[sflag:s3] =	ssyncadd.s32 $0xFFFEC000  }
0xb9: {  	[tilespmem:s2], [sflag:$0x2] =	stream.linear.gather [hbm4b:s19+s2], $0x1400, $0x38;
	[tilespmem:$0x15400] =	vst v63  }
0xba: {  	_ =	swait.ge [sflag:s3], $0x1400  }
0xbb: {  	s9 =	rddreg [dreg:$0xe]  }
0xbc: {  	s10 =	rddreg [dreg:$0xb]  }
0xbd: {  	s0 =	rddreg [dreg:$0x1c]  }
0xbe: {  	s11 =	rddreg [dreg:$0x9]  }
0xbf: {  	s8 =	rddreg [dreg:$0x18]  }
0xc0: {  	s12 =	rddreg [dreg:$0x14]  }
0xc1: {  	s13 =	rddreg [dreg:$0x7]  }
0xc2: {  	s14 =	rddreg [dreg:$0x10]  }
0xc3: {  	s15 =	rddreg [dreg:$0xa]  }
0xc4: {  	s16 =	rddreg [dreg:$0x8]  }
0xc5: {  	s17 =	rddreg [dreg:$0xc]  }
0xc6: {  	s18 =	rddreg [dreg:$0x5]  }
0xc7: {  	[sflag:s3] =	ssyncset.done $0x0;
	s19 =	rddreg [dreg:$0x4]  }
0xc8: {  	s20 =	rddreg [dreg:$0x6];
	[sflag:s3] =	ssyncadd.s32 $0xFFFFEC00  }
0xc9: {  	[tilespmem:s4], [sflag:$0x1] =	stream.indirect.gather [hbm4b:s5+s6], $0x10, s2, s6, $0xb8;
	[tilespmem:$0x15400] =	vst v63  }
0xca: {  	s21 =	rddreg [dreg:$0xd]  }
0xcb: {  	[tilespmem:s19], [sflag:$0x1] =	stream.indirect.gather [hbm4b:s5+s6], $0x10, s6, s6, $0xb8;
	[tilespmem:$0x15400] =	vst v63  }
0xcc: {  	s22 =	rddreg [dreg:$0xf]  }
0xcd: {  	[tilespmem:s20], [sflag:$0x1] =	stream.indirect.gather [hbm4b:s5+s6], $0x10, s18, s6, $0xb8;
	[tilespmem:$0x15400] =	vst v63  }
0xce: {  	s19 =	rddreg [dreg:$0x12]  }
0xcf: {  	[tilespmem:s16], [sflag:$0x1] =	stream.indirect.gather [hbm4b:s5+s6], $0x10, s13, s6, $0xb8;
	[tilespmem:$0x15400] =	vst v63  }
0xd0: {  	s18 =	rddreg [dreg:$0x11]  }
0xd1: {  	[tilespmem:s15], [sflag:$0x1] =	stream.indirect.gather [hbm4b:s5+s6], $0x10, s11, s6, $0xb8;
	[tilespmem:$0x15400] =	vst v63  }
0xd2: {  	s20 =	rddreg [dreg:$0x15]  }
0xd3: {  	[tilespmem:s17], [sflag:$0x1] =	stream.indirect.gather [hbm4b:s5+s6], $0x10, s10, s6, $0xb8;
	[tilespmem:$0x15400] =	vst v63  }
0xd4: {  	s13 =	rddreg [dreg:$0x13]  }
0xd5: {  	[tilespmem:s9], [sflag:$0x1] =	stream.indirect.gather [hbm4b:s5+s6], $0x10, s21, s6, $0xb8;
	[tilespmem:$0x15400] =	vst v63  }
0xd6: {  	s16 =	rddreg [dreg:$0x1a]  }
0xd7: {  	[tilespmem:s14], [sflag:$0x1] =	stream.indirect.gather [hbm4b:s5+s6], $0x10, s22, s6, $0xb8;
	[tilespmem:$0x15400] =	vst v63  }
0xd8: {  	s11 =	rddreg [dreg:$0x16]  }
0xd9: {  	[tilespmem:s19], [sflag:$0x1] =	stream.indirect.gather [hbm4b:s5+s6], $0x10, s18, s6, $0xb8;
	[tilespmem:$0x15400] =	vst v63  }
0xda: {  	s15 =	rddreg [dreg:$0x17]  }
0xdb: {  	[tilespmem:s12], [sflag:$0x1] =	stream.indirect.gather [hbm4b:s5+s6], $0x10, s13, s6, $0xb8;
	[tilespmem:$0x15400] =	vst v63  }
0xdc: {  	s17 =	rddreg [dreg:$0x19]  }
0xdd: {  	[tilespmem:s11], [sflag:$0x1] =	stream.indirect.gather [hbm4b:s5+s6], $0x10, s20, s6, $0xb8;
	[tilespmem:$0x15400] =	vst v63  }
0xde: {  	s22 =	sld [smem:$0x7E4]  }
0xdf: {  	[tilespmem:s8], [sflag:$0x1] =	stream.indirect.gather [hbm4b:s5+s6], $0x10, s15, s6, $0xb8;
	[tilespmem:$0x15400] =	vst v63  }
0xe0: {  	s18 =	rddreg [dreg:$0x1b]  }
0xe1: {  	[tilespmem:s16], [sflag:$0x1] =	stream.indirect.gather [hbm4b:s5+s6], $0x10, s17, s6, $0xb8;
	[tilespmem:$0x15400] =	vst v63  }
0xe2: {  	s19 =	rddreg [dreg:$0x1e]  }
0xe3: {  	[tilespmem:s0], [sflag:$0x1] =	stream.indirect.gather [hbm4b:s5+s6], $0x10, s18, s6, $0xb8;
	[tilespmem:$0x15400] =	vst v63  }
0xe4: {  	s20 =	rddreg [dreg:$0x1d]  }
0xe5: {  	[tilespmem:s19], [sflag:$0x1] =	stream.indirect.gather [hbm4b:s5+s6], $0x10, s20, s6, $0xb8;
	[tilespmem:$0x15400] =	vst v63  }
0xe6: {  	s21 =	rddreg [dreg:$0x1f]  }
0xe7: {  	[tilespmem:s22], [sflag:$0x1] =	stream.indirect.gather [hbm4b:s5+s6], $0x10, s21, s6, $0xb8;
	[tilespmem:$0x15400] =	vst v63  }
0xe8: {  	_ =	swait.ge [sflag:s7], $0x4000  }
0xe9: {  	s11 =	sld [smem:$0x7E5]  }
0xea: {  	s14 =	sld [smem:$0x7E6]  }
0xeb: {  	s15 =	sld [smem:$0x7E7]  }
0xec: {  	s10 =	sld [smem:$0x7E8]  }
0xed: {  	s16 =	sld [smem:$0x7E9]  }
0xee: {  	s17 =	sld [smem:$0x7EA]  }
0xef: {  	s18 =	sld [smem:$0x7EB]  }
0xf0: {  	s19 =	sld [smem:$0x7EC]  }
0xf1: {  	[sflag:s7] =	ssyncset.done $0x0;
	s20 =	sld [smem:$0x7ED]  }
0xf2: {  	s21 =	sld [smem:$0x7EE];
	[sflag:s7] =	ssyncadd.s32 $0xFFFFC000  }
0xf3: {  	[tilespmem:s18], [sflag:$0x1] =	stream.indirect.gather [hbm4b:s5+s6], $0x10, s17, s6, $0xb8;
	[tilespmem:$0x15400] =	vst v63  }
0xf4: {  	s22 =	sld [smem:$0x7EF]  }
0xf5: {  	[tilespmem:s11], [sflag:$0x1] =	stream.indirect.gather [hbm4b:s5+s6], $0x10, s14, s6, $0xb8;
	[tilespmem:$0x15400] =	vst v63  }
0xf6: {  	s8 =	sld [smem:$0x7F0]  }
0xf7: {  	[tilespmem:s16], [sflag:$0x1] =	stream.indirect.gather [hbm4b:s5+s6], $0x10, s21, s6, $0xb8;
	[tilespmem:$0x15400] =	vst v63  }
0xf8: {  	s13 =	sld [smem:$0x7F1]  }
0xf9: {  	[tilespmem:s19], [sflag:$0x1] =	stream.indirect.gather [hbm4b:s5+s6], $0x10, s15, s6, $0xb8;
	[tilespmem:$0x15400] =	vst v63  }
0xfa: {  	s17 =	sld [smem:$0x7F3]  }
0xfb: {  	[tilespmem:s22], [sflag:$0x1] =	stream.indirect.gather [hbm4b:s5+s6], $0x10, s8, s6, $0xb8;
	[tilespmem:$0x15400] =	vst v63  }
0xfc: {  	s16 =	sld [smem:$0x7F2]  }
0xfd: {  	[tilespmem:s20], [sflag:$0x1] =	stream.indirect.gather [hbm4b:s5+s6], $0x10, s13, s6, $0xb8;
	[tilespmem:$0x15400] =	vst v63  }
0xfe: {  	s18 =	sld [smem:$0x7F4]  }
0xff: {  	[tilespmem:s10], [sflag:$0x1] =	stream.indirect.gather [hbm4b:s5+s6], $0x10, s16, s6, $0xb8;
	[tilespmem:$0x15400] =	vst v63  }
0x100: {  	_ = 	snop  }
0x101: {  	[tilespmem:s17], [sflag:$0x1] =	stream.indirect.gather [hbm4b:s5+s6], $0x10, s18, s6, $0xb8;
	[tilespmem:$0x15400] =	vst v63  }
0x102: {  	_ =	swait.ge [sflag:s7], $0x4000  }
0x103: {  	s19 =	sld [smem:$0x7F5]  }
0x104: {  	s20 =	sld [smem:$0x7F6]  }
0x105: {  	s21 =	sld [smem:$0x7F7]  }
0x106: {  	s12 =	sld [smem:$0x7F8]  }
0x107: {  	[sflag:s7] =	ssyncset.done $0x0;
	s22 =	sld [smem:$0x7F9]  }
0x108: {  	s13 =	sld [smem:$0x7FA];
	[sflag:s7] =	ssyncadd.s32 $0xFFFFC000  }
0x109: {  	[tilespmem:s20], [sflag:$0x1] =	stream.indirect.gather [hbm4b:s5+s6], $0x10, s12, s6, $0xb8;
	[tilespmem:$0x15400] =	vst v63  }
0x10a: {  	s14 =	sld [smem:$0x7FB]  }
0x10b: {  	[tilespmem:s21], [sflag:$0x1] =	stream.indirect.gather [hbm4b:s5+s6], $0x10, s22, s6, $0xb8;
	[tilespmem:$0x15400] =	vst v63  }
0x10c: {  	s15 =	sld [smem:$0x7FC]  }
0x10d: {  	[tilespmem:s13], [sflag:$0x1] =	stream.indirect.gather [hbm4b:s5+s6], $0x10, s19, s6, $0xb8;
	[tilespmem:$0x15400] =	vst v63  }
0x10e: {  	s16 =	sld [smem:$0x7FD]  }
0x10f: {  	[tilespmem:s14], [sflag:$0x1] =	stream.indirect.gather [hbm4b:s5+s6], $0x10, s15, s6, $0xb8;
	[tilespmem:$0x15400] =	vst v63  }
0x110: {  	s17 =	simm.s32 $0xF400  }
0x111: {  	[tilespmem:s17], [sflag:$0x1] =	stream.indirect.gather [hbm4b:s5+s6], $0x10, s16, s6, $0xb8;
	[tilespmem:$0x15400] =	vst v63  }
0x112: {  	s18 =	simm.s32 $0xE80;
	s19 =	simm.s32 $0xFC00  }
0x113: {  	[tilespmem:s19], [sflag:$0x1] =	stream.indirect.gather [hbm4b:s5+s6], $0x10, s18, s6, $0xb8;
	[tilespmem:$0x15400] =	vst v63  }
0x114: {  	p0 =	sne.s32 s1, $0x1;
	s20 =	simm.s32 $0xF00;
	s21 =	simm.s32 $0x10400  }
0x115: {  	[tilespmem:s21], [sflag:$0x1] =	stream.indirect.gather [hbm4b:s5+s6], $0x10, s20, s6, $0xb8;
	[tilespmem:$0x15400] =	vst v63  }
.Ltmp1:
0x116: {  	s22 =	simm.s32 $0xF80;
	(pc) =	sbr.rel @p0 .LBB2_1-.Ltmp1, $4  }
0x117: {  	[tilespmem:s23], [sflag:$0x1] =	stream.indirect.gather [hbm4b:s5+s6], $0x10, s22, s6, $0xb8;
	[tilespmem:$0x15400] =	vst v63  }
0x118: {  	_ =	swait.ge [sflag:s7], $0x4000  }
0x119: {  	[sflag:s7] =	ssyncset.done $0x0  }
0x11a: {  	s1 =	sadd.s32 $0xFFFFFFFF, s1;
	[sflag:s7] =	ssyncadd.s32 $0xFFFFC000  }
.LBB2_2:
0x11b: {  	s0 =	simm.s32 $0x1000;
	s1 =	simm.s32 $0x11400  }
0x11c: {  	[tilespmem:s1], [sflag:$0x1] =	stream.indirect.gather [hbm4b:s5+s6], $0x10, s0, s6, $0xb8;
	[tilespmem:$0x15400] =	vst v63  }
0x11d: {  	s17 =	simm.s32 $0x1080;
	s18 =	simm.s32 $0x11C00  }
0x11e: {  	[tilespmem:s18], [sflag:$0x1] =	stream.indirect.gather [hbm4b:s5+s6], $0x10, s17, s6, $0xb8;
	[tilespmem:$0x15400] =	vst v63  }
0x11f: {  	s19 =	simm.s32 $0x1100;
	s20 =	simm.s32 $0x12400  }
0x120: {  	[tilespmem:s20], [sflag:$0x1] =	stream.indirect.gather [hbm4b:s5+s6], $0x10, s19, s6, $0xb8;
	[tilespmem:$0x15400] =	vst v63  }
0x121: {  	s21 =	simm.s32 $0x1180;
	s22 =	simm.s32 $0x12C00  }
0x122: {  	[tilespmem:s22], [sflag:$0x1] =	stream.indirect.gather [hbm4b:s5+s6], $0x10, s21, s6, $0xb8;
	[tilespmem:$0x15400] =	vst v63  }
0x123: {  	s23 =	simm.s32 $0x1200  }
0x124: {  	[tilespmem:s24], [sflag:$0x1] =	stream.indirect.gather [hbm4b:s5+s6], $0x10, s23, s6, $0xb8;
	[tilespmem:$0x15400] =	vst v63  }
0x125: {  	_ = 	snop  }
0x126: {  	[tilespmem:s26], [sflag:$0x1] =	stream.indirect.gather [hbm4b:s5+s6], $0x10, s25, s6, $0xb8;
	[tilespmem:$0x15400] =	vst v63  }
0x127: {  	_ = 	snop  }
0x128: {  	[tilespmem:s29], [sflag:$0x1] =	stream.indirect.gather [hbm4b:s5+s6], $0x10, s28, s6, $0xb8;
	[tilespmem:$0x15400] =	vst v63  }
0x129: {  	_ = 	snop  }
0x12a: {  	[tilespmem:s31], [sflag:$0x1] =	stream.indirect.gather [hbm4b:s5+s6], $0x10, s30, s6, $0xb8;
	[tilespmem:$0x15400] =	vst v63  }
0x12b: {  	_ =	swait.ge [sflag:s7], $0x4000  }
0x12c: {  	[sflag:s7] =	ssyncset.done $0x0  }
0x12d: {  	[sflag:s7] =	ssyncadd.s32 $0xFFFFC000  }
0x12e: {  	_ =	swait.ge [sflag:s7], $0x4000  }
0x12f: {  	[sflag:s7] =	ssyncset.done $0x0  }
0x130: {  	s30 =	rddreg [dreg:$0x3];
	[sflag:s7] =	ssyncadd.s32 $0xFFFFC000  }
0x131: {  	[hbm4b:s30+s2] =	stream.linear.scatter [tilespmem:s4], [sflag:$0x2], $0x14000, $0x38;
	[tilespmem:$0x15400] =	vst v63  }
0x132: {  	_ =	swait.ge [sflag:s3], $0x14000  }
0x133: {  	[sflag:s3] =	ssyncset.done $0x0  }
0x134: {  	[sflag:s3] =	ssyncadd.s32 $0xFFFEC000  }
0x135: {  	_ =	sfence.sel $0x180000  }
0x136: {  	[bflag:$0x0] =	sbarrier.arrive $0xFFFF  }
0x137: {  	_ =	strace $0x90000047  }
0x138: {  	s31 =	stileid.u32;
	[bflag:$0x2] =	sbarrier.arrive $0xFFFF  }
0x139: {  	p0 =	sne.s32 s31, $0x0;
	s0 =	rddreg [dreg:$0x1]  }
0x13a: {  	s0 =	sadd.s32 @!p0 $0x100000, s0  }
0x13b: {  	[sflag:s0] =	ssyncadd.tile.s32 @!p0 $0x1;
	_ =	shalt  }
.Lfunc_end2:
_tile_overlayer_lowered:
.L_overlay_start_2:
0x13c: {  	(tag) =	ssettag $0x2  }
0x13d: {  	s0 =	rddreg [dreg:$0x0];
	s2 =	stileid.u32  }
0x13e: {  	s1 =	rddreg [dreg:$0x1];
	p0 =	sne.s32 s2, $0x0  }
0x13f: {  	s3 =	rddreg [dreg:$0x2];
	[bflag:$0x3] =	sbarrier.arrive $0xFFFF;
	s2 =	simm.s32 @!p0 $0x1C02  }
0x140: {  	[timem:s3], [sflag:s2] =	dma.local @!p0 [hbm:s0], s1  }
0x141: {  	s0 =	simm.s32 @!p0 $0x2  }
0x142: {  	_ =	swait.ge @!p0 [sflag:s0], s1  }
0x143: {  	s1 =	ssub.s32 @!p0 $0x0, s1;
	[sflag:s0] =	ssyncset.done @!p0 $0x0  }
0x144: {  	[sflag:s0] =	ssyncadd.s32 @!p0 s1  }
0x145: {  	[bflag:$0x3] =	sbarrier.arrive $0xFFFF  }
0x146: {  	_ =	shalt  }

// kernel: kernel.25.cloned.1.call-start
scs
__scs_entry_jumppad:
0x0: {  	(pc) =	sbr.rel $0x88, $3  }
0x1: {  	(tag) =	ssettag $0x0;
	lr =	simm.s32 $0x1  }
0x2: {  	[smem:$0x3F84] =	sst lr;
	_ =	strace $0xD0000000  }
0x3: {  	_ = 	snop  }
0x4: {  	_ = 	snop  }
0x5: {  	_ = 	snop  }
0x6: {  	_ = 	snop  }
0x7: {  	_ = 	snop  }
__scs_overlays_trampoline_lowered:
0x8: {  	[smem:$0x3F93] =	sst s0  }
0x9: {  	[smem:$0x3F94] =	sst s1  }
0xa: {  	[smem:$0x3F95] =	sst s2  }
0xb: {  	[smem:$0x3F96] =	sst s3  }
0xc: {  	[smem:$0x3F97] =	sst s4  }
0xd: {  	[smem:$0x3F98] =	sst s5  }
0xe: {  	[smem:$0x3F99] =	sst s6  }
0xf: {  	[smem:$0x3F9A] =	sst s7  }
0x10: {  	[smem:$0x3F9B] =	sst s8  }
0x11: {  	[smem:$0x3F9C] =	sst s9;
	s0 =	simm.s32 @!p0 $0x0  }
0x12: {  	s1 =	sld [smem:$0x3F82];
	s0 =	simm.s32 @p0 $0x1  }
0x13: {  	[smem:$0x3F9D] =	sst s0;
	s0 =	simm.s32 @!p1 $0x0  }
0x14: {  	s2 =	sld [smem:$0x3F81];
	s0 =	simm.s32 @p1 $0x1  }
0x15: {  	[smem:$0x3F9E] =	sst s0;
	s0 =	simm.s32 @!p2 $0x0  }
0x16: {  	s3 =	sld [smem:$0x3FDB];
	s0 =	simm.s32 @p2 $0x1  }
0x17: {  	s4 =	simm.s32 $0x1BF5;
	[smem:$0x3FA0] =	sst s0  }
0x18: {  	s0 =	sld [smem:$0x3F83];
	_ =	swait.ge [sflag:s4], $0x0  }
0x19: {  	s7 =	sld [smem:$0x3F84]  }
0x1a: {  	s8 =	sadd.s32 $0xFFFFE003, lr  }
0x1b: {  	s9 =	sadd.s32 $0xFFFFFEF7, lr;
	s5 =	simm.s32 $0xFFFFFFFF;
	p2 =	slt.u32 s8, $0xFFFFF086  }
0x1c: {  	p1 =	slt.u32 s9, $0xF7A;
	s5 =	simm.s32 @!p2 $0x0  }
0x1d: {  	s5 =	simm.s32 @p1 $0x1;
	p0 =	seq.s32 s7, s2  }
0x1e: {  	s7 =	smul.u32 @!p0 $0xF7A, s2;
	p2 =	seq.s32 @!p0 s5, $0x0  }
0x1f: {  	s9 =	smul.u32 $0xF7A, s1;
	s8 =	simm.s32 @!p0 $0x1BF5;
	p2 =	por !p2, p0  }
0x20: {  	[sflag:s8] =	ssyncset.s32 @!p0 $0xFFFFF086;
	s6 =	sadd.s32 @!p0 s3, s7;
	s7 =	simm.s32 @!p0 $0x108  }
0x21: {  	s3 =	sadd.s32 s3, s9;
	s6 =	sadd.s32 @!p0 $0x88, s6;
	s7 =	simm.s32 @p2 $0x1082  }
0x22: {  	[simem:s7], [sflag:s8] =	dma.local @!p0 [hbm:s6], $0xF7A  }
0x23: {  	s9 =	sor.u32 $0xD0000000, s2;
	s6 =	simm.s32 $0x108;
	_ =	swait.ge @!p0 [sflag:s8], $0x0  }
0x24: {  	s3 =	sadd.s32 $0x88, s3;
	s6 =	simm.s32 @!p1 $0x1082;
	[sflag:s4] =	ssyncset.s32 $0xFFFFF086  }
0x25: {  	[simem:s6], [sflag:s4] =	dma.local [hbm:s3], $0xF7A  }
0x26: {  	[smem:$0x3F84] =	sst s1;
	(tag) =	ssettag s2;
	_ =	strace s9  }
0x27: {  	s1 =	sld [smem:$0x3F94]  }
0x28: {  	s2 =	sld [smem:$0x3F95]  }
0x29: {  	s4 =	sld [smem:$0x3F97]  }
0x2a: {  	p0 =	seq.s32 s5, $0x0;
	s5 =	sld [smem:$0x3F98]  }
0x2b: {  	s6 =	sld [smem:$0x3F99]  }
0x2c: {  	s7 =	sld [smem:$0x3F9A]  }
0x2d: {  	s3 =	simm.s32 $0x108;
	s8 =	sld [smem:$0x3F9B]  }
0x2e: {  	s3 =	simm.s32 @!p0 $0x1082;
	s9 =	sld [smem:$0x3F9C]  }
0x2f: {  	lr =	sadd.s32 s0, s3;
	s0 =	sld [smem:$0x3F93]  }
0x30: {  	s3 =	sld [smem:$0x3F96]  }
0x31: {  	[smem:$0x3F9F] =	sst s10  }
0x32: {  	s10 =	sld [smem:$0x3F9D];
	_ =	sdelay $0x3  }
0x33: {  	p0 =	seq.s32 s10, $0x1;
	s10 =	sld [smem:$0x3F9F];
	_ =	sdelay $0x3  }
0x34: {  	[smem:$0x3F9F] =	sst s10  }
0x35: {  	s10 =	sld [smem:$0x3F9E];
	_ =	sdelay $0x3  }
0x36: {  	p1 =	seq.s32 s10, $0x1;
	s10 =	sld [smem:$0x3F9F];
	_ =	sdelay $0x3  }
0x37: {  	[smem:$0x3F9F] =	sst s10  }
0x38: {  	s10 =	sld [smem:$0x3FA0]  }
0x39: {  	_ = 	snop;
	(pc) =	sbr.ind lr, $3  }
0x3a: {  	_ = 	snop  }
0x3b: {  	_ = 	snop  }
0x3c: {  	p2 =	seq.s32 s10, $0x1;
	s10 =	sld [smem:$0x3F9F]  }
0x3d: {  	_ =	shalt  }
0x3e: {  	_ =	shalt  }
0x3f: {  	_ =	shalt  }
0x40: {  	_ =	shalt  }
0x41: {  	_ =	shalt  }
0x42: {  	_ =	shalt  }
0x43: {  	_ =	shalt  }
0x44: {  	_ =	shalt  }
0x45: {  	_ =	shalt  }
0x46: {  	_ =	shalt  }
0x47: {  	_ =	shalt  }
0x48: {  	_ =	shalt  }
0x49: {  	_ =	shalt  }
0x4a: {  	_ =	shalt  }
0x4b: {  	_ =	shalt  }
0x4c: {  	_ =	shalt  }
0x4d: {  	_ =	shalt  }
0x4e: {  	_ =	shalt  }
0x4f: {  	_ =	shalt  }
0x50: {  	_ =	shalt  }
0x51: {  	_ =	shalt  }
0x52: {  	_ =	shalt  }
0x53: {  	_ =	shalt  }
0x54: {  	_ =	shalt  }
0x55: {  	_ =	shalt  }
0x56: {  	_ =	shalt  }
0x57: {  	_ =	shalt  }
0x58: {  	_ =	shalt  }
0x59: {  	_ =	shalt  }
0x5a: {  	_ =	shalt  }
0x5b: {  	_ =	shalt  }
0x5c: {  	_ =	shalt  }
0x5d: {  	_ =	shalt  }
0x5e: {  	_ =	shalt  }
0x5f: {  	_ =	shalt  }
0x60: {  	_ =	shalt  }
0x61: {  	_ =	shalt  }
0x62: {  	_ =	shalt  }
0x63: {  	_ =	shalt  }
0x64: {  	_ =	shalt  }
0x65: {  	_ =	shalt  }
0x66: {  	_ =	shalt  }
0x67: {  	_ =	shalt  }
0x68: {  	_ =	shalt  }
0x69: {  	_ =	shalt  }
0x6a: {  	_ =	shalt  }
0x6b: {  	_ =	shalt  }
0x6c: {  	_ =	shalt  }
0x6d: {  	_ =	shalt  }
0x6e: {  	_ =	shalt  }
0x6f: {  	_ =	shalt  }
0x70: {  	_ =	shalt  }
0x71: {  	_ =	shalt  }
0x72: {  	_ =	shalt  }
0x73: {  	_ =	shalt  }
0x74: {  	_ =	shalt  }
0x75: {  	_ =	shalt  }
0x76: {  	_ =	shalt  }
0x77: {  	_ =	shalt  }
0x78: {  	_ =	shalt  }
0x79: {  	_ =	shalt  }
0x7a: {  	_ =	shalt  }
0x7b: {  	_ =	shalt  }
0x7c: {  	_ =	shalt  }
0x7d: {  	_ =	shalt  }
0x7e: {  	_ =	shalt  }
0x7f: {  	_ =	shalt  }
0x80: {  	_ =	shalt  }
0x81: {  	_ =	shalt  }
0x82: {  	_ =	shalt  }
0x83: {  	_ =	shalt  }
0x84: {  	_ =	shalt  }
0x85: {  	_ =	shalt  }
0x86: {  	_ =	shalt  }
0x87: {  	_ =	shalt  }
.Lfunc_end0:
.L_simem_size_0:
called_computation.2_lowered:
.L_overlay_start_0:
0x88: {  	s2 =	sld [smem:$0x3FD9]  }
0x89: {  	s3 =	sld [smem:$0x3FFE];
	_ =	sdelay $0x1  }
0x8a: {  	s1 =	srdreg.scid  }
0x8b: {  	s0 =	sand.u32 $0x1, s1  }
0x8c: {  	s17 =	sshll.u32 s0, $0xA;
	s2 =	sadd.s32 s3, s2  }
0x8d: {  	s2 =	sadd.s32 s2, s17  }
0x8e: {  	[smem:$0x3FAB] =	sst s2  }
0x8f: {  	_ = 	snop  }
0x90: {  	(tm) =	ssettm $0x1  }
0x91: {  	s18 =	sld [smem:$0x3FFB];
	_ =	sdelay $0x3  }
0x92: {  	_ =	strace s18  }
0x93: {  	s2 =	sld [smem:$0x3FFC];
	_ =	sdelay $0x3  }
0x94: {  	_ =	strace s2  }
0x95: {  	s2 =	sld [smem:$0x3FFD];
	_ =	sdelay $0x3  }
0x96: {  	_ =	strace s2  }
0x97: {  	_ =	strace $0x8FFFFFFF  }
0x98: {  	s19 =	sld [smem:$0x3FDB];
	_ =	sdelay $0x1  }
0x99: {  	s20 =	simm.s32 $_scs_section_size  }
0x9a: {  	s4 =	simm.s32 $_size__tile_overlayer_lowered;
	s5 =	simm.s32 $_tile_overlayer_lowered  }
0x9b: {  	s6 =	simm.s32 $0x1BFF;
	s21 =	sshll.u32 s5, $0x1;
	s3 =	sadd.s32 s20, s19  }
0x9c: {  	s22 =	simm.s32 $0x0;
	s4 =	sshll.u32 s4, $0x1;
	s5 =	sadd.s32 s21, s3  }
0x9d: {  	[timem:s22], [sflag:s6] =	dma.local [hbm:s5], s4  }
0x9e: {  	_ =	swait.ge [sflag:s6], s4  }
0x9f: {  	s4 =	ssub.s32 $0x0, s4;
	[sflag:s6] =	ssyncset.done $0x0  }
0xa0: {  	[sflag:s6] =	ssyncadd.s32 s4;
	_ =	sdelay $0x1  }
0xa1: {  	s23 =	simm.s32 $0x1B8B  }
0xa2: {  	_ =	swait.ge [sflag:s23], $0x1  }
0xa3: {  	[sflag:s23] =	ssyncset.done $0x0  }
0xa4: {  	[sflag:s23] =	ssyncadd.s32 $0xFFFFFFFF  }
0xa5: {  	s4 =	sld [smem:$0x0]  }
0xa6: {  	s5 =	sand.u32 $0xFFFFFFFE, s1  }
0xa7: {  	p0 =	sne.s32 s1, s5  }
0xa8: {  	s5 =	sshll.u32 @p0 s5, $0xE  }
0xa9: {  	s5 =	sadd.s32 @p0 $0x11B8D, s5;
	s6 =	sshll.u32 @p0 s4, $0x11  }
0xaa: {  	s5 =	sor.u32 @p0 s6, s5  }
0xab: {  	[sflag:s5] =	ssyncadd.remote.s32 @p0 $0x1;
	_ =	sdelay $0x1  }
0xac: {  	s5 =	simm.s32 @p0 $0x1B8D  }
0xad: {  	_ =	swait.eq @p0 [sflag:s5], $0x1  }
0xae: {  	[sflag:s5] =	ssyncadd.s32 @p0 $0xFFFFFFFF  }
0xaf: {  	s6 =	sshll.u32 @!p0 s1, $0xE  }
0xb0: {  	s6 =	sor.u32 @!p0 $0x4000, s6;
	s5 =	simm.s32 @!p0 $0x1B8D  }
0xb1: {  	s4 =	sshll.u32 @!p0 s4, $0x11;
	s6 =	sadd.s32 @!p0 $0x11B8D, s6;
	_ =	swait.eq @!p0 [sflag:s5], $0x1  }
0xb2: {  	s4 =	sor.u32 @!p0 s4, s6;
	[sflag:s5] =	ssyncadd.s32 @!p0 $0xFFFFFFFF  }
0xb3: {  	s25 =	simm.s32 $0x1B8E;
	s24 =	sld [smem:$0x3FFE];
	[sflag:s4] =	ssyncadd.remote.s32 @!p0 $0x1  }
0xb4: {  	s26 =	simm.s32 $execute0_lowered;
	[smem:$0x3FD2] =	sst s25  }
0xb5: {  	s5 =	sshll.u32 s26, $0x1;
	_ =	strace $0x8000004C;
	[dreg:$0x1] =	wrdreg $0xFFFFFFFF  }
0xb6: {  	s28 =	simm.s32 $_size_execute0_lowered;
	s3 =	sadd.s32 s3, s5;
	[dreg:$0x0] =	wrdreg $0x0  }
0xb7: {  	s5 =	sshll.u32 s28, $0x1;
	[dreg:$0x2] =	wrdreg s3  }
0xb8: {  	[dreg:$0x3] =	wrdreg s5  }
0xb9: {  	[dreg:$0x4] =	wrdreg $0xC0  }
0xba: {  	_ =	task [dreg:s22], $0x5FFFF  }
0xbb: {  	[dreg:$0x1] =	wrdreg $0xFFFFFFFF  }
0xbc: {  	[dreg:$0x0] =	wrdreg $0x60  }
0xbd: {  	[dreg:$0x2] =	wrdreg s24  }
0xbe: {  	[dreg:$0x3] =	wrdreg $0x17C000  }
0xbf: {  	[dreg:$0x4] =	wrdreg $0xA  }
0xc0: {  	_ =	task.clear_ibuf [dreg:s22], $0x5FFFF;
	_ =	strace $0x9000004C  }
0xc1: {  	s29 =	simm.s32 $0xA;
	_ =	strace $0x8000004E  }
0xc2: {  	_ =	swait.ge [sflag:s29], $0x1  }
0xc3: {  	[sflag:s29] =	ssyncadd.s32 $0xFFFFFFFF  }
0xc4: {  	_ =	strace $0x9000004E  }
0xc5: {  	_ =	sfence  }
0xc6: {  	s30 =	sld [smem:$0x0];
	_ =	sdelay $0x2  }
0xc7: {  	s31 =	sshll.u32 s1, $0xD;
	s1 =	sshrl.u32 s1, $0x2  }
0xc8: {  	s4 =	sand.u32 $0x4000, s31;
	s1 =	sadd.s32 s1, s30  }
0xc9: {  	s0 =	sor.u32 s4, s0;
	s1 =	sshll.u32 s1, $0x11  }
0xca: {  	s0 =	sor.u32 s1, s0  }
0xcb: {  	s0 =	sadd.s32 $0x8F2B, s0  }
0xcc: {  	[sflag:s0] =	ssyncadd.remote.s32 $0x1  }
0xcd: {  	_ =	sfence.sel $0xFFFF  }
0xce: {  	[dreg:$0x0] =	wrdreg $0xFFFFFFFF;
	(pc) =	sbr.abs _section_cstart, $3  }
0xcf: {  	[dreg:$0x1] =	wrdreg $0xFFFFFFFF  }
0xd0: {  	_ =	task.clear_ibuf [dreg:s22], $0x2FFFF;
	_ =	strace $0x9FFFFFFF  }
0xd1: {  	(tm) =	ssettm $0x7FFFFFFF  }
tec
execute0_lowered:
.L_overlay_start_1:
0x0: {  	(tag) =	ssettag $0x1  }
0x1: {  	s4 =	rddreg [dreg:$0x0]  }
0x2: {  	s2 =	rddreg [dreg:$0x1]  }
0x3: {  	s0 =	rddreg [dreg:$0x2];
	s3 =	simm.s32 $0x0;
	s5 =	srdreg.scid  }
0x4: {  	s1 =	stileid.u32;
	s11 =	simm.s32 $0x80;
	s12 =	simm.s32 $0x0  }
0x5: {  	s5 =	sand.u32 $0x1, s5;
	s6 =	sshll.u32 s1, $0x1;
	s7 =	smul.u32 $0x2800, s1  }
0x6: {  	[smem:$0x7FF] =	sst s3;
	s6 =	sor.u32 s5, s6;
	s8 =	smul.u32 $0x28000, s5  }
0x7: {  	_ =	strace $0x8000004D;
	s5 =	ssub.s32 $0x2, s5;
	s9 =	smul.u32 $0x2800, s6  }
0x8: {  	s6 =	smul.u32 $0x280, s6;
	s10 =	sshrl.u32 s5, $0x1;
	s8 =	sadd.s32 s7, s8  }
0x9: {  	s10 =	ssub.s32 s5, s10;
	s9 =	sadd.s32 s9, s4;
	s8 =	sshrl.u32 s8, $0x3  }
0xa: {  	s6 =	sadd.s32 s6, s4;
	s8 =	sadd.s32 s8, s4;
	s4 =	sadd.s32 s7, s2  }
0xb: {  	s5 =	sadd.s32 $0x61400, s6;
	s6 =	sadd.s32 $0xC400, s9;
	s9 =	simm.s32 $0x15400  }
0xc: {  	v0 =	vimm.f32 $0.0e+00;
	s7 =	sadd.s32 $0x70400, s8;
	s8 =	smax.u32 s10, $0x1;
	s10 =	simm.s32 $0x1  }
.LBB2_1:
0xd: {  	s13 =	simm.s32 $0x40;
	s14 =	simm.s32 $0x0  }
.LBB2_2:
0xe: {  	p0 =	sne.s32 s13, $0x9FC0;
	[tilespmem:s14+$0x15400] =	vst v0;
	s14 =	smov.u32 s13;
	s13 =	sadd.s32 $0x40, s13  }
.Ltmp0:
0xf: {  	(pc) =	sbr.rel @p0 .LBB2_2-.Ltmp0, $2  }
0x10: {  	_ =	sdelay $0x2  }
0x11: {  	s14 =	sshra.s32 s14, $0x2  }
0x12: {  	[tilespmem:s14+$0x15400] =	vst v0  }
0x13: {  	[spmem:s4] =	stream.linear.scatter [tilespmem:s9], [sflag:$0x1], $0x2800, $0x38;
	[tilespmem:$0x1A400] =	vst v63  }
0x14: {  	_ =	swait.ge [sflag:s10], $0x2800  }
0x15: {  	[sflag:s10] =	ssyncset.done $0x0  }
0x16: {  	s30 =	simm.s32 $0x0;
	[sflag:s10] =	ssyncadd.s32 $0xFFFFD800  }
0x17: {  	[tilespmem:s30], [sflag:$0x1] =	stream.linear.gather [hbm4b:s5+s30], $0x1400, $0x38;
	[tilespmem:$0x1A400] =	vst v63  }
0x18: {  	_ =	swait.ge [sflag:s10], $0x1400  }
0x19: {  	[sflag:s10] =	ssyncset.done $0x0  }
0x1a: {  	s13 =	simm.s32 $0x1400;
	[sflag:s10] =	ssyncadd.s32 $0xFFFFEC00  }
0x1b: {  	[tilespmem:s13], [sflag:$0x1] =	stream.linear.gather [hbm4b:s6+s30], $0x14000, $0x38;
	[tilespmem:$0x1A400] =	vst v63  }
0x1c: {  	_ =	swait.ge [sflag:s10], $0x14000  }
0x1d: {  	[sflag:s10] =	ssyncset.done $0x0  }
0x1e: {  	[sflag:s10] =	ssyncadd.s32 $0xFFFEC000  }
0x1f: {  	s31 =	simm.s32 $0x0;
	[bflag:$0x0] =	sbarrier.arrive $0xFFFF  }
0x20: {  	[spmem:s2] =	stream.indirect.scatter.add.f32 [tilespmem:s13], [sflag:$0x1], $0x10, s31, s11, $0xb8;
	[tilespmem:$0x1A400] =	vst v63  }
0x21: {  	_ =	swait.ge [sflag:s10], $0x800  }
0x22: {  	s14 =	simm.s32 $0x200;
	[sflag:s10] =	ssyncset.done $0x0  }
.LBB2_4:
0x23: {  	s15 =	sshra.s32 s14, $0x2  }
0x24: {  	[sflag:s10] =	ssyncadd.s32 $0xFFFFF800;
	s13 =	sadd.s32 $0x800, s13;
	p0 =	sne.s32 s14, $0x4E00  }
0x25: {  	[spmem:s2] =	stream.indirect.scatter.add.f32 [tilespmem:s13], [sflag:$0x1], $0x10, s15, s11, $0xb8;
	[tilespmem:$0x1A400] =	vst v63  }
.Ltmp1:
0x26: {  	_ = 	snop;
	(pc) =	sbr.rel @p0 .LBB2_4-.Ltmp1, $4  }
0x27: {  	_ = 	snop  }
0x28: {  	s14 =	sadd.s32 $0x200, s14  }
0x29: {  	_ =	swait.ge [sflag:s10], $0x800  }
0x2a: {  	[sflag:s10] =	ssyncset.done $0x0  }
0x2b: {  	[sflag:s10] =	ssyncadd.s32 $0xFFFFF800  }
0x2c: {  	[bflag:$0x0] =	sbarrier.arrive $0xFFFF  }
0x2d: {  	[tilespmem:s9], [sflag:$0x1] =	stream.linear.gather [spmem:s4], $0x2800, $0x38;
	[tilespmem:$0x1A400] =	vst v63  }
0x2e: {  	s12 =	sadd.s32 $0x1, s12;
	_ =	swait.ge [sflag:s10], $0x2800  }
0x2f: {  	p0 =	sne.s32 s12, s8;
	[sflag:s10] =	ssyncset.done $0x0  }
.Ltmp2:
0x30: {  	[sflag:s10] =	ssyncadd.s32 $0xFFFFD800;
	(pc) =	sbr.rel @p0 .LBB2_1-.Ltmp2, $4  }
0x31: {  	[hbm4b:s7+s3] =	stream.linear.scatter [tilespmem:s9], [sflag:$0x1], $0x2800, $0x38;
	[tilespmem:$0x1A400] =	vst v63  }
0x32: {  	_ =	swait.ge [sflag:s10], $0x2800  }
0x33: {  	[sflag:s10] =	ssyncset.done $0x0  }
0x34: {  	[sflag:s10] =	ssyncadd.s32 $0xFFFFD800  }
0x35: {  	_ =	sfence.sel $0x180000  }
0x36: {  	[bflag:$0x0] =	sbarrier.arrive $0xFFFF  }
0x37: {  	p0 =	sne.s32 s1, $0x0;
	_ =	strace $0x9000004D  }
0x38: {  	s0 =	sadd.s32 @!p0 $0x100000, s0;
	[bflag:$0x2] =	sbarrier.arrive $0xFFFF  }
0x39: {  	[sflag:s0] =	ssyncadd.tile.s32 @!p0 $0x1;
	_ =	shalt  }
.Lfunc_end2:
_tile_overlayer_lowered:
.L_overlay_start_2:
0x3a: {  	(tag) =	ssettag $0x2  }
0x3b: {  	s0 =	rddreg [dreg:$0x0];
	s2 =	stileid.u32  }
0x3c: {  	s1 =	rddreg [dreg:$0x1];
	p0 =	sne.s32 s2, $0x0  }
0x3d: {  	s3 =	rddreg [dreg:$0x2];
	[bflag:$0x3] =	sbarrier.arrive $0xFFFF;
	s2 =	simm.s32 @!p0 $0x1C01  }
0x3e: {  	[timem:s3], [sflag:s2] =	dma.local @!p0 [hbm:s0], s1  }
0x3f: {  	s0 =	simm.s32 @!p0 $0x1  }
0x40: {  	_ =	swait.ge @!p0 [sflag:s0], s1  }
0x41: {  	s1 =	ssub.s32 @!p0 $0x0, s1;
	[sflag:s0] =	ssyncset.done @!p0 $0x0  }
0x42: {  	[sflag:s0] =	ssyncadd.s32 @!p0 s1  }
0x43: {  	[bflag:$0x3] =	sbarrier.arrive $0xFFFF  }
0x44: {  	_ =	shalt  }

// kernel: kernel.28.cloned.1.call-start
scs
__scs_entry_jumppad:
0x0: {  	(pc) =	sbr.rel $0x88, $3  }
0x1: {  	(tag) =	ssettag $0x0;
	lr =	simm.s32 $0x1  }
0x2: {  	[smem:$0x3F84] =	sst lr;
	_ =	strace $0xD0000000  }
0x3: {  	_ = 	snop  }
0x4: {  	_ = 	snop  }
0x5: {  	_ = 	snop  }
0x6: {  	_ = 	snop  }
0x7: {  	_ = 	snop  }
__scs_overlays_trampoline_lowered:
0x8: {  	[smem:$0x3F93] =	sst s0  }
0x9: {  	[smem:$0x3F94] =	sst s1  }
0xa: {  	[smem:$0x3F95] =	sst s2  }
0xb: {  	[smem:$0x3F96] =	sst s3  }
0xc: {  	[smem:$0x3F97] =	sst s4  }
0xd: {  	[smem:$0x3F98] =	sst s5  }
0xe: {  	[smem:$0x3F99] =	sst s6  }
0xf: {  	[smem:$0x3F9A] =	sst s7  }
0x10: {  	[smem:$0x3F9B] =	sst s8  }
0x11: {  	[smem:$0x3F9C] =	sst s9;
	s0 =	simm.s32 @!p0 $0x0  }
0x12: {  	s1 =	sld [smem:$0x3F82];
	s0 =	simm.s32 @p0 $0x1  }
0x13: {  	[smem:$0x3F9D] =	sst s0;
	s0 =	simm.s32 @!p1 $0x0  }
0x14: {  	s2 =	sld [smem:$0x3F81];
	s0 =	simm.s32 @p1 $0x1  }
0x15: {  	[smem:$0x3F9E] =	sst s0;
	s0 =	simm.s32 @!p2 $0x0  }
0x16: {  	s3 =	sld [smem:$0x3FDB];
	s0 =	simm.s32 @p2 $0x1  }
0x17: {  	s4 =	simm.s32 $0x1BF5;
	[smem:$0x3FA0] =	sst s0  }
0x18: {  	s0 =	sld [smem:$0x3F83];
	_ =	swait.ge [sflag:s4], $0x0  }
0x19: {  	s7 =	sld [smem:$0x3F84]  }
0x1a: {  	s8 =	sadd.s32 $0xFFFFE003, lr  }
0x1b: {  	s9 =	sadd.s32 $0xFFFFFEF7, lr;
	s5 =	simm.s32 $0xFFFFFFFF;
	p2 =	slt.u32 s8, $0xFFFFF086  }
0x1c: {  	p1 =	slt.u32 s9, $0xF7A;
	s5 =	simm.s32 @!p2 $0x0  }
0x1d: {  	s5 =	simm.s32 @p1 $0x1;
	p0 =	seq.s32 s7, s2  }
0x1e: {  	s7 =	smul.u32 @!p0 $0xF7A, s2;
	p2 =	seq.s32 @!p0 s5, $0x0  }
0x1f: {  	s9 =	smul.u32 $0xF7A, s1;
	s8 =	simm.s32 @!p0 $0x1BF5;
	p2 =	por !p2, p0  }
0x20: {  	[sflag:s8] =	ssyncset.s32 @!p0 $0xFFFFF086;
	s6 =	sadd.s32 @!p0 s3, s7;
	s7 =	simm.s32 @!p0 $0x108  }
0x21: {  	s3 =	sadd.s32 s3, s9;
	s6 =	sadd.s32 @!p0 $0x88, s6;
	s7 =	simm.s32 @p2 $0x1082  }
0x22: {  	[simem:s7], [sflag:s8] =	dma.local @!p0 [hbm:s6], $0xF7A  }
0x23: {  	s9 =	sor.u32 $0xD0000000, s2;
	s6 =	simm.s32 $0x108;
	_ =	swait.ge @!p0 [sflag:s8], $0x0  }
0x24: {  	s3 =	sadd.s32 $0x88, s3;
	s6 =	simm.s32 @!p1 $0x1082;
	[sflag:s4] =	ssyncset.s32 $0xFFFFF086  }
0x25: {  	[simem:s6], [sflag:s4] =	dma.local [hbm:s3], $0xF7A  }
0x26: {  	[smem:$0x3F84] =	sst s1;
	(tag) =	ssettag s2;
	_ =	strace s9  }
0x27: {  	s1 =	sld [smem:$0x3F94]  }
0x28: {  	s2 =	sld [smem:$0x3F95]  }
0x29: {  	s4 =	sld [smem:$0x3F97]  }
0x2a: {  	p0 =	seq.s32 s5, $0x0;
	s5 =	sld [smem:$0x3F98]  }
0x2b: {  	s6 =	sld [smem:$0x3F99]  }
0x2c: {  	s7 =	sld [smem:$0x3F9A]  }
0x2d: {  	s3 =	simm.s32 $0x108;
	s8 =	sld [smem:$0x3F9B]  }
0x2e: {  	s3 =	simm.s32 @!p0 $0x1082;
	s9 =	sld [smem:$0x3F9C]  }
0x2f: {  	lr =	sadd.s32 s0, s3;
	s0 =	sld [smem:$0x3F93]  }
0x30: {  	s3 =	sld [smem:$0x3F96]  }
0x31: {  	[smem:$0x3F9F] =	sst s10  }
0x32: {  	s10 =	sld [smem:$0x3F9D];
	_ =	sdelay $0x3  }
0x33: {  	p0 =	seq.s32 s10, $0x1;
	s10 =	sld [smem:$0x3F9F];
	_ =	sdelay $0x3  }
0x34: {  	[smem:$0x3F9F] =	sst s10  }
0x35: {  	s10 =	sld [smem:$0x3F9E];
	_ =	sdelay $0x3  }
0x36: {  	p1 =	seq.s32 s10, $0x1;
	s10 =	sld [smem:$0x3F9F];
	_ =	sdelay $0x3  }
0x37: {  	[smem:$0x3F9F] =	sst s10  }
0x38: {  	s10 =	sld [smem:$0x3FA0]  }
0x39: {  	_ = 	snop;
	(pc) =	sbr.ind lr, $3  }
0x3a: {  	_ = 	snop  }
0x3b: {  	_ = 	snop  }
0x3c: {  	p2 =	seq.s32 s10, $0x1;
	s10 =	sld [smem:$0x3F9F]  }
0x3d: {  	_ =	shalt  }
0x3e: {  	_ =	shalt  }
0x3f: {  	_ =	shalt  }
0x40: {  	_ =	shalt  }
0x41: {  	_ =	shalt  }
0x42: {  	_ =	shalt  }
0x43: {  	_ =	shalt  }
0x44: {  	_ =	shalt  }
0x45: {  	_ =	shalt  }
0x46: {  	_ =	shalt  }
0x47: {  	_ =	shalt  }
0x48: {  	_ =	shalt  }
0x49: {  	_ =	shalt  }
0x4a: {  	_ =	shalt  }
0x4b: {  	_ =	shalt  }
0x4c: {  	_ =	shalt  }
0x4d: {  	_ =	shalt  }
0x4e: {  	_ =	shalt  }
0x4f: {  	_ =	shalt  }
0x50: {  	_ =	shalt  }
0x51: {  	_ =	shalt  }
0x52: {  	_ =	shalt  }
0x53: {  	_ =	shalt  }
0x54: {  	_ =	shalt  }
0x55: {  	_ =	shalt  }
0x56: {  	_ =	shalt  }
0x57: {  	_ =	shalt  }
0x58: {  	_ =	shalt  }
0x59: {  	_ =	shalt  }
0x5a: {  	_ =	shalt  }
0x5b: {  	_ =	shalt  }
0x5c: {  	_ =	shalt  }
0x5d: {  	_ =	shalt  }
0x5e: {  	_ =	shalt  }
0x5f: {  	_ =	shalt  }
0x60: {  	_ =	shalt  }
0x61: {  	_ =	shalt  }
0x62: {  	_ =	shalt  }
0x63: {  	_ =	shalt  }
0x64: {  	_ =	shalt  }
0x65: {  	_ =	shalt  }
0x66: {  	_ =	shalt  }
0x67: {  	_ =	shalt  }
0x68: {  	_ =	shalt  }
0x69: {  	_ =	shalt  }
0x6a: {  	_ =	shalt  }
0x6b: {  	_ =	shalt  }
0x6c: {  	_ =	shalt  }
0x6d: {  	_ =	shalt  }
0x6e: {  	_ =	shalt  }
0x6f: {  	_ =	shalt  }
0x70: {  	_ =	shalt  }
0x71: {  	_ =	shalt  }
0x72: {  	_ =	shalt  }
0x73: {  	_ =	shalt  }
0x74: {  	_ =	shalt  }
0x75: {  	_ =	shalt  }
0x76: {  	_ =	shalt  }
0x77: {  	_ =	shalt  }
0x78: {  	_ =	shalt  }
0x79: {  	_ =	shalt  }
0x7a: {  	_ =	shalt  }
0x7b: {  	_ =	shalt  }
0x7c: {  	_ =	shalt  }
0x7d: {  	_ =	shalt  }
0x7e: {  	_ =	shalt  }
0x7f: {  	_ =	shalt  }
0x80: {  	_ =	shalt  }
0x81: {  	_ =	shalt  }
0x82: {  	_ =	shalt  }
0x83: {  	_ =	shalt  }
0x84: {  	_ =	shalt  }
0x85: {  	_ =	shalt  }
0x86: {  	_ =	shalt  }
0x87: {  	_ =	shalt  }
.Lfunc_end0:
.L_simem_size_0:
called_computation.3_lowered:
.L_overlay_start_0:
0x88: {  	s2 =	sld [smem:$0x3FD9]  }
0x89: {  	s3 =	sld [smem:$0x3FFE];
	_ =	sdelay $0x1  }
0x8a: {  	s1 =	srdreg.scid  }
0x8b: {  	s0 =	sand.u32 $0x1, s1  }
0x8c: {  	s16 =	sshll.u32 s0, $0xA;
	s2 =	sadd.s32 s3, s2  }
0x8d: {  	s2 =	sadd.s32 s2, s16  }
0x8e: {  	[smem:$0x3FAB] =	sst s2  }
0x8f: {  	_ = 	snop  }
0x90: {  	(tm) =	ssettm $0x1  }
0x91: {  	s17 =	sld [smem:$0x3FFB];
	_ =	sdelay $0x3  }
0x92: {  	_ =	strace s17  }
0x93: {  	s2 =	sld [smem:$0x3FFC];
	_ =	sdelay $0x3  }
0x94: {  	_ =	strace s2  }
0x95: {  	s2 =	sld [smem:$0x3FFD];
	_ =	sdelay $0x3  }
0x96: {  	_ =	strace s2  }
0x97: {  	_ =	strace $0x8FFFFFFF  }
0x98: {  	s18 =	sld [smem:$0x3FDB];
	_ =	sdelay $0x1  }
0x99: {  	s19 =	simm.s32 $_scs_section_size  }
0x9a: {  	s4 =	simm.s32 $_size__tile_overlayer_lowered;
	s5 =	simm.s32 $_tile_overlayer_lowered  }
0x9b: {  	s22 =	simm.s32 $0x1BFF;
	s21 =	sshll.u32 s5, $0x1;
	s2 =	sadd.s32 s19, s18  }
0x9c: {  	s6 =	simm.s32 $0x0;
	s20 =	sshll.u32 s4, $0x1;
	s4 =	sadd.s32 s21, s2  }
0x9d: {  	[timem:s6], [sflag:s22] =	dma.local [hbm:s4], s20  }
0x9e: {  	_ =	swait.ge [sflag:s22], s20  }
0x9f: {  	s3 =	ssub.s32 $0x0, s20;
	[sflag:s22] =	ssyncset.done $0x0  }
0xa0: {  	[sflag:s22] =	ssyncadd.s32 s3;
	_ =	sdelay $0x1  }
0xa1: {  	s23 =	simm.s32 $0x1B8B  }
0xa2: {  	_ =	swait.ge [sflag:s23], $0x1  }
0xa3: {  	[sflag:s23] =	ssyncset.done $0x0  }
0xa4: {  	s25 =	simm.s32 $0x1B8E;
	s24 =	sld [smem:$0x3FFE];
	[sflag:s23] =	ssyncadd.s32 $0xFFFFFFFF  }
0xa5: {  	s26 =	simm.s32 $execute0_lowered;
	[smem:$0x3FD2] =	sst s25  }
0xa6: {  	s4 =	sshll.u32 s26, $0x1;
	_ =	strace $0x8000004F;
	[dreg:$0x1] =	wrdreg $0xFFFFFFFF  }
0xa7: {  	s28 =	simm.s32 $_size_execute0_lowered;
	s2 =	sadd.s32 s2, s4;
	[dreg:$0x0] =	wrdreg $0x0  }
0xa8: {  	s4 =	sshll.u32 s28, $0x1;
	[dreg:$0x2] =	wrdreg s2  }
0xa9: {  	[dreg:$0x3] =	wrdreg s4  }
0xaa: {  	[dreg:$0x4] =	wrdreg $0xC0  }
0xab: {  	_ =	task [dreg:s6], $0x5FFFF  }
0xac: {  	[dreg:$0x1] =	wrdreg $0xFFFFFFFF  }
0xad: {  	[dreg:$0x0] =	wrdreg $0x60  }
0xae: {  	[dreg:$0x2] =	wrdreg s24  }
0xaf: {  	[dreg:$0x3] =	wrdreg $0x9  }
0xb0: {  	_ =	task.clear_ibuf [dreg:s6], $0x4FFFF;
	_ =	strace $0x9000004F  }
0xb1: {  	s29 =	simm.s32 $0x9;
	_ =	strace $0x80000051  }
0xb2: {  	_ =	swait.ge [sflag:s29], $0x1  }
0xb3: {  	[sflag:s29] =	ssyncadd.s32 $0xFFFFFFFF  }
0xb4: {  	_ =	strace $0x90000051  }
0xb5: {  	_ =	sfence  }
0xb6: {  	s30 =	sld [smem:$0x0];
	_ =	sdelay $0x2  }
0xb7: {  	s31 =	sshll.u32 s1, $0xD;
	s1 =	sshrl.u32 s1, $0x2  }
0xb8: {  	s3 =	sand.u32 $0x4000, s31;
	s1 =	sadd.s32 s1, s30  }
0xb9: {  	s0 =	sor.u32 s3, s0;
	s1 =	sshll.u32 s1, $0x11  }
0xba: {  	s0 =	sor.u32 s1, s0  }
0xbb: {  	s0 =	sadd.s32 $0x8F2B, s0  }
0xbc: {  	[sflag:s0] =	ssyncadd.remote.s32 $0x1  }
0xbd: {  	_ =	sfence.sel $0xFFFF  }
0xbe: {  	[dreg:$0x0] =	wrdreg $0xFFFFFFFF;
	(pc) =	sbr.abs _section_cstart, $3  }
0xbf: {  	[dreg:$0x1] =	wrdreg $0xFFFFFFFF  }
0xc0: {  	_ =	task.clear_ibuf [dreg:s6], $0x2FFFF;
	_ =	strace $0x9FFFFFFF  }
0xc1: {  	(tm) =	ssettm $0x7FFFFFFF  }
tec
execute0_lowered:
.L_overlay_start_1:
0x0: {  	(tag) =	ssettag $0x1  }
0x1: {  	s2 =	stileid.u32  }
0x2: {  	s4 =	rddreg [dreg:$0x0];
	s13 =	sshll.u32 s2, $0x1;
	s2 =	simm.s32 $0x0  }
0x3: {  	s14 =	simm.s32 $0x1C00;
	[smem:$0x7FF] =	sst s2  }
0x4: {  	s15 =	simm.s32 $0x100;
	_ =	strace $0x80000050;
	[dreg:$0x4] =	wrdreg s14  }
0x5: {  	s16 =	simm.s32 $0x2400;
	[dreg:$0x5] =	wrdreg s15  }
0x6: {  	s17 =	simm.s32 $0x180;
	[dreg:$0x6] =	wrdreg s16  }
0x7: {  	s18 =	simm.s32 $0x2C00;
	[dreg:$0x7] =	wrdreg s17  }
0x8: {  	s19 =	simm.s32 $0x200;
	[dreg:$0x8] =	wrdreg s18  }
0x9: {  	s20 =	simm.s32 $0x3400;
	[dreg:$0x9] =	wrdreg s19  }
0xa: {  	s21 =	simm.s32 $0x280;
	[dreg:$0xa] =	wrdreg s20  }
0xb: {  	s22 =	simm.s32 $0x3C00;
	[dreg:$0xb] =	wrdreg s21  }
0xc: {  	s23 =	simm.s32 $0x300;
	[dreg:$0xc] =	wrdreg s22  }
0xd: {  	s24 =	simm.s32 $0x4400;
	[dreg:$0xd] =	wrdreg s23  }
0xe: {  	s25 =	simm.s32 $0x380;
	[dreg:$0xe] =	wrdreg s24  }
0xf: {  	s26 =	simm.s32 $0x4C00;
	[dreg:$0xf] =	wrdreg s25  }
0x10: {  	s5 =	simm.s32 $0x5400;
	[dreg:$0x10] =	wrdreg s26  }
0x11: {  	s6 =	simm.s32 $0x480;
	[dreg:$0x12] =	wrdreg s5  }
0x12: {  	s7 =	simm.s32 $0x5C00;
	[dreg:$0x13] =	wrdreg s6  }
0x13: {  	s8 =	simm.s32 $0x500;
	[dreg:$0x14] =	wrdreg s7  }
0x14: {  	s9 =	simm.s32 $0x6400;
	[dreg:$0x15] =	wrdreg s8  }
0x15: {  	s10 =	simm.s32 $0x580;
	[dreg:$0x16] =	wrdreg s9  }
0x16: {  	s0 =	srdreg.scid;
	s11 =	simm.s32 $0x6C00;
	[dreg:$0x17] =	wrdreg s10  }
0x17: {  	s12 =	simm.s32 $0x600;
	s1 =	sand.u32 $0x1, s0;
	[dreg:$0x18] =	wrdreg s11  }
0x18: {  	s0 =	sor.u32 s1, s13;
	s13 =	simm.s32 $0x7400;
	[dreg:$0x19] =	wrdreg s12  }
0x19: {  	[dreg:$0x1a] =	wrdreg s13;
	s14 =	simm.s32 $0x680  }
0x1a: {  	s15 =	simm.s32 $0x7C00;
	[dreg:$0x1b] =	wrdreg s14  }
0x1b: {  	s16 =	simm.s32 $0x700;
	[dreg:$0x1c] =	wrdreg s15  }
0x1c: {  	s17 =	simm.s32 $0x8400;
	[dreg:$0x1d] =	wrdreg s16  }
0x1d: {  	s18 =	simm.s32 $0x780;
	[dreg:$0x1e] =	wrdreg s17  }
0x1e: {  	s19 =	simm.s32 $0x8C00;
	[dreg:$0x1f] =	wrdreg s18  }
0x1f: {  	s20 =	simm.s32 $0x800;
	[smem:$0x7E4] =	sst s19  }
0x20: {  	s21 =	simm.s32 $0x9400;
	[smem:$0x7EA] =	sst s20  }
0x21: {  	s22 =	simm.s32 $0x880;
	[smem:$0x7EB] =	sst s21  }
0x22: {  	s23 =	simm.s32 $0x9C00;
	[smem:$0x7E6] =	sst s22  }
0x23: {  	s24 =	simm.s32 $0x900;
	[smem:$0x7E5] =	sst s23  }
0x24: {  	s25 =	simm.s32 $0xA400;
	[smem:$0x7EE] =	sst s24  }
0x25: {  	s26 =	simm.s32 $0x980;
	[smem:$0x7E9] =	sst s25  }
0x26: {  	s5 =	simm.s32 $0xA00;
	[smem:$0x7E7] =	sst s26  }
0x27: {  	s6 =	simm.s32 $0xB400;
	[smem:$0x7F0] =	sst s5  }
0x28: {  	s7 =	simm.s32 $0xA80;
	[smem:$0x7EF] =	sst s6  }
0x29: {  	s8 =	simm.s32 $0xBC00;
	[smem:$0x7F1] =	sst s7  }
0x2a: {  	s9 =	simm.s32 $0xB00;
	[smem:$0x7ED] =	sst s8  }
0x2b: {  	s10 =	simm.s32 $0xC400;
	[smem:$0x7F2] =	sst s9  }
0x2c: {  	s11 =	simm.s32 $0xB80;
	[smem:$0x7E8] =	sst s10  }
0x2d: {  	s12 =	simm.s32 $0xCC00;
	[smem:$0x7F4] =	sst s11  }
0x2e: {  	s13 =	simm.s32 $0xC00;
	[smem:$0x7F3] =	sst s12  }
0x2f: {  	[smem:$0x7F8] =	sst s13;
	s14 =	simm.s32 $0xD400  }
0x30: {  	s15 =	simm.s32 $0xC80;
	[smem:$0x7F6] =	sst s14  }
0x31: {  	s16 =	simm.s32 $0xDC00;
	[smem:$0x7F9] =	sst s15  }
0x32: {  	s17 =	simm.s32 $0xD00;
	[smem:$0x7F7] =	sst s16  }
0x33: {  	s18 =	simm.s32 $0xE400;
	[smem:$0x7F5] =	sst s17  }
0x34: {  	s3 =	smul.u32 $0x280, s0;
	s19 =	simm.s32 $0xD80;
	[smem:$0x7FA] =	sst s18  }
0x35: {  	s0 =	smul.u32 $0x2800, s0;
	s20 =	simm.s32 $0xEC00;
	[smem:$0x7FC] =	sst s19  }
0x36: {  	s21 =	simm.s32 $0xE00;
	s3 =	sadd.s32 s3, s4;
	[smem:$0x7FB] =	sst s20  }
0x37: {  	s0 =	sadd.s32 s0, s4;
	[smem:$0x7FD] =	sst s21;
	s3 =	sadd.s32 $0x7400, s3  }
0x38: {  	s0 =	sadd.s32 $0xC400, s0;
	[dreg:$0x2] =	wrdreg s3  }
0x39: {  	[dreg:$0x3] =	wrdreg s0;
	s3 =	simm.s32 $0x400  }
0x3a: {  	[dreg:$0x11] =	wrdreg s3  }
0x3b: {  	s3 =	simm.s32 $0xAC00;
	s5 =	rddreg [dreg:$0x2]  }
0x3c: {  	[smem:$0x7EC] =	sst s3;
	s3 =	simm.s32 $0x2  }
0x3d: {  	[tilespmem:s2], [sflag:$0x2] =	stream.linear.gather [hbm4b:s5+s2], $0x1400, $0x38;
	[tilespmem:$0x15400] =	vst v63  }
0x3e: {  	_ =	swait.ge [sflag:s3], $0x1400  }
0x3f: {  	s22 =	rddreg [dreg:$0xe]  }
0x40: {  	s7 =	rddreg [dreg:$0xb]  }
0x41: {  	s8 =	rddreg [dreg:$0x1c]  }
0x42: {  	s9 =	rddreg [dreg:$0x9]  }
0x43: {  	s10 =	rddreg [dreg:$0x18]  }
0x44: {  	s11 =	rddreg [dreg:$0x14]  }
0x45: {  	s12 =	rddreg [dreg:$0x7]  }
0x46: {  	s13 =	rddreg [dreg:$0x10]  }
0x47: {  	s14 =	rddreg [dreg:$0xa]  }
0x48: {  	s15 =	rddreg [dreg:$0x8]  }
0x49: {  	s16 =	rddreg [dreg:$0xc]  }
0x4a: {  	s6 =	simm.s32 $0x80;
	s17 =	rddreg [dreg:$0x5]  }
0x4b: {  	s5 =	sadd.s32 $0x66400, s4;
	[sflag:s3] =	ssyncset.done $0x0;
	s18 =	rddreg [dreg:$0x4]  }
0x4c: {  	s4 =	simm.s32 $0x1400;
	s19 =	rddreg [dreg:$0x6];
	[sflag:s3] =	ssyncadd.s32 $0xFFFFEC00  }
0x4d: {  	[tilespmem:s4], [sflag:$0x1] =	stream.indirect.gather [hbm4b:s5+s6], $0x10, s2, s6, $0xb8;
	[tilespmem:$0x15400] =	vst v63  }
0x4e: {  	s20 =	rddreg [dreg:$0xd]  }
0x4f: {  	[tilespmem:s18], [sflag:$0x1] =	stream.indirect.gather [hbm4b:s5+s6], $0x10, s6, s6, $0xb8;
	[tilespmem:$0x15400] =	vst v63  }
0x50: {  	s21 =	rddreg [dreg:$0xf]  }
0x51: {  	[tilespmem:s19], [sflag:$0x1] =	stream.indirect.gather [hbm4b:s5+s6], $0x10, s17, s6, $0xb8;
	[tilespmem:$0x15400] =	vst v63  }
0x52: {  	s23 =	rddreg [dreg:$0x12]  }
0x53: {  	[tilespmem:s15], [sflag:$0x1] =	stream.indirect.gather [hbm4b:s5+s6], $0x10, s12, s6, $0xb8;
	[tilespmem:$0x15400] =	vst v63  }
0x54: {  	s24 =	rddreg [dreg:$0x11]  }
0x55: {  	[tilespmem:s14], [sflag:$0x1] =	stream.indirect.gather [hbm4b:s5+s6], $0x10, s9, s6, $0xb8;
	[tilespmem:$0x15400] =	vst v63  }
0x56: {  	s25 =	rddreg [dreg:$0x13]  }
0x57: {  	[tilespmem:s16], [sflag:$0x1] =	stream.indirect.gather [hbm4b:s5+s6], $0x10, s7, s6, $0xb8;
	[tilespmem:$0x15400] =	vst v63  }
0x58: {  	s26 =	rddreg [dreg:$0x16]  }
0x59: {  	[tilespmem:s22], [sflag:$0x1] =	stream.indirect.gather [hbm4b:s5+s6], $0x10, s20, s6, $0xb8;
	[tilespmem:$0x15400] =	vst v63  }
0x5a: {  	s18 =	rddreg [dreg:$0x1b]  }
0x5b: {  	[tilespmem:s13], [sflag:$0x1] =	stream.indirect.gather [hbm4b:s5+s6], $0x10, s21, s6, $0xb8;
	[tilespmem:$0x15400] =	vst v63  }
0x5c: {  	s17 =	rddreg [dreg:$0x19]  }
0x5d: {  	[tilespmem:s23], [sflag:$0x1] =	stream.indirect.gather [hbm4b:s5+s6], $0x10, s24, s6, $0xb8;
	[tilespmem:$0x15400] =	vst v63  }
0x5e: {  	s19 =	rddreg [dreg:$0x1e]  }
0x5f: {  	[tilespmem:s11], [sflag:$0x1] =	stream.indirect.gather [hbm4b:s5+s6], $0x10, s25, s6, $0xb8;
	[tilespmem:$0x15400] =	vst v63  }
0x60: {  	s14 =	rddreg [dreg:$0x15]  }
0x61: {  	[tilespmem:s26], [sflag:$0x1] =	stream.indirect.gather [hbm4b:s5+s6], $0x10, s14, s6, $0xb8;
	[tilespmem:$0x15400] =	vst v63  }
0x62: {  	s15 =	rddreg [dreg:$0x17]  }
0x63: {  	[tilespmem:s10], [sflag:$0x1] =	stream.indirect.gather [hbm4b:s5+s6], $0x10, s15, s6, $0xb8;
	[tilespmem:$0x15400] =	vst v63  }
0x64: {  	s16 =	rddreg [dreg:$0x1a]  }
0x65: {  	[tilespmem:s16], [sflag:$0x1] =	stream.indirect.gather [hbm4b:s5+s6], $0x10, s17, s6, $0xb8;
	[tilespmem:$0x15400] =	vst v63  }
0x66: {  	s20 =	rddreg [dreg:$0x1d]  }
0x67: {  	[tilespmem:s8], [sflag:$0x1] =	stream.indirect.gather [hbm4b:s5+s6], $0x10, s18, s6, $0xb8;
	[tilespmem:$0x15400] =	vst v63  }
0x68: {  	s22 =	sld [smem:$0x7E4]  }
0x69: {  	[tilespmem:s19], [sflag:$0x1] =	stream.indirect.gather [hbm4b:s5+s6], $0x10, s20, s6, $0xb8;
	[tilespmem:$0x15400] =	vst v63  }
0x6a: {  	s7 =	simm.s32 $0x1;
	s21 =	rddreg [dreg:$0x1f]  }
0x6b: {  	[tilespmem:s22], [sflag:$0x1] =	stream.indirect.gather [hbm4b:s5+s6], $0x10, s21, s6, $0xb8;
	[tilespmem:$0x15400] =	vst v63  }
0x6c: {  	_ =	swait.ge [sflag:s7], $0x4000  }
0x6d: {  	s23 =	sld [smem:$0x7E5]  }
0x6e: {  	s24 =	sld [smem:$0x7E6]  }
0x6f: {  	s25 =	sld [smem:$0x7E7]  }
0x70: {  	s26 =	sld [smem:$0x7E8]  }
0x71: {  	s14 =	sld [smem:$0x7E9]  }
0x72: {  	s15 =	sld [smem:$0x7EA]  }
0x73: {  	s16 =	sld [smem:$0x7EB]  }
0x74: {  	s17 =	sld [smem:$0x7EC]  }
0x75: {  	[sflag:s7] =	ssyncset.done $0x0;
	s18 =	sld [smem:$0x7ED]  }
0x76: {  	s19 =	sld [smem:$0x7EE];
	[sflag:s7] =	ssyncadd.s32 $0xFFFFC000  }
0x77: {  	[tilespmem:s16], [sflag:$0x1] =	stream.indirect.gather [hbm4b:s5+s6], $0x10, s15, s6, $0xb8;
	[tilespmem:$0x15400] =	vst v63  }
0x78: {  	s20 =	sld [smem:$0x7EF]  }
0x79: {  	[tilespmem:s23], [sflag:$0x1] =	stream.indirect.gather [hbm4b:s5+s6], $0x10, s24, s6, $0xb8;
	[tilespmem:$0x15400] =	vst v63  }
0x7a: {  	s21 =	sld [smem:$0x7F0]  }
0x7b: {  	[tilespmem:s14], [sflag:$0x1] =	stream.indirect.gather [hbm4b:s5+s6], $0x10, s19, s6, $0xb8;
	[tilespmem:$0x15400] =	vst v63  }
0x7c: {  	s22 =	sld [smem:$0x7F1]  }
0x7d: {  	[tilespmem:s17], [sflag:$0x1] =	stream.indirect.gather [hbm4b:s5+s6], $0x10, s25, s6, $0xb8;
	[tilespmem:$0x15400] =	vst v63  }
0x7e: {  	s23 =	sld [smem:$0x7F2]  }
0x7f: {  	[tilespmem:s20], [sflag:$0x1] =	stream.indirect.gather [hbm4b:s5+s6], $0x10, s21, s6, $0xb8;
	[tilespmem:$0x15400] =	vst v63  }
0x80: {  	s24 =	sld [smem:$0x7F3]  }
0x81: {  	[tilespmem:s18], [sflag:$0x1] =	stream.indirect.gather [hbm4b:s5+s6], $0x10, s22, s6, $0xb8;
	[tilespmem:$0x15400] =	vst v63  }
0x82: {  	s25 =	sld [smem:$0x7F4]  }
0x83: {  	[tilespmem:s26], [sflag:$0x1] =	stream.indirect.gather [hbm4b:s5+s6], $0x10, s23, s6, $0xb8;
	[tilespmem:$0x15400] =	vst v63  }
0x84: {  	_ = 	snop  }
0x85: {  	[tilespmem:s24], [sflag:$0x1] =	stream.indirect.gather [hbm4b:s5+s6], $0x10, s25, s6, $0xb8;
	[tilespmem:$0x15400] =	vst v63  }
0x86: {  	_ =	swait.ge [sflag:s7], $0x4000  }
0x87: {  	s26 =	sld [smem:$0x7F5]  }
0x88: {  	s10 =	sld [smem:$0x7F6]  }
0x89: {  	s11 =	sld [smem:$0x7F7]  }
0x8a: {  	s12 =	sld [smem:$0x7F8]  }
0x8b: {  	[sflag:s7] =	ssyncset.done $0x0;
	s13 =	sld [smem:$0x7F9]  }
0x8c: {  	s14 =	sld [smem:$0x7FA];
	[sflag:s7] =	ssyncadd.s32 $0xFFFFC000  }
0x8d: {  	[tilespmem:s10], [sflag:$0x1] =	stream.indirect.gather [hbm4b:s5+s6], $0x10, s12, s6, $0xb8;
	[tilespmem:$0x15400] =	vst v63  }
0x8e: {  	s16 =	sld [smem:$0x7FB]  }
0x8f: {  	[tilespmem:s11], [sflag:$0x1] =	stream.indirect.gather [hbm4b:s5+s6], $0x10, s13, s6, $0xb8;
	[tilespmem:$0x15400] =	vst v63  }
0x90: {  	s28 =	simm.s32 $0x1300;
	s1 =	ssub.s32 $0x2, s1;
	s17 =	sld [smem:$0x7FC]  }
0x91: {  	[tilespmem:s14], [sflag:$0x1] =	stream.indirect.gather [hbm4b:s5+s6], $0x10, s26, s6, $0xb8;
	[tilespmem:$0x15400] =	vst v63  }
0x92: {  	s29 =	simm.s32 $0x14400;
	s15 =	sshrl.u32 s1, $0x1;
	s20 =	sld [smem:$0x7FD]  }
0x93: {  	[tilespmem:s16], [sflag:$0x1] =	stream.indirect.gather [hbm4b:s5+s6], $0x10, s17, s6, $0xb8;
	[tilespmem:$0x15400] =	vst v63  }
0x94: {  	s30 =	simm.s32 $0x1380;
	s1 =	ssub.s32 s1, s15;
	s19 =	simm.s32 $0xF400  }
0x95: {  	[tilespmem:s19], [sflag:$0x1] =	stream.indirect.gather [hbm4b:s5+s6], $0x10, s20, s6, $0xb8;
	[tilespmem:$0x15400] =	vst v63  }
0x96: {  	s21 =	simm.s32 $0xE80;
	s18 =	smax.u32 s1, $0x1;
	s22 =	simm.s32 $0xFC00  }
0x97: {  	[tilespmem:s22], [sflag:$0x1] =	stream.indirect.gather [hbm4b:s5+s6], $0x10, s21, s6, $0xb8;
	[tilespmem:$0x15400] =	vst v63  }
0x98: {  	p0 =	sne.s32 s18, $0x1;
	s23 =	simm.s32 $0xF00;
	s24 =	simm.s32 $0x10400  }
0x99: {  	[tilespmem:s24], [sflag:$0x1] =	stream.indirect.gather [hbm4b:s5+s6], $0x10, s23, s6, $0xb8;
	[tilespmem:$0x15400] =	vst v63  }
.Ltmp0:
0x9a: {  	s25 =	simm.s32 $0xF80;
	s26 =	simm.s32 $0x10C00;
	(pc) =	sbr.rel @!p0 .LBB2_2-.Ltmp0, $4  }
0x9b: {  	[tilespmem:s26], [sflag:$0x1] =	stream.indirect.gather [hbm4b:s5+s6], $0x10, s25, s6, $0xb8;
	[tilespmem:$0x15400] =	vst v63  }
0x9c: {  	s31 =	simm.s32 $0x14C00;
	s1 =	sadd.s32 $0xFFFFFFFF, s18;
	_ =	swait.ge [sflag:s7], $0x4000  }
0x9d: {  	s23 =	simm.s32 $0x10C00;
	s24 =	simm.s32 $0x13400;
	[sflag:s7] =	ssyncset.done $0x0  }
0x9e: {  	s25 =	simm.s32 $0x1280;
	s26 =	simm.s32 $0x13C00;
	[sflag:s7] =	ssyncadd.s32 $0xFFFFC000  }
.LBB2_1:
0x9f: {  	s0 =	simm.s32 $0x1000;
	s8 =	simm.s32 $0x11400  }
0xa0: {  	[tilespmem:s8], [sflag:$0x1] =	stream.indirect.gather [hbm4b:s5+s6], $0x10, s0, s6, $0xb8;
	[tilespmem:$0x15400] =	vst v63  }
0xa1: {  	s11 =	simm.s32 $0x1080;
	s12 =	simm.s32 $0x11C00  }
0xa2: {  	[tilespmem:s12], [sflag:$0x1] =	stream.indirect.gather [hbm4b:s5+s6], $0x10, s11, s6, $0xb8;
	[tilespmem:$0x15400] =	vst v63  }
0xa3: {  	s13 =	simm.s32 $0x1100;
	s14 =	simm.s32 $0x12400  }
0xa4: {  	[tilespmem:s14], [sflag:$0x1] =	stream.indirect.gather [hbm4b:s5+s6], $0x10, s13, s6, $0xb8;
	[tilespmem:$0x15400] =	vst v63  }
0xa5: {  	s15 =	simm.s32 $0x1180;
	s16 =	simm.s32 $0x12C00  }
0xa6: {  	[tilespmem:s16], [sflag:$0x1] =	stream.indirect.gather [hbm4b:s5+s6], $0x10, s15, s6, $0xb8;
	[tilespmem:$0x15400] =	vst v63  }
0xa7: {  	s17 =	simm.s32 $0x1200  }
0xa8: {  	[tilespmem:s24], [sflag:$0x1] =	stream.indirect.gather [hbm4b:s5+s6], $0x10, s17, s6, $0xb8;
	[tilespmem:$0x15400] =	vst v63  }
0xa9: {  	_ = 	snop  }
0xaa: {  	[tilespmem:s26], [sflag:$0x1] =	stream.indirect.gather [hbm4b:s5+s6], $0x10, s25, s6, $0xb8;
	[tilespmem:$0x15400] =	vst v63  }
0xab: {  	_ = 	snop  }
0xac: {  	[tilespmem:s29], [sflag:$0x1] =	stream.indirect.gather [hbm4b:s5+s6], $0x10, s28, s6, $0xb8;
	[tilespmem:$0x15400] =	vst v63  }
0xad: {  	_ = 	snop  }
0xae: {  	[tilespmem:s31], [sflag:$0x1] =	stream.indirect.gather [hbm4b:s5+s6], $0x10, s30, s6, $0xb8;
	[tilespmem:$0x15400] =	vst v63  }
0xaf: {  	_ =	swait.ge [sflag:s7], $0x4000  }
0xb0: {  	[sflag:s7] =	ssyncset.done $0x0  }
0xb1: {  	[sflag:s7] =	ssyncadd.s32 $0xFFFFC000  }
0xb2: {  	_ =	swait.ge [sflag:s7], $0x4000  }
0xb3: {  	[sflag:s7] =	ssyncset.done $0x0  }
0xb4: {  	s18 =	rddreg [dreg:$0x3];
	[sflag:s7] =	ssyncadd.s32 $0xFFFFC000  }
0xb5: {  	[hbm4b:s18+s2] =	stream.linear.scatter [tilespmem:s4], [sflag:$0x2], $0x14000, $0x38;
	[tilespmem:$0x15400] =	vst v63  }
0xb6: {  	_ =	swait.ge [sflag:s3], $0x14000  }
0xb7: {  	[sflag:s3] =	ssyncset.done $0x0  }
0xb8: {  	s19 =	rddreg [dreg:$0x2];
	[sflag:s3] =	ssyncadd.s32 $0xFFFEC000  }
0xb9: {  	[tilespmem:s2], [sflag:$0x2] =	stream.linear.gather [hbm4b:s19+s2], $0x1400, $0x38;
	[tilespmem:$0x15400] =	vst v63  }
0xba: {  	_ =	swait.ge [sflag:s3], $0x1400  }
0xbb: {  	s9 =	rddreg [dreg:$0xe]  }
0xbc: {  	s10 =	rddreg [dreg:$0xb]  }
0xbd: {  	s0 =	rddreg [dreg:$0x1c]  }
0xbe: {  	s11 =	rddreg [dreg:$0x9]  }
0xbf: {  	s8 =	rddreg [dreg:$0x18]  }
0xc0: {  	s12 =	rddreg [dreg:$0x14]  }
0xc1: {  	s13 =	rddreg [dreg:$0x7]  }
0xc2: {  	s14 =	rddreg [dreg:$0x10]  }
0xc3: {  	s15 =	rddreg [dreg:$0xa]  }
0xc4: {  	s16 =	rddreg [dreg:$0x8]  }
0xc5: {  	s17 =	rddreg [dreg:$0xc]  }
0xc6: {  	s18 =	rddreg [dreg:$0x5]  }
0xc7: {  	[sflag:s3] =	ssyncset.done $0x0;
	s19 =	rddreg [dreg:$0x4]  }
0xc8: {  	s20 =	rddreg [dreg:$0x6];
	[sflag:s3] =	ssyncadd.s32 $0xFFFFEC00  }
0xc9: {  	[tilespmem:s4], [sflag:$0x1] =	stream.indirect.gather [hbm4b:s5+s6], $0x10, s2, s6, $0xb8;
	[tilespmem:$0x15400] =	vst v63  }
0xca: {  	s21 =	rddreg [dreg:$0xd]  }
0xcb: {  	[tilespmem:s19], [sflag:$0x1] =	stream.indirect.gather [hbm4b:s5+s6], $0x10, s6, s6, $0xb8;
	[tilespmem:$0x15400] =	vst v63  }
0xcc: {  	s22 =	rddreg [dreg:$0xf]  }
0xcd: {  	[tilespmem:s20], [sflag:$0x1] =	stream.indirect.gather [hbm4b:s5+s6], $0x10, s18, s6, $0xb8;
	[tilespmem:$0x15400] =	vst v63  }
0xce: {  	s19 =	rddreg [dreg:$0x12]  }
0xcf: {  	[tilespmem:s16], [sflag:$0x1] =	stream.indirect.gather [hbm4b:s5+s6], $0x10, s13, s6, $0xb8;
	[tilespmem:$0x15400] =	vst v63  }
0xd0: {  	s18 =	rddreg [dreg:$0x11]  }
0xd1: {  	[tilespmem:s15], [sflag:$0x1] =	stream.indirect.gather [hbm4b:s5+s6], $0x10, s11, s6, $0xb8;
	[tilespmem:$0x15400] =	vst v63  }
0xd2: {  	s20 =	rddreg [dreg:$0x15]  }
0xd3: {  	[tilespmem:s17], [sflag:$0x1] =	stream.indirect.gather [hbm4b:s5+s6], $0x10, s10, s6, $0xb8;
	[tilespmem:$0x15400] =	vst v63  }
0xd4: {  	s13 =	rddreg [dreg:$0x13]  }
0xd5: {  	[tilespmem:s9], [sflag:$0x1] =	stream.indirect.gather [hbm4b:s5+s6], $0x10, s21, s6, $0xb8;
	[tilespmem:$0x15400] =	vst v63  }
0xd6: {  	s16 =	rddreg [dreg:$0x1a]  }
0xd7: {  	[tilespmem:s14], [sflag:$0x1] =	stream.indirect.gather [hbm4b:s5+s6], $0x10, s22, s6, $0xb8;
	[tilespmem:$0x15400] =	vst v63  }
0xd8: {  	s11 =	rddreg [dreg:$0x16]  }
0xd9: {  	[tilespmem:s19], [sflag:$0x1] =	stream.indirect.gather [hbm4b:s5+s6], $0x10, s18, s6, $0xb8;
	[tilespmem:$0x15400] =	vst v63  }
0xda: {  	s15 =	rddreg [dreg:$0x17]  }
0xdb: {  	[tilespmem:s12], [sflag:$0x1] =	stream.indirect.gather [hbm4b:s5+s6], $0x10, s13, s6, $0xb8;
	[tilespmem:$0x15400] =	vst v63  }
0xdc: {  	s17 =	rddreg [dreg:$0x19]  }
0xdd: {  	[tilespmem:s11], [sflag:$0x1] =	stream.indirect.gather [hbm4b:s5+s6], $0x10, s20, s6, $0xb8;
	[tilespmem:$0x15400] =	vst v63  }
0xde: {  	s22 =	sld [smem:$0x7E4]  }
0xdf: {  	[tilespmem:s8], [sflag:$0x1] =	stream.indirect.gather [hbm4b:s5+s6], $0x10, s15, s6, $0xb8;
	[tilespmem:$0x15400] =	vst v63  }
0xe0: {  	s18 =	rddreg [dreg:$0x1b]  }
0xe1: {  	[tilespmem:s16], [sflag:$0x1] =	stream.indirect.gather [hbm4b:s5+s6], $0x10, s17, s6, $0xb8;
	[tilespmem:$0x15400] =	vst v63  }
0xe2: {  	s19 =	rddreg [dreg:$0x1e]  }
0xe3: {  	[tilespmem:s0], [sflag:$0x1] =	stream.indirect.gather [hbm4b:s5+s6], $0x10, s18, s6, $0xb8;
	[tilespmem:$0x15400] =	vst v63  }
0xe4: {  	s20 =	rddreg [dreg:$0x1d]  }
0xe5: {  	[tilespmem:s19], [sflag:$0x1] =	stream.indirect.gather [hbm4b:s5+s6], $0x10, s20, s6, $0xb8;
	[tilespmem:$0x15400] =	vst v63  }
0xe6: {  	s21 =	rddreg [dreg:$0x1f]  }
0xe7: {  	[tilespmem:s22], [sflag:$0x1] =	stream.indirect.gather [hbm4b:s5+s6], $0x10, s21, s6, $0xb8;
	[tilespmem:$0x15400] =	vst v63  }
0xe8: {  	_ =	swait.ge [sflag:s7], $0x4000  }
0xe9: {  	s11 =	sld [smem:$0x7E5]  }
0xea: {  	s14 =	sld [smem:$0x7E6]  }
0xeb: {  	s15 =	sld [smem:$0x7E7]  }
0xec: {  	s10 =	sld [smem:$0x7E8]  }
0xed: {  	s16 =	sld [smem:$0x7E9]  }
0xee: {  	s17 =	sld [smem:$0x7EA]  }
0xef: {  	s18 =	sld [smem:$0x7EB]  }
0xf0: {  	s19 =	sld [smem:$0x7EC]  }
0xf1: {  	[sflag:s7] =	ssyncset.done $0x0;
	s20 =	sld [smem:$0x7ED]  }
0xf2: {  	s21 =	sld [smem:$0x7EE];
	[sflag:s7] =	ssyncadd.s32 $0xFFFFC000  }
0xf3: {  	[tilespmem:s18], [sflag:$0x1] =	stream.indirect.gather [hbm4b:s5+s6], $0x10, s17, s6, $0xb8;
	[tilespmem:$0x15400] =	vst v63  }
0xf4: {  	s22 =	sld [smem:$0x7EF]  }
0xf5: {  	[tilespmem:s11], [sflag:$0x1] =	stream.indirect.gather [hbm4b:s5+s6], $0x10, s14, s6, $0xb8;
	[tilespmem:$0x15400] =	vst v63  }
0xf6: {  	s8 =	sld [smem:$0x7F0]  }
0xf7: {  	[tilespmem:s16], [sflag:$0x1] =	stream.indirect.gather [hbm4b:s5+s6], $0x10, s21, s6, $0xb8;
	[tilespmem:$0x15400] =	vst v63  }
0xf8: {  	s13 =	sld [smem:$0x7F1]  }
0xf9: {  	[tilespmem:s19], [sflag:$0x1] =	stream.indirect.gather [hbm4b:s5+s6], $0x10, s15, s6, $0xb8;
	[tilespmem:$0x15400] =	vst v63  }
0xfa: {  	s17 =	sld [smem:$0x7F3]  }
0xfb: {  	[tilespmem:s22], [sflag:$0x1] =	stream.indirect.gather [hbm4b:s5+s6], $0x10, s8, s6, $0xb8;
	[tilespmem:$0x15400] =	vst v63  }
0xfc: {  	s16 =	sld [smem:$0x7F2]  }
0xfd: {  	[tilespmem:s20], [sflag:$0x1] =	stream.indirect.gather [hbm4b:s5+s6], $0x10, s13, s6, $0xb8;
	[tilespmem:$0x15400] =	vst v63  }
0xfe: {  	s18 =	sld [smem:$0x7F4]  }
0xff: {  	[tilespmem:s10], [sflag:$0x1] =	stream.indirect.gather [hbm4b:s5+s6], $0x10, s16, s6, $0xb8;
	[tilespmem:$0x15400] =	vst v63  }
0x100: {  	_ = 	snop  }
0x101: {  	[tilespmem:s17], [sflag:$0x1] =	stream.indirect.gather [hbm4b:s5+s6], $0x10, s18, s6, $0xb8;
	[tilespmem:$0x15400] =	vst v63  }
0x102: {  	_ =	swait.ge [sflag:s7], $0x4000  }
0x103: {  	s19 =	sld [smem:$0x7F5]  }
0x104: {  	s20 =	sld [smem:$0x7F6]  }
0x105: {  	s21 =	sld [smem:$0x7F7]  }
0x106: {  	s12 =	sld [smem:$0x7F8]  }
0x107: {  	[sflag:s7] =	ssyncset.done $0x0;
	s22 =	sld [smem:$0x7F9]  }
0x108: {  	s13 =	sld [smem:$0x7FA];
	[sflag:s7] =	ssyncadd.s32 $0xFFFFC000  }
0x109: {  	[tilespmem:s20], [sflag:$0x1] =	stream.indirect.gather [hbm4b:s5+s6], $0x10, s12, s6, $0xb8;
	[tilespmem:$0x15400] =	vst v63  }
0x10a: {  	s14 =	sld [smem:$0x7FB]  }
0x10b: {  	[tilespmem:s21], [sflag:$0x1] =	stream.indirect.gather [hbm4b:s5+s6], $0x10, s22, s6, $0xb8;
	[tilespmem:$0x15400] =	vst v63  }
0x10c: {  	s15 =	sld [smem:$0x7FC]  }
0x10d: {  	[tilespmem:s13], [sflag:$0x1] =	stream.indirect.gather [hbm4b:s5+s6], $0x10, s19, s6, $0xb8;
	[tilespmem:$0x15400] =	vst v63  }
0x10e: {  	s16 =	sld [smem:$0x7FD]  }
0x10f: {  	[tilespmem:s14], [sflag:$0x1] =	stream.indirect.gather [hbm4b:s5+s6], $0x10, s15, s6, $0xb8;
	[tilespmem:$0x15400] =	vst v63  }
0x110: {  	s17 =	simm.s32 $0xF400  }
0x111: {  	[tilespmem:s17], [sflag:$0x1] =	stream.indirect.gather [hbm4b:s5+s6], $0x10, s16, s6, $0xb8;
	[tilespmem:$0x15400] =	vst v63  }
0x112: {  	s18 =	simm.s32 $0xE80;
	s19 =	simm.s32 $0xFC00  }
0x113: {  	[tilespmem:s19], [sflag:$0x1] =	stream.indirect.gather [hbm4b:s5+s6], $0x10, s18, s6, $0xb8;
	[tilespmem:$0x15400] =	vst v63  }
0x114: {  	p0 =	sne.s32 s1, $0x1;
	s20 =	simm.s32 $0xF00;
	s21 =	simm.s32 $0x10400  }
0x115: {  	[tilespmem:s21], [sflag:$0x1] =	stream.indirect.gather [hbm4b:s5+s6], $0x10, s20, s6, $0xb8;
	[tilespmem:$0x15400] =	vst v63  }
.Ltmp1:
0x116: {  	s22 =	simm.s32 $0xF80;
	(pc) =	sbr.rel @p0 .LBB2_1-.Ltmp1, $4  }
0x117: {  	[tilespmem:s23], [sflag:$0x1] =	stream.indirect.gather [hbm4b:s5+s6], $0x10, s22, s6, $0xb8;
	[tilespmem:$0x15400] =	vst v63  }
0x118: {  	_ =	swait.ge [sflag:s7], $0x4000  }
0x119: {  	[sflag:s7] =	ssyncset.done $0x0  }
0x11a: {  	s1 =	sadd.s32 $0xFFFFFFFF, s1;
	[sflag:s7] =	ssyncadd.s32 $0xFFFFC000  }
.LBB2_2:
0x11b: {  	s0 =	simm.s32 $0x1000;
	s1 =	simm.s32 $0x11400  }
0x11c: {  	[tilespmem:s1], [sflag:$0x1] =	stream.indirect.gather [hbm4b:s5+s6], $0x10, s0, s6, $0xb8;
	[tilespmem:$0x15400] =	vst v63  }
0x11d: {  	s17 =	simm.s32 $0x1080;
	s18 =	simm.s32 $0x11C00  }
0x11e: {  	[tilespmem:s18], [sflag:$0x1] =	stream.indirect.gather [hbm4b:s5+s6], $0x10, s17, s6, $0xb8;
	[tilespmem:$0x15400] =	vst v63  }
0x11f: {  	s19 =	simm.s32 $0x1100;
	s20 =	simm.s32 $0x12400  }
0x120: {  	[tilespmem:s20], [sflag:$0x1] =	stream.indirect.gather [hbm4b:s5+s6], $0x10, s19, s6, $0xb8;
	[tilespmem:$0x15400] =	vst v63  }
0x121: {  	s21 =	simm.s32 $0x1180;
	s22 =	simm.s32 $0x12C00  }
0x122: {  	[tilespmem:s22], [sflag:$0x1] =	stream.indirect.gather [hbm4b:s5+s6], $0x10, s21, s6, $0xb8;
	[tilespmem:$0x15400] =	vst v63  }
0x123: {  	s23 =	simm.s32 $0x1200  }
0x124: {  	[tilespmem:s24], [sflag:$0x1] =	stream.indirect.gather [hbm4b:s5+s6], $0x10, s23, s6, $0xb8;
	[tilespmem:$0x15400] =	vst v63  }
0x125: {  	_ = 	snop  }
0x126: {  	[tilespmem:s26], [sflag:$0x1] =	stream.indirect.gather [hbm4b:s5+s6], $0x10, s25, s6, $0xb8;
	[tilespmem:$0x15400] =	vst v63  }
0x127: {  	_ = 	snop  }
0x128: {  	[tilespmem:s29], [sflag:$0x1] =	stream.indirect.gather [hbm4b:s5+s6], $0x10, s28, s6, $0xb8;
	[tilespmem:$0x15400] =	vst v63  }
0x129: {  	_ = 	snop  }
0x12a: {  	[tilespmem:s31], [sflag:$0x1] =	stream.indirect.gather [hbm4b:s5+s6], $0x10, s30, s6, $0xb8;
	[tilespmem:$0x15400] =	vst v63  }
0x12b: {  	_ =	swait.ge [sflag:s7], $0x4000  }
0x12c: {  	[sflag:s7] =	ssyncset.done $0x0  }
0x12d: {  	[sflag:s7] =	ssyncadd.s32 $0xFFFFC000  }
0x12e: {  	_ =	swait.ge [sflag:s7], $0x4000  }
0x12f: {  	[sflag:s7] =	ssyncset.done $0x0  }
0x130: {  	s30 =	rddreg [dreg:$0x3];
	[sflag:s7] =	ssyncadd.s32 $0xFFFFC000  }
0x131: {  	[hbm4b:s30+s2] =	stream.linear.scatter [tilespmem:s4], [sflag:$0x2], $0x14000, $0x38;
	[tilespmem:$0x15400] =	vst v63  }
0x132: {  	_ =	swait.ge [sflag:s3], $0x14000  }
0x133: {  	[sflag:s3] =	ssyncset.done $0x0  }
0x134: {  	[sflag:s3] =	ssyncadd.s32 $0xFFFEC000  }
0x135: {  	_ =	sfence.sel $0x180000  }
0x136: {  	[bflag:$0x0] =	sbarrier.arrive $0xFFFF  }
0x137: {  	_ =	strace $0x90000050  }
0x138: {  	s31 =	stileid.u32;
	[bflag:$0x2] =	sbarrier.arrive $0xFFFF  }
0x139: {  	p0 =	sne.s32 s31, $0x0;
	s0 =	rddreg [dreg:$0x1]  }
0x13a: {  	s0 =	sadd.s32 @!p0 $0x100000, s0  }
0x13b: {  	[sflag:s0] =	ssyncadd.tile.s32 @!p0 $0x1;
	_ =	shalt  }
.Lfunc_end2:
_tile_overlayer_lowered:
.L_overlay_start_2:
0x13c: {  	(tag) =	ssettag $0x2  }
0x13d: {  	s0 =	rddreg [dreg:$0x0];
	s2 =	stileid.u32  }
0x13e: {  	s1 =	rddreg [dreg:$0x1];
	p0 =	sne.s32 s2, $0x0  }
0x13f: {  	s3 =	rddreg [dreg:$0x2];
	[bflag:$0x3] =	sbarrier.arrive $0xFFFF;
	s2 =	simm.s32 @!p0 $0x1C02  }
0x140: {  	[timem:s3], [sflag:s2] =	dma.local @!p0 [hbm:s0], s1  }
0x141: {  	s0 =	simm.s32 @!p0 $0x2  }
0x142: {  	_ =	swait.ge @!p0 [sflag:s0], s1  }
0x143: {  	s1 =	ssub.s32 @!p0 $0x0, s1;
	[sflag:s0] =	ssyncset.done @!p0 $0x0  }
0x144: {  	[sflag:s0] =	ssyncadd.s32 @!p0 s1  }
0x145: {  	[bflag:$0x3] =	sbarrier.arrive $0xFFFF  }
0x146: {  	_ =	shalt  }

// kernel: kernel.31.cloned.1.call-start
scs
__scs_entry_jumppad:
0x0: {  	(pc) =	sbr.rel $0x88, $3  }
0x1: {  	(tag) =	ssettag $0x0;
	lr =	simm.s32 $0x1  }
0x2: {  	[smem:$0x3F84] =	sst lr;
	_ =	strace $0xD0000000  }
0x3: {  	_ = 	snop  }
0x4: {  	_ = 	snop  }
0x5: {  	_ = 	snop  }
0x6: {  	_ = 	snop  }
0x7: {  	_ = 	snop  }
__scs_overlays_trampoline_lowered:
0x8: {  	[smem:$0x3F93] =	sst s0  }
0x9: {  	[smem:$0x3F94] =	sst s1  }
0xa: {  	[smem:$0x3F95] =	sst s2  }
0xb: {  	[smem:$0x3F96] =	sst s3  }
0xc: {  	[smem:$0x3F97] =	sst s4  }
0xd: {  	[smem:$0x3F98] =	sst s5  }
0xe: {  	[smem:$0x3F99] =	sst s6  }
0xf: {  	[smem:$0x3F9A] =	sst s7  }
0x10: {  	[smem:$0x3F9B] =	sst s8  }
0x11: {  	[smem:$0x3F9C] =	sst s9;
	s0 =	simm.s32 @!p0 $0x0  }
0x12: {  	s1 =	sld [smem:$0x3F82];
	s0 =	simm.s32 @p0 $0x1  }
0x13: {  	[smem:$0x3F9D] =	sst s0;
	s0 =	simm.s32 @!p1 $0x0  }
0x14: {  	s2 =	sld [smem:$0x3F81];
	s0 =	simm.s32 @p1 $0x1  }
0x15: {  	[smem:$0x3F9E] =	sst s0;
	s0 =	simm.s32 @!p2 $0x0  }
0x16: {  	s3 =	sld [smem:$0x3FDB];
	s0 =	simm.s32 @p2 $0x1  }
0x17: {  	s4 =	simm.s32 $0x1BF5;
	[smem:$0x3FA0] =	sst s0  }
0x18: {  	s0 =	sld [smem:$0x3F83];
	_ =	swait.ge [sflag:s4], $0x0  }
0x19: {  	s7 =	sld [smem:$0x3F84]  }
0x1a: {  	s8 =	sadd.s32 $0xFFFFE003, lr  }
0x1b: {  	s9 =	sadd.s32 $0xFFFFFEF7, lr;
	s5 =	simm.s32 $0xFFFFFFFF;
	p2 =	slt.u32 s8, $0xFFFFF086  }
0x1c: {  	p1 =	slt.u32 s9, $0xF7A;
	s5 =	simm.s32 @!p2 $0x0  }
0x1d: {  	s5 =	simm.s32 @p1 $0x1;
	p0 =	seq.s32 s7, s2  }
0x1e: {  	s7 =	smul.u32 @!p0 $0xF7A, s2;
	p2 =	seq.s32 @!p0 s5, $0x0  }
0x1f: {  	s9 =	smul.u32 $0xF7A, s1;
	s8 =	simm.s32 @!p0 $0x1BF5;
	p2 =	por !p2, p0  }
0x20: {  	[sflag:s8] =	ssyncset.s32 @!p0 $0xFFFFF086;
	s6 =	sadd.s32 @!p0 s3, s7;
	s7 =	simm.s32 @!p0 $0x108  }
0x21: {  	s3 =	sadd.s32 s3, s9;
	s6 =	sadd.s32 @!p0 $0x88, s6;
	s7 =	simm.s32 @p2 $0x1082  }
0x22: {  	[simem:s7], [sflag:s8] =	dma.local @!p0 [hbm:s6], $0xF7A  }
0x23: {  	s9 =	sor.u32 $0xD0000000, s2;
	s6 =	simm.s32 $0x108;
	_ =	swait.ge @!p0 [sflag:s8], $0x0  }
0x24: {  	s3 =	sadd.s32 $0x88, s3;
	s6 =	simm.s32 @!p1 $0x1082;
	[sflag:s4] =	ssyncset.s32 $0xFFFFF086  }
0x25: {  	[simem:s6], [sflag:s4] =	dma.local [hbm:s3], $0xF7A  }
0x26: {  	[smem:$0x3F84] =	sst s1;
	(tag) =	ssettag s2;
	_ =	strace s9  }
0x27: {  	s1 =	sld [smem:$0x3F94]  }
0x28: {  	s2 =	sld [smem:$0x3F95]  }
0x29: {  	s4 =	sld [smem:$0x3F97]  }
0x2a: {  	p0 =	seq.s32 s5, $0x0;
	s5 =	sld [smem:$0x3F98]  }
0x2b: {  	s6 =	sld [smem:$0x3F99]  }
0x2c: {  	s7 =	sld [smem:$0x3F9A]  }
0x2d: {  	s3 =	simm.s32 $0x108;
	s8 =	sld [smem:$0x3F9B]  }
0x2e: {  	s3 =	simm.s32 @!p0 $0x1082;
	s9 =	sld [smem:$0x3F9C]  }
0x2f: {  	lr =	sadd.s32 s0, s3;
	s0 =	sld [smem:$0x3F93]  }
0x30: {  	s3 =	sld [smem:$0x3F96]  }
0x31: {  	[smem:$0x3F9F] =	sst s10  }
0x32: {  	s10 =	sld [smem:$0x3F9D];
	_ =	sdelay $0x3  }
0x33: {  	p0 =	seq.s32 s10, $0x1;
	s10 =	sld [smem:$0x3F9F];
	_ =	sdelay $0x3  }
0x34: {  	[smem:$0x3F9F] =	sst s10  }
0x35: {  	s10 =	sld [smem:$0x3F9E];
	_ =	sdelay $0x3  }
0x36: {  	p1 =	seq.s32 s10, $0x1;
	s10 =	sld [smem:$0x3F9F];
	_ =	sdelay $0x3  }
0x37: {  	[smem:$0x3F9F] =	sst s10  }
0x38: {  	s10 =	sld [smem:$0x3FA0]  }
0x39: {  	_ = 	snop;
	(pc) =	sbr.ind lr, $3  }
0x3a: {  	_ = 	snop  }
0x3b: {  	_ = 	snop  }
0x3c: {  	p2 =	seq.s32 s10, $0x1;
	s10 =	sld [smem:$0x3F9F]  }
0x3d: {  	_ =	shalt  }
0x3e: {  	_ =	shalt  }
0x3f: {  	_ =	shalt  }
0x40: {  	_ =	shalt  }
0x41: {  	_ =	shalt  }
0x42: {  	_ =	shalt  }
0x43: {  	_ =	shalt  }
0x44: {  	_ =	shalt  }
0x45: {  	_ =	shalt  }
0x46: {  	_ =	shalt  }
0x47: {  	_ =	shalt  }
0x48: {  	_ =	shalt  }
0x49: {  	_ =	shalt  }
0x4a: {  	_ =	shalt  }
0x4b: {  	_ =	shalt  }
0x4c: {  	_ =	shalt  }
0x4d: {  	_ =	shalt  }
0x4e: {  	_ =	shalt  }
0x4f: {  	_ =	shalt  }
0x50: {  	_ =	shalt  }
0x51: {  	_ =	shalt  }
0x52: {  	_ =	shalt  }
0x53: {  	_ =	shalt  }
0x54: {  	_ =	shalt  }
0x55: {  	_ =	shalt  }
0x56: {  	_ =	shalt  }
0x57: {  	_ =	shalt  }
0x58: {  	_ =	shalt  }
0x59: {  	_ =	shalt  }
0x5a: {  	_ =	shalt  }
0x5b: {  	_ =	shalt  }
0x5c: {  	_ =	shalt  }
0x5d: {  	_ =	shalt  }
0x5e: {  	_ =	shalt  }
0x5f: {  	_ =	shalt  }
0x60: {  	_ =	shalt  }
0x61: {  	_ =	shalt  }
0x62: {  	_ =	shalt  }
0x63: {  	_ =	shalt  }
0x64: {  	_ =	shalt  }
0x65: {  	_ =	shalt  }
0x66: {  	_ =	shalt  }
0x67: {  	_ =	shalt  }
0x68: {  	_ =	shalt  }
0x69: {  	_ =	shalt  }
0x6a: {  	_ =	shalt  }
0x6b: {  	_ =	shalt  }
0x6c: {  	_ =	shalt  }
0x6d: {  	_ =	shalt  }
0x6e: {  	_ =	shalt  }
0x6f: {  	_ =	shalt  }
0x70: {  	_ =	shalt  }
0x71: {  	_ =	shalt  }
0x72: {  	_ =	shalt  }
0x73: {  	_ =	shalt  }
0x74: {  	_ =	shalt  }
0x75: {  	_ =	shalt  }
0x76: {  	_ =	shalt  }
0x77: {  	_ =	shalt  }
0x78: {  	_ =	shalt  }
0x79: {  	_ =	shalt  }
0x7a: {  	_ =	shalt  }
0x7b: {  	_ =	shalt  }
0x7c: {  	_ =	shalt  }
0x7d: {  	_ =	shalt  }
0x7e: {  	_ =	shalt  }
0x7f: {  	_ =	shalt  }
0x80: {  	_ =	shalt  }
0x81: {  	_ =	shalt  }
0x82: {  	_ =	shalt  }
0x83: {  	_ =	shalt  }
0x84: {  	_ =	shalt  }
0x85: {  	_ =	shalt  }
0x86: {  	_ =	shalt  }
0x87: {  	_ =	shalt  }
.Lfunc_end0:
.L_simem_size_0:
called_computation.4_lowered:
.L_overlay_start_0:
0x88: {  	s2 =	sld [smem:$0x3FD9]  }
0x89: {  	s3 =	sld [smem:$0x3FFE];
	_ =	sdelay $0x1  }
0x8a: {  	s1 =	srdreg.scid  }
0x8b: {  	s0 =	sand.u32 $0x1, s1  }
0x8c: {  	s16 =	sshll.u32 s0, $0xA;
	s2 =	sadd.s32 s3, s2  }
0x8d: {  	s2 =	sadd.s32 s2, s16  }
0x8e: {  	[smem:$0x3FAB] =	sst s2  }
0x8f: {  	_ = 	snop  }
0x90: {  	(tm) =	ssettm $0x1  }
0x91: {  	s17 =	sld [smem:$0x3FFB];
	_ =	sdelay $0x3  }
0x92: {  	_ =	strace s17  }
0x93: {  	s2 =	sld [smem:$0x3FFC];
	_ =	sdelay $0x3  }
0x94: {  	_ =	strace s2  }
0x95: {  	s2 =	sld [smem:$0x3FFD];
	_ =	sdelay $0x3  }
0x96: {  	_ =	strace s2  }
0x97: {  	_ =	strace $0x8FFFFFFF  }
0x98: {  	s18 =	sld [smem:$0x3FDB];
	_ =	sdelay $0x1  }
0x99: {  	s19 =	simm.s32 $_scs_section_size  }
0x9a: {  	s4 =	simm.s32 $_size__tile_overlayer_lowered;
	s5 =	simm.s32 $_tile_overlayer_lowered  }
0x9b: {  	s22 =	simm.s32 $0x1BFF;
	s21 =	sshll.u32 s5, $0x1;
	s2 =	sadd.s32 s19, s18  }
0x9c: {  	s6 =	simm.s32 $0x0;
	s20 =	sshll.u32 s4, $0x1;
	s4 =	sadd.s32 s21, s2  }
0x9d: {  	[timem:s6], [sflag:s22] =	dma.local [hbm:s4], s20  }
0x9e: {  	_ =	swait.ge [sflag:s22], s20  }
0x9f: {  	s3 =	ssub.s32 $0x0, s20;
	[sflag:s22] =	ssyncset.done $0x0  }
0xa0: {  	[sflag:s22] =	ssyncadd.s32 s3;
	_ =	sdelay $0x1  }
0xa1: {  	s23 =	simm.s32 $0x1B8B  }
0xa2: {  	_ =	swait.ge [sflag:s23], $0x1  }
0xa3: {  	[sflag:s23] =	ssyncset.done $0x0  }
0xa4: {  	s25 =	simm.s32 $0x1B8E;
	s24 =	sld [smem:$0x3FFE];
	[sflag:s23] =	ssyncadd.s32 $0xFFFFFFFF  }
0xa5: {  	s26 =	simm.s32 $execute0_lowered;
	[smem:$0x3FD2] =	sst s25  }
0xa6: {  	s4 =	sshll.u32 s26, $0x1;
	_ =	strace $0x80000052;
	[dreg:$0x1] =	wrdreg $0xFFFFFFFF  }
0xa7: {  	s28 =	simm.s32 $_size_execute0_lowered;
	s2 =	sadd.s32 s2, s4;
	[dreg:$0x0] =	wrdreg $0x0  }
0xa8: {  	s4 =	sshll.u32 s28, $0x1;
	[dreg:$0x2] =	wrdreg s2  }
0xa9: {  	[dreg:$0x3] =	wrdreg s4  }
0xaa: {  	[dreg:$0x4] =	wrdreg $0xC0  }
0xab: {  	_ =	task [dreg:s6], $0x5FFFF  }
0xac: {  	[dreg:$0x1] =	wrdreg $0xFFFFFFFF  }
0xad: {  	[dreg:$0x0] =	wrdreg $0x60  }
0xae: {  	[dreg:$0x2] =	wrdreg s24  }
0xaf: {  	[dreg:$0x3] =	wrdreg $0x17C000  }
0xb0: {  	[dreg:$0x4] =	wrdreg $0x9  }
0xb1: {  	_ =	task.clear_ibuf [dreg:s6], $0x5FFFF;
	_ =	strace $0x90000052  }
0xb2: {  	s29 =	simm.s32 $0x9;
	_ =	strace $0x80000054  }
0xb3: {  	_ =	swait.ge [sflag:s29], $0x1  }
0xb4: {  	[sflag:s29] =	ssyncadd.s32 $0xFFFFFFFF  }
0xb5: {  	_ =	strace $0x90000054  }
0xb6: {  	_ =	sfence  }
0xb7: {  	s30 =	sld [smem:$0x0];
	_ =	sdelay $0x2  }
0xb8: {  	s31 =	sshll.u32 s1, $0xD;
	s1 =	sshrl.u32 s1, $0x2  }
0xb9: {  	s3 =	sand.u32 $0x4000, s31;
	s1 =	sadd.s32 s1, s30  }
0xba: {  	s0 =	sor.u32 s3, s0;
	s1 =	sshll.u32 s1, $0x11  }
0xbb: {  	s0 =	sor.u32 s1, s0  }
0xbc: {  	s0 =	sadd.s32 $0x8F2B, s0  }
0xbd: {  	[sflag:s0] =	ssyncadd.remote.s32 $0x1  }
0xbe: {  	_ =	sfence.sel $0xFFFF  }
0xbf: {  	[dreg:$0x0] =	wrdreg $0xFFFFFFFF;
	(pc) =	sbr.abs _section_cstart, $3  }
0xc0: {  	[dreg:$0x1] =	wrdreg $0xFFFFFFFF  }
0xc1: {  	_ =	task.clear_ibuf [dreg:s6], $0x2FFFF;
	_ =	strace $0x9FFFFFFF  }
0xc2: {  	(tm) =	ssettm $0x7FFFFFFF  }
0xc3: {  	_ =	shalt  }
tec
execute0_lowered:
.L_overlay_start_1:
0x0: {  	(tag) =	ssettag $0x1  }
0x1: {  	s4 =	rddreg [dreg:$0x0]  }
0x2: {  	s2 =	rddreg [dreg:$0x1]  }
0x3: {  	s0 =	rddreg [dreg:$0x2];
	s3 =	simm.s32 $0x0;
	s5 =	srdreg.scid  }
0x4: {  	s1 =	stileid.u32;
	s11 =	simm.s32 $0x80;
	s12 =	simm.s32 $0x0  }
0x5: {  	s5 =	sand.u32 $0x1, s5;
	s6 =	sshll.u32 s1, $0x1;
	s7 =	smul.u32 $0x2800, s1  }
0x6: {  	[smem:$0x7FF] =	sst s3;
	s6 =	sor.u32 s5, s6;
	s8 =	smul.u32 $0x28000, s5  }
0x7: {  	_ =	strace $0x80000053;
	s5 =	ssub.s32 $0x2, s5;
	s9 =	smul.u32 $0x2800, s6  }
0x8: {  	s6 =	smul.u32 $0x280, s6;
	s10 =	sshrl.u32 s5, $0x1;
	s8 =	sadd.s32 s7, s8  }
0x9: {  	s10 =	ssub.s32 s5, s10;
	s9 =	sadd.s32 s9, s4;
	s8 =	sshrl.u32 s8, $0x3  }
0xa: {  	s6 =	sadd.s32 s6, s4;
	s8 =	sadd.s32 s8, s4;
	s4 =	sadd.s32 s7, s2  }
0xb: {  	s5 =	sadd.s32 $0x61400, s6;
	s6 =	sadd.s32 $0xC400, s9;
	s9 =	simm.s32 $0x15400  }
0xc: {  	v0 =	vimm.f32 $0.0e+00;
	s7 =	sadd.s32 $0x66400, s8;
	s8 =	smax.u32 s10, $0x1;
	s10 =	simm.s32 $0x1  }
.LBB2_1:
0xd: {  	s13 =	simm.s32 $0x40;
	s14 =	simm.s32 $0x0  }
.LBB2_2:
0xe: {  	p0 =	sne.s32 s13, $0x9FC0;
	[tilespmem:s14+$0x15400] =	vst v0;
	s14 =	smov.u32 s13;
	s13 =	sadd.s32 $0x40, s13  }
.Ltmp0:
0xf: {  	(pc) =	sbr.rel @p0 .LBB2_2-.Ltmp0, $2  }
0x10: {  	_ =	sdelay $0x2  }
0x11: {  	s14 =	sshra.s32 s14, $0x2  }
0x12: {  	[tilespmem:s14+$0x15400] =	vst v0  }
0x13: {  	[spmem:s4] =	stream.linear.scatter [tilespmem:s9], [sflag:$0x1], $0x2800, $0x38;
	[tilespmem:$0x1A400] =	vst v63  }
0x14: {  	_ =	swait.ge [sflag:s10], $0x2800  }
0x15: {  	[sflag:s10] =	ssyncset.done $0x0  }
0x16: {  	s30 =	simm.s32 $0x0;
	[sflag:s10] =	ssyncadd.s32 $0xFFFFD800  }
0x17: {  	[tilespmem:s30], [sflag:$0x1] =	stream.linear.gather [hbm4b:s5+s30], $0x1400, $0x38;
	[tilespmem:$0x1A400] =	vst v63  }
0x18: {  	_ =	swait.ge [sflag:s10], $0x1400  }
0x19: {  	[sflag:s10] =	ssyncset.done $0x0  }
0x1a: {  	s13 =	simm.s32 $0x1400;
	[sflag:s10] =	ssyncadd.s32 $0xFFFFEC00  }
0x1b: {  	[tilespmem:s13], [sflag:$0x1] =	stream.linear.gather [hbm4b:s6+s30], $0x14000, $0x38;
	[tilespmem:$0x1A400] =	vst v63  }
0x1c: {  	_ =	swait.ge [sflag:s10], $0x14000  }
0x1d: {  	[sflag:s10] =	ssyncset.done $0x0  }
0x1e: {  	[sflag:s10] =	ssyncadd.s32 $0xFFFEC000  }
0x1f: {  	s31 =	simm.s32 $0x0;
	[bflag:$0x0] =	sbarrier.arrive $0xFFFF  }
0x20: {  	[spmem:s2] =	stream.indirect.scatter.add.f32 [tilespmem:s13], [sflag:$0x1], $0x10, s31, s11, $0xb8;
	[tilespmem:$0x1A400] =	vst v63  }
0x21: {  	_ =	swait.ge [sflag:s10], $0x800  }
0x22: {  	s14 =	simm.s32 $0x200;
	[sflag:s10] =	ssyncset.done $0x0  }
.LBB2_4:
0x23: {  	s15 =	sshra.s32 s14, $0x2  }
0x24: {  	[sflag:s10] =	ssyncadd.s32 $0xFFFFF800;
	s13 =	sadd.s32 $0x800, s13;
	p0 =	sne.s32 s14, $0x4E00  }
0x25: {  	[spmem:s2] =	stream.indirect.scatter.add.f32 [tilespmem:s13], [sflag:$0x1], $0x10, s15, s11, $0xb8;
	[tilespmem:$0x1A400] =	vst v63  }
.Ltmp1:
0x26: {  	_ = 	snop;
	(pc) =	sbr.rel @p0 .LBB2_4-.Ltmp1, $4  }
0x27: {  	_ = 	snop  }
0x28: {  	s14 =	sadd.s32 $0x200, s14  }
0x29: {  	_ =	swait.ge [sflag:s10], $0x800  }
0x2a: {  	[sflag:s10] =	ssyncset.done $0x0  }
0x2b: {  	[sflag:s10] =	ssyncadd.s32 $0xFFFFF800  }
0x2c: {  	[bflag:$0x0] =	sbarrier.arrive $0xFFFF  }
0x2d: {  	[tilespmem:s9], [sflag:$0x1] =	stream.linear.gather [spmem:s4], $0x2800, $0x38;
	[tilespmem:$0x1A400] =	vst v63  }
0x2e: {  	s12 =	sadd.s32 $0x1, s12;
	_ =	swait.ge [sflag:s10], $0x2800  }
0x2f: {  	p0 =	sne.s32 s12, s8;
	[sflag:s10] =	ssyncset.done $0x0  }
.Ltmp2:
0x30: {  	[sflag:s10] =	ssyncadd.s32 $0xFFFFD800;
	(pc) =	sbr.rel @p0 .LBB2_1-.Ltmp2, $4  }
0x31: {  	[hbm4b:s7+s3] =	stream.linear.scatter [tilespmem:s9], [sflag:$0x1], $0x2800, $0x38;
	[tilespmem:$0x1A400] =	vst v63  }
0x32: {  	_ =	swait.ge [sflag:s10], $0x2800  }
0x33: {  	[sflag:s10] =	ssyncset.done $0x0  }
0x34: {  	[sflag:s10] =	ssyncadd.s32 $0xFFFFD800  }
0x35: {  	_ =	sfence.sel $0x180000  }
0x36: {  	[bflag:$0x0] =	sbarrier.arrive $0xFFFF  }
0x37: {  	p0 =	sne.s32 s1, $0x0;
	_ =	strace $0x90000053  }
0x38: {  	s0 =	sadd.s32 @!p0 $0x100000, s0;
	[bflag:$0x2] =	sbarrier.arrive $0xFFFF  }
0x39: {  	[sflag:s0] =	ssyncadd.tile.s32 @!p0 $0x1;
	_ =	shalt  }
.Lfunc_end2:
_tile_overlayer_lowered:
.L_overlay_start_2:
0x3a: {  	(tag) =	ssettag $0x2  }
0x3b: {  	s0 =	rddreg [dreg:$0x0];
	s2 =	stileid.u32  }
0x3c: {  	s1 =	rddreg [dreg:$0x1];
	p0 =	sne.s32 s2, $0x0  }
0x3d: {  	s3 =	rddreg [dreg:$0x2];
	[bflag:$0x3] =	sbarrier.arrive $0xFFFF;
	s2 =	simm.s32 @!p0 $0x1C01  }
0x3e: {  	[timem:s3], [sflag:s2] =	dma.local @!p0 [hbm:s0], s1  }
0x3f: {  	s0 =	simm.s32 @!p0 $0x1  }
0x40: {  	_ =	swait.ge @!p0 [sflag:s0], s1  }
0x41: {  	s1 =	ssub.s32 @!p0 $0x0, s1;
	[sflag:s0] =	ssyncset.done @!p0 $0x0  }
0x42: {  	[sflag:s0] =	ssyncadd.s32 @!p0 s1  }
0x43: {  	[bflag:$0x3] =	sbarrier.arrive $0xFFFF  }
0x44: {  	_ =	shalt  }

// kernel: kernel.34.cloned.1.call-start
scs
__scs_entry_jumppad:
0x0: {  	(pc) =	sbr.rel $0x88, $3  }
0x1: {  	(tag) =	ssettag $0x0;
	lr =	simm.s32 $0x1  }
0x2: {  	[smem:$0x3F84] =	sst lr;
	_ =	strace $0xD0000000  }
0x3: {  	_ = 	snop  }
0x4: {  	_ = 	snop  }
0x5: {  	_ = 	snop  }
0x6: {  	_ = 	snop  }
0x7: {  	_ = 	snop  }
__scs_overlays_trampoline_lowered:
0x8: {  	[smem:$0x3F93] =	sst s0  }
0x9: {  	[smem:$0x3F94] =	sst s1  }
0xa: {  	[smem:$0x3F95] =	sst s2  }
0xb: {  	[smem:$0x3F96] =	sst s3  }
0xc: {  	[smem:$0x3F97] =	sst s4  }
0xd: {  	[smem:$0x3F98] =	sst s5  }
0xe: {  	[smem:$0x3F99] =	sst s6  }
0xf: {  	[smem:$0x3F9A] =	sst s7  }
0x10: {  	[smem:$0x3F9B] =	sst s8  }
0x11: {  	[smem:$0x3F9C] =	sst s9;
	s0 =	simm.s32 @!p0 $0x0  }
0x12: {  	s1 =	sld [smem:$0x3F82];
	s0 =	simm.s32 @p0 $0x1  }
0x13: {  	[smem:$0x3F9D] =	sst s0;
	s0 =	simm.s32 @!p1 $0x0  }
0x14: {  	s2 =	sld [smem:$0x3F81];
	s0 =	simm.s32 @p1 $0x1  }
0x15: {  	[smem:$0x3F9E] =	sst s0;
	s0 =	simm.s32 @!p2 $0x0  }
0x16: {  	s3 =	sld [smem:$0x3FDB];
	s0 =	simm.s32 @p2 $0x1  }
0x17: {  	s4 =	simm.s32 $0x1BF5;
	[smem:$0x3FA0] =	sst s0  }
0x18: {  	s0 =	sld [smem:$0x3F83];
	_ =	swait.ge [sflag:s4], $0x0  }
0x19: {  	s7 =	sld [smem:$0x3F84]  }
0x1a: {  	s8 =	sadd.s32 $0xFFFFE003, lr  }
0x1b: {  	s9 =	sadd.s32 $0xFFFFFEF7, lr;
	s5 =	simm.s32 $0xFFFFFFFF;
	p2 =	slt.u32 s8, $0xFFFFF086  }
0x1c: {  	p1 =	slt.u32 s9, $0xF7A;
	s5 =	simm.s32 @!p2 $0x0  }
0x1d: {  	s5 =	simm.s32 @p1 $0x1;
	p0 =	seq.s32 s7, s2  }
0x1e: {  	s7 =	smul.u32 @!p0 $0xF7A, s2;
	p2 =	seq.s32 @!p0 s5, $0x0  }
0x1f: {  	s9 =	smul.u32 $0xF7A, s1;
	s8 =	simm.s32 @!p0 $0x1BF5;
	p2 =	por !p2, p0  }
0x20: {  	[sflag:s8] =	ssyncset.s32 @!p0 $0xFFFFF086;
	s6 =	sadd.s32 @!p0 s3, s7;
	s7 =	simm.s32 @!p0 $0x108  }
0x21: {  	s3 =	sadd.s32 s3, s9;
	s6 =	sadd.s32 @!p0 $0x88, s6;
	s7 =	simm.s32 @p2 $0x1082  }
0x22: {  	[simem:s7], [sflag:s8] =	dma.local @!p0 [hbm:s6], $0xF7A  }
0x23: {  	s9 =	sor.u32 $0xD0000000, s2;
	s6 =	simm.s32 $0x108;
	_ =	swait.ge @!p0 [sflag:s8], $0x0  }
0x24: {  	s3 =	sadd.s32 $0x88, s3;
	s6 =	simm.s32 @!p1 $0x1082;
	[sflag:s4] =	ssyncset.s32 $0xFFFFF086  }
0x25: {  	[simem:s6], [sflag:s4] =	dma.local [hbm:s3], $0xF7A  }
0x26: {  	[smem:$0x3F84] =	sst s1;
	(tag) =	ssettag s2;
	_ =	strace s9  }
0x27: {  	s1 =	sld [smem:$0x3F94]  }
0x28: {  	s2 =	sld [smem:$0x3F95]  }
0x29: {  	s4 =	sld [smem:$0x3F97]  }
0x2a: {  	p0 =	seq.s32 s5, $0x0;
	s5 =	sld [smem:$0x3F98]  }
0x2b: {  	s6 =	sld [smem:$0x3F99]  }
0x2c: {  	s7 =	sld [smem:$0x3F9A]  }
0x2d: {  	s3 =	simm.s32 $0x108;
	s8 =	sld [smem:$0x3F9B]  }
0x2e: {  	s3 =	simm.s32 @!p0 $0x1082;
	s9 =	sld [smem:$0x3F9C]  }
0x2f: {  	lr =	sadd.s32 s0, s3;
	s0 =	sld [smem:$0x3F93]  }
0x30: {  	s3 =	sld [smem:$0x3F96]  }
0x31: {  	[smem:$0x3F9F] =	sst s10  }
0x32: {  	s10 =	sld [smem:$0x3F9D];
	_ =	sdelay $0x3  }
0x33: {  	p0 =	seq.s32 s10, $0x1;
	s10 =	sld [smem:$0x3F9F];
	_ =	sdelay $0x3  }
0x34: {  	[smem:$0x3F9F] =	sst s10  }
0x35: {  	s10 =	sld [smem:$0x3F9E];
	_ =	sdelay $0x3  }
0x36: {  	p1 =	seq.s32 s10, $0x1;
	s10 =	sld [smem:$0x3F9F];
	_ =	sdelay $0x3  }
0x37: {  	[smem:$0x3F9F] =	sst s10  }
0x38: {  	s10 =	sld [smem:$0x3FA0]  }
0x39: {  	_ = 	snop;
	(pc) =	sbr.ind lr, $3  }
0x3a: {  	_ = 	snop  }
0x3b: {  	_ = 	snop  }
0x3c: {  	p2 =	seq.s32 s10, $0x1;
	s10 =	sld [smem:$0x3F9F]  }
0x3d: {  	_ =	shalt  }
0x3e: {  	_ =	shalt  }
0x3f: {  	_ =	shalt  }
0x40: {  	_ =	shalt  }
0x41: {  	_ =	shalt  }
0x42: {  	_ =	shalt  }
0x43: {  	_ =	shalt  }
0x44: {  	_ =	shalt  }
0x45: {  	_ =	shalt  }
0x46: {  	_ =	shalt  }
0x47: {  	_ =	shalt  }
0x48: {  	_ =	shalt  }
0x49: {  	_ =	shalt  }
0x4a: {  	_ =	shalt  }
0x4b: {  	_ =	shalt  }
0x4c: {  	_ =	shalt  }
0x4d: {  	_ =	shalt  }
0x4e: {  	_ =	shalt  }
0x4f: {  	_ =	shalt  }
0x50: {  	_ =	shalt  }
0x51: {  	_ =	shalt  }
0x52: {  	_ =	shalt  }
0x53: {  	_ =	shalt  }
0x54: {  	_ =	shalt  }
0x55: {  	_ =	shalt  }
0x56: {  	_ =	shalt  }
0x57: {  	_ =	shalt  }
0x58: {  	_ =	shalt  }
0x59: {  	_ =	shalt  }
0x5a: {  	_ =	shalt  }
0x5b: {  	_ =	shalt  }
0x5c: {  	_ =	shalt  }
0x5d: {  	_ =	shalt  }
0x5e: {  	_ =	shalt  }
0x5f: {  	_ =	shalt  }
0x60: {  	_ =	shalt  }
0x61: {  	_ =	shalt  }
0x62: {  	_ =	shalt  }
0x63: {  	_ =	shalt  }
0x64: {  	_ =	shalt  }
0x65: {  	_ =	shalt  }
0x66: {  	_ =	shalt  }
0x67: {  	_ =	shalt  }
0x68: {  	_ =	shalt  }
0x69: {  	_ =	shalt  }
0x6a: {  	_ =	shalt  }
0x6b: {  	_ =	shalt  }
0x6c: {  	_ =	shalt  }
0x6d: {  	_ =	shalt  }
0x6e: {  	_ =	shalt  }
0x6f: {  	_ =	shalt  }
0x70: {  	_ =	shalt  }
0x71: {  	_ =	shalt  }
0x72: {  	_ =	shalt  }
0x73: {  	_ =	shalt  }
0x74: {  	_ =	shalt  }
0x75: {  	_ =	shalt  }
0x76: {  	_ =	shalt  }
0x77: {  	_ =	shalt  }
0x78: {  	_ =	shalt  }
0x79: {  	_ =	shalt  }
0x7a: {  	_ =	shalt  }
0x7b: {  	_ =	shalt  }
0x7c: {  	_ =	shalt  }
0x7d: {  	_ =	shalt  }
0x7e: {  	_ =	shalt  }
0x7f: {  	_ =	shalt  }
0x80: {  	_ =	shalt  }
0x81: {  	_ =	shalt  }
0x82: {  	_ =	shalt  }
0x83: {  	_ =	shalt  }
0x84: {  	_ =	shalt  }
0x85: {  	_ =	shalt  }
0x86: {  	_ =	shalt  }
0x87: {  	_ =	shalt  }
.Lfunc_end0:
.L_simem_size_0:
called_computation.5_lowered:
.L_overlay_start_0:
0x88: {  	s2 =	sld [smem:$0x3FD9]  }
0x89: {  	s3 =	sld [smem:$0x3FFE];
	_ =	sdelay $0x1  }
0x8a: {  	s1 =	srdreg.scid  }
0x8b: {  	s0 =	sand.u32 $0x1, s1  }
0x8c: {  	s16 =	sshll.u32 s0, $0xA;
	s2 =	sadd.s32 s3, s2  }
0x8d: {  	s2 =	sadd.s32 s2, s16  }
0x8e: {  	[smem:$0x3FAB] =	sst s2  }
0x8f: {  	_ = 	snop  }
0x90: {  	(tm) =	ssettm $0x1  }
0x91: {  	s17 =	sld [smem:$0x3FFB];
	_ =	sdelay $0x3  }
0x92: {  	_ =	strace s17  }
0x93: {  	s2 =	sld [smem:$0x3FFC];
	_ =	sdelay $0x3  }
0x94: {  	_ =	strace s2  }
0x95: {  	s2 =	sld [smem:$0x3FFD];
	_ =	sdelay $0x3  }
0x96: {  	_ =	strace s2  }
0x97: {  	_ =	strace $0x8FFFFFFF  }
0x98: {  	s18 =	sld [smem:$0x3FDB];
	_ =	sdelay $0x1  }
0x99: {  	s19 =	simm.s32 $_scs_section_size  }
0x9a: {  	s4 =	simm.s32 $_size__tile_overlayer_lowered;
	s5 =	simm.s32 $_tile_overlayer_lowered  }
0x9b: {  	s22 =	simm.s32 $0x1BFF;
	s21 =	sshll.u32 s5, $0x1;
	s2 =	sadd.s32 s19, s18  }
0x9c: {  	s6 =	simm.s32 $0x0;
	s20 =	sshll.u32 s4, $0x1;
	s4 =	sadd.s32 s21, s2  }
0x9d: {  	[timem:s6], [sflag:s22] =	dma.local [hbm:s4], s20  }
0x9e: {  	_ =	swait.ge [sflag:s22], s20  }
0x9f: {  	s3 =	ssub.s32 $0x0, s20;
	[sflag:s22] =	ssyncset.done $0x0  }
0xa0: {  	[sflag:s22] =	ssyncadd.s32 s3;
	_ =	sdelay $0x1  }
0xa1: {  	s23 =	simm.s32 $0x1B8B  }
0xa2: {  	_ =	swait.ge [sflag:s23], $0x1  }
0xa3: {  	[sflag:s23] =	ssyncset.done $0x0  }
0xa4: {  	s25 =	simm.s32 $0x1B8E;
	s24 =	sld [smem:$0x3FFE];
	[sflag:s23] =	ssyncadd.s32 $0xFFFFFFFF  }
0xa5: {  	s26 =	simm.s32 $execute0_lowered;
	[smem:$0x3FD2] =	sst s25  }
0xa6: {  	s4 =	sshll.u32 s26, $0x1;
	_ =	strace $0x80000055;
	[dreg:$0x1] =	wrdreg $0xFFFFFFFF  }
0xa7: {  	s28 =	simm.s32 $_size_execute0_lowered;
	s2 =	sadd.s32 s2, s4;
	[dreg:$0x0] =	wrdreg $0x0  }
0xa8: {  	s4 =	sshll.u32 s28, $0x1;
	[dreg:$0x2] =	wrdreg s2  }
0xa9: {  	[dreg:$0x3] =	wrdreg s4  }
0xaa: {  	[dreg:$0x4] =	wrdreg $0xC0  }
0xab: {  	_ =	task [dreg:s6], $0x5FFFF  }
0xac: {  	[dreg:$0x1] =	wrdreg $0xFFFFFFFF  }
0xad: {  	[dreg:$0x0] =	wrdreg $0x60  }
0xae: {  	[dreg:$0x2] =	wrdreg s24  }
0xaf: {  	[dreg:$0x3] =	wrdreg $0x9  }
0xb0: {  	_ =	task.clear_ibuf [dreg:s6], $0x4FFFF;
	_ =	strace $0x90000055  }
0xb1: {  	s29 =	simm.s32 $0x9;
	_ =	strace $0x80000057  }
0xb2: {  	_ =	swait.ge [sflag:s29], $0x1  }
0xb3: {  	[sflag:s29] =	ssyncadd.s32 $0xFFFFFFFF  }
0xb4: {  	_ =	strace $0x90000057  }
0xb5: {  	_ =	sfence  }
0xb6: {  	s30 =	sld [smem:$0x0];
	_ =	sdelay $0x2  }
0xb7: {  	s31 =	sshll.u32 s1, $0xD;
	s1 =	sshrl.u32 s1, $0x2  }
0xb8: {  	s3 =	sand.u32 $0x4000, s31;
	s1 =	sadd.s32 s1, s30  }
0xb9: {  	s0 =	sor.u32 s3, s0;
	s1 =	sshll.u32 s1, $0x11  }
0xba: {  	s0 =	sor.u32 s1, s0  }
0xbb: {  	s0 =	sadd.s32 $0x8F2B, s0  }
0xbc: {  	[sflag:s0] =	ssyncadd.remote.s32 $0x1  }
0xbd: {  	_ =	sfence.sel $0xFFFF  }
0xbe: {  	[dreg:$0x0] =	wrdreg $0xFFFFFFFF;
	(pc) =	sbr.abs _section_cstart, $3  }
0xbf: {  	[dreg:$0x1] =	wrdreg $0xFFFFFFFF  }
0xc0: {  	_ =	task.clear_ibuf [dreg:s6], $0x2FFFF;
	_ =	strace $0x9FFFFFFF  }
0xc1: {  	(tm) =	ssettm $0x7FFFFFFF  }
tec
execute0_lowered:
.L_overlay_start_1:
0x0: {  	(tag) =	ssettag $0x1  }
0x1: {  	s2 =	stileid.u32  }
0x2: {  	s4 =	rddreg [dreg:$0x0];
	s13 =	sshll.u32 s2, $0x1;
	s2 =	simm.s32 $0x0  }
0x3: {  	s14 =	simm.s32 $0x1C00;
	[smem:$0x7FF] =	sst s2  }
0x4: {  	s15 =	simm.s32 $0x100;
	_ =	strace $0x80000056;
	[dreg:$0x4] =	wrdreg s14  }
0x5: {  	s16 =	simm.s32 $0x2400;
	[dreg:$0x5] =	wrdreg s15  }
0x6: {  	s17 =	simm.s32 $0x180;
	[dreg:$0x6] =	wrdreg s16  }
0x7: {  	s18 =	simm.s32 $0x2C00;
	[dreg:$0x7] =	wrdreg s17  }
0x8: {  	s19 =	simm.s32 $0x200;
	[dreg:$0x8] =	wrdreg s18  }
0x9: {  	s20 =	simm.s32 $0x3400;
	[dreg:$0x9] =	wrdreg s19  }
0xa: {  	s21 =	simm.s32 $0x280;
	[dreg:$0xa] =	wrdreg s20  }
0xb: {  	s22 =	simm.s32 $0x3C00;
	[dreg:$0xb] =	wrdreg s21  }
0xc: {  	s23 =	simm.s32 $0x300;
	[dreg:$0xc] =	wrdreg s22  }
0xd: {  	s24 =	simm.s32 $0x4400;
	[dreg:$0xd] =	wrdreg s23  }
0xe: {  	s25 =	simm.s32 $0x380;
	[dreg:$0xe] =	wrdreg s24  }
0xf: {  	s26 =	simm.s32 $0x4C00;
	[dreg:$0xf] =	wrdreg s25  }
0x10: {  	s5 =	simm.s32 $0x5400;
	[dreg:$0x10] =	wrdreg s26  }
0x11: {  	s6 =	simm.s32 $0x480;
	[dreg:$0x12] =	wrdreg s5  }
0x12: {  	s7 =	simm.s32 $0x5C00;
	[dreg:$0x13] =	wrdreg s6  }
0x13: {  	s8 =	simm.s32 $0x500;
	[dreg:$0x14] =	wrdreg s7  }
0x14: {  	s9 =	simm.s32 $0x6400;
	[dreg:$0x15] =	wrdreg s8  }
0x15: {  	s10 =	simm.s32 $0x580;
	[dreg:$0x16] =	wrdreg s9  }
0x16: {  	s0 =	srdreg.scid;
	s11 =	simm.s32 $0x6C00;
	[dreg:$0x17] =	wrdreg s10  }
0x17: {  	s12 =	simm.s32 $0x600;
	s1 =	sand.u32 $0x1, s0;
	[dreg:$0x18] =	wrdreg s11  }
0x18: {  	s0 =	sor.u32 s1, s13;
	s13 =	simm.s32 $0x7400;
	[dreg:$0x19] =	wrdreg s12  }
0x19: {  	[dreg:$0x1a] =	wrdreg s13;
	s14 =	simm.s32 $0x680  }
0x1a: {  	s15 =	simm.s32 $0x7C00;
	[dreg:$0x1b] =	wrdreg s14  }
0x1b: {  	s16 =	simm.s32 $0x700;
	[dreg:$0x1c] =	wrdreg s15  }
0x1c: {  	s17 =	simm.s32 $0x8400;
	[dreg:$0x1d] =	wrdreg s16  }
0x1d: {  	s18 =	simm.s32 $0x780;
	[dreg:$0x1e] =	wrdreg s17  }
0x1e: {  	s19 =	simm.s32 $0x8C00;
	[dreg:$0x1f] =	wrdreg s18  }
0x1f: {  	s20 =	simm.s32 $0x800;
	[smem:$0x7E4] =	sst s19  }
0x20: {  	s21 =	simm.s32 $0x9400;
	[smem:$0x7EA] =	sst s20  }
0x21: {  	s22 =	simm.s32 $0x880;
	[smem:$0x7EB] =	sst s21  }
0x22: {  	s23 =	simm.s32 $0x9C00;
	[smem:$0x7E6] =	sst s22  }
0x23: {  	s24 =	simm.s32 $0x900;
	[smem:$0x7E5] =	sst s23  }
0x24: {  	s25 =	simm.s32 $0xA400;
	[smem:$0x7EE] =	sst s24  }
0x25: {  	s26 =	simm.s32 $0x980;
	[smem:$0x7E9] =	sst s25  }
0x26: {  	s5 =	simm.s32 $0xA00;
	[smem:$0x7E7] =	sst s26  }
0x27: {  	s6 =	simm.s32 $0xB400;
	[smem:$0x7F0] =	sst s5  }
0x28: {  	s7 =	simm.s32 $0xA80;
	[smem:$0x7EF] =	sst s6  }
0x29: {  	s8 =	simm.s32 $0xBC00;
	[smem:$0x7F1] =	sst s7  }
0x2a: {  	s9 =	simm.s32 $0xB00;
	[smem:$0x7ED] =	sst s8  }
0x2b: {  	s10 =	simm.s32 $0xC400;
	[smem:$0x7F2] =	sst s9  }
0x2c: {  	s11 =	simm.s32 $0xB80;
	[smem:$0x7E8] =	sst s10  }
0x2d: {  	s12 =	simm.s32 $0xCC00;
	[smem:$0x7F4] =	sst s11  }
0x2e: {  	s13 =	simm.s32 $0xC00;
	[smem:$0x7F3] =	sst s12  }
0x2f: {  	[smem:$0x7F8] =	sst s13;
	s14 =	simm.s32 $0xD400  }
0x30: {  	s15 =	simm.s32 $0xC80;
	[smem:$0x7F6] =	sst s14  }
0x31: {  	s16 =	simm.s32 $0xDC00;
	[smem:$0x7F9] =	sst s15  }
0x32: {  	s17 =	simm.s32 $0xD00;
	[smem:$0x7F7] =	sst s16  }
0x33: {  	s18 =	simm.s32 $0xE400;
	[smem:$0x7F5] =	sst s17  }
0x34: {  	s3 =	smul.u32 $0x280, s0;
	s19 =	simm.s32 $0xD80;
	[smem:$0x7FA] =	sst s18  }
0x35: {  	s0 =	smul.u32 $0x2800, s0;
	s20 =	simm.s32 $0xEC00;
	[smem:$0x7FC] =	sst s19  }
0x36: {  	s21 =	simm.s32 $0xE00;
	s3 =	sadd.s32 s3, s4;
	[smem:$0x7FB] =	sst s20  }
0x37: {  	s0 =	sadd.s32 s0, s4;
	[smem:$0x7FD] =	sst s21;
	s3 =	sadd.s32 $0x7400, s3  }
0x38: {  	s0 =	sadd.s32 $0xCA400, s0;
	[dreg:$0x2] =	wrdreg s3  }
0x39: {  	[dreg:$0x3] =	wrdreg s0;
	s3 =	simm.s32 $0x400  }
0x3a: {  	[dreg:$0x11] =	wrdreg s3  }
0x3b: {  	s3 =	simm.s32 $0xAC00;
	s5 =	rddreg [dreg:$0x2]  }
0x3c: {  	[smem:$0x7EC] =	sst s3;
	s3 =	simm.s32 $0x2  }
0x3d: {  	[tilespmem:s2], [sflag:$0x2] =	stream.linear.gather [hbm4b:s5+s2], $0x1400, $0x38;
	[tilespmem:$0x15400] =	vst v63  }
0x3e: {  	_ =	swait.ge [sflag:s3], $0x1400  }
0x3f: {  	s22 =	rddreg [dreg:$0xe]  }
0x40: {  	s7 =	rddreg [dreg:$0xb]  }
0x41: {  	s8 =	rddreg [dreg:$0x1c]  }
0x42: {  	s9 =	rddreg [dreg:$0x9]  }
0x43: {  	s10 =	rddreg [dreg:$0x18]  }
0x44: {  	s11 =	rddreg [dreg:$0x14]  }
0x45: {  	s12 =	rddreg [dreg:$0x7]  }
0x46: {  	s13 =	rddreg [dreg:$0x10]  }
0x47: {  	s14 =	rddreg [dreg:$0xa]  }
0x48: {  	s15 =	rddreg [dreg:$0x8]  }
0x49: {  	s16 =	rddreg [dreg:$0xc]  }
0x4a: {  	s6 =	simm.s32 $0x80;
	s17 =	rddreg [dreg:$0x5]  }
0x4b: {  	s5 =	sadd.s32 $0x66400, s4;
	[sflag:s3] =	ssyncset.done $0x0;
	s18 =	rddreg [dreg:$0x4]  }
0x4c: {  	s4 =	simm.s32 $0x1400;
	s19 =	rddreg [dreg:$0x6];
	[sflag:s3] =	ssyncadd.s32 $0xFFFFEC00  }
0x4d: {  	[tilespmem:s4], [sflag:$0x1] =	stream.indirect.gather [hbm4b:s5+s6], $0x10, s2, s6, $0xb8;
	[tilespmem:$0x15400] =	vst v63  }
0x4e: {  	s20 =	rddreg [dreg:$0xd]  }
0x4f: {  	[tilespmem:s18], [sflag:$0x1] =	stream.indirect.gather [hbm4b:s5+s6], $0x10, s6, s6, $0xb8;
	[tilespmem:$0x15400] =	vst v63  }
0x50: {  	s21 =	rddreg [dreg:$0xf]  }
0x51: {  	[tilespmem:s19], [sflag:$0x1] =	stream.indirect.gather [hbm4b:s5+s6], $0x10, s17, s6, $0xb8;
	[tilespmem:$0x15400] =	vst v63  }
0x52: {  	s23 =	rddreg [dreg:$0x12]  }
0x53: {  	[tilespmem:s15], [sflag:$0x1] =	stream.indirect.gather [hbm4b:s5+s6], $0x10, s12, s6, $0xb8;
	[tilespmem:$0x15400] =	vst v63  }
0x54: {  	s24 =	rddreg [dreg:$0x11]  }
0x55: {  	[tilespmem:s14], [sflag:$0x1] =	stream.indirect.gather [hbm4b:s5+s6], $0x10, s9, s6, $0xb8;
	[tilespmem:$0x15400] =	vst v63  }
0x56: {  	s25 =	rddreg [dreg:$0x13]  }
0x57: {  	[tilespmem:s16], [sflag:$0x1] =	stream.indirect.gather [hbm4b:s5+s6], $0x10, s7, s6, $0xb8;
	[tilespmem:$0x15400] =	vst v63  }
0x58: {  	s26 =	rddreg [dreg:$0x16]  }
0x59: {  	[tilespmem:s22], [sflag:$0x1] =	stream.indirect.gather [hbm4b:s5+s6], $0x10, s20, s6, $0xb8;
	[tilespmem:$0x15400] =	vst v63  }
0x5a: {  	s18 =	rddreg [dreg:$0x1b]  }
0x5b: {  	[tilespmem:s13], [sflag:$0x1] =	stream.indirect.gather [hbm4b:s5+s6], $0x10, s21, s6, $0xb8;
	[tilespmem:$0x15400] =	vst v63  }
0x5c: {  	s17 =	rddreg [dreg:$0x19]  }
0x5d: {  	[tilespmem:s23], [sflag:$0x1] =	stream.indirect.gather [hbm4b:s5+s6], $0x10, s24, s6, $0xb8;
	[tilespmem:$0x15400] =	vst v63  }
0x5e: {  	s19 =	rddreg [dreg:$0x1e]  }
0x5f: {  	[tilespmem:s11], [sflag:$0x1] =	stream.indirect.gather [hbm4b:s5+s6], $0x10, s25, s6, $0xb8;
	[tilespmem:$0x15400] =	vst v63  }
0x60: {  	s14 =	rddreg [dreg:$0x15]  }
0x61: {  	[tilespmem:s26], [sflag:$0x1] =	stream.indirect.gather [hbm4b:s5+s6], $0x10, s14, s6, $0xb8;
	[tilespmem:$0x15400] =	vst v63  }
0x62: {  	s15 =	rddreg [dreg:$0x17]  }
0x63: {  	[tilespmem:s10], [sflag:$0x1] =	stream.indirect.gather [hbm4b:s5+s6], $0x10, s15, s6, $0xb8;
	[tilespmem:$0x15400] =	vst v63  }
0x64: {  	s16 =	rddreg [dreg:$0x1a]  }
0x65: {  	[tilespmem:s16], [sflag:$0x1] =	stream.indirect.gather [hbm4b:s5+s6], $0x10, s17, s6, $0xb8;
	[tilespmem:$0x15400] =	vst v63  }
0x66: {  	s20 =	rddreg [dreg:$0x1d]  }
0x67: {  	[tilespmem:s8], [sflag:$0x1] =	stream.indirect.gather [hbm4b:s5+s6], $0x10, s18, s6, $0xb8;
	[tilespmem:$0x15400] =	vst v63  }
0x68: {  	s22 =	sld [smem:$0x7E4]  }
0x69: {  	[tilespmem:s19], [sflag:$0x1] =	stream.indirect.gather [hbm4b:s5+s6], $0x10, s20, s6, $0xb8;
	[tilespmem:$0x15400] =	vst v63  }
0x6a: {  	s7 =	simm.s32 $0x1;
	s21 =	rddreg [dreg:$0x1f]  }
0x6b: {  	[tilespmem:s22], [sflag:$0x1] =	stream.indirect.gather [hbm4b:s5+s6], $0x10, s21, s6, $0xb8;
	[tilespmem:$0x15400] =	vst v63  }
0x6c: {  	_ =	swait.ge [sflag:s7], $0x4000  }
0x6d: {  	s23 =	sld [smem:$0x7E5]  }
0x6e: {  	s24 =	sld [smem:$0x7E6]  }
0x6f: {  	s25 =	sld [smem:$0x7E7]  }
0x70: {  	s26 =	sld [smem:$0x7E8]  }
0x71: {  	s14 =	sld [smem:$0x7E9]  }
0x72: {  	s15 =	sld [smem:$0x7EA]  }
0x73: {  	s16 =	sld [smem:$0x7EB]  }
0x74: {  	s17 =	sld [smem:$0x7EC]  }
0x75: {  	[sflag:s7] =	ssyncset.done $0x0;
	s18 =	sld [smem:$0x7ED]  }
0x76: {  	s19 =	sld [smem:$0x7EE];
	[sflag:s7] =	ssyncadd.s32 $0xFFFFC000  }
0x77: {  	[tilespmem:s16], [sflag:$0x1] =	stream.indirect.gather [hbm4b:s5+s6], $0x10, s15, s6, $0xb8;
	[tilespmem:$0x15400] =	vst v63  }
0x78: {  	s20 =	sld [smem:$0x7EF]  }
0x79: {  	[tilespmem:s23], [sflag:$0x1] =	stream.indirect.gather [hbm4b:s5+s6], $0x10, s24, s6, $0xb8;
	[tilespmem:$0x15400] =	vst v63  }
0x7a: {  	s21 =	sld [smem:$0x7F0]  }
0x7b: {  	[tilespmem:s14], [sflag:$0x1] =	stream.indirect.gather [hbm4b:s5+s6], $0x10, s19, s6, $0xb8;
	[tilespmem:$0x15400] =	vst v63  }
0x7c: {  	s22 =	sld [smem:$0x7F1]  }
0x7d: {  	[tilespmem:s17], [sflag:$0x1] =	stream.indirect.gather [hbm4b:s5+s6], $0x10, s25, s6, $0xb8;
	[tilespmem:$0x15400] =	vst v63  }
0x7e: {  	s23 =	sld [smem:$0x7F2]  }
0x7f: {  	[tilespmem:s20], [sflag:$0x1] =	stream.indirect.gather [hbm4b:s5+s6], $0x10, s21, s6, $0xb8;
	[tilespmem:$0x15400] =	vst v63  }
0x80: {  	s24 =	sld [smem:$0x7F3]  }
0x81: {  	[tilespmem:s18], [sflag:$0x1] =	stream.indirect.gather [hbm4b:s5+s6], $0x10, s22, s6, $0xb8;
	[tilespmem:$0x15400] =	vst v63  }
0x82: {  	s25 =	sld [smem:$0x7F4]  }
0x83: {  	[tilespmem:s26], [sflag:$0x1] =	stream.indirect.gather [hbm4b:s5+s6], $0x10, s23, s6, $0xb8;
	[tilespmem:$0x15400] =	vst v63  }
0x84: {  	_ = 	snop  }
0x85: {  	[tilespmem:s24], [sflag:$0x1] =	stream.indirect.gather [hbm4b:s5+s6], $0x10, s25, s6, $0xb8;
	[tilespmem:$0x15400] =	vst v63  }
0x86: {  	_ =	swait.ge [sflag:s7], $0x4000  }
0x87: {  	s26 =	sld [smem:$0x7F5]  }
0x88: {  	s10 =	sld [smem:$0x7F6]  }
0x89: {  	s11 =	sld [smem:$0x7F7]  }
0x8a: {  	s12 =	sld [smem:$0x7F8]  }
0x8b: {  	[sflag:s7] =	ssyncset.done $0x0;
	s13 =	sld [smem:$0x7F9]  }
0x8c: {  	s14 =	sld [smem:$0x7FA];
	[sflag:s7] =	ssyncadd.s32 $0xFFFFC000  }
0x8d: {  	[tilespmem:s10], [sflag:$0x1] =	stream.indirect.gather [hbm4b:s5+s6], $0x10, s12, s6, $0xb8;
	[tilespmem:$0x15400] =	vst v63  }
0x8e: {  	s16 =	sld [smem:$0x7FB]  }
0x8f: {  	[tilespmem:s11], [sflag:$0x1] =	stream.indirect.gather [hbm4b:s5+s6], $0x10, s13, s6, $0xb8;
	[tilespmem:$0x15400] =	vst v63  }
0x90: {  	s28 =	simm.s32 $0x1300;
	s1 =	ssub.s32 $0x2, s1;
	s17 =	sld [smem:$0x7FC]  }
0x91: {  	[tilespmem:s14], [sflag:$0x1] =	stream.indirect.gather [hbm4b:s5+s6], $0x10, s26, s6, $0xb8;
	[tilespmem:$0x15400] =	vst v63  }
0x92: {  	s29 =	simm.s32 $0x14400;
	s15 =	sshrl.u32 s1, $0x1;
	s20 =	sld [smem:$0x7FD]  }
0x93: {  	[tilespmem:s16], [sflag:$0x1] =	stream.indirect.gather [hbm4b:s5+s6], $0x10, s17, s6, $0xb8;
	[tilespmem:$0x15400] =	vst v63  }
0x94: {  	s30 =	simm.s32 $0x1380;
	s1 =	ssub.s32 s1, s15;
	s19 =	simm.s32 $0xF400  }
0x95: {  	[tilespmem:s19], [sflag:$0x1] =	stream.indirect.gather [hbm4b:s5+s6], $0x10, s20, s6, $0xb8;
	[tilespmem:$0x15400] =	vst v63  }
0x96: {  	s21 =	simm.s32 $0xE80;
	s18 =	smax.u32 s1, $0x1;
	s22 =	simm.s32 $0xFC00  }
0x97: {  	[tilespmem:s22], [sflag:$0x1] =	stream.indirect.gather [hbm4b:s5+s6], $0x10, s21, s6, $0xb8;
	[tilespmem:$0x15400] =	vst v63  }
0x98: {  	p0 =	sne.s32 s18, $0x1;
	s23 =	simm.s32 $0xF00;
	s24 =	simm.s32 $0x10400  }
0x99: {  	[tilespmem:s24], [sflag:$0x1] =	stream.indirect.gather [hbm4b:s5+s6], $0x10, s23, s6, $0xb8;
	[tilespmem:$0x15400] =	vst v63  }
.Ltmp0:
0x9a: {  	s25 =	simm.s32 $0xF80;
	s26 =	simm.s32 $0x10C00;
	(pc) =	sbr.rel @!p0 .LBB2_2-.Ltmp0, $4  }
0x9b: {  	[tilespmem:s26], [sflag:$0x1] =	stream.indirect.gather [hbm4b:s5+s6], $0x10, s25, s6, $0xb8;
	[tilespmem:$0x15400] =	vst v63  }
0x9c: {  	s31 =	simm.s32 $0x14C00;
	s1 =	sadd.s32 $0xFFFFFFFF, s18;
	_ =	swait.ge [sflag:s7], $0x4000  }
0x9d: {  	s23 =	simm.s32 $0x10C00;
	s24 =	simm.s32 $0x13400;
	[sflag:s7] =	ssyncset.done $0x0  }
0x9e: {  	s25 =	simm.s32 $0x1280;
	s26 =	simm.s32 $0x13C00;
	[sflag:s7] =	ssyncadd.s32 $0xFFFFC000  }
.LBB2_1:
0x9f: {  	s0 =	simm.s32 $0x1000;
	s8 =	simm.s32 $0x11400  }
0xa0: {  	[tilespmem:s8], [sflag:$0x1] =	stream.indirect.gather [hbm4b:s5+s6], $0x10, s0, s6, $0xb8;
	[tilespmem:$0x15400] =	vst v63  }
0xa1: {  	s11 =	simm.s32 $0x1080;
	s12 =	simm.s32 $0x11C00  }
0xa2: {  	[tilespmem:s12], [sflag:$0x1] =	stream.indirect.gather [hbm4b:s5+s6], $0x10, s11, s6, $0xb8;
	[tilespmem:$0x15400] =	vst v63  }
0xa3: {  	s13 =	simm.s32 $0x1100;
	s14 =	simm.s32 $0x12400  }
0xa4: {  	[tilespmem:s14], [sflag:$0x1] =	stream.indirect.gather [hbm4b:s5+s6], $0x10, s13, s6, $0xb8;
	[tilespmem:$0x15400] =	vst v63  }
0xa5: {  	s15 =	simm.s32 $0x1180;
	s16 =	simm.s32 $0x12C00  }
0xa6: {  	[tilespmem:s16], [sflag:$0x1] =	stream.indirect.gather [hbm4b:s5+s6], $0x10, s15, s6, $0xb8;
	[tilespmem:$0x15400] =	vst v63  }
0xa7: {  	s17 =	simm.s32 $0x1200  }
0xa8: {  	[tilespmem:s24], [sflag:$0x1] =	stream.indirect.gather [hbm4b:s5+s6], $0x10, s17, s6, $0xb8;
	[tilespmem:$0x15400] =	vst v63  }
0xa9: {  	_ = 	snop  }
0xaa: {  	[tilespmem:s26], [sflag:$0x1] =	stream.indirect.gather [hbm4b:s5+s6], $0x10, s25, s6, $0xb8;
	[tilespmem:$0x15400] =	vst v63  }
0xab: {  	_ = 	snop  }
0xac: {  	[tilespmem:s29], [sflag:$0x1] =	stream.indirect.gather [hbm4b:s5+s6], $0x10, s28, s6, $0xb8;
	[tilespmem:$0x15400] =	vst v63  }
0xad: {  	_ = 	snop  }
0xae: {  	[tilespmem:s31], [sflag:$0x1] =	stream.indirect.gather [hbm4b:s5+s6], $0x10, s30, s6, $0xb8;
	[tilespmem:$0x15400] =	vst v63  }
0xaf: {  	_ =	swait.ge [sflag:s7], $0x4000  }
0xb0: {  	[sflag:s7] =	ssyncset.done $0x0  }
0xb1: {  	[sflag:s7] =	ssyncadd.s32 $0xFFFFC000  }
0xb2: {  	_ =	swait.ge [sflag:s7], $0x4000  }
0xb3: {  	[sflag:s7] =	ssyncset.done $0x0  }
0xb4: {  	s18 =	rddreg [dreg:$0x3];
	[sflag:s7] =	ssyncadd.s32 $0xFFFFC000  }
0xb5: {  	[hbm4b:s18+s2] =	stream.linear.scatter [tilespmem:s4], [sflag:$0x2], $0x14000, $0x38;
	[tilespmem:$0x15400] =	vst v63  }
0xb6: {  	_ =	swait.ge [sflag:s3], $0x14000  }
0xb7: {  	[sflag:s3] =	ssyncset.done $0x0  }
0xb8: {  	s19 =	rddreg [dreg:$0x2];
	[sflag:s3] =	ssyncadd.s32 $0xFFFEC000  }
0xb9: {  	[tilespmem:s2], [sflag:$0x2] =	stream.linear.gather [hbm4b:s19+s2], $0x1400, $0x38;
	[tilespmem:$0x15400] =	vst v63  }
0xba: {  	_ =	swait.ge [sflag:s3], $0x1400  }
0xbb: {  	s9 =	rddreg [dreg:$0xe]  }
0xbc: {  	s10 =	rddreg [dreg:$0xb]  }
0xbd: {  	s0 =	rddreg [dreg:$0x1c]  }
0xbe: {  	s11 =	rddreg [dreg:$0x9]  }
0xbf: {  	s8 =	rddreg [dreg:$0x18]  }
0xc0: {  	s12 =	rddreg [dreg:$0x14]  }
0xc1: {  	s13 =	rddreg [dreg:$0x7]  }
0xc2: {  	s14 =	rddreg [dreg:$0x10]  }
0xc3: {  	s15 =	rddreg [dreg:$0xa]  }
0xc4: {  	s16 =	rddreg [dreg:$0x8]  }
0xc5: {  	s17 =	rddreg [dreg:$0xc]  }
0xc6: {  	s18 =	rddreg [dreg:$0x5]  }
0xc7: {  	[sflag:s3] =	ssyncset.done $0x0;
	s19 =	rddreg [dreg:$0x4]  }
0xc8: {  	s20 =	rddreg [dreg:$0x6];
	[sflag:s3] =	ssyncadd.s32 $0xFFFFEC00  }
0xc9: {  	[tilespmem:s4], [sflag:$0x1] =	stream.indirect.gather [hbm4b:s5+s6], $0x10, s2, s6, $0xb8;
	[tilespmem:$0x15400] =	vst v63  }
0xca: {  	s21 =	rddreg [dreg:$0xd]  }
0xcb: {  	[tilespmem:s19], [sflag:$0x1] =	stream.indirect.gather [hbm4b:s5+s6], $0x10, s6, s6, $0xb8;
	[tilespmem:$0x15400] =	vst v63  }
0xcc: {  	s22 =	rddreg [dreg:$0xf]  }
0xcd: {  	[tilespmem:s20], [sflag:$0x1] =	stream.indirect.gather [hbm4b:s5+s6], $0x10, s18, s6, $0xb8;
	[tilespmem:$0x15400] =	vst v63  }
0xce: {  	s19 =	rddreg [dreg:$0x12]  }
0xcf: {  	[tilespmem:s16], [sflag:$0x1] =	stream.indirect.gather [hbm4b:s5+s6], $0x10, s13, s6, $0xb8;
	[tilespmem:$0x15400] =	vst v63  }
0xd0: {  	s18 =	rddreg [dreg:$0x11]  }
0xd1: {  	[tilespmem:s15], [sflag:$0x1] =	stream.indirect.gather [hbm4b:s5+s6], $0x10, s11, s6, $0xb8;
	[tilespmem:$0x15400] =	vst v63  }
0xd2: {  	s20 =	rddreg [dreg:$0x15]  }
0xd3: {  	[tilespmem:s17], [sflag:$0x1] =	stream.indirect.gather [hbm4b:s5+s6], $0x10, s10, s6, $0xb8;
	[tilespmem:$0x15400] =	vst v63  }
0xd4: {  	s13 =	rddreg [dreg:$0x13]  }
0xd5: {  	[tilespmem:s9], [sflag:$0x1] =	stream.indirect.gather [hbm4b:s5+s6], $0x10, s21, s6, $0xb8;
	[tilespmem:$0x15400] =	vst v63  }
0xd6: {  	s16 =	rddreg [dreg:$0x1a]  }
0xd7: {  	[tilespmem:s14], [sflag:$0x1] =	stream.indirect.gather [hbm4b:s5+s6], $0x10, s22, s6, $0xb8;
	[tilespmem:$0x15400] =	vst v63  }
0xd8: {  	s11 =	rddreg [dreg:$0x16]  }
0xd9: {  	[tilespmem:s19], [sflag:$0x1] =	stream.indirect.gather [hbm4b:s5+s6], $0x10, s18, s6, $0xb8;
	[tilespmem:$0x15400] =	vst v63  }
0xda: {  	s15 =	rddreg [dreg:$0x17]  }
0xdb: {  	[tilespmem:s12], [sflag:$0x1] =	stream.indirect.gather [hbm4b:s5+s6], $0x10, s13, s6, $0xb8;
	[tilespmem:$0x15400] =	vst v63  }
0xdc: {  	s17 =	rddreg [dreg:$0x19]  }
0xdd: {  	[tilespmem:s11], [sflag:$0x1] =	stream.indirect.gather [hbm4b:s5+s6], $0x10, s20, s6, $0xb8;
	[tilespmem:$0x15400] =	vst v63  }
0xde: {  	s22 =	sld [smem:$0x7E4]  }
0xdf: {  	[tilespmem:s8], [sflag:$0x1] =	stream.indirect.gather [hbm4b:s5+s6], $0x10, s15, s6, $0xb8;
	[tilespmem:$0x15400] =	vst v63  }
0xe0: {  	s18 =	rddreg [dreg:$0x1b]  }
0xe1: {  	[tilespmem:s16], [sflag:$0x1] =	stream.indirect.gather [hbm4b:s5+s6], $0x10, s17, s6, $0xb8;
	[tilespmem:$0x15400] =	vst v63  }
0xe2: {  	s19 =	rddreg [dreg:$0x1e]  }
0xe3: {  	[tilespmem:s0], [sflag:$0x1] =	stream.indirect.gather [hbm4b:s5+s6], $0x10, s18, s6, $0xb8;
	[tilespmem:$0x15400] =	vst v63  }
0xe4: {  	s20 =	rddreg [dreg:$0x1d]  }
0xe5: {  	[tilespmem:s19], [sflag:$0x1] =	stream.indirect.gather [hbm4b:s5+s6], $0x10, s20, s6, $0xb8;
	[tilespmem:$0x15400] =	vst v63  }
0xe6: {  	s21 =	rddreg [dreg:$0x1f]  }
0xe7: {  	[tilespmem:s22], [sflag:$0x1] =	stream.indirect.gather [hbm4b:s5+s6], $0x10, s21, s6, $0xb8;
	[tilespmem:$0x15400] =	vst v63  }
0xe8: {  	_ =	swait.ge [sflag:s7], $0x4000  }
0xe9: {  	s11 =	sld [smem:$0x7E5]  }
0xea: {  	s14 =	sld [smem:$0x7E6]  }
0xeb: {  	s15 =	sld [smem:$0x7E7]  }
0xec: {  	s10 =	sld [smem:$0x7E8]  }
0xed: {  	s16 =	sld [smem:$0x7E9]  }
0xee: {  	s17 =	sld [smem:$0x7EA]  }
0xef: {  	s18 =	sld [smem:$0x7EB]  }
0xf0: {  	s19 =	sld [smem:$0x7EC]  }
0xf1: {  	[sflag:s7] =	ssyncset.done $0x0;
	s20 =	sld [smem:$0x7ED]  }
0xf2: {  	s21 =	sld [smem:$0x7EE];
	[sflag:s7] =	ssyncadd.s32 $0xFFFFC000  }
0xf3: {  	[tilespmem:s18], [sflag:$0x1] =	stream.indirect.gather [hbm4b:s5+s6], $0x10, s17, s6, $0xb8;
	[tilespmem:$0x15400] =	vst v63  }
0xf4: {  	s22 =	sld [smem:$0x7EF]  }
0xf5: {  	[tilespmem:s11], [sflag:$0x1] =	stream.indirect.gather [hbm4b:s5+s6], $0x10, s14, s6, $0xb8;
	[tilespmem:$0x15400] =	vst v63  }
0xf6: {  	s8 =	sld [smem:$0x7F0]  }
0xf7: {  	[tilespmem:s16], [sflag:$0x1] =	stream.indirect.gather [hbm4b:s5+s6], $0x10, s21, s6, $0xb8;
	[tilespmem:$0x15400] =	vst v63  }
0xf8: {  	s13 =	sld [smem:$0x7F1]  }
0xf9: {  	[tilespmem:s19], [sflag:$0x1] =	stream.indirect.gather [hbm4b:s5+s6], $0x10, s15, s6, $0xb8;
	[tilespmem:$0x15400] =	vst v63  }
0xfa: {  	s17 =	sld [smem:$0x7F3]  }
0xfb: {  	[tilespmem:s22], [sflag:$0x1] =	stream.indirect.gather [hbm4b:s5+s6], $0x10, s8, s6, $0xb8;
	[tilespmem:$0x15400] =	vst v63  }
0xfc: {  	s16 =	sld [smem:$0x7F2]  }
0xfd: {  	[tilespmem:s20], [sflag:$0x1] =	stream.indirect.gather [hbm4b:s5+s6], $0x10, s13, s6, $0xb8;
	[tilespmem:$0x15400] =	vst v63  }
0xfe: {  	s18 =	sld [smem:$0x7F4]  }
0xff: {  	[tilespmem:s10], [sflag:$0x1] =	stream.indirect.gather [hbm4b:s5+s6], $0x10, s16, s6, $0xb8;
	[tilespmem:$0x15400] =	vst v63  }
0x100: {  	_ = 	snop  }
0x101: {  	[tilespmem:s17], [sflag:$0x1] =	stream.indirect.gather [hbm4b:s5+s6], $0x10, s18, s6, $0xb8;
	[tilespmem:$0x15400] =	vst v63  }
0x102: {  	_ =	swait.ge [sflag:s7], $0x4000  }
0x103: {  	s19 =	sld [smem:$0x7F5]  }
0x104: {  	s20 =	sld [smem:$0x7F6]  }
0x105: {  	s21 =	sld [smem:$0x7F7]  }
0x106: {  	s12 =	sld [smem:$0x7F8]  }
0x107: {  	[sflag:s7] =	ssyncset.done $0x0;
	s22 =	sld [smem:$0x7F9]  }
0x108: {  	s13 =	sld [smem:$0x7FA];
	[sflag:s7] =	ssyncadd.s32 $0xFFFFC000  }
0x109: {  	[tilespmem:s20], [sflag:$0x1] =	stream.indirect.gather [hbm4b:s5+s6], $0x10, s12, s6, $0xb8;
	[tilespmem:$0x15400] =	vst v63  }
0x10a: {  	s14 =	sld [smem:$0x7FB]  }
0x10b: {  	[tilespmem:s21], [sflag:$0x1] =	stream.indirect.gather [hbm4b:s5+s6], $0x10, s22, s6, $0xb8;
	[tilespmem:$0x15400] =	vst v63  }
0x10c: {  	s15 =	sld [smem:$0x7FC]  }
0x10d: {  	[tilespmem:s13], [sflag:$0x1] =	stream.indirect.gather [hbm4b:s5+s6], $0x10, s19, s6, $0xb8;
	[tilespmem:$0x15400] =	vst v63  }
0x10e: {  	s16 =	sld [smem:$0x7FD]  }
0x10f: {  	[tilespmem:s14], [sflag:$0x1] =	stream.indirect.gather [hbm4b:s5+s6], $0x10, s15, s6, $0xb8;
	[tilespmem:$0x15400] =	vst v63  }
0x110: {  	s17 =	simm.s32 $0xF400  }
0x111: {  	[tilespmem:s17], [sflag:$0x1] =	stream.indirect.gather [hbm4b:s5+s6], $0x10, s16, s6, $0xb8;
	[tilespmem:$0x15400] =	vst v63  }
0x112: {  	s18 =	simm.s32 $0xE80;
	s19 =	simm.s32 $0xFC00  }
0x113: {  	[tilespmem:s19], [sflag:$0x1] =	stream.indirect.gather [hbm4b:s5+s6], $0x10, s18, s6, $0xb8;
	[tilespmem:$0x15400] =	vst v63  }
0x114: {  	p0 =	sne.s32 s1, $0x1;
	s20 =	simm.s32 $0xF00;
	s21 =	simm.s32 $0x10400  }
0x115: {  	[tilespmem:s21], [sflag:$0x1] =	stream.indirect.gather [hbm4b:s5+s6], $0x10, s20, s6, $0xb8;
	[tilespmem:$0x15400] =	vst v63  }
.Ltmp1:
0x116: {  	s22 =	simm.s32 $0xF80;
	(pc) =	sbr.rel @p0 .LBB2_1-.Ltmp1, $4  }
0x117: {  	[tilespmem:s23], [sflag:$0x1] =	stream.indirect.gather [hbm4b:s5+s6], $0x10, s22, s6, $0xb8;
	[tilespmem:$0x15400] =	vst v63  }
0x118: {  	_ =	swait.ge [sflag:s7], $0x4000  }
0x119: {  	[sflag:s7] =	ssyncset.done $0x0  }
0x11a: {  	s1 =	sadd.s32 $0xFFFFFFFF, s1;
	[sflag:s7] =	ssyncadd.s32 $0xFFFFC000  }
.LBB2_2:
0x11b: {  	s0 =	simm.s32 $0x1000;
	s1 =	simm.s32 $0x11400  }
0x11c: {  	[tilespmem:s1], [sflag:$0x1] =	stream.indirect.gather [hbm4b:s5+s6], $0x10, s0, s6, $0xb8;
	[tilespmem:$0x15400] =	vst v63  }
0x11d: {  	s17 =	simm.s32 $0x1080;
	s18 =	simm.s32 $0x11C00  }
0x11e: {  	[tilespmem:s18], [sflag:$0x1] =	stream.indirect.gather [hbm4b:s5+s6], $0x10, s17, s6, $0xb8;
	[tilespmem:$0x15400] =	vst v63  }
0x11f: {  	s19 =	simm.s32 $0x1100;
	s20 =	simm.s32 $0x12400  }
0x120: {  	[tilespmem:s20], [sflag:$0x1] =	stream.indirect.gather [hbm4b:s5+s6], $0x10, s19, s6, $0xb8;
	[tilespmem:$0x15400] =	vst v63  }
0x121: {  	s21 =	simm.s32 $0x1180;
	s22 =	simm.s32 $0x12C00  }
0x122: {  	[tilespmem:s22], [sflag:$0x1] =	stream.indirect.gather [hbm4b:s5+s6], $0x10, s21, s6, $0xb8;
	[tilespmem:$0x15400] =	vst v63  }
0x123: {  	s23 =	simm.s32 $0x1200  }
0x124: {  	[tilespmem:s24], [sflag:$0x1] =	stream.indirect.gather [hbm4b:s5+s6], $0x10, s23, s6, $0xb8;
	[tilespmem:$0x15400] =	vst v63  }
0x125: {  	_ = 	snop  }
0x126: {  	[tilespmem:s26], [sflag:$0x1] =	stream.indirect.gather [hbm4b:s5+s6], $0x10, s25, s6, $0xb8;
	[tilespmem:$0x15400] =	vst v63  }
0x127: {  	_ = 	snop  }
0x128: {  	[tilespmem:s29], [sflag:$0x1] =	stream.indirect.gather [hbm4b:s5+s6], $0x10, s28, s6, $0xb8;
	[tilespmem:$0x15400] =	vst v63  }
0x129: {  	_ = 	snop  }
0x12a: {  	[tilespmem:s31], [sflag:$0x1] =	stream.indirect.gather [hbm4b:s5+s6], $0x10, s30, s6, $0xb8;
	[tilespmem:$0x15400] =	vst v63  }
0x12b: {  	_ =	swait.ge [sflag:s7], $0x4000  }
0x12c: {  	[sflag:s7] =	ssyncset.done $0x0  }
0x12d: {  	[sflag:s7] =	ssyncadd.s32 $0xFFFFC000  }
0x12e: {  	_ =	swait.ge [sflag:s7], $0x4000  }
0x12f: {  	[sflag:s7] =	ssyncset.done $0x0  }
0x130: {  	s30 =	rddreg [dreg:$0x3];
	[sflag:s7] =	ssyncadd.s32 $0xFFFFC000  }
0x131: {  	[hbm4b:s30+s2] =	stream.linear.scatter [tilespmem:s4], [sflag:$0x2], $0x14000, $0x38;
	[tilespmem:$0x15400] =	vst v63  }
0x132: {  	_ =	swait.ge [sflag:s3], $0x14000  }
0x133: {  	[sflag:s3] =	ssyncset.done $0x0  }
0x134: {  	[sflag:s3] =	ssyncadd.s32 $0xFFFEC000  }
0x135: {  	_ =	sfence.sel $0x180000  }
0x136: {  	[bflag:$0x0] =	sbarrier.arrive $0xFFFF  }
0x137: {  	_ =	strace $0x90000056  }
0x138: {  	s31 =	stileid.u32;
	[bflag:$0x2] =	sbarrier.arrive $0xFFFF  }
0x139: {  	p0 =	sne.s32 s31, $0x0;
	s0 =	rddreg [dreg:$0x1]  }
0x13a: {  	s0 =	sadd.s32 @!p0 $0x100000, s0  }
0x13b: {  	[sflag:s0] =	ssyncadd.tile.s32 @!p0 $0x1;
	_ =	shalt  }
.Lfunc_end2:
_tile_overlayer_lowered:
.L_overlay_start_2:
0x13c: {  	(tag) =	ssettag $0x2  }
0x13d: {  	s0 =	rddreg [dreg:$0x0];
	s2 =	stileid.u32  }
0x13e: {  	s1 =	rddreg [dreg:$0x1];
	p0 =	sne.s32 s2, $0x0  }
0x13f: {  	s3 =	rddreg [dreg:$0x2];
	[bflag:$0x3] =	sbarrier.arrive $0xFFFF;
	s2 =	simm.s32 @!p0 $0x1C02  }
0x140: {  	[timem:s3], [sflag:s2] =	dma.local @!p0 [hbm:s0], s1  }
0x141: {  	s0 =	simm.s32 @!p0 $0x2  }
0x142: {  	_ =	swait.ge @!p0 [sflag:s0], s1  }
0x143: {  	s1 =	ssub.s32 @!p0 $0x0, s1;
	[sflag:s0] =	ssyncset.done @!p0 $0x0  }
0x144: {  	[sflag:s0] =	ssyncadd.s32 @!p0 s1  }
0x145: {  	[bflag:$0x3] =	sbarrier.arrive $0xFFFF  }
0x146: {  	_ =	shalt  }

// kernel: kernel.37.cloned.1.call-start
scs
__scs_entry_jumppad:
0x0: {  	(pc) =	sbr.rel $0x88, $3  }
0x1: {  	(tag) =	ssettag $0x0;
	lr =	simm.s32 $0x1  }
0x2: {  	[smem:$0x3F84] =	sst lr;
	_ =	strace $0xD0000000  }
0x3: {  	_ = 	snop  }
0x4: {  	_ = 	snop  }
0x5: {  	_ = 	snop  }
0x6: {  	_ = 	snop  }
0x7: {  	_ = 	snop  }
__scs_overlays_trampoline_lowered:
0x8: {  	[smem:$0x3F93] =	sst s0  }
0x9: {  	[smem:$0x3F94] =	sst s1  }
0xa: {  	[smem:$0x3F95] =	sst s2  }
0xb: {  	[smem:$0x3F96] =	sst s3  }
0xc: {  	[smem:$0x3F97] =	sst s4  }
0xd: {  	[smem:$0x3F98] =	sst s5  }
0xe: {  	[smem:$0x3F99] =	sst s6  }
0xf: {  	[smem:$0x3F9A] =	sst s7  }
0x10: {  	[smem:$0x3F9B] =	sst s8  }
0x11: {  	[smem:$0x3F9C] =	sst s9;
	s0 =	simm.s32 @!p0 $0x0  }
0x12: {  	s1 =	sld [smem:$0x3F82];
	s0 =	simm.s32 @p0 $0x1  }
0x13: {  	[smem:$0x3F9D] =	sst s0;
	s0 =	simm.s32 @!p1 $0x0  }
0x14: {  	s2 =	sld [smem:$0x3F81];
	s0 =	simm.s32 @p1 $0x1  }
0x15: {  	[smem:$0x3F9E] =	sst s0;
	s0 =	simm.s32 @!p2 $0x0  }
0x16: {  	s3 =	sld [smem:$0x3FDB];
	s0 =	simm.s32 @p2 $0x1  }
0x17: {  	s4 =	simm.s32 $0x1BF5;
	[smem:$0x3FA0] =	sst s0  }
0x18: {  	s0 =	sld [smem:$0x3F83];
	_ =	swait.ge [sflag:s4], $0x0  }
0x19: {  	s7 =	sld [smem:$0x3F84]  }
0x1a: {  	s8 =	sadd.s32 $0xFFFFE003, lr  }
0x1b: {  	s9 =	sadd.s32 $0xFFFFFEF7, lr;
	s5 =	simm.s32 $0xFFFFFFFF;
	p2 =	slt.u32 s8, $0xFFFFF086  }
0x1c: {  	p1 =	slt.u32 s9, $0xF7A;
	s5 =	simm.s32 @!p2 $0x0  }
0x1d: {  	s5 =	simm.s32 @p1 $0x1;
	p0 =	seq.s32 s7, s2  }
0x1e: {  	s7 =	smul.u32 @!p0 $0xF7A, s2;
	p2 =	seq.s32 @!p0 s5, $0x0  }
0x1f: {  	s9 =	smul.u32 $0xF7A, s1;
	s8 =	simm.s32 @!p0 $0x1BF5;
	p2 =	por !p2, p0  }
0x20: {  	[sflag:s8] =	ssyncset.s32 @!p0 $0xFFFFF086;
	s6 =	sadd.s32 @!p0 s3, s7;
	s7 =	simm.s32 @!p0 $0x108  }
0x21: {  	s3 =	sadd.s32 s3, s9;
	s6 =	sadd.s32 @!p0 $0x88, s6;
	s7 =	simm.s32 @p2 $0x1082  }
0x22: {  	[simem:s7], [sflag:s8] =	dma.local @!p0 [hbm:s6], $0xF7A  }
0x23: {  	s9 =	sor.u32 $0xD0000000, s2;
	s6 =	simm.s32 $0x108;
	_ =	swait.ge @!p0 [sflag:s8], $0x0  }
0x24: {  	s3 =	sadd.s32 $0x88, s3;
	s6 =	simm.s32 @!p1 $0x1082;
	[sflag:s4] =	ssyncset.s32 $0xFFFFF086  }
0x25: {  	[simem:s6], [sflag:s4] =	dma.local [hbm:s3], $0xF7A  }
0x26: {  	[smem:$0x3F84] =	sst s1;
	(tag) =	ssettag s2;
	_ =	strace s9  }
0x27: {  	s1 =	sld [smem:$0x3F94]  }
0x28: {  	s2 =	sld [smem:$0x3F95]  }
0x29: {  	s4 =	sld [smem:$0x3F97]  }
0x2a: {  	p0 =	seq.s32 s5, $0x0;
	s5 =	sld [smem:$0x3F98]  }
0x2b: {  	s6 =	sld [smem:$0x3F99]  }
0x2c: {  	s7 =	sld [smem:$0x3F9A]  }
0x2d: {  	s3 =	simm.s32 $0x108;
	s8 =	sld [smem:$0x3F9B]  }
0x2e: {  	s3 =	simm.s32 @!p0 $0x1082;
	s9 =	sld [smem:$0x3F9C]  }
0x2f: {  	lr =	sadd.s32 s0, s3;
	s0 =	sld [smem:$0x3F93]  }
0x30: {  	s3 =	sld [smem:$0x3F96]  }
0x31: {  	[smem:$0x3F9F] =	sst s10  }
0x32: {  	s10 =	sld [smem:$0x3F9D];
	_ =	sdelay $0x3  }
0x33: {  	p0 =	seq.s32 s10, $0x1;
	s10 =	sld [smem:$0x3F9F];
	_ =	sdelay $0x3  }
0x34: {  	[smem:$0x3F9F] =	sst s10  }
0x35: {  	s10 =	sld [smem:$0x3F9E];
	_ =	sdelay $0x3  }
0x36: {  	p1 =	seq.s32 s10, $0x1;
	s10 =	sld [smem:$0x3F9F];
	_ =	sdelay $0x3  }
0x37: {  	[smem:$0x3F9F] =	sst s10  }
0x38: {  	s10 =	sld [smem:$0x3FA0]  }
0x39: {  	_ = 	snop;
	(pc) =	sbr.ind lr, $3  }
0x3a: {  	_ = 	snop  }
0x3b: {  	_ = 	snop  }
0x3c: {  	p2 =	seq.s32 s10, $0x1;
	s10 =	sld [smem:$0x3F9F]  }
0x3d: {  	_ =	shalt  }
0x3e: {  	_ =	shalt  }
0x3f: {  	_ =	shalt  }
0x40: {  	_ =	shalt  }
0x41: {  	_ =	shalt  }
0x42: {  	_ =	shalt  }
0x43: {  	_ =	shalt  }
0x44: {  	_ =	shalt  }
0x45: {  	_ =	shalt  }
0x46: {  	_ =	shalt  }
0x47: {  	_ =	shalt  }
0x48: {  	_ =	shalt  }
0x49: {  	_ =	shalt  }
0x4a: {  	_ =	shalt  }
0x4b: {  	_ =	shalt  }
0x4c: {  	_ =	shalt  }
0x4d: {  	_ =	shalt  }
0x4e: {  	_ =	shalt  }
0x4f: {  	_ =	shalt  }
0x50: {  	_ =	shalt  }
0x51: {  	_ =	shalt  }
0x52: {  	_ =	shalt  }
0x53: {  	_ =	shalt  }
0x54: {  	_ =	shalt  }
0x55: {  	_ =	shalt  }
0x56: {  	_ =	shalt  }
0x57: {  	_ =	shalt  }
0x58: {  	_ =	shalt  }
0x59: {  	_ =	shalt  }
0x5a: {  	_ =	shalt  }
0x5b: {  	_ =	shalt  }
0x5c: {  	_ =	shalt  }
0x5d: {  	_ =	shalt  }
0x5e: {  	_ =	shalt  }
0x5f: {  	_ =	shalt  }
0x60: {  	_ =	shalt  }
0x61: {  	_ =	shalt  }
0x62: {  	_ =	shalt  }
0x63: {  	_ =	shalt  }
0x64: {  	_ =	shalt  }
0x65: {  	_ =	shalt  }
0x66: {  	_ =	shalt  }
0x67: {  	_ =	shalt  }
0x68: {  	_ =	shalt  }
0x69: {  	_ =	shalt  }
0x6a: {  	_ =	shalt  }
0x6b: {  	_ =	shalt  }
0x6c: {  	_ =	shalt  }
0x6d: {  	_ =	shalt  }
0x6e: {  	_ =	shalt  }
0x6f: {  	_ =	shalt  }
0x70: {  	_ =	shalt  }
0x71: {  	_ =	shalt  }
0x72: {  	_ =	shalt  }
0x73: {  	_ =	shalt  }
0x74: {  	_ =	shalt  }
0x75: {  	_ =	shalt  }
0x76: {  	_ =	shalt  }
0x77: {  	_ =	shalt  }
0x78: {  	_ =	shalt  }
0x79: {  	_ =	shalt  }
0x7a: {  	_ =	shalt  }
0x7b: {  	_ =	shalt  }
0x7c: {  	_ =	shalt  }
0x7d: {  	_ =	shalt  }
0x7e: {  	_ =	shalt  }
0x7f: {  	_ =	shalt  }
0x80: {  	_ =	shalt  }
0x81: {  	_ =	shalt  }
0x82: {  	_ =	shalt  }
0x83: {  	_ =	shalt  }
0x84: {  	_ =	shalt  }
0x85: {  	_ =	shalt  }
0x86: {  	_ =	shalt  }
0x87: {  	_ =	shalt  }
.Lfunc_end0:
.L_simem_size_0:
called_computation.6_lowered:
.L_overlay_start_0:
0x88: {  	s2 =	sld [smem:$0x3FD9]  }
0x89: {  	s3 =	sld [smem:$0x3FFE];
	_ =	sdelay $0x1  }
0x8a: {  	s1 =	srdreg.scid  }
0x8b: {  	s0 =	sand.u32 $0x1, s1  }
0x8c: {  	s16 =	sshll.u32 s0, $0xA;
	s2 =	sadd.s32 s3, s2  }
0x8d: {  	s2 =	sadd.s32 s2, s16  }
0x8e: {  	[smem:$0x3FAB] =	sst s2  }
0x8f: {  	_ = 	snop  }
0x90: {  	(tm) =	ssettm $0x1  }
0x91: {  	s17 =	sld [smem:$0x3FFB];
	_ =	sdelay $0x3  }
0x92: {  	_ =	strace s17  }
0x93: {  	s2 =	sld [smem:$0x3FFC];
	_ =	sdelay $0x3  }
0x94: {  	_ =	strace s2  }
0x95: {  	s2 =	sld [smem:$0x3FFD];
	_ =	sdelay $0x3  }
0x96: {  	_ =	strace s2  }
0x97: {  	_ =	strace $0x8FFFFFFF  }
0x98: {  	s18 =	sld [smem:$0x3FDB];
	_ =	sdelay $0x1  }
0x99: {  	s19 =	simm.s32 $_scs_section_size  }
0x9a: {  	s4 =	simm.s32 $_size__tile_overlayer_lowered;
	s5 =	simm.s32 $_tile_overlayer_lowered  }
0x9b: {  	s22 =	simm.s32 $0x1BFF;
	s21 =	sshll.u32 s5, $0x1;
	s2 =	sadd.s32 s19, s18  }
0x9c: {  	s6 =	simm.s32 $0x0;
	s20 =	sshll.u32 s4, $0x1;
	s4 =	sadd.s32 s21, s2  }
0x9d: {  	[timem:s6], [sflag:s22] =	dma.local [hbm:s4], s20  }
0x9e: {  	_ =	swait.ge [sflag:s22], s20  }
0x9f: {  	s3 =	ssub.s32 $0x0, s20;
	[sflag:s22] =	ssyncset.done $0x0  }
0xa0: {  	[sflag:s22] =	ssyncadd.s32 s3;
	_ =	sdelay $0x1  }
0xa1: {  	s23 =	simm.s32 $0x1B8B  }
0xa2: {  	_ =	swait.ge [sflag:s23], $0x1  }
0xa3: {  	[sflag:s23] =	ssyncset.done $0x0  }
0xa4: {  	s25 =	simm.s32 $0x1B8E;
	s24 =	sld [smem:$0x3FFE];
	[sflag:s23] =	ssyncadd.s32 $0xFFFFFFFF  }
0xa5: {  	s26 =	simm.s32 $execute0_lowered;
	[smem:$0x3FD2] =	sst s25  }
0xa6: {  	s4 =	sshll.u32 s26, $0x1;
	_ =	strace $0x80000058;
	[dreg:$0x1] =	wrdreg $0xFFFFFFFF  }
0xa7: {  	s28 =	simm.s32 $_size_execute0_lowered;
	s2 =	sadd.s32 s2, s4;
	[dreg:$0x0] =	wrdreg $0x0  }
0xa8: {  	s4 =	sshll.u32 s28, $0x1;
	[dreg:$0x2] =	wrdreg s2  }
0xa9: {  	[dreg:$0x3] =	wrdreg s4  }
0xaa: {  	[dreg:$0x4] =	wrdreg $0xC0  }
0xab: {  	_ =	task [dreg:s6], $0x5FFFF  }
0xac: {  	[dreg:$0x1] =	wrdreg $0xFFFFFFFF  }
0xad: {  	[dreg:$0x0] =	wrdreg $0x60  }
0xae: {  	[dreg:$0x2] =	wrdreg s24  }
0xaf: {  	[dreg:$0x3] =	wrdreg $0x17C000  }
0xb0: {  	[dreg:$0x4] =	wrdreg $0x9  }
0xb1: {  	_ =	task.clear_ibuf [dreg:s6], $0x5FFFF;
	_ =	strace $0x90000058  }
0xb2: {  	s29 =	simm.s32 $0x9;
	_ =	strace $0x8000005A  }
0xb3: {  	_ =	swait.ge [sflag:s29], $0x1  }
0xb4: {  	[sflag:s29] =	ssyncadd.s32 $0xFFFFFFFF  }
0xb5: {  	_ =	strace $0x9000005A  }
0xb6: {  	_ =	sfence  }
0xb7: {  	s30 =	sld [smem:$0x0];
	_ =	sdelay $0x2  }
0xb8: {  	s31 =	sshll.u32 s1, $0xD;
	s1 =	sshrl.u32 s1, $0x2  }
0xb9: {  	s3 =	sand.u32 $0x4000, s31;
	s1 =	sadd.s32 s1, s30  }
0xba: {  	s0 =	sor.u32 s3, s0;
	s1 =	sshll.u32 s1, $0x11  }
0xbb: {  	s0 =	sor.u32 s1, s0  }
0xbc: {  	s0 =	sadd.s32 $0x8F2B, s0  }
0xbd: {  	[sflag:s0] =	ssyncadd.remote.s32 $0x1  }
0xbe: {  	_ =	sfence.sel $0xFFFF  }
0xbf: {  	[dreg:$0x0] =	wrdreg $0xFFFFFFFF;
	(pc) =	sbr.abs _section_cstart, $3  }
0xc0: {  	[dreg:$0x1] =	wrdreg $0xFFFFFFFF  }
0xc1: {  	_ =	task.clear_ibuf [dreg:s6], $0x2FFFF;
	_ =	strace $0x9FFFFFFF  }
0xc2: {  	(tm) =	ssettm $0x7FFFFFFF  }
0xc3: {  	_ =	shalt  }
tec
execute0_lowered:
.L_overlay_start_1:
0x0: {  	(tag) =	ssettag $0x1  }
0x1: {  	s4 =	rddreg [dreg:$0x0]  }
0x2: {  	s2 =	rddreg [dreg:$0x1]  }
0x3: {  	s0 =	rddreg [dreg:$0x2];
	s3 =	simm.s32 $0x0;
	s5 =	srdreg.scid  }
0x4: {  	s1 =	stileid.u32;
	s11 =	simm.s32 $0x80;
	s12 =	simm.s32 $0x0  }
0x5: {  	s5 =	sand.u32 $0x1, s5;
	s6 =	sshll.u32 s1, $0x1;
	s7 =	smul.u32 $0x2800, s1  }
0x6: {  	[smem:$0x7FF] =	sst s3;
	s6 =	sor.u32 s5, s6;
	s8 =	smul.u32 $0x28000, s5  }
0x7: {  	_ =	strace $0x80000059;
	s5 =	ssub.s32 $0x2, s5;
	s9 =	smul.u32 $0x2800, s6  }
0x8: {  	s6 =	smul.u32 $0x280, s6;
	s10 =	sshrl.u32 s5, $0x1;
	s8 =	sadd.s32 s7, s8  }
0x9: {  	s10 =	ssub.s32 s5, s10;
	s9 =	sadd.s32 s9, s4;
	s8 =	sshrl.u32 s8, $0x3  }
0xa: {  	s6 =	sadd.s32 s6, s4;
	s8 =	sadd.s32 s8, s4;
	s4 =	sadd.s32 s7, s2  }
0xb: {  	s5 =	sadd.s32 $0x61400, s6;
	s6 =	sadd.s32 $0xCA400, s9;
	s9 =	simm.s32 $0x15400  }
0xc: {  	v0 =	vimm.f32 $0.0e+00;
	s7 =	sadd.s32 $0x66400, s8;
	s8 =	smax.u32 s10, $0x1;
	s10 =	simm.s32 $0x1  }
.LBB2_1:
0xd: {  	s13 =	simm.s32 $0x40;
	s14 =	simm.s32 $0x0  }
.LBB2_2:
0xe: {  	p0 =	sne.s32 s13, $0x9FC0;
	[tilespmem:s14+$0x15400] =	vst v0;
	s14 =	smov.u32 s13;
	s13 =	sadd.s32 $0x40, s13  }
.Ltmp0:
0xf: {  	(pc) =	sbr.rel @p0 .LBB2_2-.Ltmp0, $2  }
0x10: {  	_ =	sdelay $0x2  }
0x11: {  	s14 =	sshra.s32 s14, $0x2  }
0x12: {  	[tilespmem:s14+$0x15400] =	vst v0  }
0x13: {  	[spmem:s4] =	stream.linear.scatter [tilespmem:s9], [sflag:$0x1], $0x2800, $0x38;
	[tilespmem:$0x1A400] =	vst v63  }
0x14: {  	_ =	swait.ge [sflag:s10], $0x2800  }
0x15: {  	[sflag:s10] =	ssyncset.done $0x0  }
0x16: {  	s30 =	simm.s32 $0x0;
	[sflag:s10] =	ssyncadd.s32 $0xFFFFD800  }
0x17: {  	[tilespmem:s30], [sflag:$0x1] =	stream.linear.gather [hbm4b:s5+s30], $0x1400, $0x38;
	[tilespmem:$0x1A400] =	vst v63  }
0x18: {  	_ =	swait.ge [sflag:s10], $0x1400  }
0x19: {  	[sflag:s10] =	ssyncset.done $0x0  }
0x1a: {  	s13 =	simm.s32 $0x1400;
	[sflag:s10] =	ssyncadd.s32 $0xFFFFEC00  }
0x1b: {  	[tilespmem:s13], [sflag:$0x1] =	stream.linear.gather [hbm4b:s6+s30], $0x14000, $0x38;
	[tilespmem:$0x1A400] =	vst v63  }
0x1c: {  	_ =	swait.ge [sflag:s10], $0x14000  }
0x1d: {  	[sflag:s10] =	ssyncset.done $0x0  }
0x1e: {  	[sflag:s10] =	ssyncadd.s32 $0xFFFEC000  }
0x1f: {  	s31 =	simm.s32 $0x0;
	[bflag:$0x0] =	sbarrier.arrive $0xFFFF  }
0x20: {  	[spmem:s2] =	stream.indirect.scatter.add.f32 [tilespmem:s13], [sflag:$0x1], $0x10, s31, s11, $0xb8;
	[tilespmem:$0x1A400] =	vst v63  }
0x21: {  	_ =	swait.ge [sflag:s10], $0x800  }
0x22: {  	s14 =	simm.s32 $0x200;
	[sflag:s10] =	ssyncset.done $0x0  }
.LBB2_4:
0x23: {  	s15 =	sshra.s32 s14, $0x2  }
0x24: {  	[sflag:s10] =	ssyncadd.s32 $0xFFFFF800;
	s13 =	sadd.s32 $0x800, s13;
	p0 =	sne.s32 s14, $0x4E00  }
0x25: {  	[spmem:s2] =	stream.indirect.scatter.add.f32 [tilespmem:s13], [sflag:$0x1], $0x10, s15, s11, $0xb8;
	[tilespmem:$0x1A400] =	vst v63  }
.Ltmp1:
0x26: {  	_ = 	snop;
	(pc) =	sbr.rel @p0 .LBB2_4-.Ltmp1, $4  }
0x27: {  	_ = 	snop  }
0x28: {  	s14 =	sadd.s32 $0x200, s14  }
0x29: {  	_ =	swait.ge [sflag:s10], $0x800  }
0x2a: {  	[sflag:s10] =	ssyncset.done $0x0  }
0x2b: {  	[sflag:s10] =	ssyncadd.s32 $0xFFFFF800  }
0x2c: {  	[bflag:$0x0] =	sbarrier.arrive $0xFFFF  }
0x2d: {  	[tilespmem:s9], [sflag:$0x1] =	stream.linear.gather [spmem:s4], $0x2800, $0x38;
	[tilespmem:$0x1A400] =	vst v63  }
0x2e: {  	s12 =	sadd.s32 $0x1, s12;
	_ =	swait.ge [sflag:s10], $0x2800  }
0x2f: {  	p0 =	sne.s32 s12, s8;
	[sflag:s10] =	ssyncset.done $0x0  }
.Ltmp2:
0x30: {  	[sflag:s10] =	ssyncadd.s32 $0xFFFFD800;
	(pc) =	sbr.rel @p0 .LBB2_1-.Ltmp2, $4  }
0x31: {  	[hbm4b:s7+s3] =	stream.linear.scatter [tilespmem:s9], [sflag:$0x1], $0x2800, $0x38;
	[tilespmem:$0x1A400] =	vst v63  }
0x32: {  	_ =	swait.ge [sflag:s10], $0x2800  }
0x33: {  	[sflag:s10] =	ssyncset.done $0x0  }
0x34: {  	[sflag:s10] =	ssyncadd.s32 $0xFFFFD800  }
0x35: {  	_ =	sfence.sel $0x180000  }
0x36: {  	[bflag:$0x0] =	sbarrier.arrive $0xFFFF  }
0x37: {  	p0 =	sne.s32 s1, $0x0;
	_ =	strace $0x90000059  }
0x38: {  	s0 =	sadd.s32 @!p0 $0x100000, s0;
	[bflag:$0x2] =	sbarrier.arrive $0xFFFF  }
0x39: {  	[sflag:s0] =	ssyncadd.tile.s32 @!p0 $0x1;
	_ =	shalt  }
.Lfunc_end2:
_tile_overlayer_lowered:
.L_overlay_start_2:
0x3a: {  	(tag) =	ssettag $0x2  }
0x3b: {  	s0 =	rddreg [dreg:$0x0];
	s2 =	stileid.u32  }
0x3c: {  	s1 =	rddreg [dreg:$0x1];
	p0 =	sne.s32 s2, $0x0  }
0x3d: {  	s3 =	rddreg [dreg:$0x2];
	[bflag:$0x3] =	sbarrier.arrive $0xFFFF;
	s2 =	simm.s32 @!p0 $0x1C01  }
0x3e: {  	[timem:s3], [sflag:s2] =	dma.local @!p0 [hbm:s0], s1  }
0x3f: {  	s0 =	simm.s32 @!p0 $0x1  }
0x40: {  	_ =	swait.ge @!p0 [sflag:s0], s1  }
0x41: {  	s1 =	ssub.s32 @!p0 $0x0, s1;
	[sflag:s0] =	ssyncset.done @!p0 $0x0  }
0x42: {  	[sflag:s0] =	ssyncadd.s32 @!p0 s1  }
0x43: {  	[bflag:$0x3] =	sbarrier.arrive $0xFFFF  }
0x44: {  	_ =	shalt  }

// kernel: kernel.40.cloned.1.call-start
scs
__scs_entry_jumppad:
0x0: {  	(pc) =	sbr.rel $0x88, $3  }
0x1: {  	(tag) =	ssettag $0x0;
	lr =	simm.s32 $0x1  }
0x2: {  	[smem:$0x3F84] =	sst lr;
	_ =	strace $0xD0000000  }
0x3: {  	_ = 	snop  }
0x4: {  	_ = 	snop  }
0x5: {  	_ = 	snop  }
0x6: {  	_ = 	snop  }
0x7: {  	_ = 	snop  }
__scs_overlays_trampoline_lowered:
0x8: {  	[smem:$0x3F93] =	sst s0  }
0x9: {  	[smem:$0x3F94] =	sst s1  }
0xa: {  	[smem:$0x3F95] =	sst s2  }
0xb: {  	[smem:$0x3F96] =	sst s3  }
0xc: {  	[smem:$0x3F97] =	sst s4  }
0xd: {  	[smem:$0x3F98] =	sst s5  }
0xe: {  	[smem:$0x3F99] =	sst s6  }
0xf: {  	[smem:$0x3F9A] =	sst s7  }
0x10: {  	[smem:$0x3F9B] =	sst s8  }
0x11: {  	[smem:$0x3F9C] =	sst s9;
	s0 =	simm.s32 @!p0 $0x0  }
0x12: {  	s1 =	sld [smem:$0x3F82];
	s0 =	simm.s32 @p0 $0x1  }
0x13: {  	[smem:$0x3F9D] =	sst s0;
	s0 =	simm.s32 @!p1 $0x0  }
0x14: {  	s2 =	sld [smem:$0x3F81];
	s0 =	simm.s32 @p1 $0x1  }
0x15: {  	[smem:$0x3F9E] =	sst s0;
	s0 =	simm.s32 @!p2 $0x0  }
0x16: {  	s3 =	sld [smem:$0x3FDB];
	s0 =	simm.s32 @p2 $0x1  }
0x17: {  	s4 =	simm.s32 $0x1BF5;
	[smem:$0x3FA0] =	sst s0  }
0x18: {  	s0 =	sld [smem:$0x3F83];
	_ =	swait.ge [sflag:s4], $0x0  }
0x19: {  	s7 =	sld [smem:$0x3F84]  }
0x1a: {  	s8 =	sadd.s32 $0xFFFFE003, lr  }
0x1b: {  	s9 =	sadd.s32 $0xFFFFFEF7, lr;
	s5 =	simm.s32 $0xFFFFFFFF;
	p2 =	slt.u32 s8, $0xFFFFF086  }
0x1c: {  	p1 =	slt.u32 s9, $0xF7A;
	s5 =	simm.s32 @!p2 $0x0  }
0x1d: {  	s5 =	simm.s32 @p1 $0x1;
	p0 =	seq.s32 s7, s2  }
0x1e: {  	s7 =	smul.u32 @!p0 $0xF7A, s2;
	p2 =	seq.s32 @!p0 s5, $0x0  }
0x1f: {  	s9 =	smul.u32 $0xF7A, s1;
	s8 =	simm.s32 @!p0 $0x1BF5;
	p2 =	por !p2, p0  }
0x20: {  	[sflag:s8] =	ssyncset.s32 @!p0 $0xFFFFF086;
	s6 =	sadd.s32 @!p0 s3, s7;
	s7 =	simm.s32 @!p0 $0x108  }
0x21: {  	s3 =	sadd.s32 s3, s9;
	s6 =	sadd.s32 @!p0 $0x88, s6;
	s7 =	simm.s32 @p2 $0x1082  }
0x22: {  	[simem:s7], [sflag:s8] =	dma.local @!p0 [hbm:s6], $0xF7A  }
0x23: {  	s9 =	sor.u32 $0xD0000000, s2;
	s6 =	simm.s32 $0x108;
	_ =	swait.ge @!p0 [sflag:s8], $0x0  }
0x24: {  	s3 =	sadd.s32 $0x88, s3;
	s6 =	simm.s32 @!p1 $0x1082;
	[sflag:s4] =	ssyncset.s32 $0xFFFFF086  }
0x25: {  	[simem:s6], [sflag:s4] =	dma.local [hbm:s3], $0xF7A  }
0x26: {  	[smem:$0x3F84] =	sst s1;
	(tag) =	ssettag s2;
	_ =	strace s9  }
0x27: {  	s1 =	sld [smem:$0x3F94]  }
0x28: {  	s2 =	sld [smem:$0x3F95]  }
0x29: {  	s4 =	sld [smem:$0x3F97]  }
0x2a: {  	p0 =	seq.s32 s5, $0x0;
	s5 =	sld [smem:$0x3F98]  }
0x2b: {  	s6 =	sld [smem:$0x3F99]  }
0x2c: {  	s7 =	sld [smem:$0x3F9A]  }
0x2d: {  	s3 =	simm.s32 $0x108;
	s8 =	sld [smem:$0x3F9B]  }
0x2e: {  	s3 =	simm.s32 @!p0 $0x1082;
	s9 =	sld [smem:$0x3F9C]  }
0x2f: {  	lr =	sadd.s32 s0, s3;
	s0 =	sld [smem:$0x3F93]  }
0x30: {  	s3 =	sld [smem:$0x3F96]  }
0x31: {  	[smem:$0x3F9F] =	sst s10  }
0x32: {  	s10 =	sld [smem:$0x3F9D];
	_ =	sdelay $0x3  }
0x33: {  	p0 =	seq.s32 s10, $0x1;
	s10 =	sld [smem:$0x3F9F];
	_ =	sdelay $0x3  }
0x34: {  	[smem:$0x3F9F] =	sst s10  }
0x35: {  	s10 =	sld [smem:$0x3F9E];
	_ =	sdelay $0x3  }
0x36: {  	p1 =	seq.s32 s10, $0x1;
	s10 =	sld [smem:$0x3F9F];
	_ =	sdelay $0x3  }
0x37: {  	[smem:$0x3F9F] =	sst s10  }
0x38: {  	s10 =	sld [smem:$0x3FA0]  }
0x39: {  	_ = 	snop;
	(pc) =	sbr.ind lr, $3  }
0x3a: {  	_ = 	snop  }
0x3b: {  	_ = 	snop  }
0x3c: {  	p2 =	seq.s32 s10, $0x1;
	s10 =	sld [smem:$0x3F9F]  }
0x3d: {  	_ =	shalt  }
0x3e: {  	_ =	shalt  }
0x3f: {  	_ =	shalt  }
0x40: {  	_ =	shalt  }
0x41: {  	_ =	shalt  }
0x42: {  	_ =	shalt  }
0x43: {  	_ =	shalt  }
0x44: {  	_ =	shalt  }
0x45: {  	_ =	shalt  }
0x46: {  	_ =	shalt  }
0x47: {  	_ =	shalt  }
0x48: {  	_ =	shalt  }
0x49: {  	_ =	shalt  }
0x4a: {  	_ =	shalt  }
0x4b: {  	_ =	shalt  }
0x4c: {  	_ =	shalt  }
0x4d: {  	_ =	shalt  }
0x4e: {  	_ =	shalt  }
0x4f: {  	_ =	shalt  }
0x50: {  	_ =	shalt  }
0x51: {  	_ =	shalt  }
0x52: {  	_ =	shalt  }
0x53: {  	_ =	shalt  }
0x54: {  	_ =	shalt  }
0x55: {  	_ =	shalt  }
0x56: {  	_ =	shalt  }
0x57: {  	_ =	shalt  }
0x58: {  	_ =	shalt  }
0x59: {  	_ =	shalt  }
0x5a: {  	_ =	shalt  }
0x5b: {  	_ =	shalt  }
0x5c: {  	_ =	shalt  }
0x5d: {  	_ =	shalt  }
0x5e: {  	_ =	shalt  }
0x5f: {  	_ =	shalt  }
0x60: {  	_ =	shalt  }
0x61: {  	_ =	shalt  }
0x62: {  	_ =	shalt  }
0x63: {  	_ =	shalt  }
0x64: {  	_ =	shalt  }
0x65: {  	_ =	shalt  }
0x66: {  	_ =	shalt  }
0x67: {  	_ =	shalt  }
0x68: {  	_ =	shalt  }
0x69: {  	_ =	shalt  }
0x6a: {  	_ =	shalt  }
0x6b: {  	_ =	shalt  }
0x6c: {  	_ =	shalt  }
0x6d: {  	_ =	shalt  }
0x6e: {  	_ =	shalt  }
0x6f: {  	_ =	shalt  }
0x70: {  	_ =	shalt  }
0x71: {  	_ =	shalt  }
0x72: {  	_ =	shalt  }
0x73: {  	_ =	shalt  }
0x74: {  	_ =	shalt  }
0x75: {  	_ =	shalt  }
0x76: {  	_ =	shalt  }
0x77: {  	_ =	shalt  }
0x78: {  	_ =	shalt  }
0x79: {  	_ =	shalt  }
0x7a: {  	_ =	shalt  }
0x7b: {  	_ =	shalt  }
0x7c: {  	_ =	shalt  }
0x7d: {  	_ =	shalt  }
0x7e: {  	_ =	shalt  }
0x7f: {  	_ =	shalt  }
0x80: {  	_ =	shalt  }
0x81: {  	_ =	shalt  }
0x82: {  	_ =	shalt  }
0x83: {  	_ =	shalt  }
0x84: {  	_ =	shalt  }
0x85: {  	_ =	shalt  }
0x86: {  	_ =	shalt  }
0x87: {  	_ =	shalt  }
.Lfunc_end0:
.L_simem_size_0:
called_computation.7_lowered:
.L_overlay_start_0:
0x88: {  	s2 =	sld [smem:$0x3FD9]  }
0x89: {  	s3 =	sld [smem:$0x3FFE];
	_ =	sdelay $0x1  }
0x8a: {  	s1 =	srdreg.scid  }
0x8b: {  	s0 =	sand.u32 $0x1, s1  }
0x8c: {  	s16 =	sshll.u32 s0, $0xA;
	s2 =	sadd.s32 s3, s2  }
0x8d: {  	s2 =	sadd.s32 s2, s16  }
0x8e: {  	[smem:$0x3FAB] =	sst s2  }
0x8f: {  	_ = 	snop  }
0x90: {  	(tm) =	ssettm $0x1  }
0x91: {  	s17 =	sld [smem:$0x3FFB];
	_ =	sdelay $0x3  }
0x92: {  	_ =	strace s17  }
0x93: {  	s2 =	sld [smem:$0x3FFC];
	_ =	sdelay $0x3  }
0x94: {  	_ =	strace s2  }
0x95: {  	s2 =	sld [smem:$0x3FFD];
	_ =	sdelay $0x3  }
0x96: {  	_ =	strace s2  }
0x97: {  	_ =	strace $0x8FFFFFFF  }
0x98: {  	s18 =	sld [smem:$0x3FDB];
	_ =	sdelay $0x1  }
0x99: {  	s19 =	simm.s32 $_scs_section_size  }
0x9a: {  	s4 =	simm.s32 $_size__tile_overlayer_lowered;
	s5 =	simm.s32 $_tile_overlayer_lowered  }
0x9b: {  	s22 =	simm.s32 $0x1BFF;
	s21 =	sshll.u32 s5, $0x1;
	s2 =	sadd.s32 s19, s18  }
0x9c: {  	s6 =	simm.s32 $0x0;
	s20 =	sshll.u32 s4, $0x1;
	s4 =	sadd.s32 s21, s2  }
0x9d: {  	[timem:s6], [sflag:s22] =	dma.local [hbm:s4], s20  }
0x9e: {  	_ =	swait.ge [sflag:s22], s20  }
0x9f: {  	s3 =	ssub.s32 $0x0, s20;
	[sflag:s22] =	ssyncset.done $0x0  }
0xa0: {  	[sflag:s22] =	ssyncadd.s32 s3;
	_ =	sdelay $0x1  }
0xa1: {  	s23 =	simm.s32 $0x1B8B  }
0xa2: {  	_ =	swait.ge [sflag:s23], $0x1  }
0xa3: {  	[sflag:s23] =	ssyncset.done $0x0  }
0xa4: {  	s25 =	simm.s32 $0x1B8E;
	s24 =	sld [smem:$0x3FFE];
	[sflag:s23] =	ssyncadd.s32 $0xFFFFFFFF  }
0xa5: {  	s26 =	simm.s32 $execute0_lowered;
	[smem:$0x3FD2] =	sst s25  }
0xa6: {  	s4 =	sshll.u32 s26, $0x1;
	_ =	strace $0x8000005B;
	[dreg:$0x1] =	wrdreg $0xFFFFFFFF  }
0xa7: {  	s28 =	simm.s32 $_size_execute0_lowered;
	s2 =	sadd.s32 s2, s4;
	[dreg:$0x0] =	wrdreg $0x0  }
0xa8: {  	s4 =	sshll.u32 s28, $0x1;
	[dreg:$0x2] =	wrdreg s2  }
0xa9: {  	[dreg:$0x3] =	wrdreg s4  }
0xaa: {  	[dreg:$0x4] =	wrdreg $0xC0  }
0xab: {  	_ =	task [dreg:s6], $0x5FFFF  }
0xac: {  	[dreg:$0x1] =	wrdreg $0xFFFFFFFF  }
0xad: {  	[dreg:$0x0] =	wrdreg $0x60  }
0xae: {  	[dreg:$0x2] =	wrdreg s24  }
0xaf: {  	[dreg:$0x3] =	wrdreg $0x9  }
0xb0: {  	_ =	task.clear_ibuf [dreg:s6], $0x4FFFF;
	_ =	strace $0x9000005B  }
0xb1: {  	s29 =	simm.s32 $0x9;
	_ =	strace $0x8000005D  }
0xb2: {  	_ =	swait.ge [sflag:s29], $0x1  }
0xb3: {  	[sflag:s29] =	ssyncadd.s32 $0xFFFFFFFF  }
0xb4: {  	_ =	strace $0x9000005D  }
0xb5: {  	_ =	sfence  }
0xb6: {  	s30 =	sld [smem:$0x0];
	_ =	sdelay $0x2  }
0xb7: {  	s31 =	sshll.u32 s1, $0xD;
	s1 =	sshrl.u32 s1, $0x2  }
0xb8: {  	s3 =	sand.u32 $0x4000, s31;
	s1 =	sadd.s32 s1, s30  }
0xb9: {  	s0 =	sor.u32 s3, s0;
	s1 =	sshll.u32 s1, $0x11  }
0xba: {  	s0 =	sor.u32 s1, s0  }
0xbb: {  	s0 =	sadd.s32 $0x8F2B, s0  }
0xbc: {  	[sflag:s0] =	ssyncadd.remote.s32 $0x1  }
0xbd: {  	_ =	sfence.sel $0xFFFF  }
0xbe: {  	[dreg:$0x0] =	wrdreg $0xFFFFFFFF;
	(pc) =	sbr.abs _section_cstart, $3  }
0xbf: {  	[dreg:$0x1] =	wrdreg $0xFFFFFFFF  }
0xc0: {  	_ =	task.clear_ibuf [dreg:s6], $0x2FFFF;
	_ =	strace $0x9FFFFFFF  }
0xc1: {  	(tm) =	ssettm $0x7FFFFFFF  }
tec
execute0_lowered:
.L_overlay_start_1:
0x0: {  	(tag) =	ssettag $0x1  }
0x1: {  	s2 =	stileid.u32  }
0x2: {  	s4 =	rddreg [dreg:$0x0];
	s13 =	sshll.u32 s2, $0x1;
	s2 =	simm.s32 $0x0  }
0x3: {  	s14 =	simm.s32 $0x1C00;
	[smem:$0x7FF] =	sst s2  }
0x4: {  	s15 =	simm.s32 $0x100;
	_ =	strace $0x8000005C;
	[dreg:$0x4] =	wrdreg s14  }
0x5: {  	s16 =	simm.s32 $0x2400;
	[dreg:$0x5] =	wrdreg s15  }
0x6: {  	s17 =	simm.s32 $0x180;
	[dreg:$0x6] =	wrdreg s16  }
0x7: {  	s18 =	simm.s32 $0x2C00;
	[dreg:$0x7] =	wrdreg s17  }
0x8: {  	s19 =	simm.s32 $0x200;
	[dreg:$0x8] =	wrdreg s18  }
0x9: {  	s20 =	simm.s32 $0x3400;
	[dreg:$0x9] =	wrdreg s19  }
0xa: {  	s21 =	simm.s32 $0x280;
	[dreg:$0xa] =	wrdreg s20  }
0xb: {  	s22 =	simm.s32 $0x3C00;
	[dreg:$0xb] =	wrdreg s21  }
0xc: {  	s23 =	simm.s32 $0x300;
	[dreg:$0xc] =	wrdreg s22  }
0xd: {  	s24 =	simm.s32 $0x4400;
	[dreg:$0xd] =	wrdreg s23  }
0xe: {  	s25 =	simm.s32 $0x380;
	[dreg:$0xe] =	wrdreg s24  }
0xf: {  	s26 =	simm.s32 $0x4C00;
	[dreg:$0xf] =	wrdreg s25  }
0x10: {  	s5 =	simm.s32 $0x5400;
	[dreg:$0x10] =	wrdreg s26  }
0x11: {  	s6 =	simm.s32 $0x480;
	[dreg:$0x12] =	wrdreg s5  }
0x12: {  	s7 =	simm.s32 $0x5C00;
	[dreg:$0x13] =	wrdreg s6  }
0x13: {  	s8 =	simm.s32 $0x500;
	[dreg:$0x14] =	wrdreg s7  }
0x14: {  	s9 =	simm.s32 $0x6400;
	[dreg:$0x15] =	wrdreg s8  }
0x15: {  	s10 =	simm.s32 $0x580;
	[dreg:$0x16] =	wrdreg s9  }
0x16: {  	s0 =	srdreg.scid;
	s11 =	simm.s32 $0x6C00;
	[dreg:$0x17] =	wrdreg s10  }
0x17: {  	s12 =	simm.s32 $0x600;
	s1 =	sand.u32 $0x1, s0;
	[dreg:$0x18] =	wrdreg s11  }
0x18: {  	s0 =	sor.u32 s1, s13;
	s13 =	simm.s32 $0x7400;
	[dreg:$0x19] =	wrdreg s12  }
0x19: {  	[dreg:$0x1a] =	wrdreg s13;
	s14 =	simm.s32 $0x680  }
0x1a: {  	s15 =	simm.s32 $0x7C00;
	[dreg:$0x1b] =	wrdreg s14  }
0x1b: {  	s16 =	simm.s32 $0x700;
	[dreg:$0x1c] =	wrdreg s15  }
0x1c: {  	s17 =	simm.s32 $0x8400;
	[dreg:$0x1d] =	wrdreg s16  }
0x1d: {  	s18 =	simm.s32 $0x780;
	[dreg:$0x1e] =	wrdreg s17  }
0x1e: {  	s19 =	simm.s32 $0x8C00;
	[dreg:$0x1f] =	wrdreg s18  }
0x1f: {  	s20 =	simm.s32 $0x800;
	[smem:$0x7E4] =	sst s19  }
0x20: {  	s21 =	simm.s32 $0x9400;
	[smem:$0x7EA] =	sst s20  }
0x21: {  	s22 =	simm.s32 $0x880;
	[smem:$0x7EB] =	sst s21  }
0x22: {  	s23 =	simm.s32 $0x9C00;
	[smem:$0x7E6] =	sst s22  }
0x23: {  	s24 =	simm.s32 $0x900;
	[smem:$0x7E5] =	sst s23  }
0x24: {  	s25 =	simm.s32 $0xA400;
	[smem:$0x7EE] =	sst s24  }
0x25: {  	s26 =	simm.s32 $0x980;
	[smem:$0x7E9] =	sst s25  }
0x26: {  	s5 =	simm.s32 $0xA00;
	[smem:$0x7E7] =	sst s26  }
0x27: {  	s6 =	simm.s32 $0xB400;
	[smem:$0x7F0] =	sst s5  }
0x28: {  	s7 =	simm.s32 $0xA80;
	[smem:$0x7EF] =	sst s6  }
0x29: {  	s8 =	simm.s32 $0xBC00;
	[smem:$0x7F1] =	sst s7  }
0x2a: {  	s9 =	simm.s32 $0xB00;
	[smem:$0x7ED] =	sst s8  }
0x2b: {  	s10 =	simm.s32 $0xC400;
	[smem:$0x7F2] =	sst s9  }
0x2c: {  	s11 =	simm.s32 $0xB80;
	[smem:$0x7E8] =	sst s10  }
0x2d: {  	s12 =	simm.s32 $0xCC00;
	[smem:$0x7F4] =	sst s11  }
0x2e: {  	s13 =	simm.s32 $0xC00;
	[smem:$0x7F3] =	sst s12  }
0x2f: {  	[smem:$0x7F8] =	sst s13;
	s14 =	simm.s32 $0xD400  }
0x30: {  	s15 =	simm.s32 $0xC80;
	[smem:$0x7F6] =	sst s14  }
0x31: {  	s16 =	simm.s32 $0xDC00;
	[smem:$0x7F9] =	sst s15  }
0x32: {  	s17 =	simm.s32 $0xD00;
	[smem:$0x7F7] =	sst s16  }
0x33: {  	s18 =	simm.s32 $0xE400;
	[smem:$0x7F5] =	sst s17  }
0x34: {  	s3 =	smul.u32 $0x280, s0;
	s19 =	simm.s32 $0xD80;
	[smem:$0x7FA] =	sst s18  }
0x35: {  	s0 =	smul.u32 $0x2800, s0;
	s20 =	simm.s32 $0xEC00;
	[smem:$0x7FC] =	sst s19  }
0x36: {  	s21 =	simm.s32 $0xE00;
	s3 =	sadd.s32 s3, s4;
	[smem:$0x7FB] =	sst s20  }
0x37: {  	s0 =	sadd.s32 s0, s4;
	[smem:$0x7FD] =	sst s21;
	s3 =	sadd.s32 $0x7400, s3  }
0x38: {  	s0 =	sadd.s32 $0xC400, s0;
	[dreg:$0x2] =	wrdreg s3  }
0x39: {  	[dreg:$0x3] =	wrdreg s0;
	s3 =	simm.s32 $0x400  }
0x3a: {  	[dreg:$0x11] =	wrdreg s3  }
0x3b: {  	s3 =	simm.s32 $0xAC00;
	s5 =	rddreg [dreg:$0x2]  }
0x3c: {  	[smem:$0x7EC] =	sst s3;
	s3 =	simm.s32 $0x2  }
0x3d: {  	[tilespmem:s2], [sflag:$0x2] =	stream.linear.gather [hbm4b:s5+s2], $0x1400, $0x38;
	[tilespmem:$0x15400] =	vst v63  }
0x3e: {  	_ =	swait.ge [sflag:s3], $0x1400  }
0x3f: {  	s22 =	rddreg [dreg:$0xe]  }
0x40: {  	s7 =	rddreg [dreg:$0xb]  }
0x41: {  	s8 =	rddreg [dreg:$0x1c]  }
0x42: {  	s9 =	rddreg [dreg:$0x9]  }
0x43: {  	s10 =	rddreg [dreg:$0x18]  }
0x44: {  	s11 =	rddreg [dreg:$0x14]  }
0x45: {  	s12 =	rddreg [dreg:$0x7]  }
0x46: {  	s13 =	rddreg [dreg:$0x10]  }
0x47: {  	s14 =	rddreg [dreg:$0xa]  }
0x48: {  	s15 =	rddreg [dreg:$0x8]  }
0x49: {  	s16 =	rddreg [dreg:$0xc]  }
0x4a: {  	s6 =	simm.s32 $0x80;
	s17 =	rddreg [dreg:$0x5]  }
0x4b: {  	s5 =	sadd.s32 $0x66400, s4;
	[sflag:s3] =	ssyncset.done $0x0;
	s18 =	rddreg [dreg:$0x4]  }
0x4c: {  	s4 =	simm.s32 $0x1400;
	s19 =	rddreg [dreg:$0x6];
	[sflag:s3] =	ssyncadd.s32 $0xFFFFEC00  }
0x4d: {  	[tilespmem:s4], [sflag:$0x1] =	stream.indirect.gather [hbm4b:s5+s6], $0x10, s2, s6, $0xb8;
	[tilespmem:$0x15400] =	vst v63  }
0x4e: {  	s20 =	rddreg [dreg:$0xd]  }
0x4f: {  	[tilespmem:s18], [sflag:$0x1] =	stream.indirect.gather [hbm4b:s5+s6], $0x10, s6, s6, $0xb8;
	[tilespmem:$0x15400] =	vst v63  }
0x50: {  	s21 =	rddreg [dreg:$0xf]  }
0x51: {  	[tilespmem:s19], [sflag:$0x1] =	stream.indirect.gather [hbm4b:s5+s6], $0x10, s17, s6, $0xb8;
	[tilespmem:$0x15400] =	vst v63  }
0x52: {  	s23 =	rddreg [dreg:$0x12]  }
0x53: {  	[tilespmem:s15], [sflag:$0x1] =	stream.indirect.gather [hbm4b:s5+s6], $0x10, s12, s6, $0xb8;
	[tilespmem:$0x15400] =	vst v63  }
0x54: {  	s24 =	rddreg [dreg:$0x11]  }
0x55: {  	[tilespmem:s14], [sflag:$0x1] =	stream.indirect.gather [hbm4b:s5+s6], $0x10, s9, s6, $0xb8;
	[tilespmem:$0x15400] =	vst v63  }
0x56: {  	s25 =	rddreg [dreg:$0x13]  }
0x57: {  	[tilespmem:s16], [sflag:$0x1] =	stream.indirect.gather [hbm4b:s5+s6], $0x10, s7, s6, $0xb8;
	[tilespmem:$0x15400] =	vst v63  }
0x58: {  	s26 =	rddreg [dreg:$0x16]  }
0x59: {  	[tilespmem:s22], [sflag:$0x1] =	stream.indirect.gather [hbm4b:s5+s6], $0x10, s20, s6, $0xb8;
	[tilespmem:$0x15400] =	vst v63  }
0x5a: {  	s18 =	rddreg [dreg:$0x1b]  }
0x5b: {  	[tilespmem:s13], [sflag:$0x1] =	stream.indirect.gather [hbm4b:s5+s6], $0x10, s21, s6, $0xb8;
	[tilespmem:$0x15400] =	vst v63  }
0x5c: {  	s17 =	rddreg [dreg:$0x19]  }
0x5d: {  	[tilespmem:s23], [sflag:$0x1] =	stream.indirect.gather [hbm4b:s5+s6], $0x10, s24, s6, $0xb8;
	[tilespmem:$0x15400] =	vst v63  }
0x5e: {  	s19 =	rddreg [dreg:$0x1e]  }
0x5f: {  	[tilespmem:s11], [sflag:$0x1] =	stream.indirect.gather [hbm4b:s5+s6], $0x10, s25, s6, $0xb8;
	[tilespmem:$0x15400] =	vst v63  }
0x60: {  	s14 =	rddreg [dreg:$0x15]  }
0x61: {  	[tilespmem:s26], [sflag:$0x1] =	stream.indirect.gather [hbm4b:s5+s6], $0x10, s14, s6, $0xb8;
	[tilespmem:$0x15400] =	vst v63  }
0x62: {  	s15 =	rddreg [dreg:$0x17]  }
0x63: {  	[tilespmem:s10], [sflag:$0x1] =	stream.indirect.gather [hbm4b:s5+s6], $0x10, s15, s6, $0xb8;
	[tilespmem:$0x15400] =	vst v63  }
0x64: {  	s16 =	rddreg [dreg:$0x1a]  }
0x65: {  	[tilespmem:s16], [sflag:$0x1] =	stream.indirect.gather [hbm4b:s5+s6], $0x10, s17, s6, $0xb8;
	[tilespmem:$0x15400] =	vst v63  }
0x66: {  	s20 =	rddreg [dreg:$0x1d]  }
0x67: {  	[tilespmem:s8], [sflag:$0x1] =	stream.indirect.gather [hbm4b:s5+s6], $0x10, s18, s6, $0xb8;
	[tilespmem:$0x15400] =	vst v63  }
0x68: {  	s22 =	sld [smem:$0x7E4]  }
0x69: {  	[tilespmem:s19], [sflag:$0x1] =	stream.indirect.gather [hbm4b:s5+s6], $0x10, s20, s6, $0xb8;
	[tilespmem:$0x15400] =	vst v63  }
0x6a: {  	s7 =	simm.s32 $0x1;
	s21 =	rddreg [dreg:$0x1f]  }
0x6b: {  	[tilespmem:s22], [sflag:$0x1] =	stream.indirect.gather [hbm4b:s5+s6], $0x10, s21, s6, $0xb8;
	[tilespmem:$0x15400] =	vst v63  }
0x6c: {  	_ =	swait.ge [sflag:s7], $0x4000  }
0x6d: {  	s23 =	sld [smem:$0x7E5]  }
0x6e: {  	s24 =	sld [smem:$0x7E6]  }
0x6f: {  	s25 =	sld [smem:$0x7E7]  }
0x70: {  	s26 =	sld [smem:$0x7E8]  }
0x71: {  	s14 =	sld [smem:$0x7E9]  }
0x72: {  	s15 =	sld [smem:$0x7EA]  }
0x73: {  	s16 =	sld [smem:$0x7EB]  }
0x74: {  	s17 =	sld [smem:$0x7EC]  }
0x75: {  	[sflag:s7] =	ssyncset.done $0x0;
	s18 =	sld [smem:$0x7ED]  }
0x76: {  	s19 =	sld [smem:$0x7EE];
	[sflag:s7] =	ssyncadd.s32 $0xFFFFC000  }
0x77: {  	[tilespmem:s16], [sflag:$0x1] =	stream.indirect.gather [hbm4b:s5+s6], $0x10, s15, s6, $0xb8;
	[tilespmem:$0x15400] =	vst v63  }
0x78: {  	s20 =	sld [smem:$0x7EF]  }
0x79: {  	[tilespmem:s23], [sflag:$0x1] =	stream.indirect.gather [hbm4b:s5+s6], $0x10, s24, s6, $0xb8;
	[tilespmem:$0x15400] =	vst v63  }
0x7a: {  	s21 =	sld [smem:$0x7F0]  }
0x7b: {  	[tilespmem:s14], [sflag:$0x1] =	stream.indirect.gather [hbm4b:s5+s6], $0x10, s19, s6, $0xb8;
	[tilespmem:$0x15400] =	vst v63  }
0x7c: {  	s22 =	sld [smem:$0x7F1]  }
0x7d: {  	[tilespmem:s17], [sflag:$0x1] =	stream.indirect.gather [hbm4b:s5+s6], $0x10, s25, s6, $0xb8;
	[tilespmem:$0x15400] =	vst v63  }
0x7e: {  	s23 =	sld [smem:$0x7F2]  }
0x7f: {  	[tilespmem:s20], [sflag:$0x1] =	stream.indirect.gather [hbm4b:s5+s6], $0x10, s21, s6, $0xb8;
	[tilespmem:$0x15400] =	vst v63  }
0x80: {  	s24 =	sld [smem:$0x7F3]  }
0x81: {  	[tilespmem:s18], [sflag:$0x1] =	stream.indirect.gather [hbm4b:s5+s6], $0x10, s22, s6, $0xb8;
	[tilespmem:$0x15400] =	vst v63  }
0x82: {  	s25 =	sld [smem:$0x7F4]  }
0x83: {  	[tilespmem:s26], [sflag:$0x1] =	stream.indirect.gather [hbm4b:s5+s6], $0x10, s23, s6, $0xb8;
	[tilespmem:$0x15400] =	vst v63  }
0x84: {  	_ = 	snop  }
0x85: {  	[tilespmem:s24], [sflag:$0x1] =	stream.indirect.gather [hbm4b:s5+s6], $0x10, s25, s6, $0xb8;
	[tilespmem:$0x15400] =	vst v63  }
0x86: {  	_ =	swait.ge [sflag:s7], $0x4000  }
0x87: {  	s26 =	sld [smem:$0x7F5]  }
0x88: {  	s10 =	sld [smem:$0x7F6]  }
0x89: {  	s11 =	sld [smem:$0x7F7]  }
0x8a: {  	s12 =	sld [smem:$0x7F8]  }
0x8b: {  	[sflag:s7] =	ssyncset.done $0x0;
	s13 =	sld [smem:$0x7F9]  }
0x8c: {  	s14 =	sld [smem:$0x7FA];
	[sflag:s7] =	ssyncadd.s32 $0xFFFFC000  }
0x8d: {  	[tilespmem:s10], [sflag:$0x1] =	stream.indirect.gather [hbm4b:s5+s6], $0x10, s12, s6, $0xb8;
	[tilespmem:$0x15400] =	vst v63  }
0x8e: {  	s16 =	sld [smem:$0x7FB]  }
0x8f: {  	[tilespmem:s11], [sflag:$0x1] =	stream.indirect.gather [hbm4b:s5+s6], $0x10, s13, s6, $0xb8;
	[tilespmem:$0x15400] =	vst v63  }
0x90: {  	s28 =	simm.s32 $0x1300;
	s1 =	ssub.s32 $0x2, s1;
	s17 =	sld [smem:$0x7FC]  }
0x91: {  	[tilespmem:s14], [sflag:$0x1] =	stream.indirect.gather [hbm4b:s5+s6], $0x10, s26, s6, $0xb8;
	[tilespmem:$0x15400] =	vst v63  }
0x92: {  	s29 =	simm.s32 $0x14400;
	s15 =	sshrl.u32 s1, $0x1;
	s20 =	sld [smem:$0x7FD]  }
0x93: {  	[tilespmem:s16], [sflag:$0x1] =	stream.indirect.gather [hbm4b:s5+s6], $0x10, s17, s6, $0xb8;
	[tilespmem:$0x15400] =	vst v63  }
0x94: {  	s30 =	simm.s32 $0x1380;
	s1 =	ssub.s32 s1, s15;
	s19 =	simm.s32 $0xF400  }
0x95: {  	[tilespmem:s19], [sflag:$0x1] =	stream.indirect.gather [hbm4b:s5+s6], $0x10, s20, s6, $0xb8;
	[tilespmem:$0x15400] =	vst v63  }
0x96: {  	s21 =	simm.s32 $0xE80;
	s18 =	smax.u32 s1, $0x1;
	s22 =	simm.s32 $0xFC00  }
0x97: {  	[tilespmem:s22], [sflag:$0x1] =	stream.indirect.gather [hbm4b:s5+s6], $0x10, s21, s6, $0xb8;
	[tilespmem:$0x15400] =	vst v63  }
0x98: {  	p0 =	sne.s32 s18, $0x1;
	s23 =	simm.s32 $0xF00;
	s24 =	simm.s32 $0x10400  }
0x99: {  	[tilespmem:s24], [sflag:$0x1] =	stream.indirect.gather [hbm4b:s5+s6], $0x10, s23, s6, $0xb8;
	[tilespmem:$0x15400] =	vst v63  }
.Ltmp0:
0x9a: {  	s25 =	simm.s32 $0xF80;
	s26 =	simm.s32 $0x10C00;
	(pc) =	sbr.rel @!p0 .LBB2_2-.Ltmp0, $4  }
0x9b: {  	[tilespmem:s26], [sflag:$0x1] =	stream.indirect.gather [hbm4b:s5+s6], $0x10, s25, s6, $0xb8;
	[tilespmem:$0x15400] =	vst v63  }
0x9c: {  	s31 =	simm.s32 $0x14C00;
	s1 =	sadd.s32 $0xFFFFFFFF, s18;
	_ =	swait.ge [sflag:s7], $0x4000  }
0x9d: {  	s23 =	simm.s32 $0x10C00;
	s24 =	simm.s32 $0x13400;
	[sflag:s7] =	ssyncset.done $0x0  }
0x9e: {  	s25 =	simm.s32 $0x1280;
	s26 =	simm.s32 $0x13C00;
	[sflag:s7] =	ssyncadd.s32 $0xFFFFC000  }
.LBB2_1:
0x9f: {  	s0 =	simm.s32 $0x1000;
	s8 =	simm.s32 $0x11400  }
0xa0: {  	[tilespmem:s8], [sflag:$0x1] =	stream.indirect.gather [hbm4b:s5+s6], $0x10, s0, s6, $0xb8;
	[tilespmem:$0x15400] =	vst v63  }
0xa1: {  	s11 =	simm.s32 $0x1080;
	s12 =	simm.s32 $0x11C00  }
0xa2: {  	[tilespmem:s12], [sflag:$0x1] =	stream.indirect.gather [hbm4b:s5+s6], $0x10, s11, s6, $0xb8;
	[tilespmem:$0x15400] =	vst v63  }
0xa3: {  	s13 =	simm.s32 $0x1100;
	s14 =	simm.s32 $0x12400  }
0xa4: {  	[tilespmem:s14], [sflag:$0x1] =	stream.indirect.gather [hbm4b:s5+s6], $0x10, s13, s6, $0xb8;
	[tilespmem:$0x15400] =	vst v63  }
0xa5: {  	s15 =	simm.s32 $0x1180;
	s16 =	simm.s32 $0x12C00  }
0xa6: {  	[tilespmem:s16], [sflag:$0x1] =	stream.indirect.gather [hbm4b:s5+s6], $0x10, s15, s6, $0xb8;
	[tilespmem:$0x15400] =	vst v63  }
0xa7: {  	s17 =	simm.s32 $0x1200  }
0xa8: {  	[tilespmem:s24], [sflag:$0x1] =	stream.indirect.gather [hbm4b:s5+s6], $0x10, s17, s6, $0xb8;
	[tilespmem:$0x15400] =	vst v63  }
0xa9: {  	_ = 	snop  }
0xaa: {  	[tilespmem:s26], [sflag:$0x1] =	stream.indirect.gather [hbm4b:s5+s6], $0x10, s25, s6, $0xb8;
	[tilespmem:$0x15400] =	vst v63  }
0xab: {  	_ = 	snop  }
0xac: {  	[tilespmem:s29], [sflag:$0x1] =	stream.indirect.gather [hbm4b:s5+s6], $0x10, s28, s6, $0xb8;
	[tilespmem:$0x15400] =	vst v63  }
0xad: {  	_ = 	snop  }
0xae: {  	[tilespmem:s31], [sflag:$0x1] =	stream.indirect.gather [hbm4b:s5+s6], $0x10, s30, s6, $0xb8;
	[tilespmem:$0x15400] =	vst v63  }
0xaf: {  	_ =	swait.ge [sflag:s7], $0x4000  }
0xb0: {  	[sflag:s7] =	ssyncset.done $0x0  }
0xb1: {  	[sflag:s7] =	ssyncadd.s32 $0xFFFFC000  }
0xb2: {  	_ =	swait.ge [sflag:s7], $0x4000  }
0xb3: {  	[sflag:s7] =	ssyncset.done $0x0  }
0xb4: {  	s18 =	rddreg [dreg:$0x3];
	[sflag:s7] =	ssyncadd.s32 $0xFFFFC000  }
0xb5: {  	[hbm4b:s18+s2] =	stream.linear.scatter [tilespmem:s4], [sflag:$0x2], $0x14000, $0x38;
	[tilespmem:$0x15400] =	vst v63  }
0xb6: {  	_ =	swait.ge [sflag:s3], $0x14000  }
0xb7: {  	[sflag:s3] =	ssyncset.done $0x0  }
0xb8: {  	s19 =	rddreg [dreg:$0x2];
	[sflag:s3] =	ssyncadd.s32 $0xFFFEC000  }
0xb9: {  	[tilespmem:s2], [sflag:$0x2] =	stream.linear.gather [hbm4b:s19+s2], $0x1400, $0x38;
	[tilespmem:$0x15400] =	vst v63  }
0xba: {  	_ =	swait.ge [sflag:s3], $0x1400  }
0xbb: {  	s9 =	rddreg [dreg:$0xe]  }
0xbc: {  	s10 =	rddreg [dreg:$0xb]  }
0xbd: {  	s0 =	rddreg [dreg:$0x1c]  }
0xbe: {  	s11 =	rddreg [dreg:$0x9]  }
0xbf: {  	s8 =	rddreg [dreg:$0x18]  }
0xc0: {  	s12 =	rddreg [dreg:$0x14]  }
0xc1: {  	s13 =	rddreg [dreg:$0x7]  }
0xc2: {  	s14 =	rddreg [dreg:$0x10]  }
0xc3: {  	s15 =	rddreg [dreg:$0xa]  }
0xc4: {  	s16 =	rddreg [dreg:$0x8]  }
0xc5: {  	s17 =	rddreg [dreg:$0xc]  }
0xc6: {  	s18 =	rddreg [dreg:$0x5]  }
0xc7: {  	[sflag:s3] =	ssyncset.done $0x0;
	s19 =	rddreg [dreg:$0x4]  }
0xc8: {  	s20 =	rddreg [dreg:$0x6];
	[sflag:s3] =	ssyncadd.s32 $0xFFFFEC00  }
0xc9: {  	[tilespmem:s4], [sflag:$0x1] =	stream.indirect.gather [hbm4b:s5+s6], $0x10, s2, s6, $0xb8;
	[tilespmem:$0x15400] =	vst v63  }
0xca: {  	s21 =	rddreg [dreg:$0xd]  }
0xcb: {  	[tilespmem:s19], [sflag:$0x1] =	stream.indirect.gather [hbm4b:s5+s6], $0x10, s6, s6, $0xb8;
	[tilespmem:$0x15400] =	vst v63  }
0xcc: {  	s22 =	rddreg [dreg:$0xf]  }
0xcd: {  	[tilespmem:s20], [sflag:$0x1] =	stream.indirect.gather [hbm4b:s5+s6], $0x10, s18, s6, $0xb8;
	[tilespmem:$0x15400] =	vst v63  }
0xce: {  	s19 =	rddreg [dreg:$0x12]  }
0xcf: {  	[tilespmem:s16], [sflag:$0x1] =	stream.indirect.gather [hbm4b:s5+s6], $0x10, s13, s6, $0xb8;
	[tilespmem:$0x15400] =	vst v63  }
0xd0: {  	s18 =	rddreg [dreg:$0x11]  }
0xd1: {  	[tilespmem:s15], [sflag:$0x1] =	stream.indirect.gather [hbm4b:s5+s6], $0x10, s11, s6, $0xb8;
	[tilespmem:$0x15400] =	vst v63  }
0xd2: {  	s20 =	rddreg [dreg:$0x15]  }
0xd3: {  	[tilespmem:s17], [sflag:$0x1] =	stream.indirect.gather [hbm4b:s5+s6], $0x10, s10, s6, $0xb8;
	[tilespmem:$0x15400] =	vst v63  }
0xd4: {  	s13 =	rddreg [dreg:$0x13]  }
0xd5: {  	[tilespmem:s9], [sflag:$0x1] =	stream.indirect.gather [hbm4b:s5+s6], $0x10, s21, s6, $0xb8;
	[tilespmem:$0x15400] =	vst v63  }
0xd6: {  	s16 =	rddreg [dreg:$0x1a]  }
0xd7: {  	[tilespmem:s14], [sflag:$0x1] =	stream.indirect.gather [hbm4b:s5+s6], $0x10, s22, s6, $0xb8;
	[tilespmem:$0x15400] =	vst v63  }
0xd8: {  	s11 =	rddreg [dreg:$0x16]  }
0xd9: {  	[tilespmem:s19], [sflag:$0x1] =	stream.indirect.gather [hbm4b:s5+s6], $0x10, s18, s6, $0xb8;
	[tilespmem:$0x15400] =	vst v63  }
0xda: {  	s15 =	rddreg [dreg:$0x17]  }
0xdb: {  	[tilespmem:s12], [sflag:$0x1] =	stream.indirect.gather [hbm4b:s5+s6], $0x10, s13, s6, $0xb8;
	[tilespmem:$0x15400] =	vst v63  }
0xdc: {  	s17 =	rddreg [dreg:$0x19]  }
0xdd: {  	[tilespmem:s11], [sflag:$0x1] =	stream.indirect.gather [hbm4b:s5+s6], $0x10, s20, s6, $0xb8;
	[tilespmem:$0x15400] =	vst v63  }
0xde: {  	s22 =	sld [smem:$0x7E4]  }
0xdf: {  	[tilespmem:s8], [sflag:$0x1] =	stream.indirect.gather [hbm4b:s5+s6], $0x10, s15, s6, $0xb8;
	[tilespmem:$0x15400] =	vst v63  }
0xe0: {  	s18 =	rddreg [dreg:$0x1b]  }
0xe1: {  	[tilespmem:s16], [sflag:$0x1] =	stream.indirect.gather [hbm4b:s5+s6], $0x10, s17, s6, $0xb8;
	[tilespmem:$0x15400] =	vst v63  }
0xe2: {  	s19 =	rddreg [dreg:$0x1e]  }
0xe3: {  	[tilespmem:s0], [sflag:$0x1] =	stream.indirect.gather [hbm4b:s5+s6], $0x10, s18, s6, $0xb8;
	[tilespmem:$0x15400] =	vst v63  }
0xe4: {  	s20 =	rddreg [dreg:$0x1d]  }
0xe5: {  	[tilespmem:s19], [sflag:$0x1] =	stream.indirect.gather [hbm4b:s5+s6], $0x10, s20, s6, $0xb8;
	[tilespmem:$0x15400] =	vst v63  }
0xe6: {  	s21 =	rddreg [dreg:$0x1f]  }
0xe7: {  	[tilespmem:s22], [sflag:$0x1] =	stream.indirect.gather [hbm4b:s5+s6], $0x10, s21, s6, $0xb8;
	[tilespmem:$0x15400] =	vst v63  }
0xe8: {  	_ =	swait.ge [sflag:s7], $0x4000  }
0xe9: {  	s11 =	sld [smem:$0x7E5]  }
0xea: {  	s14 =	sld [smem:$0x7E6]  }
0xeb: {  	s15 =	sld [smem:$0x7E7]  }
0xec: {  	s10 =	sld [smem:$0x7E8]  }
0xed: {  	s16 =	sld [smem:$0x7E9]  }
0xee: {  	s17 =	sld [smem:$0x7EA]  }
0xef: {  	s18 =	sld [smem:$0x7EB]  }
0xf0: {  	s19 =	sld [smem:$0x7EC]  }
0xf1: {  	[sflag:s7] =	ssyncset.done $0x0;
	s20 =	sld [smem:$0x7ED]  }
0xf2: {  	s21 =	sld [smem:$0x7EE];
	[sflag:s7] =	ssyncadd.s32 $0xFFFFC000  }
0xf3: {  	[tilespmem:s18], [sflag:$0x1] =	stream.indirect.gather [hbm4b:s5+s6], $0x10, s17, s6, $0xb8;
	[tilespmem:$0x15400] =	vst v63  }
0xf4: {  	s22 =	sld [smem:$0x7EF]  }
0xf5: {  	[tilespmem:s11], [sflag:$0x1] =	stream.indirect.gather [hbm4b:s5+s6], $0x10, s14, s6, $0xb8;
	[tilespmem:$0x15400] =	vst v63  }
0xf6: {  	s8 =	sld [smem:$0x7F0]  }
0xf7: {  	[tilespmem:s16], [sflag:$0x1] =	stream.indirect.gather [hbm4b:s5+s6], $0x10, s21, s6, $0xb8;
	[tilespmem:$0x15400] =	vst v63  }
0xf8: {  	s13 =	sld [smem:$0x7F1]  }
0xf9: {  	[tilespmem:s19], [sflag:$0x1] =	stream.indirect.gather [hbm4b:s5+s6], $0x10, s15, s6, $0xb8;
	[tilespmem:$0x15400] =	vst v63  }
0xfa: {  	s17 =	sld [smem:$0x7F3]  }
0xfb: {  	[tilespmem:s22], [sflag:$0x1] =	stream.indirect.gather [hbm4b:s5+s6], $0x10, s8, s6, $0xb8;
	[tilespmem:$0x15400] =	vst v63  }
0xfc: {  	s16 =	sld [smem:$0x7F2]  }
0xfd: {  	[tilespmem:s20], [sflag:$0x1] =	stream.indirect.gather [hbm4b:s5+s6], $0x10, s13, s6, $0xb8;
	[tilespmem:$0x15400] =	vst v63  }
0xfe: {  	s18 =	sld [smem:$0x7F4]  }
0xff: {  	[tilespmem:s10], [sflag:$0x1] =	stream.indirect.gather [hbm4b:s5+s6], $0x10, s16, s6, $0xb8;
	[tilespmem:$0x15400] =	vst v63  }
0x100: {  	_ = 	snop  }
0x101: {  	[tilespmem:s17], [sflag:$0x1] =	stream.indirect.gather [hbm4b:s5+s6], $0x10, s18, s6, $0xb8;
	[tilespmem:$0x15400] =	vst v63  }
0x102: {  	_ =	swait.ge [sflag:s7], $0x4000  }
0x103: {  	s19 =	sld [smem:$0x7F5]  }
0x104: {  	s20 =	sld [smem:$0x7F6]  }
0x105: {  	s21 =	sld [smem:$0x7F7]  }
0x106: {  	s12 =	sld [smem:$0x7F8]  }
0x107: {  	[sflag:s7] =	ssyncset.done $0x0;
	s22 =	sld [smem:$0x7F9]  }
0x108: {  	s13 =	sld [smem:$0x7FA];
	[sflag:s7] =	ssyncadd.s32 $0xFFFFC000  }
0x109: {  	[tilespmem:s20], [sflag:$0x1] =	stream.indirect.gather [hbm4b:s5+s6], $0x10, s12, s6, $0xb8;
	[tilespmem:$0x15400] =	vst v63  }
0x10a: {  	s14 =	sld [smem:$0x7FB]  }
0x10b: {  	[tilespmem:s21], [sflag:$0x1] =	stream.indirect.gather [hbm4b:s5+s6], $0x10, s22, s6, $0xb8;
	[tilespmem:$0x15400] =	vst v63  }
0x10c: {  	s15 =	sld [smem:$0x7FC]  }
0x10d: {  	[tilespmem:s13], [sflag:$0x1] =	stream.indirect.gather [hbm4b:s5+s6], $0x10, s19, s6, $0xb8;
	[tilespmem:$0x15400] =	vst v63  }
0x10e: {  	s16 =	sld [smem:$0x7FD]  }
0x10f: {  	[tilespmem:s14], [sflag:$0x1] =	stream.indirect.gather [hbm4b:s5+s6], $0x10, s15, s6, $0xb8;
	[tilespmem:$0x15400] =	vst v63  }
0x110: {  	s17 =	simm.s32 $0xF400  }
0x111: {  	[tilespmem:s17], [sflag:$0x1] =	stream.indirect.gather [hbm4b:s5+s6], $0x10, s16, s6, $0xb8;
	[tilespmem:$0x15400] =	vst v63  }
0x112: {  	s18 =	simm.s32 $0xE80;
	s19 =	simm.s32 $0xFC00  }
0x113: {  	[tilespmem:s19], [sflag:$0x1] =	stream.indirect.gather [hbm4b:s5+s6], $0x10, s18, s6, $0xb8;
	[tilespmem:$0x15400] =	vst v63  }
0x114: {  	p0 =	sne.s32 s1, $0x1;
	s20 =	simm.s32 $0xF00;
	s21 =	simm.s32 $0x10400  }
0x115: {  	[tilespmem:s21], [sflag:$0x1] =	stream.indirect.gather [hbm4b:s5+s6], $0x10, s20, s6, $0xb8;
	[tilespmem:$0x15400] =	vst v63  }
.Ltmp1:
0x116: {  	s22 =	simm.s32 $0xF80;
	(pc) =	sbr.rel @p0 .LBB2_1-.Ltmp1, $4  }
0x117: {  	[tilespmem:s23], [sflag:$0x1] =	stream.indirect.gather [hbm4b:s5+s6], $0x10, s22, s6, $0xb8;
	[tilespmem:$0x15400] =	vst v63  }
0x118: {  	_ =	swait.ge [sflag:s7], $0x4000  }
0x119: {  	[sflag:s7] =	ssyncset.done $0x0  }
0x11a: {  	s1 =	sadd.s32 $0xFFFFFFFF, s1;
	[sflag:s7] =	ssyncadd.s32 $0xFFFFC000  }
.LBB2_2:
0x11b: {  	s0 =	simm.s32 $0x1000;
	s1 =	simm.s32 $0x11400  }
0x11c: {  	[tilespmem:s1], [sflag:$0x1] =	stream.indirect.gather [hbm4b:s5+s6], $0x10, s0, s6, $0xb8;
	[tilespmem:$0x15400] =	vst v63  }
0x11d: {  	s17 =	simm.s32 $0x1080;
	s18 =	simm.s32 $0x11C00  }
0x11e: {  	[tilespmem:s18], [sflag:$0x1] =	stream.indirect.gather [hbm4b:s5+s6], $0x10, s17, s6, $0xb8;
	[tilespmem:$0x15400] =	vst v63  }
0x11f: {  	s19 =	simm.s32 $0x1100;
	s20 =	simm.s32 $0x12400  }
0x120: {  	[tilespmem:s20], [sflag:$0x1] =	stream.indirect.gather [hbm4b:s5+s6], $0x10, s19, s6, $0xb8;
	[tilespmem:$0x15400] =	vst v63  }
0x121: {  	s21 =	simm.s32 $0x1180;
	s22 =	simm.s32 $0x12C00  }
0x122: {  	[tilespmem:s22], [sflag:$0x1] =	stream.indirect.gather [hbm4b:s5+s6], $0x10, s21, s6, $0xb8;
	[tilespmem:$0x15400] =	vst v63  }
0x123: {  	s23 =	simm.s32 $0x1200  }
0x124: {  	[tilespmem:s24], [sflag:$0x1] =	stream.indirect.gather [hbm4b:s5+s6], $0x10, s23, s6, $0xb8;
	[tilespmem:$0x15400] =	vst v63  }
0x125: {  	_ = 	snop  }
0x126: {  	[tilespmem:s26], [sflag:$0x1] =	stream.indirect.gather [hbm4b:s5+s6], $0x10, s25, s6, $0xb8;
	[tilespmem:$0x15400] =	vst v63  }
0x127: {  	_ = 	snop  }
0x128: {  	[tilespmem:s29], [sflag:$0x1] =	stream.indirect.gather [hbm4b:s5+s6], $0x10, s28, s6, $0xb8;
	[tilespmem:$0x15400] =	vst v63  }
0x129: {  	_ = 	snop  }
0x12a: {  	[tilespmem:s31], [sflag:$0x1] =	stream.indirect.gather [hbm4b:s5+s6], $0x10, s30, s6, $0xb8;
	[tilespmem:$0x15400] =	vst v63  }
0x12b: {  	_ =	swait.ge [sflag:s7], $0x4000  }
0x12c: {  	[sflag:s7] =	ssyncset.done $0x0  }
0x12d: {  	[sflag:s7] =	ssyncadd.s32 $0xFFFFC000  }
0x12e: {  	_ =	swait.ge [sflag:s7], $0x4000  }
0x12f: {  	[sflag:s7] =	ssyncset.done $0x0  }
0x130: {  	s30 =	rddreg [dreg:$0x3];
	[sflag:s7] =	ssyncadd.s32 $0xFFFFC000  }
0x131: {  	[hbm4b:s30+s2] =	stream.linear.scatter [tilespmem:s4], [sflag:$0x2], $0x14000, $0x38;
	[tilespmem:$0x15400] =	vst v63  }
0x132: {  	_ =	swait.ge [sflag:s3], $0x14000  }
0x133: {  	[sflag:s3] =	ssyncset.done $0x0  }
0x134: {  	[sflag:s3] =	ssyncadd.s32 $0xFFFEC000  }
0x135: {  	_ =	sfence.sel $0x180000  }
0x136: {  	[bflag:$0x0] =	sbarrier.arrive $0xFFFF  }
0x137: {  	_ =	strace $0x9000005C  }
0x138: {  	s31 =	stileid.u32;
	[bflag:$0x2] =	sbarrier.arrive $0xFFFF  }
0x139: {  	p0 =	sne.s32 s31, $0x0;
	s0 =	rddreg [dreg:$0x1]  }
0x13a: {  	s0 =	sadd.s32 @!p0 $0x100000, s0  }
0x13b: {  	[sflag:s0] =	ssyncadd.tile.s32 @!p0 $0x1;
	_ =	shalt  }
.Lfunc_end2:
_tile_overlayer_lowered:
.L_overlay_start_2:
0x13c: {  	(tag) =	ssettag $0x2  }
0x13d: {  	s0 =	rddreg [dreg:$0x0];
	s2 =	stileid.u32  }
0x13e: {  	s1 =	rddreg [dreg:$0x1];
	p0 =	sne.s32 s2, $0x0  }
0x13f: {  	s3 =	rddreg [dreg:$0x2];
	[bflag:$0x3] =	sbarrier.arrive $0xFFFF;
	s2 =	simm.s32 @!p0 $0x1C02  }
0x140: {  	[timem:s3], [sflag:s2] =	dma.local @!p0 [hbm:s0], s1  }
0x141: {  	s0 =	simm.s32 @!p0 $0x2  }
0x142: {  	_ =	swait.ge @!p0 [sflag:s0], s1  }
0x143: {  	s1 =	ssub.s32 @!p0 $0x0, s1;
	[sflag:s0] =	ssyncset.done @!p0 $0x0  }
0x144: {  	[sflag:s0] =	ssyncadd.s32 @!p0 s1  }
0x145: {  	[bflag:$0x3] =	sbarrier.arrive $0xFFFF  }
0x146: {  	_ =	shalt  }

// kernel: kernel.43.cloned.1.call-start
scs
__scs_entry_jumppad:
0x0: {  	(pc) =	sbr.rel $0x88, $3  }
0x1: {  	(tag) =	ssettag $0x0;
	lr =	simm.s32 $0x1  }
0x2: {  	[smem:$0x3F84] =	sst lr;
	_ =	strace $0xD0000000  }
0x3: {  	_ = 	snop  }
0x4: {  	_ = 	snop  }
0x5: {  	_ = 	snop  }
0x6: {  	_ = 	snop  }
0x7: {  	_ = 	snop  }
__scs_overlays_trampoline_lowered:
0x8: {  	[smem:$0x3F93] =	sst s0  }
0x9: {  	[smem:$0x3F94] =	sst s1  }
0xa: {  	[smem:$0x3F95] =	sst s2  }
0xb: {  	[smem:$0x3F96] =	sst s3  }
0xc: {  	[smem:$0x3F97] =	sst s4  }
0xd: {  	[smem:$0x3F98] =	sst s5  }
0xe: {  	[smem:$0x3F99] =	sst s6  }
0xf: {  	[smem:$0x3F9A] =	sst s7  }
0x10: {  	[smem:$0x3F9B] =	sst s8  }
0x11: {  	[smem:$0x3F9C] =	sst s9;
	s0 =	simm.s32 @!p0 $0x0  }
0x12: {  	s1 =	sld [smem:$0x3F82];
	s0 =	simm.s32 @p0 $0x1  }
0x13: {  	[smem:$0x3F9D] =	sst s0;
	s0 =	simm.s32 @!p1 $0x0  }
0x14: {  	s2 =	sld [smem:$0x3F81];
	s0 =	simm.s32 @p1 $0x1  }
0x15: {  	[smem:$0x3F9E] =	sst s0;
	s0 =	simm.s32 @!p2 $0x0  }
0x16: {  	s3 =	sld [smem:$0x3FDB];
	s0 =	simm.s32 @p2 $0x1  }
0x17: {  	s4 =	simm.s32 $0x1BF5;
	[smem:$0x3FA0] =	sst s0  }
0x18: {  	s0 =	sld [smem:$0x3F83];
	_ =	swait.ge [sflag:s4], $0x0  }
0x19: {  	s7 =	sld [smem:$0x3F84]  }
0x1a: {  	s8 =	sadd.s32 $0xFFFFE003, lr  }
0x1b: {  	s9 =	sadd.s32 $0xFFFFFEF7, lr;
	s5 =	simm.s32 $0xFFFFFFFF;
	p2 =	slt.u32 s8, $0xFFFFF086  }
0x1c: {  	p1 =	slt.u32 s9, $0xF7A;
	s5 =	simm.s32 @!p2 $0x0  }
0x1d: {  	s5 =	simm.s32 @p1 $0x1;
	p0 =	seq.s32 s7, s2  }
0x1e: {  	s7 =	smul.u32 @!p0 $0xF7A, s2;
	p2 =	seq.s32 @!p0 s5, $0x0  }
0x1f: {  	s9 =	smul.u32 $0xF7A, s1;
	s8 =	simm.s32 @!p0 $0x1BF5;
	p2 =	por !p2, p0  }
0x20: {  	[sflag:s8] =	ssyncset.s32 @!p0 $0xFFFFF086;
	s6 =	sadd.s32 @!p0 s3, s7;
	s7 =	simm.s32 @!p0 $0x108  }
0x21: {  	s3 =	sadd.s32 s3, s9;
	s6 =	sadd.s32 @!p0 $0x88, s6;
	s7 =	simm.s32 @p2 $0x1082  }
0x22: {  	[simem:s7], [sflag:s8] =	dma.local @!p0 [hbm:s6], $0xF7A  }
0x23: {  	s9 =	sor.u32 $0xD0000000, s2;
	s6 =	simm.s32 $0x108;
	_ =	swait.ge @!p0 [sflag:s8], $0x0  }
0x24: {  	s3 =	sadd.s32 $0x88, s3;
	s6 =	simm.s32 @!p1 $0x1082;
	[sflag:s4] =	ssyncset.s32 $0xFFFFF086  }
0x25: {  	[simem:s6], [sflag:s4] =	dma.local [hbm:s3], $0xF7A  }
0x26: {  	[smem:$0x3F84] =	sst s1;
	(tag) =	ssettag s2;
	_ =	strace s9  }
0x27: {  	s1 =	sld [smem:$0x3F94]  }
0x28: {  	s2 =	sld [smem:$0x3F95]  }
0x29: {  	s4 =	sld [smem:$0x3F97]  }
0x2a: {  	p0 =	seq.s32 s5, $0x0;
	s5 =	sld [smem:$0x3F98]  }
0x2b: {  	s6 =	sld [smem:$0x3F99]  }
0x2c: {  	s7 =	sld [smem:$0x3F9A]  }
0x2d: {  	s3 =	simm.s32 $0x108;
	s8 =	sld [smem:$0x3F9B]  }
0x2e: {  	s3 =	simm.s32 @!p0 $0x1082;
	s9 =	sld [smem:$0x3F9C]  }
0x2f: {  	lr =	sadd.s32 s0, s3;
	s0 =	sld [smem:$0x3F93]  }
0x30: {  	s3 =	sld [smem:$0x3F96]  }
0x31: {  	[smem:$0x3F9F] =	sst s10  }
0x32: {  	s10 =	sld [smem:$0x3F9D];
	_ =	sdelay $0x3  }
0x33: {  	p0 =	seq.s32 s10, $0x1;
	s10 =	sld [smem:$0x3F9F];
	_ =	sdelay $0x3  }
0x34: {  	[smem:$0x3F9F] =	sst s10  }
0x35: {  	s10 =	sld [smem:$0x3F9E];
	_ =	sdelay $0x3  }
0x36: {  	p1 =	seq.s32 s10, $0x1;
	s10 =	sld [smem:$0x3F9F];
	_ =	sdelay $0x3  }
0x37: {  	[smem:$0x3F9F] =	sst s10  }
0x38: {  	s10 =	sld [smem:$0x3FA0]  }
0x39: {  	_ = 	snop;
	(pc) =	sbr.ind lr, $3  }
0x3a: {  	_ = 	snop  }
0x3b: {  	_ = 	snop  }
0x3c: {  	p2 =	seq.s32 s10, $0x1;
	s10 =	sld [smem:$0x3F9F]  }
0x3d: {  	_ =	shalt  }
0x3e: {  	_ =	shalt  }
0x3f: {  	_ =	shalt  }
0x40: {  	_ =	shalt  }
0x41: {  	_ =	shalt  }
0x42: {  	_ =	shalt  }
0x43: {  	_ =	shalt  }
0x44: {  	_ =	shalt  }
0x45: {  	_ =	shalt  }
0x46: {  	_ =	shalt  }
0x47: {  	_ =	shalt  }
0x48: {  	_ =	shalt  }
0x49: {  	_ =	shalt  }
0x4a: {  	_ =	shalt  }
0x4b: {  	_ =	shalt  }
0x4c: {  	_ =	shalt  }
0x4d: {  	_ =	shalt  }
0x4e: {  	_ =	shalt  }
0x4f: {  	_ =	shalt  }
0x50: {  	_ =	shalt  }
0x51: {  	_ =	shalt  }
0x52: {  	_ =	shalt  }
0x53: {  	_ =	shalt  }
0x54: {  	_ =	shalt  }
0x55: {  	_ =	shalt  }
0x56: {  	_ =	shalt  }
0x57: {  	_ =	shalt  }
0x58: {  	_ =	shalt  }
0x59: {  	_ =	shalt  }
0x5a: {  	_ =	shalt  }
0x5b: {  	_ =	shalt  }
0x5c: {  	_ =	shalt  }
0x5d: {  	_ =	shalt  }
0x5e: {  	_ =	shalt  }
0x5f: {  	_ =	shalt  }
0x60: {  	_ =	shalt  }
0x61: {  	_ =	shalt  }
0x62: {  	_ =	shalt  }
0x63: {  	_ =	shalt  }
0x64: {  	_ =	shalt  }
0x65: {  	_ =	shalt  }
0x66: {  	_ =	shalt  }
0x67: {  	_ =	shalt  }
0x68: {  	_ =	shalt  }
0x69: {  	_ =	shalt  }
0x6a: {  	_ =	shalt  }
0x6b: {  	_ =	shalt  }
0x6c: {  	_ =	shalt  }
0x6d: {  	_ =	shalt  }
0x6e: {  	_ =	shalt  }
0x6f: {  	_ =	shalt  }
0x70: {  	_ =	shalt  }
0x71: {  	_ =	shalt  }
0x72: {  	_ =	shalt  }
0x73: {  	_ =	shalt  }
0x74: {  	_ =	shalt  }
0x75: {  	_ =	shalt  }
0x76: {  	_ =	shalt  }
0x77: {  	_ =	shalt  }
0x78: {  	_ =	shalt  }
0x79: {  	_ =	shalt  }
0x7a: {  	_ =	shalt  }
0x7b: {  	_ =	shalt  }
0x7c: {  	_ =	shalt  }
0x7d: {  	_ =	shalt  }
0x7e: {  	_ =	shalt  }
0x7f: {  	_ =	shalt  }
0x80: {  	_ =	shalt  }
0x81: {  	_ =	shalt  }
0x82: {  	_ =	shalt  }
0x83: {  	_ =	shalt  }
0x84: {  	_ =	shalt  }
0x85: {  	_ =	shalt  }
0x86: {  	_ =	shalt  }
0x87: {  	_ =	shalt  }
.Lfunc_end0:
.L_simem_size_0:
called_computation.8_lowered:
.L_overlay_start_0:
0x88: {  	s2 =	sld [smem:$0x3FD9]  }
0x89: {  	s3 =	sld [smem:$0x3FFE];
	_ =	sdelay $0x1  }
0x8a: {  	s1 =	srdreg.scid  }
0x8b: {  	s0 =	sand.u32 $0x1, s1  }
0x8c: {  	s16 =	sshll.u32 s0, $0xA;
	s2 =	sadd.s32 s3, s2  }
0x8d: {  	s2 =	sadd.s32 s2, s16  }
0x8e: {  	[smem:$0x3FAB] =	sst s2  }
0x8f: {  	_ = 	snop  }
0x90: {  	(tm) =	ssettm $0x1  }
0x91: {  	s17 =	sld [smem:$0x3FFB];
	_ =	sdelay $0x3  }
0x92: {  	_ =	strace s17  }
0x93: {  	s2 =	sld [smem:$0x3FFC];
	_ =	sdelay $0x3  }
0x94: {  	_ =	strace s2  }
0x95: {  	s2 =	sld [smem:$0x3FFD];
	_ =	sdelay $0x3  }
0x96: {  	_ =	strace s2  }
0x97: {  	_ =	strace $0x8FFFFFFF  }
0x98: {  	s18 =	sld [smem:$0x3FDB];
	_ =	sdelay $0x1  }
0x99: {  	s19 =	simm.s32 $_scs_section_size  }
0x9a: {  	s4 =	simm.s32 $_size__tile_overlayer_lowered;
	s5 =	simm.s32 $_tile_overlayer_lowered  }
0x9b: {  	s22 =	simm.s32 $0x1BFF;
	s21 =	sshll.u32 s5, $0x1;
	s2 =	sadd.s32 s19, s18  }
0x9c: {  	s6 =	simm.s32 $0x0;
	s20 =	sshll.u32 s4, $0x1;
	s4 =	sadd.s32 s21, s2  }
0x9d: {  	[timem:s6], [sflag:s22] =	dma.local [hbm:s4], s20  }
0x9e: {  	_ =	swait.ge [sflag:s22], s20  }
0x9f: {  	s3 =	ssub.s32 $0x0, s20;
	[sflag:s22] =	ssyncset.done $0x0  }
0xa0: {  	[sflag:s22] =	ssyncadd.s32 s3;
	_ =	sdelay $0x1  }
0xa1: {  	s23 =	simm.s32 $0x1B8B  }
0xa2: {  	_ =	swait.ge [sflag:s23], $0x1  }
0xa3: {  	[sflag:s23] =	ssyncset.done $0x0  }
0xa4: {  	s25 =	simm.s32 $0x1B8E;
	s24 =	sld [smem:$0x3FFE];
	[sflag:s23] =	ssyncadd.s32 $0xFFFFFFFF  }
0xa5: {  	s26 =	simm.s32 $execute0_lowered;
	[smem:$0x3FD2] =	sst s25  }
0xa6: {  	s4 =	sshll.u32 s26, $0x1;
	_ =	strace $0x8000005E;
	[dreg:$0x1] =	wrdreg $0xFFFFFFFF  }
0xa7: {  	s28 =	simm.s32 $_size_execute0_lowered;
	s2 =	sadd.s32 s2, s4;
	[dreg:$0x0] =	wrdreg $0x0  }
0xa8: {  	s4 =	sshll.u32 s28, $0x1;
	[dreg:$0x2] =	wrdreg s2  }
0xa9: {  	[dreg:$0x3] =	wrdreg s4  }
0xaa: {  	[dreg:$0x4] =	wrdreg $0xC0  }
0xab: {  	_ =	task [dreg:s6], $0x5FFFF  }
0xac: {  	[dreg:$0x1] =	wrdreg $0xFFFFFFFF  }
0xad: {  	[dreg:$0x0] =	wrdreg $0x60  }
0xae: {  	[dreg:$0x2] =	wrdreg s24  }
0xaf: {  	[dreg:$0x3] =	wrdreg $0x17C000  }
0xb0: {  	[dreg:$0x4] =	wrdreg $0x9  }
0xb1: {  	_ =	task.clear_ibuf [dreg:s6], $0x5FFFF;
	_ =	strace $0x9000005E  }
0xb2: {  	s29 =	simm.s32 $0x9;
	_ =	strace $0x80000060  }
0xb3: {  	_ =	swait.ge [sflag:s29], $0x1  }
0xb4: {  	[sflag:s29] =	ssyncadd.s32 $0xFFFFFFFF  }
0xb5: {  	_ =	strace $0x90000060  }
0xb6: {  	_ =	sfence  }
0xb7: {  	s30 =	sld [smem:$0x0];
	_ =	sdelay $0x2  }
0xb8: {  	s31 =	sshll.u32 s1, $0xD;
	s1 =	sshrl.u32 s1, $0x2  }
0xb9: {  	s3 =	sand.u32 $0x4000, s31;
	s1 =	sadd.s32 s1, s30  }
0xba: {  	s0 =	sor.u32 s3, s0;
	s1 =	sshll.u32 s1, $0x11  }
0xbb: {  	s0 =	sor.u32 s1, s0  }
0xbc: {  	s0 =	sadd.s32 $0x8F2B, s0  }
0xbd: {  	[sflag:s0] =	ssyncadd.remote.s32 $0x1  }
0xbe: {  	_ =	sfence.sel $0xFFFF  }
0xbf: {  	[dreg:$0x0] =	wrdreg $0xFFFFFFFF;
	(pc) =	sbr.abs _section_cstart, $3  }
0xc0: {  	[dreg:$0x1] =	wrdreg $0xFFFFFFFF  }
0xc1: {  	_ =	task.clear_ibuf [dreg:s6], $0x2FFFF;
	_ =	strace $0x9FFFFFFF  }
0xc2: {  	(tm) =	ssettm $0x7FFFFFFF  }
0xc3: {  	_ =	shalt  }
tec
execute0_lowered:
.L_overlay_start_1:
0x0: {  	(tag) =	ssettag $0x1  }
0x1: {  	s4 =	rddreg [dreg:$0x0]  }
0x2: {  	s2 =	rddreg [dreg:$0x1]  }
0x3: {  	s0 =	rddreg [dreg:$0x2];
	s3 =	simm.s32 $0x0;
	s5 =	srdreg.scid  }
0x4: {  	s1 =	stileid.u32;
	s11 =	simm.s32 $0x80;
	s12 =	simm.s32 $0x0  }
0x5: {  	s5 =	sand.u32 $0x1, s5;
	s6 =	sshll.u32 s1, $0x1;
	s7 =	smul.u32 $0x2800, s1  }
0x6: {  	[smem:$0x7FF] =	sst s3;
	s6 =	sor.u32 s5, s6;
	s8 =	smul.u32 $0x28000, s5  }
0x7: {  	_ =	strace $0x8000005F;
	s5 =	ssub.s32 $0x2, s5;
	s9 =	smul.u32 $0x2800, s6  }
0x8: {  	s6 =	smul.u32 $0x280, s6;
	s10 =	sshrl.u32 s5, $0x1;
	s8 =	sadd.s32 s7, s8  }
0x9: {  	s10 =	ssub.s32 s5, s10;
	s9 =	sadd.s32 s9, s4;
	s8 =	sshrl.u32 s8, $0x3  }
0xa: {  	s6 =	sadd.s32 s6, s4;
	s8 =	sadd.s32 s8, s4;
	s4 =	sadd.s32 s7, s2  }
0xb: {  	s5 =	sadd.s32 $0x61400, s6;
	s6 =	sadd.s32 $0x7400, s9;
	s9 =	simm.s32 $0x15400  }
0xc: {  	v0 =	vimm.f32 $0.0e+00;
	s7 =	sadd.s32 $0x57400, s8;
	s8 =	smax.u32 s10, $0x1;
	s10 =	simm.s32 $0x1  }
.LBB2_1:
0xd: {  	s13 =	simm.s32 $0x40;
	s14 =	simm.s32 $0x0  }
.LBB2_2:
0xe: {  	p0 =	sne.s32 s13, $0x9FC0;
	[tilespmem:s14+$0x15400] =	vst v0;
	s14 =	smov.u32 s13;
	s13 =	sadd.s32 $0x40, s13  }
.Ltmp0:
0xf: {  	(pc) =	sbr.rel @p0 .LBB2_2-.Ltmp0, $2  }
0x10: {  	_ =	sdelay $0x2  }
0x11: {  	s14 =	sshra.s32 s14, $0x2  }
0x12: {  	[tilespmem:s14+$0x15400] =	vst v0  }
0x13: {  	[spmem:s4] =	stream.linear.scatter [tilespmem:s9], [sflag:$0x1], $0x2800, $0x38;
	[tilespmem:$0x1A400] =	vst v63  }
0x14: {  	_ =	swait.ge [sflag:s10], $0x2800  }
0x15: {  	[sflag:s10] =	ssyncset.done $0x0  }
0x16: {  	s30 =	simm.s32 $0x0;
	[sflag:s10] =	ssyncadd.s32 $0xFFFFD800  }
0x17: {  	[tilespmem:s30], [sflag:$0x1] =	stream.linear.gather [hbm4b:s5+s30], $0x1400, $0x38;
	[tilespmem:$0x1A400] =	vst v63  }
0x18: {  	_ =	swait.ge [sflag:s10], $0x1400  }
0x19: {  	[sflag:s10] =	ssyncset.done $0x0  }
0x1a: {  	s13 =	simm.s32 $0x1400;
	[sflag:s10] =	ssyncadd.s32 $0xFFFFEC00  }
0x1b: {  	[tilespmem:s13], [sflag:$0x1] =	stream.linear.gather [hbm4b:s6+s30], $0x14000, $0x38;
	[tilespmem:$0x1A400] =	vst v63  }
0x1c: {  	_ =	swait.ge [sflag:s10], $0x14000  }
0x1d: {  	[sflag:s10] =	ssyncset.done $0x0  }
0x1e: {  	[sflag:s10] =	ssyncadd.s32 $0xFFFEC000  }
0x1f: {  	s31 =	simm.s32 $0x0;
	[bflag:$0x0] =	sbarrier.arrive $0xFFFF  }
0x20: {  	[spmem:s2] =	stream.indirect.scatter.add.f32 [tilespmem:s13], [sflag:$0x1], $0x10, s31, s11, $0xb8;
	[tilespmem:$0x1A400] =	vst v63  }
0x21: {  	_ =	swait.ge [sflag:s10], $0x800  }
0x22: {  	s14 =	simm.s32 $0x200;
	[sflag:s10] =	ssyncset.done $0x0  }
.LBB2_4:
0x23: {  	s15 =	sshra.s32 s14, $0x2  }
0x24: {  	[sflag:s10] =	ssyncadd.s32 $0xFFFFF800;
	s13 =	sadd.s32 $0x800, s13;
	p0 =	sne.s32 s14, $0x4E00  }
0x25: {  	[spmem:s2] =	stream.indirect.scatter.add.f32 [tilespmem:s13], [sflag:$0x1], $0x10, s15, s11, $0xb8;
	[tilespmem:$0x1A400] =	vst v63  }
.Ltmp1:
0x26: {  	_ = 	snop;
	(pc) =	sbr.rel @p0 .LBB2_4-.Ltmp1, $4  }
0x27: {  	_ = 	snop  }
0x28: {  	s14 =	sadd.s32 $0x200, s14  }
0x29: {  	_ =	swait.ge [sflag:s10], $0x800  }
0x2a: {  	[sflag:s10] =	ssyncset.done $0x0  }
0x2b: {  	[sflag:s10] =	ssyncadd.s32 $0xFFFFF800  }
0x2c: {  	[bflag:$0x0] =	sbarrier.arrive $0xFFFF  }
0x2d: {  	[tilespmem:s9], [sflag:$0x1] =	stream.linear.gather [spmem:s4], $0x2800, $0x38;
	[tilespmem:$0x1A400] =	vst v63  }
0x2e: {  	s12 =	sadd.s32 $0x1, s12;
	_ =	swait.ge [sflag:s10], $0x2800  }
0x2f: {  	p0 =	sne.s32 s12, s8;
	[sflag:s10] =	ssyncset.done $0x0  }
.Ltmp2:
0x30: {  	[sflag:s10] =	ssyncadd.s32 $0xFFFFD800;
	(pc) =	sbr.rel @p0 .LBB2_1-.Ltmp2, $4  }
0x31: {  	[hbm4b:s7+s3] =	stream.linear.scatter [tilespmem:s9], [sflag:$0x1], $0x2800, $0x38;
	[tilespmem:$0x1A400] =	vst v63  }
0x32: {  	_ =	swait.ge [sflag:s10], $0x2800  }
0x33: {  	[sflag:s10] =	ssyncset.done $0x0  }
0x34: {  	[sflag:s10] =	ssyncadd.s32 $0xFFFFD800  }
0x35: {  	_ =	sfence.sel $0x180000  }
0x36: {  	[bflag:$0x0] =	sbarrier.arrive $0xFFFF  }
0x37: {  	p0 =	sne.s32 s1, $0x0;
	_ =	strace $0x9000005F  }
0x38: {  	s0 =	sadd.s32 @!p0 $0x100000, s0;
	[bflag:$0x2] =	sbarrier.arrive $0xFFFF  }
0x39: {  	[sflag:s0] =	ssyncadd.tile.s32 @!p0 $0x1;
	_ =	shalt  }
.Lfunc_end2:
_tile_overlayer_lowered:
.L_overlay_start_2:
0x3a: {  	(tag) =	ssettag $0x2  }
0x3b: {  	s0 =	rddreg [dreg:$0x0];
	s2 =	stileid.u32  }
0x3c: {  	s1 =	rddreg [dreg:$0x1];
	p0 =	sne.s32 s2, $0x0  }
0x3d: {  	s3 =	rddreg [dreg:$0x2];
	[bflag:$0x3] =	sbarrier.arrive $0xFFFF;
	s2 =	simm.s32 @!p0 $0x1C01  }
0x3e: {  	[timem:s3], [sflag:s2] =	dma.local @!p0 [hbm:s0], s1  }
0x3f: {  	s0 =	simm.s32 @!p0 $0x1  }
0x40: {  	_ =	swait.ge @!p0 [sflag:s0], s1  }
0x41: {  	s1 =	ssub.s32 @!p0 $0x0, s1;
	[sflag:s0] =	ssyncset.done @!p0 $0x0  }
0x42: {  	[sflag:s0] =	ssyncadd.s32 @!p0 s1  }
0x43: {  	[bflag:$0x3] =	sbarrier.arrive $0xFFFF  }
0x44: {  	_ =	shalt  }

</sc_bundles>
